<compile_context>
chip_gen: v7x
topology: tpu7x:2x2x1
jax: 0.10.2.dev20260603
libtpu: 0.0.44.dev20260713+nightly
codegen_flags: <defaults>
</compile_context>

<pallas_src>
import functools

import jax
import jax.numpy as jnp
from jax import lax
from jax.experimental import pallas as pl
from jax.experimental.pallas import tpu as pltpu
from jax.experimental.pallas import tpu_sc as plsc

N_NODES = 100000
D = 128
H = 32
OUTC = 41
B = 1024
N1 = 10240
E0 = 256000
E1 = 10240

GW = 64
AW = 48
CC0 = H
CC1 = 47
SRCBITS = 18
SRCMASK = (1 << SRCBITS) - 1

NC, NS = 2, 16
NW = NC * NS

EW0 = E0 // NW
CH0 = 80
NCH0 = EW0 // CH0
K0 = 5
NG0 = NCH0 // K0
NBUF = 3
R0 = N1
Z0 = R0 // NS
OUT0 = N1 // NS

EW1 = E1 // NW
CH1 = 80
NCH1 = EW1 // CH1
Z1 = B // NS

_mesh = plsc.VectorSubcoreMesh(core_axis_name="c", subcore_axis_name="s")
_sc_params = pltpu.CompilerParams(use_tc_tiling_on_sc=False)


def _zero_2d(ref, rows, cols):
    zv = jnp.zeros((16,), jnp.float32)

    def body(i, carry):
        r = i // (cols // 16)
        k = (i % (cols // 16)) * 16
        ref[r, pl.ds(k, 16)] = zv
        return carry

    lax.fori_loop(0, rows * (cols // 16), body, 0)


@functools.partial(
    pl.kernel,
    out_type=jax.ShapeDtypeStruct((NC * N1, AW), jnp.float32),
    mesh=_mesh,
    scratch_types=[
        pltpu.VMEM((NBUF, K0, CH0), jnp.int32),
        pltpu.VMEM((NBUF, K0, CH0), jnp.int32),
        pltpu.VMEM((NBUF, K0, CH0), jnp.int32),
        pltpu.VMEM((2, K0, CH0), jnp.int32),
        pltpu.VMEM((2, K0, CH0, GW), jnp.float32),
        pltpu.VMEM((Z0 // 8, GW), jnp.float32),
        pltpu.VMEM((CH0, GW), jnp.float32),
        pltpu.VMEM((CH0, AW), jnp.float32),
        pltpu.VMEM_SHARED((R0, GW), jnp.float32),
        pltpu.SemaphoreType.DMA,
        pltpu.SemaphoreType.DMA,
        pltpu.SemaphoreType.DMA,
        pltpu.SemaphoreType.DMA,
    ],
    compiler_params=_sc_params,
)
def _sc_agg0(xw2, nid, pe, sum_out,
             pe_v, src_v, dst_v, gid_v, rows_v, zrow_v, obuf64, obuf48,
             acc_sh, sem_src, sem_gid, sem_rows, sem_add):
    c = lax.axis_index("c")
    s = lax.axis_index("s")
    ebase = (c * NS + s) * EW0

    _zero_2d(zrow_v, Z0 // 8, GW)
    for k in range(8):
        pltpu.sync_copy(zrow_v,
                        acc_sh.at[pl.ds(Z0 * s + (Z0 // 8) * k, Z0 // 8), :])
    plsc.subcore_barrier()

    def issue_loads(g, p):
        for b in range(K0):
            base = ebase + (g * K0 + b) * CH0
            pltpu.async_copy(pe.at[pl.ds(base, CH0)], pe_v.at[p, b], sem_src)

    def wait_loads():
        for _ in range(K0):
            pltpu.make_async_copy(pe.at[pl.ds(0, CH0)], pe_v.at[0, 0],
                                  sem_src).wait()

    def unpack(p):
        for b in range(K0):
            for j in range(CH0 // 16):
                pv = pe_v[p, b, pl.ds(j * 16, 16)]
                src_v[p, b, pl.ds(j * 16, 16)] = pv & SRCMASK
                dst_v[p, b, pl.ds(j * 16, 16)] = lax.shift_right_logical(
                    pv, SRCBITS)

    def issue_gid(p3, p2):
        for b in range(K0):
            pltpu.async_copy(nid.at[src_v.at[p3, b]], gid_v.at[p2, b],
                             sem_gid)

    def wait_gid(p3, p2):
        for b in range(K0):
            pltpu.make_async_copy(nid.at[src_v.at[p3, b]], gid_v.at[p2, b],
                                  sem_gid).wait()
        for b in range(K0):
            for j in range(CH0 // 16):
                gid_v[p2, b, pl.ds(j * 16, 16)] = (
                    gid_v[p2, b, pl.ds(j * 16, 16)] * 2)

    def wait_rows(p2):
        for b in range(K0):
            pltpu.make_async_copy(xw2.at[gid_v.at[p2, b]], rows_v.at[p2, b],
                                  sem_rows).wait()

    def wait_adds(p3, p2):
        for b in range(K0):
            pltpu.make_async_copy(rows_v.at[p2, b], acc_sh.at[dst_v.at[p3, b]],
                                  sem_add).wait()

    issue_loads(0, 0)
    wait_loads()
    unpack(0)
    issue_gid(0, 0)

    def body(g, carry):
        p3 = lax.rem(g, NBUF)
        q3 = lax.rem(g + 1, NBUF)
        p2 = lax.rem(g, 2)

        @pl.when(g >= 2)
        def _():
            wait_adds(lax.rem(g + 1, NBUF), p2)

        @pl.when(g + 1 < NG0)
        def _():
            issue_loads(g + 1, q3)

        wait_gid(p3, p2)
        for b in range(K0):
            pltpu.async_copy(xw2.at[gid_v.at[p2, b]], rows_v.at[p2, b],
                             sem_rows)

        @pl.when(g + 1 < NG0)
        def _():
            wait_loads()
            unpack(q3)
            issue_gid(q3, lax.rem(g + 1, 2))

        wait_rows(p2)
        for b in range(K0):
            pltpu.async_copy(rows_v.at[p2, b], acc_sh.at[dst_v.at[p3, b]],
                             sem_add, add=True)
        return carry

    lax.fori_loop(0, NG0, body, 0)
    wait_adds((NG0 - 2) % NBUF, (NG0 - 2) % 2)
    wait_adds((NG0 - 1) % NBUF, (NG0 - 1) % 2)
    plsc.subcore_barrier()

    for k in range(OUT0 // CH0):
        pltpu.sync_copy(acc_sh.at[pl.ds(OUT0 * s + CH0 * k, CH0), :], obuf64)

        def _compact(i, carry):
            r = i // (AW // 16)
            j = lax.rem(i, AW // 16) * 16
            obuf48[r, pl.ds(j, 16)] = obuf64[r, pl.ds(j, 16)]
            return carry

        lax.fori_loop(0, CH0 * (AW // 16), _compact, 0)
        pltpu.sync_copy(
            obuf48, sum_out.at[pl.ds(c * N1 + OUT0 * s + CH0 * k, CH0), :])


@functools.partial(
    pl.kernel,
    out_type=jax.ShapeDtypeStruct((NC, B, AW), jnp.float32),
    mesh=_mesh,
    scratch_types=[
        pltpu.VMEM((CH1,), jnp.int32),
        pltpu.VMEM((CH1,), jnp.int32),
        pltpu.VMEM((CH1,), jnp.int32),
        pltpu.VMEM((CH1, AW), jnp.float32),
        pltpu.VMEM((CH1, AW), jnp.float32),
        pltpu.VMEM((CH1, AW), jnp.float32),
        pltpu.VMEM((AW,), jnp.float32),
        pltpu.VMEM((Z1, AW), jnp.float32),
        pltpu.VMEM_SHARED((B, AW), jnp.float32),
        pltpu.SemaphoreType.DMA,
    ],
    compiler_params=_sc_params,
)
def _sc_agg1(sum0f, b1p, src1, dst1, sum_out,
             src_v, src2_v, dst_v, a_v, b_v, m_v, b1_v, zrow_v, acc_sh, sem):
    c = lax.axis_index("c")
    s = lax.axis_index("s")
    ebase = (c * NS + s) * EW1

    _zero_2d(zrow_v, Z1, AW)
    pltpu.sync_copy(zrow_v, acc_sh.at[pl.ds(Z1 * s, Z1), :])
    pltpu.sync_copy(b1p, b1_v)
    onehot = jnp.where(lax.iota(jnp.int32, 16) == (CC1 - 32), 1.0, 0.0)

    def _mrow(r, carry):
        m_v[r, pl.ds(H, 16)] = onehot
        return carry

    lax.fori_loop(0, CH1, _mrow, 0)
    plsc.subcore_barrier()

    def chunk(i, carry):
        base = ebase + i * CH1
        pltpu.sync_copy(src1.at[pl.ds(base, CH1)], src_v)
        for j in range(CH1 // 16):
            src2_v[pl.ds(j * 16, 16)] = src_v[pl.ds(j * 16, 16)] + N1
        ca = pltpu.async_copy(sum0f.at[src_v], a_v, sem)
        cb = pltpu.async_copy(sum0f.at[src2_v], b_v, sem)
        pltpu.sync_copy(dst1.at[pl.ds(base, CH1)], dst_v)
        ca.wait()
        cb.wait()

        def row(r, carry2):
            s0 = a_v[r, pl.ds(0, 16)] + b_v[r, pl.ds(0, 16)]
            s1 = a_v[r, pl.ds(16, 16)] + b_v[r, pl.ds(16, 16)]
            cvec = a_v[r, pl.ds(CC0, 16)] + b_v[r, pl.ds(CC0, 16)]
            inv = (1.0 / jnp.maximum(cvec, 1.0))[0]
            m_v[r, pl.ds(0, 16)] = jnp.maximum(
                s0 * inv + b1_v[pl.ds(0, 16)], 0.0)
            m_v[r, pl.ds(16, 16)] = jnp.maximum(
                s1 * inv + b1_v[pl.ds(16, 16)], 0.0)
            return carry2

        lax.fori_loop(0, CH1, row, 0)
        pltpu.sync_copy(m_v, acc_sh.at[dst_v], add=True)
        return carry

    lax.fori_loop(0, NCH1, chunk, 0)
    plsc.subcore_barrier()

    pltpu.sync_copy(acc_sh.at[pl.ds(Z1 * s, Z1), :],
                    sum_out.at[c, pl.ds(Z1 * s, Z1), :])


def _proj_body(x_ref, w_ref, c_ref, o_ref):
    o_ref[...] = jnp.dot(x_ref[...], w_ref[...],
                         preferred_element_type=jnp.float32) + c_ref[...]


def _tc_proj(x, W1p, cvec):
    rb = 2000
    return pl.pallas_call(
        _proj_body,
        grid=(N_NODES // rb,),
        in_specs=[pl.BlockSpec((rb, D), lambda i: (i, 0)),
                  pl.BlockSpec((D, D), lambda i: (0, 0)),
                  pl.BlockSpec((1, D), lambda i: (0, 0))],
        out_specs=pl.BlockSpec((rb, D), lambda i: (i, 0)),
        out_shape=jax.ShapeDtypeStruct((N_NODES, D), jnp.float32),
    )(x, W1p, cvec)


def _fin_body(zs_ref, w2_ref, b2_ref, o_ref):
    ssum = zs_ref[0] + zs_ref[1]
    cnt = jnp.maximum(ssum[:, CC1:CC1 + 1], 1.0)
    agg = ssum[:, :H] / cnt
    logits = jnp.dot(agg, w2_ref[...],
                     preferred_element_type=jnp.float32) + b2_ref[...]
    m = jnp.max(logits, axis=1, keepdims=True)
    lse = jnp.log(jnp.sum(jnp.exp(logits - m), axis=1, keepdims=True)) + m
    o_ref[...] = logits - lse


def _tc_final(zs, W2, b2r):
    return pl.pallas_call(
        _fin_body,
        grid=(1,),
        in_specs=[pl.BlockSpec((NC, B, AW), lambda i: (0, 0, 0)),
                  pl.BlockSpec((H, OUTC), lambda i: (0, 0)),
                  pl.BlockSpec((1, OUTC), lambda i: (0, 0))],
        out_specs=pl.BlockSpec((B, OUTC), lambda i: (0, 0)),
        out_shape=jax.ShapeDtypeStruct((B, OUTC), jnp.float32),
    )(zs, W2, b2r)


def kernel(x, n_id, edge_index0, edge_index1, W1, b1, W2, b2):
    nid = n_id.astype(jnp.int32)
    src0 = edge_index0[0].astype(jnp.int32)
    dst0 = edge_index0[1].astype(jnp.int32)
    src1 = edge_index1[0].astype(jnp.int32)
    dst1 = edge_index1[1].astype(jnp.int32)



    W1p = jnp.pad(W1, ((0, 0), (0, D - H)))
    cvec0 = jnp.zeros((1, D), jnp.float32).at[0, CC0].set(1.0)
    pe = lax.bitcast_convert_type(
        src0.astype(jnp.uint32) | (dst0.astype(jnp.uint32) << SRCBITS),
        jnp.int32)

    xw = _tc_proj(x, W1p, cvec0)
    xw2 = xw.reshape(2 * N_NODES, GW)
    sum0 = _sc_agg0(xw2, nid, pe)
    b1p = jnp.pad(b1, (0, AW - H))
    zs = _sc_agg1(sum0, b1p, src1, dst1)
    return _tc_final(zs, W2, b2.reshape(1, OUTC))

# --- scband reference (transcript-rebuilt; emitter-appended) ---
"""Pipeline reference for scband-sagenet-11338713661814 (READ-ONLY COPY).

The authoritative reference and input builder live on the scoring server;
editing this copy changes nothing except your own understanding.
"""

import jax, jax.numpy as jnp
import numpy as np

N_NODES = 100000
D_FEAT = 128
HIDDEN = 32
OUT = 41
B = 1024        # final target nodes (data_flow[1].size[1])
N1 = 10240      # hop-1 nodes (data_flow[0].size[1] == data_flow[1].size[0])
N0 = 256000     # hop-2 sampled nodes, len(n_id) (data_flow[0].size[0])
E0 = 256000     # edges in block 0
E1 = 10240      # edges in block 1


def _segment_mean(data, seg, num_segments):
    s = jax.ops.segment_sum(data, seg, num_segments=num_segments)
    c = jax.ops.segment_sum(jnp.ones((data.shape[0],), data.dtype), seg, num_segments=num_segments)
    return s / jnp.clip(c, 1.0, None)[:, None]


def setup_inputs(seed: int = 0) -> dict:
    key = jax.random.key(seed)
    ks = jax.random.split(key, 10)
    x = jax.random.normal(ks[0], (N_NODES, D_FEAT), dtype=jnp.float32)
    n_id = jax.random.randint(ks[1], (N0,), 0, N_NODES, dtype=jnp.int64 if jax.config.jax_enable_x64 else jnp.int32)
    # block 0 bipartite edge_index: row 0 = src (local idx into x[n_id], < N0), row 1 = dst (< N1)
    src0 = jax.random.randint(ks[2], (E0,), 0, N0)
    dst0 = jax.random.randint(ks[3], (E0,), 0, N1)
    edge_index0 = jnp.stack([src0, dst0], axis=0)
    # block 1 bipartite edge_index: row 0 = src (< N1), row 1 = dst (< B)
    src1 = jax.random.randint(ks[4], (E1,), 0, N1)
    dst1 = jax.random.randint(ks[5], (E1,), 0, B)
    edge_index1 = jnp.stack([src1, dst1], axis=0)
    # SAGEConv parameters (normalize=False, concat=False, bipartite (x, None) -> no root term)
    W1 = jax.random.normal(ks[6], (D_FEAT, HIDDEN), dtype=jnp.float32) * (1.0 / np.sqrt(D_FEAT))
    b1 = jnp.zeros((HIDDEN,), dtype=jnp.float32)
    W2 = jax.random.normal(ks[7], (HIDDEN, OUT), dtype=jnp.float32) * (1.0 / np.sqrt(HIDDEN))
    b2 = jnp.zeros((OUT,), dtype=jnp.float32)
    return {"x": x, "n_id": n_id, "edge_index0": edge_index0, "edge_index1": edge_index1,
            "W1": W1, "b1": b1, "W2": W2, "b2": b2}


def reference(x, n_id, edge_index0, edge_index1, W1, b1, W2, b2):
    # data = data_flow[0]; x = x[data.n_id]
    h = jnp.take(x, n_id, axis=0)                      # [N0, D_FEAT] gather
    # conv1: SAGEConv((h, None), edge_index0, size=(N0, N1)); mean aggregation then linear
    msg0 = jnp.take(h, edge_index0[0], axis=0)          # [E0, D_FEAT]
    agg0 = _segment_mean(msg0, edge_index0[1], N1)      # [N1, D_FEAT]
    h1 = jax.nn.relu(agg0 @ W1 + b1)                    # [N1, 32]
    # dropout(p=0.5, training=False) -> identity at inference
    # conv2: SAGEConv((h1, None), edge_index1, size=(N1, B))
    msg1 = jnp.take(h1, edge_index1[0], axis=0)         # [E1, 32]
    agg1 = _segment_mean(msg1, edge_index1[1], B)       # [B, 32]
    out = agg1 @ W2 + b2                                # [B, 41]
    return jax.nn.log_softmax(out, axis=1)

if __name__ == "__main__":
    import jax
    _d = setup_inputs()
    print(jax.jit(kernel)(*tuple(_d.values())))

</pallas_src>

<mosaic_0001>
#map = affine_map<(d0, d1) -> (0, 0)>
#map1 = affine_map<(d0, d1) -> (0)>
#map2 = affine_map<(d0, d1) -> (0, 0, 0)>
module attributes {stable_mosaic.version = 14 : i64} {
  func.func @_sc_agg1(%arg0: i32, %arg1: i32, %arg2: memref<20480x48xf32, #tpu.memory_space<hbm>>, %arg3: memref<48xf32, #tpu.memory_space<hbm>>, %arg4: memref<10240xi32, #tpu.memory_space<hbm>>, %arg5: memref<10240xi32, #tpu.memory_space<hbm>>, %arg6: memref<2x1024x48xf32, #tpu.memory_space<hbm>>, %arg7: memref<80xi32, #tpu.memory_space<vmem>>, %arg8: memref<80xi32, #tpu.memory_space<vmem>>, %arg9: memref<80xi32, #tpu.memory_space<vmem>>, %arg10: memref<80x48xf32, #tpu.memory_space<vmem>>, %arg11: memref<80x48xf32, #tpu.memory_space<vmem>>, %arg12: memref<80x48xf32, #tpu.memory_space<vmem>>, %arg13: memref<48xf32, #tpu.memory_space<vmem>>, %arg14: memref<64x48xf32, #tpu.memory_space<vmem>>, %arg15: memref<1024x48xf32, #tpu.memory_space<vmem_shared>>, %arg16: memref<!tpu.dma_semaphore, #tpu.memory_space<semaphore_mem>>) attributes {dimension_semantics = [#tpu.dimension_semantics<core_parallel>, #tpu.dimension_semantics<subcore_parallel>], iteration_bounds = array<i64: 2, 16>, scalar_prefetch = 0 : i64, scratch_operands = 10 : i64, tpu.core_type = #tpu.core_type<sc_vector_subcore>, window_params = [{transform_indices = #map}, {transform_indices = #map1}, {transform_indices = #map1}, {transform_indices = #map1}, {transform_indices = #map2}]} {
    %mul3A = arith.constant 16 : i32
    %mul3A_0 = arith.muli %arg0, %mul3A : i32
    %add3A = arith.addi %mul3A_0, %arg1 : i32
    %mul3A_1 = arith.constant 320 : i32
    %mul3A_2 = arith.muli %add3A, %mul3A_1 : i32
    %broadcast_in_dim3A = arith.constant 0.000000e+00 : f32
    %broadcast_in_dim3A_3 = vector.broadcast %broadcast_in_dim3A : f32 to vector<16xf32>
    %scan3A = arith.constant 0 : i32
    %scan3A_4 = arith.constant 0 : i32
    %scan3A_5 = arith.constant 192 : i32
    %scan3A_6 = arith.addi %scan3A_4, %scan3A_5 : i32
    %scan3A_7 = arith.constant 1 : i32
    scf.for %scan3A_33 = %scan3A_4 to %scan3A_6 step %scan3A_7  : i32 {
      %jit3A_34 = arith.constant 3 : i32
      %div3A = arith.divsi %scan3A_33, %jit3A_34 : i32
      %sign3A = arith.constant 0 : i32
      %sign3A_35 = arith.cmpi sgt, %scan3A_33, %sign3A : i32
      %sign3A_36 = arith.extui %sign3A_35 : i1 to i32
      %sign3A_37 = arith.constant 0 : i32
      %sign3A_38 = arith.cmpi slt, %scan3A_33, %sign3A_37 : i32
      %sign3A_39 = arith.extui %sign3A_38 : i1 to i32
      %sign3A_40 = arith.subi %sign3A_36, %sign3A_39 : i32
      %sign3A_41 = arith.constant 0 : i32
      %sign3A_42 = arith.cmpi sgt, %jit3A_34, %sign3A_41 : i32
      %sign3A_43 = arith.extui %sign3A_42 : i1 to i32
      %sign3A_44 = arith.constant 0 : i32
      %sign3A_45 = arith.cmpi slt, %jit3A_34, %sign3A_44 : i32
      %sign3A_46 = arith.extui %sign3A_45 : i1 to i32
      %sign3A_47 = arith.subi %sign3A_43, %sign3A_46 : i32
      %ne3A = arith.cmpi ne, %sign3A_40, %sign3A_47 : i32
      %rem3A = arith.remsi %scan3A_33, %jit3A_34 : i32
      %ne3A_48 = arith.constant 0 : i32
      %ne3A_49 = arith.cmpi ne, %rem3A, %ne3A_48 : i32
      %and3A = arith.andi %ne3A, %ne3A_49 : i1
      %sub3A = arith.constant 1 : i32
      %sub3A_50 = arith.subi %div3A, %sub3A : i32
      %select_n3A_51 = arith.select %and3A, %sub3A_50, %div3A : i32
      %jit3A_52 = arith.constant 3 : i32
      %eq3A_53 = arith.constant 0 : i32
      %eq3A_54 = arith.cmpi eq, %jit3A_52, %eq3A_53 : i32
      %jit3A_55 = arith.constant 1 : i32
      %select_n3A_56 = arith.select %eq3A_54, %jit3A_55, %jit3A_52 : i32
      %rem3A_57 = arith.remsi %scan3A_33, %select_n3A_56 : i32
      %ne3A_58 = arith.constant 0 : i32
      %ne3A_59 = arith.cmpi ne, %rem3A_57, %ne3A_58 : i32
      %lt3A = arith.constant 0 : i32
      %lt3A_60 = arith.cmpi slt, %rem3A_57, %lt3A : i32
      %lt3A_61 = arith.constant 0 : i32
      %lt3A_62 = arith.cmpi slt, %select_n3A_56, %lt3A_61 : i32
      %ne3A_63 = arith.xori %lt3A_60, %lt3A_62 : i1
      %and3A_64 = arith.andi %ne3A_63, %ne3A_59 : i1
      %add3A_65 = arith.addi %rem3A_57, %select_n3A_56 : i32
      %select_n3A_66 = arith.select %and3A_64, %add3A_65, %rem3A_57 : i32
      %mul3A_67 = arith.constant 16 : i32
      %mul3A_68 = arith.muli %select_n3A_66, %mul3A_67 : i32
      %swap3A = arith.index_cast %select_n3A_51 : i32 to index
      %swap3A_69 = arith.index_cast %mul3A_68 : i32 to index
      %swap3A_70 = tpu.vector_load %arg14[%swap3A, %swap3A_69] {strides = array<i32>} : memref<64x48xf32, #tpu.memory_space<vmem>>, vector<1x16xf32>,
      %swap3A_71 = vector.shape_cast %swap3A_70 : vector<1x16xf32> to vector<16xf32>
      %swap3A_72 = vector.shape_cast %broadcast_in_dim3A_3 : vector<16xf32> to vector<1x16xf32>
      tpu.vector_store %arg14[%swap3A, %swap3A_69], %swap3A_72 {strides = array<i32>} : memref<64x48xf32, #tpu.memory_space<vmem>>, vector<1x16xf32>,
    }
    %scan3A_8 = arith.constant 192 : i32
    %mul3A_9 = arith.constant 64 : i32
    %mul3A_10 = arith.muli %mul3A_9, %arg1 : i32
    "tpu.region"() ({
      %run_scoped3A = tpu.sem_alloc : memref<!tpu.dma_semaphore, #tpu.memory_space<semaphore_mem>>
      %dma_start3A = arith.constant 0 : i32
      %dma_start3A_33 = tpu.memref_slice %arg15[%mul3A_10, %dma_start3A] : memref<1024x48xf32, #tpu.memory_space<vmem_shared>> -> memref<64x48xf32, #tpu.memory_space<vmem_shared>>
      %dma_start3A_34 = arith.constant 0 : i32
      %dma_start3A_35 = tpu.memref_slice %arg15[%mul3A_10, %dma_start3A_34] : memref<1024x48xf32, #tpu.memory_space<vmem_shared>> -> memref<64x48xf32, #tpu.memory_space<vmem_shared>>
      tpu.enqueue_dma source(%arg14 : memref<64x48xf32, #tpu.memory_space<vmem>>) target(%dma_start3A_35 : memref<64x48xf32, #tpu.memory_space<vmem_shared>>) target_semaphore(%run_scoped3A : memref<!tpu.dma_semaphore, #tpu.memory_space<semaphore_mem>>)
      %dma_wait3A = arith.constant 0 : i32
      %dma_wait3A_36 = tpu.memref_slice %arg15[%mul3A_10, %dma_wait3A] : memref<1024x48xf32, #tpu.memory_space<vmem_shared>> -> memref<64x48xf32, #tpu.memory_space<vmem_shared>>
      %dma_wait3A_37 = arith.constant 0 : i32
      %dma_wait3A_38 = tpu.memref_slice %arg15[%mul3A_10, %dma_wait3A_37] : memref<1024x48xf32, #tpu.memory_space<vmem_shared>> -> memref<64x48xf32, #tpu.memory_space<vmem_shared>>
      tpu.wait_dma2 semaphore(%run_scoped3A : memref<!tpu.dma_semaphore, #tpu.memory_space<semaphore_mem>>) src(%arg14 : memref<64x48xf32, #tpu.memory_space<vmem>>) dst(%dma_wait3A_38 : memref<64x48xf32, #tpu.memory_space<vmem_shared>>)
      tpu.yield
    }) : () -> ()
    "tpu.region"() ({
      %run_scoped3A = tpu.sem_alloc : memref<!tpu.dma_semaphore, #tpu.memory_space<semaphore_mem>>
      tpu.enqueue_dma source(%arg3 : memref<48xf32, #tpu.memory_space<hbm>>) target(%arg13 : memref<48xf32, #tpu.memory_space<vmem>>) target_semaphore(%run_scoped3A : memref<!tpu.dma_semaphore, #tpu.memory_space<semaphore_mem>>)
      tpu.wait_dma2 semaphore(%run_scoped3A : memref<!tpu.dma_semaphore, #tpu.memory_space<semaphore_mem>>) src(%arg3 : memref<48xf32, #tpu.memory_space<hbm>>) dst(%arg13 : memref<48xf32, #tpu.memory_space<vmem>>)
      tpu.yield
    }) : () -> ()
    %iota3A = tpu.iota {dimensions = array<i32: 0>} : vector<16xi32>
    %eq3A = arith.constant 15 : i32
    %eq3A_11 = vector.broadcast %eq3A : i32 to vector<16xi32>
    %eq3A_12 = arith.cmpi eq, %iota3A, %eq3A_11 : vector<16xi32>
    %jit3A = arith.constant 1.000000e+00 : f32
    %jit3A_13 = arith.constant 0.000000e+00 : f32
    %broadcast_in_dim3A_14 = vector.broadcast %jit3A : f32 to vector<16xf32>
    %broadcast_in_dim3A_15 = vector.broadcast %jit3A_13 : f32 to vector<16xf32>
    %select_n3A = arith.select %eq3A_12, %broadcast_in_dim3A_14, %broadcast_in_dim3A_15 : vector<16xi1>, vector<16xf32>
    %scan3A_16 = arith.constant 0 : i32
    %scan3A_17 = arith.constant 0 : i32
    %scan3A_18 = arith.constant 80 : i32
    %scan3A_19 = arith.addi %scan3A_17, %scan3A_18 : i32
    %scan3A_20 = arith.constant 1 : i32
    scf.for %scan3A_33 = %scan3A_17 to %scan3A_19 step %scan3A_20  : i32 {
      %swap3A = arith.index_cast %scan3A_33 : i32 to index
      %swap3A_34 = arith.constant 32 : index
      %swap3A_35 = tpu.vector_load %arg12[%swap3A, %swap3A_34] {strides = array<i32>} : memref<80x48xf32, #tpu.memory_space<vmem>>, vector<1x16xf32>,
      %swap3A_36 = vector.shape_cast %swap3A_35 : vector<1x16xf32> to vector<16xf32>
      %swap3A_37 = vector.shape_cast %select_n3A : vector<16xf32> to vector<1x16xf32>
      tpu.vector_store %arg12[%swap3A, %swap3A_34], %swap3A_37 {strides = array<i32>} : memref<80x48xf32, #tpu.memory_space<vmem>>, vector<1x16xf32>,
    }
    %scan3A_21 = arith.constant 80 : i32
    %barrier3A = arith.constant 0 : index
    tpu.barrier barrier_id(%barrier3A)
    %scan3A_22 = arith.constant 0 : i32
    %scan3A_23 = arith.constant 0 : i32
    %scan3A_24 = arith.constant 4 : i32
    %scan3A_25 = arith.addi %scan3A_23, %scan3A_24 : i32
    %scan3A_26 = arith.constant 1 : i32
    scf.for %scan3A_33 = %scan3A_23 to %scan3A_25 step %scan3A_26  : i32 {
      %mul3A_34 = arith.constant 80 : i32
      %mul3A_35 = arith.muli %scan3A_33, %mul3A_34 : i32
      %add3A_36 = arith.addi %mul3A_2, %mul3A_35 : i32
      "tpu.region"() ({
        %run_scoped3A = tpu.sem_alloc : memref<!tpu.dma_semaphore, #tpu.memory_space<semaphore_mem>>
        %dma_start3A_101 = tpu.memref_slice %arg4[%add3A_36] : memref<10240xi32, #tpu.memory_space<hbm>> -> memref<80xi32, #tpu.memory_space<hbm>>
        %dma_start3A_102 = tpu.memref_slice %arg4[%add3A_36] : memref<10240xi32, #tpu.memory_space<hbm>> -> memref<80xi32, #tpu.memory_space<hbm>>
        tpu.enqueue_dma source(%dma_start3A_102 : memref<80xi32, #tpu.memory_space<hbm>>) target(%arg7 : memref<80xi32, #tpu.memory_space<vmem>>) target_semaphore(%run_scoped3A : memref<!tpu.dma_semaphore, #tpu.memory_space<semaphore_mem>>)
        %dma_wait3A_103 = tpu.memref_slice %arg4[%add3A_36] : memref<10240xi32, #tpu.memory_space<hbm>> -> memref<80xi32, #tpu.memory_space<hbm>>
        %dma_wait3A_104 = tpu.memref_slice %arg4[%add3A_36] : memref<10240xi32, #tpu.memory_space<hbm>> -> memref<80xi32, #tpu.memory_space<hbm>>
        tpu.wait_dma2 semaphore(%run_scoped3A : memref<!tpu.dma_semaphore, #tpu.memory_space<semaphore_mem>>) src(%dma_wait3A_104 : memref<80xi32, #tpu.memory_space<hbm>>) dst(%arg7 : memref<80xi32, #tpu.memory_space<vmem>>)
        tpu.yield
      }) : () -> ()
      %get3A = arith.constant 0 : index
      %get3A_37 = tpu.vector_load %arg7[%get3A] {strides = array<i32>} : memref<80xi32, #tpu.memory_space<vmem>>, vector<16xi32>,
      %get3A_38 = vector.shape_cast %get3A_37 : vector<16xi32> to vector<16xi32>
      %add3A_39 = arith.constant 10240 : i32
      %add3A_40 = vector.broadcast %add3A_39 : i32 to vector<16xi32>
      %add3A_41 = arith.addi %get3A_38, %add3A_40 : vector<16xi32>
      %swap3A = arith.constant 0 : index
      %swap3A_42 = tpu.vector_load %arg8[%swap3A] {strides = array<i32>} : memref<80xi32, #tpu.memory_space<vmem>>, vector<16xi32>,
      %swap3A_43 = vector.shape_cast %swap3A_42 : vector<16xi32> to vector<16xi32>
      %swap3A_44 = vector.shape_cast %add3A_41 : vector<16xi32> to vector<16xi32>
      tpu.vector_store %arg8[%swap3A], %swap3A_44 {strides = array<i32>} : memref<80xi32, #tpu.memory_space<vmem>>, vector<16xi32>,
      %get3A_45 = arith.constant 16 : index
      %get3A_46 = tpu.vector_load %arg7[%get3A_45] {strides = array<i32>} : memref<80xi32, #tpu.memory_space<vmem>>, vector<16xi32>,
      %get3A_47 = vector.shape_cast %get3A_46 : vector<16xi32> to vector<16xi32>
      %add3A_48 = arith.constant 10240 : i32
      %add3A_49 = vector.broadcast %add3A_48 : i32 to vector<16xi32>
      %add3A_50 = arith.addi %get3A_47, %add3A_49 : vector<16xi32>
      %swap3A_51 = arith.constant 16 : index
      %swap3A_52 = tpu.vector_load %arg8[%swap3A_51] {strides = array<i32>} : memref<80xi32, #tpu.memory_space<vmem>>, vector<16xi32>,
      %swap3A_53 = vector.shape_cast %swap3A_52 : vector<16xi32> to vector<16xi32>
      %swap3A_54 = vector.shape_cast %add3A_50 : vector<16xi32> to vector<16xi32>
      tpu.vector_store %arg8[%swap3A_51], %swap3A_54 {strides = array<i32>} : memref<80xi32, #tpu.memory_space<vmem>>, vector<16xi32>,
      %get3A_55 = arith.constant 32 : index
      %get3A_56 = tpu.vector_load %arg7[%get3A_55] {strides = array<i32>} : memref<80xi32, #tpu.memory_space<vmem>>, vector<16xi32>,
      %get3A_57 = vector.shape_cast %get3A_56 : vector<16xi32> to vector<16xi32>
      %add3A_58 = arith.constant 10240 : i32
      %add3A_59 = vector.broadcast %add3A_58 : i32 to vector<16xi32>
      %add3A_60 = arith.addi %get3A_57, %add3A_59 : vector<16xi32>
      %swap3A_61 = arith.constant 32 : index
      %swap3A_62 = tpu.vector_load %arg8[%swap3A_61] {strides = array<i32>} : memref<80xi32, #tpu.memory_space<vmem>>, vector<16xi32>,
      %swap3A_63 = vector.shape_cast %swap3A_62 : vector<16xi32> to vector<16xi32>
      %swap3A_64 = vector.shape_cast %add3A_60 : vector<16xi32> to vector<16xi32>
      tpu.vector_store %arg8[%swap3A_61], %swap3A_64 {strides = array<i32>} : memref<80xi32, #tpu.memory_space<vmem>>, vector<16xi32>,
      %get3A_65 = arith.constant 48 : index
      %get3A_66 = tpu.vector_load %arg7[%get3A_65] {strides = array<i32>} : memref<80xi32, #tpu.memory_space<vmem>>, vector<16xi32>,
      %get3A_67 = vector.shape_cast %get3A_66 : vector<16xi32> to vector<16xi32>
      %add3A_68 = arith.constant 10240 : i32
      %add3A_69 = vector.broadcast %add3A_68 : i32 to vector<16xi32>
      %add3A_70 = arith.addi %get3A_67, %add3A_69 : vector<16xi32>
      %swap3A_71 = arith.constant 48 : index
      %swap3A_72 = tpu.vector_load %arg8[%swap3A_71] {strides = array<i32>} : memref<80xi32, #tpu.memory_space<vmem>>, vector<16xi32>,
      %swap3A_73 = vector.shape_cast %swap3A_72 : vector<16xi32> to vector<16xi32>
      %swap3A_74 = vector.shape_cast %add3A_70 : vector<16xi32> to vector<16xi32>
      tpu.vector_store %arg8[%swap3A_71], %swap3A_74 {strides = array<i32>} : memref<80xi32, #tpu.memory_space<vmem>>, vector<16xi32>,
      %get3A_75 = arith.constant 64 : index
      %get3A_76 = tpu.vector_load %arg7[%get3A_75] {strides = array<i32>} : memref<80xi32, #tpu.memory_space<vmem>>, vector<16xi32>,
      %get3A_77 = vector.shape_cast %get3A_76 : vector<16xi32> to vector<16xi32>
      %add3A_78 = arith.constant 10240 : i32
      %add3A_79 = vector.broadcast %add3A_78 : i32 to vector<16xi32>
      %add3A_80 = arith.addi %get3A_77, %add3A_79 : vector<16xi32>
      %swap3A_81 = arith.constant 64 : index
      %swap3A_82 = tpu.vector_load %arg8[%swap3A_81] {strides = array<i32>} : memref<80xi32, #tpu.memory_space<vmem>>, vector<16xi32>,
      %swap3A_83 = vector.shape_cast %swap3A_82 : vector<16xi32> to vector<16xi32>
      %swap3A_84 = vector.shape_cast %add3A_80 : vector<16xi32> to vector<16xi32>
      tpu.vector_store %arg8[%swap3A_81], %swap3A_84 {strides = array<i32>} : memref<80xi32, #tpu.memory_space<vmem>>, vector<16xi32>,
      %dma_start3A = arith.constant 0 : i32
      %dma_start3A_85 = arith.constant 0 : i32
      %dma_start3A_86 = tpu.memref_slice %arg2[%dma_start3A, %dma_start3A_85] : memref<20480x48xf32, #tpu.memory_space<hbm>> -> memref<20480x48xf32, #tpu.memory_space<hbm>>
      tpu.enqueue_indirect_dma source(%dma_start3A_86 : memref<20480x48xf32, #tpu.memory_space<hbm>>) target(%arg10 : memref<80x48xf32, #tpu.memory_space<vmem>>) offsets(%arg7 : memref<80xi32, #tpu.memory_space<vmem>>) semaphore(%arg16 : memref<!tpu.dma_semaphore, #tpu.memory_space<semaphore_mem>>)
      %dma_start3A_87 = arith.constant 0 : i32
      %dma_start3A_88 = arith.constant 0 : i32
      %dma_start3A_89 = tpu.memref_slice %arg2[%dma_start3A_87, %dma_start3A_88] : memref<20480x48xf32, #tpu.memory_space<hbm>> -> memref<20480x48xf32, #tpu.memory_space<hbm>>
      tpu.enqueue_indirect_dma source(%dma_start3A_89 : memref<20480x48xf32, #tpu.memory_space<hbm>>) target(%arg11 : memref<80x48xf32, #tpu.memory_space<vmem>>) offsets(%arg8 : memref<80xi32, #tpu.memory_space<vmem>>) semaphore(%arg16 : memref<!tpu.dma_semaphore, #tpu.memory_space<semaphore_mem>>)
      "tpu.region"() ({
        %run_scoped3A = tpu.sem_alloc : memref<!tpu.dma_semaphore, #tpu.memory_space<semaphore_mem>>
        %dma_start3A_101 = tpu.memref_slice %arg5[%add3A_36] : memref<10240xi32, #tpu.memory_space<hbm>> -> memref<80xi32, #tpu.memory_space<hbm>>
        %dma_start3A_102 = tpu.memref_slice %arg5[%add3A_36] : memref<10240xi32, #tpu.memory_space<hbm>> -> memref<80xi32, #tpu.memory_space<hbm>>
        tpu.enqueue_dma source(%dma_start3A_102 : memref<80xi32, #tpu.memory_space<hbm>>) target(%arg9 : memref<80xi32, #tpu.memory_space<vmem>>) target_semaphore(%run_scoped3A : memref<!tpu.dma_semaphore, #tpu.memory_space<semaphore_mem>>)
        %dma_wait3A_103 = tpu.memref_slice %arg5[%add3A_36] : memref<10240xi32, #tpu.memory_space<hbm>> -> memref<80xi32, #tpu.memory_space<hbm>>
        %dma_wait3A_104 = tpu.memref_slice %arg5[%add3A_36] : memref<10240xi32, #tpu.memory_space<hbm>> -> memref<80xi32, #tpu.memory_space<hbm>>
        tpu.wait_dma2 semaphore(%run_scoped3A : memref<!tpu.dma_semaphore, #tpu.memory_space<semaphore_mem>>) src(%dma_wait3A_104 : memref<80xi32, #tpu.memory_space<hbm>>) dst(%arg9 : memref<80xi32, #tpu.memory_space<vmem>>)
        tpu.yield
      }) : () -> ()
      %dma_wait3A = arith.constant 0 : i32
      %dma_wait3A_90 = arith.constant 0 : i32
      %dma_wait3A_91 = tpu.memref_slice %arg2[%dma_wait3A, %dma_wait3A_90] : memref<20480x48xf32, #tpu.memory_space<hbm>> -> memref<20480x48xf32, #tpu.memory_space<hbm>>
      tpu.wait_indirect_dma semaphore(%arg16 : memref<!tpu.dma_semaphore, #tpu.memory_space<semaphore_mem>>) src(%dma_wait3A_91 : memref<20480x48xf32, #tpu.memory_space<hbm>>) dst(%arg10 : memref<80x48xf32, #tpu.memory_space<vmem>>)
      %dma_wait3A_92 = arith.constant 0 : i32
      %dma_wait3A_93 = arith.constant 0 : i32
      %dma_wait3A_94 = tpu.memref_slice %arg2[%dma_wait3A_92, %dma_wait3A_93] : memref<20480x48xf32, #tpu.memory_space<hbm>> -> memref<20480x48xf32, #tpu.memory_space<hbm>>
      tpu.wait_indirect_dma semaphore(%arg16 : memref<!tpu.dma_semaphore, #tpu.memory_space<semaphore_mem>>) src(%dma_wait3A_94 : memref<20480x48xf32, #tpu.memory_space<hbm>>) dst(%arg11 : memref<80x48xf32, #tpu.memory_space<vmem>>)
      %scan3A_95 = arith.constant 0 : i32
      %scan3A_96 = arith.constant 0 : i32
      %scan3A_97 = arith.constant 80 : i32
      %scan3A_98 = arith.addi %scan3A_96, %scan3A_97 : i32
      %scan3A_99 = arith.constant 1 : i32
      scf.for %scan3A_101 = %scan3A_96 to %scan3A_98 step %scan3A_99  : i32 {
        %get3A_102 = arith.index_cast %scan3A_101 : i32 to index
        %get3A_103 = arith.constant 0 : index
        %get3A_104 = tpu.vector_load %arg10[%get3A_102, %get3A_103] {strides = array<i32>} : memref<80x48xf32, #tpu.memory_space<vmem>>, vector<1x16xf32>,
        %get3A_105 = vector.shape_cast %get3A_104 : vector<1x16xf32> to vector<16xf32>
        %get3A_106 = arith.index_cast %scan3A_101 : i32 to index
        %get3A_107 = arith.constant 0 : index
        %get3A_108 = tpu.vector_load %arg11[%get3A_106, %get3A_107] {strides = array<i32>} : memref<80x48xf32, #tpu.memory_space<vmem>>, vector<1x16xf32>,
        %get3A_109 = vector.shape_cast %get3A_108 : vector<1x16xf32> to vector<16xf32>
        %add3A_110 = arith.addf %get3A_105, %get3A_109 : vector<16xf32>
        %get3A_111 = arith.index_cast %scan3A_101 : i32 to index
        %get3A_112 = arith.constant 16 : index
        %get3A_113 = tpu.vector_load %arg10[%get3A_111, %get3A_112] {strides = array<i32>} : memref<80x48xf32, #tpu.memory_space<vmem>>, vector<1x16xf32>,
        %get3A_114 = vector.shape_cast %get3A_113 : vector<1x16xf32> to vector<16xf32>
        %get3A_115 = arith.index_cast %scan3A_101 : i32 to index
        %get3A_116 = arith.constant 16 : index
        %get3A_117 = tpu.vector_load %arg11[%get3A_115, %get3A_116] {strides = array<i32>} : memref<80x48xf32, #tpu.memory_space<vmem>>, vector<1x16xf32>,
        %get3A_118 = vector.shape_cast %get3A_117 : vector<1x16xf32> to vector<16xf32>
        %add3A_119 = arith.addf %get3A_114, %get3A_118 : vector<16xf32>
        %get3A_120 = arith.index_cast %scan3A_101 : i32 to index
        %get3A_121 = arith.constant 32 : index
        %get3A_122 = tpu.vector_load %arg10[%get3A_120, %get3A_121] {strides = array<i32>} : memref<80x48xf32, #tpu.memory_space<vmem>>, vector<1x16xf32>,
        %get3A_123 = vector.shape_cast %get3A_122 : vector<1x16xf32> to vector<16xf32>
        %get3A_124 = arith.index_cast %scan3A_101 : i32 to index
        %get3A_125 = arith.constant 32 : index
        %get3A_126 = tpu.vector_load %arg11[%get3A_124, %get3A_125] {strides = array<i32>} : memref<80x48xf32, #tpu.memory_space<vmem>>, vector<1x16xf32>,
        %get3A_127 = vector.shape_cast %get3A_126 : vector<1x16xf32> to vector<16xf32>
        %add3A_128 = arith.addf %get3A_123, %get3A_127 : vector<16xf32>
        %max3A = arith.constant 1.000000e+00 : f32
        %max3A_129 = vector.broadcast %max3A : f32 to vector<16xf32>
        %max3A_130 = arith.maximumf %add3A_128, %max3A_129 : vector<16xf32>
        %div3A = arith.constant 1.000000e+00 : f32
        %div3A_131 = vector.broadcast %div3A : f32 to vector<16xf32>
        %div3A_132 = arith.divf %div3A_131, %max3A_130 : vector<16xf32>
        %slice3A = vector.extract_strided_slice %div3A_132 {offsets = [0], sizes = [1], strides = [1]} : vector<16xf32> to vector<1xf32>
        %squeeze3A = vector.extract %slice3A[0] : f32 from vector<1xf32>
        %mul3A_133 = vector.broadcast %squeeze3A : f32 to vector<16xf32>
        %mul3A_134 = arith.mulf %add3A_110, %mul3A_133 : vector<16xf32>
        %get3A_135 = arith.constant 0 : index
        %get3A_136 = tpu.vector_load %arg13[%get3A_135] {strides = array<i32>} : memref<48xf32, #tpu.memory_space<vmem>>, vector<16xf32>,
        %get3A_137 = vector.shape_cast %get3A_136 : vector<16xf32> to vector<16xf32>
        %add3A_138 = arith.addf %mul3A_134, %get3A_137 : vector<16xf32>
        %max3A_139 = arith.constant 0.000000e+00 : f32
        %max3A_140 = vector.broadcast %max3A_139 : f32 to vector<16xf32>
        %max3A_141 = arith.maximumf %add3A_138, %max3A_140 : vector<16xf32>
        %swap3A_142 = arith.index_cast %scan3A_101 : i32 to index
        %swap3A_143 = arith.constant 0 : index
        %swap3A_144 = tpu.vector_load %arg12[%swap3A_142, %swap3A_143] {strides = array<i32>} : memref<80x48xf32, #tpu.memory_space<vmem>>, vector<1x16xf32>,
        %swap3A_145 = vector.shape_cast %swap3A_144 : vector<1x16xf32> to vector<16xf32>
        %swap3A_146 = vector.shape_cast %max3A_141 : vector<16xf32> to vector<1x16xf32>
        tpu.vector_store %arg12[%swap3A_142, %swap3A_143], %swap3A_146 {strides = array<i32>} : memref<80x48xf32, #tpu.memory_space<vmem>>, vector<1x16xf32>,
        %mul3A_147 = vector.broadcast %squeeze3A : f32 to vector<16xf32>
        %mul3A_148 = arith.mulf %add3A_119, %mul3A_147 : vector<16xf32>
        %get3A_149 = arith.constant 16 : index
        %get3A_150 = tpu.vector_load %arg13[%get3A_149] {strides = array<i32>} : memref<48xf32, #tpu.memory_space<vmem>>, vector<16xf32>,
        %get3A_151 = vector.shape_cast %get3A_150 : vector<16xf32> to vector<16xf32>
        %add3A_152 = arith.addf %mul3A_148, %get3A_151 : vector<16xf32>
        %max3A_153 = arith.constant 0.000000e+00 : f32
        %max3A_154 = vector.broadcast %max3A_153 : f32 to vector<16xf32>
        %max3A_155 = arith.maximumf %add3A_152, %max3A_154 : vector<16xf32>
        %swap3A_156 = arith.index_cast %scan3A_101 : i32 to index
        %swap3A_157 = arith.constant 16 : index
        %swap3A_158 = tpu.vector_load %arg12[%swap3A_156, %swap3A_157] {strides = array<i32>} : memref<80x48xf32, #tpu.memory_space<vmem>>, vector<1x16xf32>,
        %swap3A_159 = vector.shape_cast %swap3A_158 : vector<1x16xf32> to vector<16xf32>
        %swap3A_160 = vector.shape_cast %max3A_155 : vector<16xf32> to vector<1x16xf32>
        tpu.vector_store %arg12[%swap3A_156, %swap3A_157], %swap3A_160 {strides = array<i32>} : memref<80x48xf32, #tpu.memory_space<vmem>>, vector<1x16xf32>,
      }
      %scan3A_100 = arith.constant 80 : i32
      "tpu.region"() ({
        %run_scoped3A = tpu.sem_alloc : memref<!tpu.dma_semaphore, #tpu.memory_space<semaphore_mem>>
        %dma_start3A_101 = arith.constant 0 : i32
        %dma_start3A_102 = arith.constant 0 : i32
        %dma_start3A_103 = tpu.memref_slice %arg15[%dma_start3A_101, %dma_start3A_102] : memref<1024x48xf32, #tpu.memory_space<vmem_shared>> -> memref<1024x48xf32, #tpu.memory_space<vmem_shared>>
        tpu.enqueue_indirect_dma source(%arg12 : memref<80x48xf32, #tpu.memory_space<vmem>>) target(%dma_start3A_103 : memref<1024x48xf32, #tpu.memory_space<vmem_shared>>) offsets(%arg9 : memref<80xi32, #tpu.memory_space<vmem>>) semaphore(%run_scoped3A : memref<!tpu.dma_semaphore, #tpu.memory_space<semaphore_mem>>) {add = true}
        %dma_wait3A_104 = arith.constant 0 : i32
        %dma_wait3A_105 = arith.constant 0 : i32
        %dma_wait3A_106 = tpu.memref_slice %arg15[%dma_wait3A_104, %dma_wait3A_105] : memref<1024x48xf32, #tpu.memory_space<vmem_shared>> -> memref<1024x48xf32, #tpu.memory_space<vmem_shared>>
        tpu.wait_indirect_dma semaphore(%run_scoped3A : memref<!tpu.dma_semaphore, #tpu.memory_space<semaphore_mem>>) src(%arg12 : memref<80x48xf32, #tpu.memory_space<vmem>>) dst(%dma_wait3A_106 : memref<1024x48xf32, #tpu.memory_space<vmem_shared>>)
        tpu.yield
      }) : () -> ()
    }
    %scan3A_27 = arith.constant 4 : i32
    %barrier3A_28 = arith.constant 0 : index
    tpu.barrier barrier_id(%barrier3A_28)
    %mul3A_29 = arith.constant 64 : i32
    %mul3A_30 = arith.muli %mul3A_29, %arg1 : i32
    %mul3A_31 = arith.constant 64 : i32
    %mul3A_32 = arith.muli %mul3A_31, %arg1 : i32
    "tpu.region"() ({
      %run_scoped3A = tpu.sem_alloc : memref<!tpu.dma_semaphore, #tpu.memory_space<semaphore_mem>>
      %dma_start3A = arith.constant 0 : i32
      %dma_start3A_33 = tpu.memref_slice %arg6[%arg0, %mul3A_32, %dma_start3A] : memref<2x1024x48xf32, #tpu.memory_space<hbm>> -> memref<1x64x48xf32, #tpu.memory_space<hbm>>
      %dma_start3A_34 = tpu.memref_squeeze %dma_start3A_33 : memref<1x64x48xf32, #tpu.memory_space<hbm>> -> memref<64x48xf32, #tpu.memory_space<hbm>>
      %dma_start3A_35 = arith.constant 0 : i32
      %dma_start3A_36 = tpu.memref_slice %arg15[%mul3A_30, %dma_start3A_35] : memref<1024x48xf32, #tpu.memory_space<vmem_shared>> -> memref<64x48xf32, #tpu.memory_space<vmem_shared>>
      tpu.enqueue_dma source(%dma_start3A_36 : memref<64x48xf32, #tpu.memory_space<vmem_shared>>) target(%dma_start3A_34 : memref<64x48xf32, #tpu.memory_space<hbm>>) target_semaphore(%run_scoped3A : memref<!tpu.dma_semaphore, #tpu.memory_space<semaphore_mem>>)
      %dma_wait3A = arith.constant 0 : i32
      %dma_wait3A_37 = tpu.memref_slice %arg6[%arg0, %mul3A_32, %dma_wait3A] : memref<2x1024x48xf32, #tpu.memory_space<hbm>> -> memref<1x64x48xf32, #tpu.memory_space<hbm>>
      %dma_wait3A_38 = tpu.memref_squeeze %dma_wait3A_37 : memref<1x64x48xf32, #tpu.memory_space<hbm>> -> memref<64x48xf32, #tpu.memory_space<hbm>>
      %dma_wait3A_39 = arith.constant 0 : i32
      %dma_wait3A_40 = tpu.memref_slice %arg15[%mul3A_30, %dma_wait3A_39] : memref<1024x48xf32, #tpu.memory_space<vmem_shared>> -> memref<64x48xf32, #tpu.memory_space<vmem_shared>>
      tpu.wait_dma2 semaphore(%run_scoped3A : memref<!tpu.dma_semaphore, #tpu.memory_space<semaphore_mem>>) src(%dma_wait3A_40 : memref<64x48xf32, #tpu.memory_space<vmem_shared>>) dst(%dma_wait3A_38 : memref<64x48xf32, #tpu.memory_space<hbm>>)
      tpu.yield
    }) : () -> ()
    return
  }
}

#map = affine_map<(d0, d1) -> (0, 0)>
#map1 = affine_map<(d0, d1) -> (0)>
module attributes {stable_mosaic.version = 14 : i64} {
  func.func @_sc_agg0(%arg0: i32, %arg1: i32, %arg2: memref<200000x64xf32, #tpu.memory_space<hbm>>, %arg3: memref<256000xi32, #tpu.memory_space<hbm>>, %arg4: memref<256000xi32, #tpu.memory_space<hbm>>, %arg5: memref<20480x48xf32, #tpu.memory_space<hbm>>, %arg6: memref<3x5x80xi32, #tpu.memory_space<vmem>>, %arg7: memref<3x5x80xi32, #tpu.memory_space<vmem>>, %arg8: memref<3x5x80xi32, #tpu.memory_space<vmem>>, %arg9: memref<2x5x80xi32, #tpu.memory_space<vmem>>, %arg10: memref<2x5x80x64xf32, #tpu.memory_space<vmem>>, %arg11: memref<80x64xf32, #tpu.memory_space<vmem>>, %arg12: memref<80x64xf32, #tpu.memory_space<vmem>>, %arg13: memref<80x48xf32, #tpu.memory_space<vmem>>, %arg14: memref<10240x64xf32, #tpu.memory_space<vmem_shared>>, %arg15: memref<!tpu.dma_semaphore, #tpu.memory_space<semaphore_mem>>, %arg16: memref<!tpu.dma_semaphore, #tpu.memory_space<semaphore_mem>>, %arg17: memref<!tpu.dma_semaphore, #tpu.memory_space<semaphore_mem>>, %arg18: memref<!tpu.dma_semaphore, #tpu.memory_space<semaphore_mem>>) attributes {dimension_semantics = [#tpu.dimension_semantics<core_parallel>, #tpu.dimension_semantics<subcore_parallel>], iteration_bounds = array<i64: 2, 16>, scalar_prefetch = 0 : i64, scratch_operands = 13 : i64, tpu.core_type = #tpu.core_type<sc_vector_subcore>, window_params = [{transform_indices = #map}, {transform_indices = #map1}, {transform_indices = #map1}, {transform_indices = #map}]} {
    %mul3A = arith.constant 16 : i32
    %mul3A_0 = arith.muli %arg0, %mul3A : i32
    %add3A = arith.addi %mul3A_0, %arg1 : i32
    %mul3A_1 = arith.constant 8000 : i32
    %mul3A_2 = arith.muli %add3A, %mul3A_1 : i32
    %broadcast_in_dim3A = arith.constant 0.000000e+00 : f32
    %broadcast_in_dim3A_3 = vector.broadcast %broadcast_in_dim3A : f32 to vector<16xf32>
    %scan3A = arith.constant 0 : i32
    %scan3A_4 = arith.constant 0 : i32
    %scan3A_5 = arith.constant 320 : i32
    %scan3A_6 = arith.addi %scan3A_4, %scan3A_5 : i32
    %scan3A_7 = arith.constant 1 : i32
    scf.for %scan3A_1223 = %scan3A_4 to %scan3A_6 step %scan3A_7  : i32 {
      %jit3A = arith.constant 4 : i32
      %div3A = arith.divsi %scan3A_1223, %jit3A : i32
      %sign3A = arith.constant 0 : i32
      %sign3A_1224 = arith.cmpi sgt, %scan3A_1223, %sign3A : i32
      %sign3A_1225 = arith.extui %sign3A_1224 : i1 to i32
      %sign3A_1226 = arith.constant 0 : i32
      %sign3A_1227 = arith.cmpi slt, %scan3A_1223, %sign3A_1226 : i32
      %sign3A_1228 = arith.extui %sign3A_1227 : i1 to i32
      %sign3A_1229 = arith.subi %sign3A_1225, %sign3A_1228 : i32
      %sign3A_1230 = arith.constant 0 : i32
      %sign3A_1231 = arith.cmpi sgt, %jit3A, %sign3A_1230 : i32
      %sign3A_1232 = arith.extui %sign3A_1231 : i1 to i32
      %sign3A_1233 = arith.constant 0 : i32
      %sign3A_1234 = arith.cmpi slt, %jit3A, %sign3A_1233 : i32
      %sign3A_1235 = arith.extui %sign3A_1234 : i1 to i32
      %sign3A_1236 = arith.subi %sign3A_1232, %sign3A_1235 : i32
      %ne3A = arith.cmpi ne, %sign3A_1229, %sign3A_1236 : i32
      %rem3A = arith.remsi %scan3A_1223, %jit3A : i32
      %ne3A_1237 = arith.constant 0 : i32
      %ne3A_1238 = arith.cmpi ne, %rem3A, %ne3A_1237 : i32
      %and3A_1239 = arith.andi %ne3A, %ne3A_1238 : i1
      %sub3A = arith.constant 1 : i32
      %sub3A_1240 = arith.subi %div3A, %sub3A : i32
      %select_n3A = arith.select %and3A_1239, %sub3A_1240, %div3A : i32
      %jit3A_1241 = arith.constant 4 : i32
      %eq3A = arith.constant 0 : i32
      %eq3A_1242 = arith.cmpi eq, %jit3A_1241, %eq3A : i32
      %jit3A_1243 = arith.constant 1 : i32
      %select_n3A_1244 = arith.select %eq3A_1242, %jit3A_1243, %jit3A_1241 : i32
      %rem3A_1245 = arith.remsi %scan3A_1223, %select_n3A_1244 : i32
      %ne3A_1246 = arith.constant 0 : i32
      %ne3A_1247 = arith.cmpi ne, %rem3A_1245, %ne3A_1246 : i32
      %lt3A = arith.constant 0 : i32
      %lt3A_1248 = arith.cmpi slt, %rem3A_1245, %lt3A : i32
      %lt3A_1249 = arith.constant 0 : i32
      %lt3A_1250 = arith.cmpi slt, %select_n3A_1244, %lt3A_1249 : i32
      %ne3A_1251 = arith.xori %lt3A_1248, %lt3A_1250 : i1
      %and3A_1252 = arith.andi %ne3A_1251, %ne3A_1247 : i1
      %add3A_1253 = arith.addi %rem3A_1245, %select_n3A_1244 : i32
      %select_n3A_1254 = arith.select %and3A_1252, %add3A_1253, %rem3A_1245 : i32
      %mul3A_1255 = arith.constant 16 : i32
      %mul3A_1256 = arith.muli %select_n3A_1254, %mul3A_1255 : i32
      %swap3A_1257 = arith.index_cast %select_n3A : i32 to index
      %swap3A_1258 = arith.index_cast %mul3A_1256 : i32 to index
      %swap3A_1259 = tpu.vector_load %arg11[%swap3A_1257, %swap3A_1258] {strides = array<i32>} : memref<80x64xf32, #tpu.memory_space<vmem>>, vector<1x16xf32>,
      %swap3A_1260 = vector.shape_cast %swap3A_1259 : vector<1x16xf32> to vector<16xf32>
      %swap3A_1261 = vector.shape_cast %broadcast_in_dim3A_3 : vector<16xf32> to vector<1x16xf32>
      tpu.vector_store %arg11[%swap3A_1257, %swap3A_1258], %swap3A_1261 {strides = array<i32>} : memref<80x64xf32, #tpu.memory_space<vmem>>, vector<1x16xf32>,
    }
    %scan3A_8 = arith.constant 320 : i32
    %mul3A_9 = arith.constant 640 : i32
    %mul3A_10 = arith.muli %mul3A_9, %arg1 : i32
    %add3A_11 = arith.constant 0 : i32
    %add3A_12 = arith.addi %mul3A_10, %add3A_11 : i32
    "tpu.region"() ({
      %run_scoped3A = tpu.sem_alloc : memref<!tpu.dma_semaphore, #tpu.memory_space<semaphore_mem>>
      %dma_start3A_1223 = arith.constant 0 : i32
      %dma_start3A_1224 = tpu.memref_slice %arg14[%add3A_12, %dma_start3A_1223] : memref<10240x64xf32, #tpu.memory_space<vmem_shared>> -> memref<80x64xf32, #tpu.memory_space<vmem_shared>>
      %dma_start3A_1225 = arith.constant 0 : i32
      %dma_start3A_1226 = tpu.memref_slice %arg14[%add3A_12, %dma_start3A_1225] : memref<10240x64xf32, #tpu.memory_space<vmem_shared>> -> memref<80x64xf32, #tpu.memory_space<vmem_shared>>
      tpu.enqueue_dma source(%arg11 : memref<80x64xf32, #tpu.memory_space<vmem>>) target(%dma_start3A_1226 : memref<80x64xf32, #tpu.memory_space<vmem_shared>>) target_semaphore(%run_scoped3A : memref<!tpu.dma_semaphore, #tpu.memory_space<semaphore_mem>>)
      %dma_wait3A_1227 = arith.constant 0 : i32
      %dma_wait3A_1228 = tpu.memref_slice %arg14[%add3A_12, %dma_wait3A_1227] : memref<10240x64xf32, #tpu.memory_space<vmem_shared>> -> memref<80x64xf32, #tpu.memory_space<vmem_shared>>
      %dma_wait3A_1229 = arith.constant 0 : i32
      %dma_wait3A_1230 = tpu.memref_slice %arg14[%add3A_12, %dma_wait3A_1229] : memref<10240x64xf32, #tpu.memory_space<vmem_shared>> -> memref<80x64xf32, #tpu.memory_space<vmem_shared>>
      tpu.wait_dma2 semaphore(%run_scoped3A : memref<!tpu.dma_semaphore, #tpu.memory_space<semaphore_mem>>) src(%arg11 : memref<80x64xf32, #tpu.memory_space<vmem>>) dst(%dma_wait3A_1230 : memref<80x64xf32, #tpu.memory_space<vmem_shared>>)
      tpu.yield
    }) : () -> ()
    %mul3A_13 = arith.constant 640 : i32
    %mul3A_14 = arith.muli %mul3A_13, %arg1 : i32
    %add3A_15 = arith.constant 80 : i32
    %add3A_16 = arith.addi %mul3A_14, %add3A_15 : i32
    "tpu.region"() ({
      %run_scoped3A = tpu.sem_alloc : memref<!tpu.dma_semaphore, #tpu.memory_space<semaphore_mem>>
      %dma_start3A_1223 = arith.constant 0 : i32
      %dma_start3A_1224 = tpu.memref_slice %arg14[%add3A_16, %dma_start3A_1223] : memref<10240x64xf32, #tpu.memory_space<vmem_shared>> -> memref<80x64xf32, #tpu.memory_space<vmem_shared>>
      %dma_start3A_1225 = arith.constant 0 : i32
      %dma_start3A_1226 = tpu.memref_slice %arg14[%add3A_16, %dma_start3A_1225] : memref<10240x64xf32, #tpu.memory_space<vmem_shared>> -> memref<80x64xf32, #tpu.memory_space<vmem_shared>>
      tpu.enqueue_dma source(%arg11 : memref<80x64xf32, #tpu.memory_space<vmem>>) target(%dma_start3A_1226 : memref<80x64xf32, #tpu.memory_space<vmem_shared>>) target_semaphore(%run_scoped3A : memref<!tpu.dma_semaphore, #tpu.memory_space<semaphore_mem>>)
      %dma_wait3A_1227 = arith.constant 0 : i32
      %dma_wait3A_1228 = tpu.memref_slice %arg14[%add3A_16, %dma_wait3A_1227] : memref<10240x64xf32, #tpu.memory_space<vmem_shared>> -> memref<80x64xf32, #tpu.memory_space<vmem_shared>>
      %dma_wait3A_1229 = arith.constant 0 : i32
      %dma_wait3A_1230 = tpu.memref_slice %arg14[%add3A_16, %dma_wait3A_1229] : memref<10240x64xf32, #tpu.memory_space<vmem_shared>> -> memref<80x64xf32, #tpu.memory_space<vmem_shared>>
      tpu.wait_dma2 semaphore(%run_scoped3A : memref<!tpu.dma_semaphore, #tpu.memory_space<semaphore_mem>>) src(%arg11 : memref<80x64xf32, #tpu.memory_space<vmem>>) dst(%dma_wait3A_1230 : memref<80x64xf32, #tpu.memory_space<vmem_shared>>)
      tpu.yield
    }) : () -> ()
    %mul3A_17 = arith.constant 640 : i32
    %mul3A_18 = arith.muli %mul3A_17, %arg1 : i32
    %add3A_19 = arith.constant 160 : i32
    %add3A_20 = arith.addi %mul3A_18, %add3A_19 : i32
    "tpu.region"() ({
      %run_scoped3A = tpu.sem_alloc : memref<!tpu.dma_semaphore, #tpu.memory_space<semaphore_mem>>
      %dma_start3A_1223 = arith.constant 0 : i32
      %dma_start3A_1224 = tpu.memref_slice %arg14[%add3A_20, %dma_start3A_1223] : memref<10240x64xf32, #tpu.memory_space<vmem_shared>> -> memref<80x64xf32, #tpu.memory_space<vmem_shared>>
      %dma_start3A_1225 = arith.constant 0 : i32
      %dma_start3A_1226 = tpu.memref_slice %arg14[%add3A_20, %dma_start3A_1225] : memref<10240x64xf32, #tpu.memory_space<vmem_shared>> -> memref<80x64xf32, #tpu.memory_space<vmem_shared>>
      tpu.enqueue_dma source(%arg11 : memref<80x64xf32, #tpu.memory_space<vmem>>) target(%dma_start3A_1226 : memref<80x64xf32, #tpu.memory_space<vmem_shared>>) target_semaphore(%run_scoped3A : memref<!tpu.dma_semaphore, #tpu.memory_space<semaphore_mem>>)
      %dma_wait3A_1227 = arith.constant 0 : i32
      %dma_wait3A_1228 = tpu.memref_slice %arg14[%add3A_20, %dma_wait3A_1227] : memref<10240x64xf32, #tpu.memory_space<vmem_shared>> -> memref<80x64xf32, #tpu.memory_space<vmem_shared>>
      %dma_wait3A_1229 = arith.constant 0 : i32
      %dma_wait3A_1230 = tpu.memref_slice %arg14[%add3A_20, %dma_wait3A_1229] : memref<10240x64xf32, #tpu.memory_space<vmem_shared>> -> memref<80x64xf32, #tpu.memory_space<vmem_shared>>
      tpu.wait_dma2 semaphore(%run_scoped3A : memref<!tpu.dma_semaphore, #tpu.memory_space<semaphore_mem>>) src(%arg11 : memref<80x64xf32, #tpu.memory_space<vmem>>) dst(%dma_wait3A_1230 : memref<80x64xf32, #tpu.memory_space<vmem_shared>>)
      tpu.yield
    }) : () -> ()
    %mul3A_21 = arith.constant 640 : i32
    %mul3A_22 = arith.muli %mul3A_21, %arg1 : i32
    %add3A_23 = arith.constant 240 : i32
    %add3A_24 = arith.addi %mul3A_22, %add3A_23 : i32
    "tpu.region"() ({
      %run_scoped3A = tpu.sem_alloc : memref<!tpu.dma_semaphore, #tpu.memory_space<semaphore_mem>>
      %dma_start3A_1223 = arith.constant 0 : i32
      %dma_start3A_1224 = tpu.memref_slice %arg14[%add3A_24, %dma_start3A_1223] : memref<10240x64xf32, #tpu.memory_space<vmem_shared>> -> memref<80x64xf32, #tpu.memory_space<vmem_shared>>
      %dma_start3A_1225 = arith.constant 0 : i32
      %dma_start3A_1226 = tpu.memref_slice %arg14[%add3A_24, %dma_start3A_1225] : memref<10240x64xf32, #tpu.memory_space<vmem_shared>> -> memref<80x64xf32, #tpu.memory_space<vmem_shared>>
      tpu.enqueue_dma source(%arg11 : memref<80x64xf32, #tpu.memory_space<vmem>>) target(%dma_start3A_1226 : memref<80x64xf32, #tpu.memory_space<vmem_shared>>) target_semaphore(%run_scoped3A : memref<!tpu.dma_semaphore, #tpu.memory_space<semaphore_mem>>)
      %dma_wait3A_1227 = arith.constant 0 : i32
      %dma_wait3A_1228 = tpu.memref_slice %arg14[%add3A_24, %dma_wait3A_1227] : memref<10240x64xf32, #tpu.memory_space<vmem_shared>> -> memref<80x64xf32, #tpu.memory_space<vmem_shared>>
      %dma_wait3A_1229 = arith.constant 0 : i32
      %dma_wait3A_1230 = tpu.memref_slice %arg14[%add3A_24, %dma_wait3A_1229] : memref<10240x64xf32, #tpu.memory_space<vmem_shared>> -> memref<80x64xf32, #tpu.memory_space<vmem_shared>>
      tpu.wait_dma2 semaphore(%run_scoped3A : memref<!tpu.dma_semaphore, #tpu.memory_space<semaphore_mem>>) src(%arg11 : memref<80x64xf32, #tpu.memory_space<vmem>>) dst(%dma_wait3A_1230 : memref<80x64xf32, #tpu.memory_space<vmem_shared>>)
      tpu.yield
    }) : () -> ()
    %mul3A_25 = arith.constant 640 : i32
    %mul3A_26 = arith.muli %mul3A_25, %arg1 : i32
    %add3A_27 = arith.constant 320 : i32
    %add3A_28 = arith.addi %mul3A_26, %add3A_27 : i32
    "tpu.region"() ({
      %run_scoped3A = tpu.sem_alloc : memref<!tpu.dma_semaphore, #tpu.memory_space<semaphore_mem>>
      %dma_start3A_1223 = arith.constant 0 : i32
      %dma_start3A_1224 = tpu.memref_slice %arg14[%add3A_28, %dma_start3A_1223] : memref<10240x64xf32, #tpu.memory_space<vmem_shared>> -> memref<80x64xf32, #tpu.memory_space<vmem_shared>>
      %dma_start3A_1225 = arith.constant 0 : i32
      %dma_start3A_1226 = tpu.memref_slice %arg14[%add3A_28, %dma_start3A_1225] : memref<10240x64xf32, #tpu.memory_space<vmem_shared>> -> memref<80x64xf32, #tpu.memory_space<vmem_shared>>
      tpu.enqueue_dma source(%arg11 : memref<80x64xf32, #tpu.memory_space<vmem>>) target(%dma_start3A_1226 : memref<80x64xf32, #tpu.memory_space<vmem_shared>>) target_semaphore(%run_scoped3A : memref<!tpu.dma_semaphore, #tpu.memory_space<semaphore_mem>>)
      %dma_wait3A_1227 = arith.constant 0 : i32
      %dma_wait3A_1228 = tpu.memref_slice %arg14[%add3A_28, %dma_wait3A_1227] : memref<10240x64xf32, #tpu.memory_space<vmem_shared>> -> memref<80x64xf32, #tpu.memory_space<vmem_shared>>
      %dma_wait3A_1229 = arith.constant 0 : i32
      %dma_wait3A_1230 = tpu.memref_slice %arg14[%add3A_28, %dma_wait3A_1229] : memref<10240x64xf32, #tpu.memory_space<vmem_shared>> -> memref<80x64xf32, #tpu.memory_space<vmem_shared>>
      tpu.wait_dma2 semaphore(%run_scoped3A : memref<!tpu.dma_semaphore, #tpu.memory_space<semaphore_mem>>) src(%arg11 : memref<80x64xf32, #tpu.memory_space<vmem>>) dst(%dma_wait3A_1230 : memref<80x64xf32, #tpu.memory_space<vmem_shared>>)
      tpu.yield
    }) : () -> ()
    %mul3A_29 = arith.constant 640 : i32
    %mul3A_30 = arith.muli %mul3A_29, %arg1 : i32
    %add3A_31 = arith.constant 400 : i32
    %add3A_32 = arith.addi %mul3A_30, %add3A_31 : i32
    "tpu.region"() ({
      %run_scoped3A = tpu.sem_alloc : memref<!tpu.dma_semaphore, #tpu.memory_space<semaphore_mem>>
      %dma_start3A_1223 = arith.constant 0 : i32
      %dma_start3A_1224 = tpu.memref_slice %arg14[%add3A_32, %dma_start3A_1223] : memref<10240x64xf32, #tpu.memory_space<vmem_shared>> -> memref<80x64xf32, #tpu.memory_space<vmem_shared>>
      %dma_start3A_1225 = arith.constant 0 : i32
      %dma_start3A_1226 = tpu.memref_slice %arg14[%add3A_32, %dma_start3A_1225] : memref<10240x64xf32, #tpu.memory_space<vmem_shared>> -> memref<80x64xf32, #tpu.memory_space<vmem_shared>>
      tpu.enqueue_dma source(%arg11 : memref<80x64xf32, #tpu.memory_space<vmem>>) target(%dma_start3A_1226 : memref<80x64xf32, #tpu.memory_space<vmem_shared>>) target_semaphore(%run_scoped3A : memref<!tpu.dma_semaphore, #tpu.memory_space<semaphore_mem>>)
      %dma_wait3A_1227 = arith.constant 0 : i32
      %dma_wait3A_1228 = tpu.memref_slice %arg14[%add3A_32, %dma_wait3A_1227] : memref<10240x64xf32, #tpu.memory_space<vmem_shared>> -> memref<80x64xf32, #tpu.memory_space<vmem_shared>>
      %dma_wait3A_1229 = arith.constant 0 : i32
      %dma_wait3A_1230 = tpu.memref_slice %arg14[%add3A_32, %dma_wait3A_1229] : memref<10240x64xf32, #tpu.memory_space<vmem_shared>> -> memref<80x64xf32, #tpu.memory_space<vmem_shared>>
      tpu.wait_dma2 semaphore(%run_scoped3A : memref<!tpu.dma_semaphore, #tpu.memory_space<semaphore_mem>>) src(%arg11 : memref<80x64xf32, #tpu.memory_space<vmem>>) dst(%dma_wait3A_1230 : memref<80x64xf32, #tpu.memory_space<vmem_shared>>)
      tpu.yield
    }) : () -> ()
    %mul3A_33 = arith.constant 640 : i32
    %mul3A_34 = arith.muli %mul3A_33, %arg1 : i32
    %add3A_35 = arith.constant 480 : i32
    %add3A_36 = arith.addi %mul3A_34, %add3A_35 : i32
    "tpu.region"() ({
      %run_scoped3A = tpu.sem_alloc : memref<!tpu.dma_semaphore, #tpu.memory_space<semaphore_mem>>
      %dma_start3A_1223 = arith.constant 0 : i32
      %dma_start3A_1224 = tpu.memref_slice %arg14[%add3A_36, %dma_start3A_1223] : memref<10240x64xf32, #tpu.memory_space<vmem_shared>> -> memref<80x64xf32, #tpu.memory_space<vmem_shared>>
      %dma_start3A_1225 = arith.constant 0 : i32
      %dma_start3A_1226 = tpu.memref_slice %arg14[%add3A_36, %dma_start3A_1225] : memref<10240x64xf32, #tpu.memory_space<vmem_shared>> -> memref<80x64xf32, #tpu.memory_space<vmem_shared>>
      tpu.enqueue_dma source(%arg11 : memref<80x64xf32, #tpu.memory_space<vmem>>) target(%dma_start3A_1226 : memref<80x64xf32, #tpu.memory_space<vmem_shared>>) target_semaphore(%run_scoped3A : memref<!tpu.dma_semaphore, #tpu.memory_space<semaphore_mem>>)
      %dma_wait3A_1227 = arith.constant 0 : i32
      %dma_wait3A_1228 = tpu.memref_slice %arg14[%add3A_36, %dma_wait3A_1227] : memref<10240x64xf32, #tpu.memory_space<vmem_shared>> -> memref<80x64xf32, #tpu.memory_space<vmem_shared>>
      %dma_wait3A_1229 = arith.constant 0 : i32
      %dma_wait3A_1230 = tpu.memref_slice %arg14[%add3A_36, %dma_wait3A_1229] : memref<10240x64xf32, #tpu.memory_space<vmem_shared>> -> memref<80x64xf32, #tpu.memory_space<vmem_shared>>
      tpu.wait_dma2 semaphore(%run_scoped3A : memref<!tpu.dma_semaphore, #tpu.memory_space<semaphore_mem>>) src(%arg11 : memref<80x64xf32, #tpu.memory_space<vmem>>) dst(%dma_wait3A_1230 : memref<80x64xf32, #tpu.memory_space<vmem_shared>>)
      tpu.yield
    }) : () -> ()
    %mul3A_37 = arith.constant 640 : i32
    %mul3A_38 = arith.muli %mul3A_37, %arg1 : i32
    %add3A_39 = arith.constant 560 : i32
    %add3A_40 = arith.addi %mul3A_38, %add3A_39 : i32
    "tpu.region"() ({
      %run_scoped3A = tpu.sem_alloc : memref<!tpu.dma_semaphore, #tpu.memory_space<semaphore_mem>>
      %dma_start3A_1223 = arith.constant 0 : i32
      %dma_start3A_1224 = tpu.memref_slice %arg14[%add3A_40, %dma_start3A_1223] : memref<10240x64xf32, #tpu.memory_space<vmem_shared>> -> memref<80x64xf32, #tpu.memory_space<vmem_shared>>
      %dma_start3A_1225 = arith.constant 0 : i32
      %dma_start3A_1226 = tpu.memref_slice %arg14[%add3A_40, %dma_start3A_1225] : memref<10240x64xf32, #tpu.memory_space<vmem_shared>> -> memref<80x64xf32, #tpu.memory_space<vmem_shared>>
      tpu.enqueue_dma source(%arg11 : memref<80x64xf32, #tpu.memory_space<vmem>>) target(%dma_start3A_1226 : memref<80x64xf32, #tpu.memory_space<vmem_shared>>) target_semaphore(%run_scoped3A : memref<!tpu.dma_semaphore, #tpu.memory_space<semaphore_mem>>)
      %dma_wait3A_1227 = arith.constant 0 : i32
      %dma_wait3A_1228 = tpu.memref_slice %arg14[%add3A_40, %dma_wait3A_1227] : memref<10240x64xf32, #tpu.memory_space<vmem_shared>> -> memref<80x64xf32, #tpu.memory_space<vmem_shared>>
      %dma_wait3A_1229 = arith.constant 0 : i32
      %dma_wait3A_1230 = tpu.memref_slice %arg14[%add3A_40, %dma_wait3A_1229] : memref<10240x64xf32, #tpu.memory_space<vmem_shared>> -> memref<80x64xf32, #tpu.memory_space<vmem_shared>>
      tpu.wait_dma2 semaphore(%run_scoped3A : memref<!tpu.dma_semaphore, #tpu.memory_space<semaphore_mem>>) src(%arg11 : memref<80x64xf32, #tpu.memory_space<vmem>>) dst(%dma_wait3A_1230 : memref<80x64xf32, #tpu.memory_space<vmem_shared>>)
      tpu.yield
    }) : () -> ()
    %barrier3A = arith.constant 0 : index
    tpu.barrier barrier_id(%barrier3A)
    %add3A_41 = arith.constant 0 : i32
    %add3A_42 = arith.addi %mul3A_2, %add3A_41 : i32
    %dma_start3A = arith.constant 0 : i32
    %dma_start3A_43 = arith.constant 0 : i32
    %dma_start3A_44 = arith.constant 0 : i32
    %dma_start3A_45 = tpu.memref_slice %arg6[%dma_start3A, %dma_start3A_43, %dma_start3A_44] : memref<3x5x80xi32, #tpu.memory_space<vmem>> -> memref<1x1x80xi32, #tpu.memory_space<vmem>>
    %dma_start3A_46 = tpu.memref_squeeze %dma_start3A_45 : memref<1x1x80xi32, #tpu.memory_space<vmem>> -> memref<80xi32, #tpu.memory_space<vmem>>
    %dma_start3A_47 = tpu.memref_slice %arg4[%add3A_42] : memref<256000xi32, #tpu.memory_space<hbm>> -> memref<80xi32, #tpu.memory_space<hbm>>
    %dma_start3A_48 = arith.constant 0 : i32
    %dma_start3A_49 = tpu.memref_slice %arg6[%dma_start3A, %dma_start3A_43, %dma_start3A_48] : memref<3x5x80xi32, #tpu.memory_space<vmem>> -> memref<1x1x80xi32, #tpu.memory_space<vmem>>
    %dma_start3A_50 = tpu.memref_squeeze %dma_start3A_49 : memref<1x1x80xi32, #tpu.memory_space<vmem>> -> memref<80xi32, #tpu.memory_space<vmem>>
    %dma_start3A_51 = tpu.memref_slice %arg4[%add3A_42] : memref<256000xi32, #tpu.memory_space<hbm>> -> memref<80xi32, #tpu.memory_space<hbm>>
    tpu.enqueue_dma source(%dma_start3A_51 : memref<80xi32, #tpu.memory_space<hbm>>) target(%dma_start3A_50 : memref<80xi32, #tpu.memory_space<vmem>>) target_semaphore(%arg15 : memref<!tpu.dma_semaphore, #tpu.memory_space<semaphore_mem>>)
    %add3A_52 = arith.constant 80 : i32
    %add3A_53 = arith.addi %mul3A_2, %add3A_52 : i32
    %dma_start3A_54 = arith.constant 0 : i32
    %dma_start3A_55 = arith.constant 1 : i32
    %dma_start3A_56 = arith.constant 0 : i32
    %dma_start3A_57 = tpu.memref_slice %arg6[%dma_start3A_54, %dma_start3A_55, %dma_start3A_56] : memref<3x5x80xi32, #tpu.memory_space<vmem>> -> memref<1x1x80xi32, #tpu.memory_space<vmem>>
    %dma_start3A_58 = tpu.memref_squeeze %dma_start3A_57 : memref<1x1x80xi32, #tpu.memory_space<vmem>> -> memref<80xi32, #tpu.memory_space<vmem>>
    %dma_start3A_59 = tpu.memref_slice %arg4[%add3A_53] : memref<256000xi32, #tpu.memory_space<hbm>> -> memref<80xi32, #tpu.memory_space<hbm>>
    %dma_start3A_60 = arith.constant 0 : i32
    %dma_start3A_61 = tpu.memref_slice %arg6[%dma_start3A_54, %dma_start3A_55, %dma_start3A_60] : memref<3x5x80xi32, #tpu.memory_space<vmem>> -> memref<1x1x80xi32, #tpu.memory_space<vmem>>
    %dma_start3A_62 = tpu.memref_squeeze %dma_start3A_61 : memref<1x1x80xi32, #tpu.memory_space<vmem>> -> memref<80xi32, #tpu.memory_space<vmem>>
    %dma_start3A_63 = tpu.memref_slice %arg4[%add3A_53] : memref<256000xi32, #tpu.memory_space<hbm>> -> memref<80xi32, #tpu.memory_space<hbm>>
    tpu.enqueue_dma source(%dma_start3A_63 : memref<80xi32, #tpu.memory_space<hbm>>) target(%dma_start3A_62 : memref<80xi32, #tpu.memory_space<vmem>>) target_semaphore(%arg15 : memref<!tpu.dma_semaphore, #tpu.memory_space<semaphore_mem>>)
    %add3A_64 = arith.constant 160 : i32
    %add3A_65 = arith.addi %mul3A_2, %add3A_64 : i32
    %dma_start3A_66 = arith.constant 0 : i32
    %dma_start3A_67 = arith.constant 2 : i32
    %dma_start3A_68 = arith.constant 0 : i32
    %dma_start3A_69 = tpu.memref_slice %arg6[%dma_start3A_66, %dma_start3A_67, %dma_start3A_68] : memref<3x5x80xi32, #tpu.memory_space<vmem>> -> memref<1x1x80xi32, #tpu.memory_space<vmem>>
    %dma_start3A_70 = tpu.memref_squeeze %dma_start3A_69 : memref<1x1x80xi32, #tpu.memory_space<vmem>> -> memref<80xi32, #tpu.memory_space<vmem>>
    %dma_start3A_71 = tpu.memref_slice %arg4[%add3A_65] : memref<256000xi32, #tpu.memory_space<hbm>> -> memref<80xi32, #tpu.memory_space<hbm>>
    %dma_start3A_72 = arith.constant 0 : i32
    %dma_start3A_73 = tpu.memref_slice %arg6[%dma_start3A_66, %dma_start3A_67, %dma_start3A_72] : memref<3x5x80xi32, #tpu.memory_space<vmem>> -> memref<1x1x80xi32, #tpu.memory_space<vmem>>
    %dma_start3A_74 = tpu.memref_squeeze %dma_start3A_73 : memref<1x1x80xi32, #tpu.memory_space<vmem>> -> memref<80xi32, #tpu.memory_space<vmem>>
    %dma_start3A_75 = tpu.memref_slice %arg4[%add3A_65] : memref<256000xi32, #tpu.memory_space<hbm>> -> memref<80xi32, #tpu.memory_space<hbm>>
    tpu.enqueue_dma source(%dma_start3A_75 : memref<80xi32, #tpu.memory_space<hbm>>) target(%dma_start3A_74 : memref<80xi32, #tpu.memory_space<vmem>>) target_semaphore(%arg15 : memref<!tpu.dma_semaphore, #tpu.memory_space<semaphore_mem>>)
    %add3A_76 = arith.constant 240 : i32
    %add3A_77 = arith.addi %mul3A_2, %add3A_76 : i32
    %dma_start3A_78 = arith.constant 0 : i32
    %dma_start3A_79 = arith.constant 3 : i32
    %dma_start3A_80 = arith.constant 0 : i32
    %dma_start3A_81 = tpu.memref_slice %arg6[%dma_start3A_78, %dma_start3A_79, %dma_start3A_80] : memref<3x5x80xi32, #tpu.memory_space<vmem>> -> memref<1x1x80xi32, #tpu.memory_space<vmem>>
    %dma_start3A_82 = tpu.memref_squeeze %dma_start3A_81 : memref<1x1x80xi32, #tpu.memory_space<vmem>> -> memref<80xi32, #tpu.memory_space<vmem>>
    %dma_start3A_83 = tpu.memref_slice %arg4[%add3A_77] : memref<256000xi32, #tpu.memory_space<hbm>> -> memref<80xi32, #tpu.memory_space<hbm>>
    %dma_start3A_84 = arith.constant 0 : i32
    %dma_start3A_85 = tpu.memref_slice %arg6[%dma_start3A_78, %dma_start3A_79, %dma_start3A_84] : memref<3x5x80xi32, #tpu.memory_space<vmem>> -> memref<1x1x80xi32, #tpu.memory_space<vmem>>
    %dma_start3A_86 = tpu.memref_squeeze %dma_start3A_85 : memref<1x1x80xi32, #tpu.memory_space<vmem>> -> memref<80xi32, #tpu.memory_space<vmem>>
    %dma_start3A_87 = tpu.memref_slice %arg4[%add3A_77] : memref<256000xi32, #tpu.memory_space<hbm>> -> memref<80xi32, #tpu.memory_space<hbm>>
    tpu.enqueue_dma source(%dma_start3A_87 : memref<80xi32, #tpu.memory_space<hbm>>) target(%dma_start3A_86 : memref<80xi32, #tpu.memory_space<vmem>>) target_semaphore(%arg15 : memref<!tpu.dma_semaphore, #tpu.memory_space<semaphore_mem>>)
    %add3A_88 = arith.constant 320 : i32
    %add3A_89 = arith.addi %mul3A_2, %add3A_88 : i32
    %dma_start3A_90 = arith.constant 0 : i32
    %dma_start3A_91 = arith.constant 4 : i32
    %dma_start3A_92 = arith.constant 0 : i32
    %dma_start3A_93 = tpu.memref_slice %arg6[%dma_start3A_90, %dma_start3A_91, %dma_start3A_92] : memref<3x5x80xi32, #tpu.memory_space<vmem>> -> memref<1x1x80xi32, #tpu.memory_space<vmem>>
    %dma_start3A_94 = tpu.memref_squeeze %dma_start3A_93 : memref<1x1x80xi32, #tpu.memory_space<vmem>> -> memref<80xi32, #tpu.memory_space<vmem>>
    %dma_start3A_95 = tpu.memref_slice %arg4[%add3A_89] : memref<256000xi32, #tpu.memory_space<hbm>> -> memref<80xi32, #tpu.memory_space<hbm>>
    %dma_start3A_96 = arith.constant 0 : i32
    %dma_start3A_97 = tpu.memref_slice %arg6[%dma_start3A_90, %dma_start3A_91, %dma_start3A_96] : memref<3x5x80xi32, #tpu.memory_space<vmem>> -> memref<1x1x80xi32, #tpu.memory_space<vmem>>
    %dma_start3A_98 = tpu.memref_squeeze %dma_start3A_97 : memref<1x1x80xi32, #tpu.memory_space<vmem>> -> memref<80xi32, #tpu.memory_space<vmem>>
    %dma_start3A_99 = tpu.memref_slice %arg4[%add3A_89] : memref<256000xi32, #tpu.memory_space<hbm>> -> memref<80xi32, #tpu.memory_space<hbm>>
    tpu.enqueue_dma source(%dma_start3A_99 : memref<80xi32, #tpu.memory_space<hbm>>) target(%dma_start3A_98 : memref<80xi32, #tpu.memory_space<vmem>>) target_semaphore(%arg15 : memref<!tpu.dma_semaphore, #tpu.memory_space<semaphore_mem>>)
    %dma_wait3A = arith.constant 0 : i32
    %dma_wait3A_100 = arith.constant 0 : i32
    %dma_wait3A_101 = arith.constant 0 : i32
    %dma_wait3A_102 = tpu.memref_slice %arg6[%dma_wait3A, %dma_wait3A_100, %dma_wait3A_101] : memref<3x5x80xi32, #tpu.memory_space<vmem>> -> memref<1x1x80xi32, #tpu.memory_space<vmem>>
    %dma_wait3A_103 = tpu.memref_squeeze %dma_wait3A_102 : memref<1x1x80xi32, #tpu.memory_space<vmem>> -> memref<80xi32, #tpu.memory_space<vmem>>
    %dma_wait3A_104 = arith.constant 0 : i32
    %dma_wait3A_105 = tpu.memref_slice %arg4[%dma_wait3A_104] : memref<256000xi32, #tpu.memory_space<hbm>> -> memref<80xi32, #tpu.memory_space<hbm>>
    %dma_wait3A_106 = arith.constant 0 : i32
    %dma_wait3A_107 = tpu.memref_slice %arg6[%dma_wait3A, %dma_wait3A_100, %dma_wait3A_106] : memref<3x5x80xi32, #tpu.memory_space<vmem>> -> memref<1x1x80xi32, #tpu.memory_space<vmem>>
    %dma_wait3A_108 = tpu.memref_squeeze %dma_wait3A_107 : memref<1x1x80xi32, #tpu.memory_space<vmem>> -> memref<80xi32, #tpu.memory_space<vmem>>
    %dma_wait3A_109 = arith.constant 0 : i32
    %dma_wait3A_110 = tpu.memref_slice %arg4[%dma_wait3A_109] : memref<256000xi32, #tpu.memory_space<hbm>> -> memref<80xi32, #tpu.memory_space<hbm>>
    tpu.wait_dma2 semaphore(%arg15 : memref<!tpu.dma_semaphore, #tpu.memory_space<semaphore_mem>>) src(%dma_wait3A_110 : memref<80xi32, #tpu.memory_space<hbm>>) dst(%dma_wait3A_108 : memref<80xi32, #tpu.memory_space<vmem>>)
    %dma_wait3A_111 = arith.constant 0 : i32
    %dma_wait3A_112 = arith.constant 0 : i32
    %dma_wait3A_113 = arith.constant 0 : i32
    %dma_wait3A_114 = tpu.memref_slice %arg6[%dma_wait3A_111, %dma_wait3A_112, %dma_wait3A_113] : memref<3x5x80xi32, #tpu.memory_space<vmem>> -> memref<1x1x80xi32, #tpu.memory_space<vmem>>
    %dma_wait3A_115 = tpu.memref_squeeze %dma_wait3A_114 : memref<1x1x80xi32, #tpu.memory_space<vmem>> -> memref<80xi32, #tpu.memory_space<vmem>>
    %dma_wait3A_116 = arith.constant 0 : i32
    %dma_wait3A_117 = tpu.memref_slice %arg4[%dma_wait3A_116] : memref<256000xi32, #tpu.memory_space<hbm>> -> memref<80xi32, #tpu.memory_space<hbm>>
    %dma_wait3A_118 = arith.constant 0 : i32
    %dma_wait3A_119 = tpu.memref_slice %arg6[%dma_wait3A_111, %dma_wait3A_112, %dma_wait3A_118] : memref<3x5x80xi32, #tpu.memory_space<vmem>> -> memref<1x1x80xi32, #tpu.memory_space<vmem>>
    %dma_wait3A_120 = tpu.memref_squeeze %dma_wait3A_119 : memref<1x1x80xi32, #tpu.memory_space<vmem>> -> memref<80xi32, #tpu.memory_space<vmem>>
    %dma_wait3A_121 = arith.constant 0 : i32
    %dma_wait3A_122 = tpu.memref_slice %arg4[%dma_wait3A_121] : memref<256000xi32, #tpu.memory_space<hbm>> -> memref<80xi32, #tpu.memory_space<hbm>>
    tpu.wait_dma2 semaphore(%arg15 : memref<!tpu.dma_semaphore, #tpu.memory_space<semaphore_mem>>) src(%dma_wait3A_122 : memref<80xi32, #tpu.memory_space<hbm>>) dst(%dma_wait3A_120 : memref<80xi32, #tpu.memory_space<vmem>>)
    %dma_wait3A_123 = arith.constant 0 : i32
    %dma_wait3A_124 = arith.constant 0 : i32
    %dma_wait3A_125 = arith.constant 0 : i32
    %dma_wait3A_126 = tpu.memref_slice %arg6[%dma_wait3A_123, %dma_wait3A_124, %dma_wait3A_125] : memref<3x5x80xi32, #tpu.memory_space<vmem>> -> memref<1x1x80xi32, #tpu.memory_space<vmem>>
    %dma_wait3A_127 = tpu.memref_squeeze %dma_wait3A_126 : memref<1x1x80xi32, #tpu.memory_space<vmem>> -> memref<80xi32, #tpu.memory_space<vmem>>
    %dma_wait3A_128 = arith.constant 0 : i32
    %dma_wait3A_129 = tpu.memref_slice %arg4[%dma_wait3A_128] : memref<256000xi32, #tpu.memory_space<hbm>> -> memref<80xi32, #tpu.memory_space<hbm>>
    %dma_wait3A_130 = arith.constant 0 : i32
    %dma_wait3A_131 = tpu.memref_slice %arg6[%dma_wait3A_123, %dma_wait3A_124, %dma_wait3A_130] : memref<3x5x80xi32, #tpu.memory_space<vmem>> -> memref<1x1x80xi32, #tpu.memory_space<vmem>>
    %dma_wait3A_132 = tpu.memref_squeeze %dma_wait3A_131 : memref<1x1x80xi32, #tpu.memory_space<vmem>> -> memref<80xi32, #tpu.memory_space<vmem>>
    %dma_wait3A_133 = arith.constant 0 : i32
    %dma_wait3A_134 = tpu.memref_slice %arg4[%dma_wait3A_133] : memref<256000xi32, #tpu.memory_space<hbm>> -> memref<80xi32, #tpu.memory_space<hbm>>
    tpu.wait_dma2 semaphore(%arg15 : memref<!tpu.dma_semaphore, #tpu.memory_space<semaphore_mem>>) src(%dma_wait3A_134 : memref<80xi32, #tpu.memory_space<hbm>>) dst(%dma_wait3A_132 : memref<80xi32, #tpu.memory_space<vmem>>)
    %dma_wait3A_135 = arith.constant 0 : i32
    %dma_wait3A_136 = arith.constant 0 : i32
    %dma_wait3A_137 = arith.constant 0 : i32
    %dma_wait3A_138 = tpu.memref_slice %arg6[%dma_wait3A_135, %dma_wait3A_136, %dma_wait3A_137] : memref<3x5x80xi32, #tpu.memory_space<vmem>> -> memref<1x1x80xi32, #tpu.memory_space<vmem>>
    %dma_wait3A_139 = tpu.memref_squeeze %dma_wait3A_138 : memref<1x1x80xi32, #tpu.memory_space<vmem>> -> memref<80xi32, #tpu.memory_space<vmem>>
    %dma_wait3A_140 = arith.constant 0 : i32
    %dma_wait3A_141 = tpu.memref_slice %arg4[%dma_wait3A_140] : memref<256000xi32, #tpu.memory_space<hbm>> -> memref<80xi32, #tpu.memory_space<hbm>>
    %dma_wait3A_142 = arith.constant 0 : i32
    %dma_wait3A_143 = tpu.memref_slice %arg6[%dma_wait3A_135, %dma_wait3A_136, %dma_wait3A_142] : memref<3x5x80xi32, #tpu.memory_space<vmem>> -> memref<1x1x80xi32, #tpu.memory_space<vmem>>
    %dma_wait3A_144 = tpu.memref_squeeze %dma_wait3A_143 : memref<1x1x80xi32, #tpu.memory_space<vmem>> -> memref<80xi32, #tpu.memory_space<vmem>>
    %dma_wait3A_145 = arith.constant 0 : i32
    %dma_wait3A_146 = tpu.memref_slice %arg4[%dma_wait3A_145] : memref<256000xi32, #tpu.memory_space<hbm>> -> memref<80xi32, #tpu.memory_space<hbm>>
    tpu.wait_dma2 semaphore(%arg15 : memref<!tpu.dma_semaphore, #tpu.memory_space<semaphore_mem>>) src(%dma_wait3A_146 : memref<80xi32, #tpu.memory_space<hbm>>) dst(%dma_wait3A_144 : memref<80xi32, #tpu.memory_space<vmem>>)
    %dma_wait3A_147 = arith.constant 0 : i32
    %dma_wait3A_148 = arith.constant 0 : i32
    %dma_wait3A_149 = arith.constant 0 : i32
    %dma_wait3A_150 = tpu.memref_slice %arg6[%dma_wait3A_147, %dma_wait3A_148, %dma_wait3A_149] : memref<3x5x80xi32, #tpu.memory_space<vmem>> -> memref<1x1x80xi32, #tpu.memory_space<vmem>>
    %dma_wait3A_151 = tpu.memref_squeeze %dma_wait3A_150 : memref<1x1x80xi32, #tpu.memory_space<vmem>> -> memref<80xi32, #tpu.memory_space<vmem>>
    %dma_wait3A_152 = arith.constant 0 : i32
    %dma_wait3A_153 = tpu.memref_slice %arg4[%dma_wait3A_152] : memref<256000xi32, #tpu.memory_space<hbm>> -> memref<80xi32, #tpu.memory_space<hbm>>
    %dma_wait3A_154 = arith.constant 0 : i32
    %dma_wait3A_155 = tpu.memref_slice %arg6[%dma_wait3A_147, %dma_wait3A_148, %dma_wait3A_154] : memref<3x5x80xi32, #tpu.memory_space<vmem>> -> memref<1x1x80xi32, #tpu.memory_space<vmem>>
    %dma_wait3A_156 = tpu.memref_squeeze %dma_wait3A_155 : memref<1x1x80xi32, #tpu.memory_space<vmem>> -> memref<80xi32, #tpu.memory_space<vmem>>
    %dma_wait3A_157 = arith.constant 0 : i32
    %dma_wait3A_158 = tpu.memref_slice %arg4[%dma_wait3A_157] : memref<256000xi32, #tpu.memory_space<hbm>> -> memref<80xi32, #tpu.memory_space<hbm>>
    tpu.wait_dma2 semaphore(%arg15 : memref<!tpu.dma_semaphore, #tpu.memory_space<semaphore_mem>>) src(%dma_wait3A_158 : memref<80xi32, #tpu.memory_space<hbm>>) dst(%dma_wait3A_156 : memref<80xi32, #tpu.memory_space<vmem>>)
    %get3A = arith.constant 0 : i32
    %get3A_159 = arith.constant 0 : i32
    %get3A_160 = arith.index_cast %get3A : i32 to index
    %get3A_161 = arith.index_cast %get3A_159 : i32 to index
    %get3A_162 = arith.constant 0 : index
    %get3A_163 = tpu.vector_load %arg6[%get3A_160, %get3A_161, %get3A_162] {strides = array<i32>} : memref<3x5x80xi32, #tpu.memory_space<vmem>>, vector<1x1x16xi32>,
    %get3A_164 = vector.shape_cast %get3A_163 : vector<1x1x16xi32> to vector<16xi32>
    %and3A = arith.constant 262143 : i32
    %and3A_165 = vector.broadcast %and3A : i32 to vector<16xi32>
    %and3A_166 = arith.andi %get3A_164, %and3A_165 : vector<16xi32>
    %swap3A = arith.constant 0 : i32
    %swap3A_167 = arith.constant 0 : i32
    %swap3A_168 = arith.index_cast %swap3A : i32 to index
    %swap3A_169 = arith.index_cast %swap3A_167 : i32 to index
    %swap3A_170 = arith.constant 0 : index
    %swap3A_171 = tpu.vector_load %arg7[%swap3A_168, %swap3A_169, %swap3A_170] {strides = array<i32>} : memref<3x5x80xi32, #tpu.memory_space<vmem>>, vector<1x1x16xi32>,
    %swap3A_172 = vector.shape_cast %swap3A_171 : vector<1x1x16xi32> to vector<16xi32>
    %swap3A_173 = vector.shape_cast %and3A_166 : vector<16xi32> to vector<1x1x16xi32>
    tpu.vector_store %arg7[%swap3A_168, %swap3A_169, %swap3A_170], %swap3A_173 {strides = array<i32>} : memref<3x5x80xi32, #tpu.memory_space<vmem>>, vector<1x1x16xi32>,
    %shift_right_logical3A = arith.constant 18 : i32
    %shift_right_logical3A_174 = vector.broadcast %shift_right_logical3A : i32 to vector<16xi32>
    %shift_right_logical3A_175 = arith.shrui %get3A_164, %shift_right_logical3A_174 : vector<16xi32>
    %swap3A_176 = arith.constant 0 : i32
    %swap3A_177 = arith.constant 0 : i32
    %swap3A_178 = arith.index_cast %swap3A_176 : i32 to index
    %swap3A_179 = arith.index_cast %swap3A_177 : i32 to index
    %swap3A_180 = arith.constant 0 : index
    %swap3A_181 = tpu.vector_load %arg8[%swap3A_178, %swap3A_179, %swap3A_180] {strides = array<i32>} : memref<3x5x80xi32, #tpu.memory_space<vmem>>, vector<1x1x16xi32>,
    %swap3A_182 = vector.shape_cast %swap3A_181 : vector<1x1x16xi32> to vector<16xi32>
    %swap3A_183 = vector.shape_cast %shift_right_logical3A_175 : vector<16xi32> to vector<1x1x16xi32>
    tpu.vector_store %arg8[%swap3A_178, %swap3A_179, %swap3A_180], %swap3A_183 {strides = array<i32>} : memref<3x5x80xi32, #tpu.memory_space<vmem>>, vector<1x1x16xi32>,
    %get3A_184 = arith.constant 0 : i32
    %get3A_185 = arith.constant 0 : i32
    %get3A_186 = arith.index_cast %get3A_184 : i32 to index
    %get3A_187 = arith.index_cast %get3A_185 : i32 to index
    %get3A_188 = arith.constant 16 : index
    %get3A_189 = tpu.vector_load %arg6[%get3A_186, %get3A_187, %get3A_188] {strides = array<i32>} : memref<3x5x80xi32, #tpu.memory_space<vmem>>, vector<1x1x16xi32>,
    %get3A_190 = vector.shape_cast %get3A_189 : vector<1x1x16xi32> to vector<16xi32>
    %and3A_191 = arith.constant 262143 : i32
    %and3A_192 = vector.broadcast %and3A_191 : i32 to vector<16xi32>
    %and3A_193 = arith.andi %get3A_190, %and3A_192 : vector<16xi32>
    %swap3A_194 = arith.constant 0 : i32
    %swap3A_195 = arith.constant 0 : i32
    %swap3A_196 = arith.index_cast %swap3A_194 : i32 to index
    %swap3A_197 = arith.index_cast %swap3A_195 : i32 to index
    %swap3A_198 = arith.constant 16 : index
    %swap3A_199 = tpu.vector_load %arg7[%swap3A_196, %swap3A_197, %swap3A_198] {strides = array<i32>} : memref<3x5x80xi32, #tpu.memory_space<vmem>>, vector<1x1x16xi32>,
    %swap3A_200 = vector.shape_cast %swap3A_199 : vector<1x1x16xi32> to vector<16xi32>
    %swap3A_201 = vector.shape_cast %and3A_193 : vector<16xi32> to vector<1x1x16xi32>
    tpu.vector_store %arg7[%swap3A_196, %swap3A_197, %swap3A_198], %swap3A_201 {strides = array<i32>} : memref<3x5x80xi32, #tpu.memory_space<vmem>>, vector<1x1x16xi32>,
    %shift_right_logical3A_202 = arith.constant 18 : i32
    %shift_right_logical3A_203 = vector.broadcast %shift_right_logical3A_202 : i32 to vector<16xi32>
    %shift_right_logical3A_204 = arith.shrui %get3A_190, %shift_right_logical3A_203 : vector<16xi32>
    %swap3A_205 = arith.constant 0 : i32
    %swap3A_206 = arith.constant 0 : i32
    %swap3A_207 = arith.index_cast %swap3A_205 : i32 to index
    %swap3A_208 = arith.index_cast %swap3A_206 : i32 to index
    %swap3A_209 = arith.constant 16 : index
    %swap3A_210 = tpu.vector_load %arg8[%swap3A_207, %swap3A_208, %swap3A_209] {strides = array<i32>} : memref<3x5x80xi32, #tpu.memory_space<vmem>>, vector<1x1x16xi32>,
    %swap3A_211 = vector.shape_cast %swap3A_210 : vector<1x1x16xi32> to vector<16xi32>
    %swap3A_212 = vector.shape_cast %shift_right_logical3A_204 : vector<16xi32> to vector<1x1x16xi32>
    tpu.vector_store %arg8[%swap3A_207, %swap3A_208, %swap3A_209], %swap3A_212 {strides = array<i32>} : memref<3x5x80xi32, #tpu.memory_space<vmem>>, vector<1x1x16xi32>,
    %get3A_213 = arith.constant 0 : i32
    %get3A_214 = arith.constant 0 : i32
    %get3A_215 = arith.index_cast %get3A_213 : i32 to index
    %get3A_216 = arith.index_cast %get3A_214 : i32 to index
    %get3A_217 = arith.constant 32 : index
    %get3A_218 = tpu.vector_load %arg6[%get3A_215, %get3A_216, %get3A_217] {strides = array<i32>} : memref<3x5x80xi32, #tpu.memory_space<vmem>>, vector<1x1x16xi32>,
    %get3A_219 = vector.shape_cast %get3A_218 : vector<1x1x16xi32> to vector<16xi32>
    %and3A_220 = arith.constant 262143 : i32
    %and3A_221 = vector.broadcast %and3A_220 : i32 to vector<16xi32>
    %and3A_222 = arith.andi %get3A_219, %and3A_221 : vector<16xi32>
    %swap3A_223 = arith.constant 0 : i32
    %swap3A_224 = arith.constant 0 : i32
    %swap3A_225 = arith.index_cast %swap3A_223 : i32 to index
    %swap3A_226 = arith.index_cast %swap3A_224 : i32 to index
    %swap3A_227 = arith.constant 32 : index
    %swap3A_228 = tpu.vector_load %arg7[%swap3A_225, %swap3A_226, %swap3A_227] {strides = array<i32>} : memref<3x5x80xi32, #tpu.memory_space<vmem>>, vector<1x1x16xi32>,
    %swap3A_229 = vector.shape_cast %swap3A_228 : vector<1x1x16xi32> to vector<16xi32>
    %swap3A_230 = vector.shape_cast %and3A_222 : vector<16xi32> to vector<1x1x16xi32>
    tpu.vector_store %arg7[%swap3A_225, %swap3A_226, %swap3A_227], %swap3A_230 {strides = array<i32>} : memref<3x5x80xi32, #tpu.memory_space<vmem>>, vector<1x1x16xi32>,
    %shift_right_logical3A_231 = arith.constant 18 : i32
    %shift_right_logical3A_232 = vector.broadcast %shift_right_logical3A_231 : i32 to vector<16xi32>
    %shift_right_logical3A_233 = arith.shrui %get3A_219, %shift_right_logical3A_232 : vector<16xi32>
    %swap3A_234 = arith.constant 0 : i32
    %swap3A_235 = arith.constant 0 : i32
    %swap3A_236 = arith.index_cast %swap3A_234 : i32 to index
    %swap3A_237 = arith.index_cast %swap3A_235 : i32 to index
    %swap3A_238 = arith.constant 32 : index
    %swap3A_239 = tpu.vector_load %arg8[%swap3A_236, %swap3A_237, %swap3A_238] {strides = array<i32>} : memref<3x5x80xi32, #tpu.memory_space<vmem>>, vector<1x1x16xi32>,
    %swap3A_240 = vector.shape_cast %swap3A_239 : vector<1x1x16xi32> to vector<16xi32>
    %swap3A_241 = vector.shape_cast %shift_right_logical3A_233 : vector<16xi32> to vector<1x1x16xi32>
    tpu.vector_store %arg8[%swap3A_236, %swap3A_237, %swap3A_238], %swap3A_241 {strides = array<i32>} : memref<3x5x80xi32, #tpu.memory_space<vmem>>, vector<1x1x16xi32>,
    %get3A_242 = arith.constant 0 : i32
    %get3A_243 = arith.constant 0 : i32
    %get3A_244 = arith.index_cast %get3A_242 : i32 to index
    %get3A_245 = arith.index_cast %get3A_243 : i32 to index
    %get3A_246 = arith.constant 48 : index
    %get3A_247 = tpu.vector_load %arg6[%get3A_244, %get3A_245, %get3A_246] {strides = array<i32>} : memref<3x5x80xi32, #tpu.memory_space<vmem>>, vector<1x1x16xi32>,
    %get3A_248 = vector.shape_cast %get3A_247 : vector<1x1x16xi32> to vector<16xi32>
    %and3A_249 = arith.constant 262143 : i32
    %and3A_250 = vector.broadcast %and3A_249 : i32 to vector<16xi32>
    %and3A_251 = arith.andi %get3A_248, %and3A_250 : vector<16xi32>
    %swap3A_252 = arith.constant 0 : i32
    %swap3A_253 = arith.constant 0 : i32
    %swap3A_254 = arith.index_cast %swap3A_252 : i32 to index
    %swap3A_255 = arith.index_cast %swap3A_253 : i32 to index
    %swap3A_256 = arith.constant 48 : index
    %swap3A_257 = tpu.vector_load %arg7[%swap3A_254, %swap3A_255, %swap3A_256] {strides = array<i32>} : memref<3x5x80xi32, #tpu.memory_space<vmem>>, vector<1x1x16xi32>,
    %swap3A_258 = vector.shape_cast %swap3A_257 : vector<1x1x16xi32> to vector<16xi32>
    %swap3A_259 = vector.shape_cast %and3A_251 : vector<16xi32> to vector<1x1x16xi32>
    tpu.vector_store %arg7[%swap3A_254, %swap3A_255, %swap3A_256], %swap3A_259 {strides = array<i32>} : memref<3x5x80xi32, #tpu.memory_space<vmem>>, vector<1x1x16xi32>,
    %shift_right_logical3A_260 = arith.constant 18 : i32
    %shift_right_logical3A_261 = vector.broadcast %shift_right_logical3A_260 : i32 to vector<16xi32>
    %shift_right_logical3A_262 = arith.shrui %get3A_248, %shift_right_logical3A_261 : vector<16xi32>
    %swap3A_263 = arith.constant 0 : i32
    %swap3A_264 = arith.constant 0 : i32
    %swap3A_265 = arith.index_cast %swap3A_263 : i32 to index
    %swap3A_266 = arith.index_cast %swap3A_264 : i32 to index
    %swap3A_267 = arith.constant 48 : index
    %swap3A_268 = tpu.vector_load %arg8[%swap3A_265, %swap3A_266, %swap3A_267] {strides = array<i32>} : memref<3x5x80xi32, #tpu.memory_space<vmem>>, vector<1x1x16xi32>,
    %swap3A_269 = vector.shape_cast %swap3A_268 : vector<1x1x16xi32> to vector<16xi32>
    %swap3A_270 = vector.shape_cast %shift_right_logical3A_262 : vector<16xi32> to vector<1x1x16xi32>
    tpu.vector_store %arg8[%swap3A_265, %swap3A_266, %swap3A_267], %swap3A_270 {strides = array<i32>} : memref<3x5x80xi32, #tpu.memory_space<vmem>>, vector<1x1x16xi32>,
    %get3A_271 = arith.constant 0 : i32
    %get3A_272 = arith.constant 0 : i32
    %get3A_273 = arith.index_cast %get3A_271 : i32 to index
    %get3A_274 = arith.index_cast %get3A_272 : i32 to index
    %get3A_275 = arith.constant 64 : index
    %get3A_276 = tpu.vector_load %arg6[%get3A_273, %get3A_274, %get3A_275] {strides = array<i32>} : memref<3x5x80xi32, #tpu.memory_space<vmem>>, vector<1x1x16xi32>,
    %get3A_277 = vector.shape_cast %get3A_276 : vector<1x1x16xi32> to vector<16xi32>
    %and3A_278 = arith.constant 262143 : i32
    %and3A_279 = vector.broadcast %and3A_278 : i32 to vector<16xi32>
    %and3A_280 = arith.andi %get3A_277, %and3A_279 : vector<16xi32>
    %swap3A_281 = arith.constant 0 : i32
    %swap3A_282 = arith.constant 0 : i32
    %swap3A_283 = arith.index_cast %swap3A_281 : i32 to index
    %swap3A_284 = arith.index_cast %swap3A_282 : i32 to index
    %swap3A_285 = arith.constant 64 : index
    %swap3A_286 = tpu.vector_load %arg7[%swap3A_283, %swap3A_284, %swap3A_285] {strides = array<i32>} : memref<3x5x80xi32, #tpu.memory_space<vmem>>, vector<1x1x16xi32>,
    %swap3A_287 = vector.shape_cast %swap3A_286 : vector<1x1x16xi32> to vector<16xi32>
    %swap3A_288 = vector.shape_cast %and3A_280 : vector<16xi32> to vector<1x1x16xi32>
    tpu.vector_store %arg7[%swap3A_283, %swap3A_284, %swap3A_285], %swap3A_288 {strides = array<i32>} : memref<3x5x80xi32, #tpu.memory_space<vmem>>, vector<1x1x16xi32>,
    %shift_right_logical3A_289 = arith.constant 18 : i32
    %shift_right_logical3A_290 = vector.broadcast %shift_right_logical3A_289 : i32 to vector<16xi32>
    %shift_right_logical3A_291 = arith.shrui %get3A_277, %shift_right_logical3A_290 : vector<16xi32>
    %swap3A_292 = arith.constant 0 : i32
    %swap3A_293 = arith.constant 0 : i32
    %swap3A_294 = arith.index_cast %swap3A_292 : i32 to index
    %swap3A_295 = arith.index_cast %swap3A_293 : i32 to index
    %swap3A_296 = arith.constant 64 : index
    %swap3A_297 = tpu.vector_load %arg8[%swap3A_294, %swap3A_295, %swap3A_296] {strides = array<i32>} : memref<3x5x80xi32, #tpu.memory_space<vmem>>, vector<1x1x16xi32>,
    %swap3A_298 = vector.shape_cast %swap3A_297 : vector<1x1x16xi32> to vector<16xi32>
    %swap3A_299 = vector.shape_cast %shift_right_logical3A_291 : vector<16xi32> to vector<1x1x16xi32>
    tpu.vector_store %arg8[%swap3A_294, %swap3A_295, %swap3A_296], %swap3A_299 {strides = array<i32>} : memref<3x5x80xi32, #tpu.memory_space<vmem>>, vector<1x1x16xi32>,
    %get3A_300 = arith.constant 0 : i32
    %get3A_301 = arith.constant 1 : i32
    %get3A_302 = arith.index_cast %get3A_300 : i32 to index
    %get3A_303 = arith.index_cast %get3A_301 : i32 to index
    %get3A_304 = arith.constant 0 : index
    %get3A_305 = tpu.vector_load %arg6[%get3A_302, %get3A_303, %get3A_304] {strides = array<i32>} : memref<3x5x80xi32, #tpu.memory_space<vmem>>, vector<1x1x16xi32>,
    %get3A_306 = vector.shape_cast %get3A_305 : vector<1x1x16xi32> to vector<16xi32>
    %and3A_307 = arith.constant 262143 : i32
    %and3A_308 = vector.broadcast %and3A_307 : i32 to vector<16xi32>
    %and3A_309 = arith.andi %get3A_306, %and3A_308 : vector<16xi32>
    %swap3A_310 = arith.constant 0 : i32
    %swap3A_311 = arith.constant 1 : i32
    %swap3A_312 = arith.index_cast %swap3A_310 : i32 to index
    %swap3A_313 = arith.index_cast %swap3A_311 : i32 to index
    %swap3A_314 = arith.constant 0 : index
    %swap3A_315 = tpu.vector_load %arg7[%swap3A_312, %swap3A_313, %swap3A_314] {strides = array<i32>} : memref<3x5x80xi32, #tpu.memory_space<vmem>>, vector<1x1x16xi32>,
    %swap3A_316 = vector.shape_cast %swap3A_315 : vector<1x1x16xi32> to vector<16xi32>
    %swap3A_317 = vector.shape_cast %and3A_309 : vector<16xi32> to vector<1x1x16xi32>
    tpu.vector_store %arg7[%swap3A_312, %swap3A_313, %swap3A_314], %swap3A_317 {strides = array<i32>} : memref<3x5x80xi32, #tpu.memory_space<vmem>>, vector<1x1x16xi32>,
    %shift_right_logical3A_318 = arith.constant 18 : i32
    %shift_right_logical3A_319 = vector.broadcast %shift_right_logical3A_318 : i32 to vector<16xi32>
    %shift_right_logical3A_320 = arith.shrui %get3A_306, %shift_right_logical3A_319 : vector<16xi32>
    %swap3A_321 = arith.constant 0 : i32
    %swap3A_322 = arith.constant 1 : i32
    %swap3A_323 = arith.index_cast %swap3A_321 : i32 to index
    %swap3A_324 = arith.index_cast %swap3A_322 : i32 to index
    %swap3A_325 = arith.constant 0 : index
    %swap3A_326 = tpu.vector_load %arg8[%swap3A_323, %swap3A_324, %swap3A_325] {strides = array<i32>} : memref<3x5x80xi32, #tpu.memory_space<vmem>>, vector<1x1x16xi32>,
    %swap3A_327 = vector.shape_cast %swap3A_326 : vector<1x1x16xi32> to vector<16xi32>
    %swap3A_328 = vector.shape_cast %shift_right_logical3A_320 : vector<16xi32> to vector<1x1x16xi32>
    tpu.vector_store %arg8[%swap3A_323, %swap3A_324, %swap3A_325], %swap3A_328 {strides = array<i32>} : memref<3x5x80xi32, #tpu.memory_space<vmem>>, vector<1x1x16xi32>,
    %get3A_329 = arith.constant 0 : i32
    %get3A_330 = arith.constant 1 : i32
    %get3A_331 = arith.index_cast %get3A_329 : i32 to index
    %get3A_332 = arith.index_cast %get3A_330 : i32 to index
    %get3A_333 = arith.constant 16 : index
    %get3A_334 = tpu.vector_load %arg6[%get3A_331, %get3A_332, %get3A_333] {strides = array<i32>} : memref<3x5x80xi32, #tpu.memory_space<vmem>>, vector<1x1x16xi32>,
    %get3A_335 = vector.shape_cast %get3A_334 : vector<1x1x16xi32> to vector<16xi32>
    %and3A_336 = arith.constant 262143 : i32
    %and3A_337 = vector.broadcast %and3A_336 : i32 to vector<16xi32>
    %and3A_338 = arith.andi %get3A_335, %and3A_337 : vector<16xi32>
    %swap3A_339 = arith.constant 0 : i32
    %swap3A_340 = arith.constant 1 : i32
    %swap3A_341 = arith.index_cast %swap3A_339 : i32 to index
    %swap3A_342 = arith.index_cast %swap3A_340 : i32 to index
    %swap3A_343 = arith.constant 16 : index
    %swap3A_344 = tpu.vector_load %arg7[%swap3A_341, %swap3A_342, %swap3A_343] {strides = array<i32>} : memref<3x5x80xi32, #tpu.memory_space<vmem>>, vector<1x1x16xi32>,
    %swap3A_345 = vector.shape_cast %swap3A_344 : vector<1x1x16xi32> to vector<16xi32>
    %swap3A_346 = vector.shape_cast %and3A_338 : vector<16xi32> to vector<1x1x16xi32>
    tpu.vector_store %arg7[%swap3A_341, %swap3A_342, %swap3A_343], %swap3A_346 {strides = array<i32>} : memref<3x5x80xi32, #tpu.memory_space<vmem>>, vector<1x1x16xi32>,
    %shift_right_logical3A_347 = arith.constant 18 : i32
    %shift_right_logical3A_348 = vector.broadcast %shift_right_logical3A_347 : i32 to vector<16xi32>
    %shift_right_logical3A_349 = arith.shrui %get3A_335, %shift_right_logical3A_348 : vector<16xi32>
    %swap3A_350 = arith.constant 0 : i32
    %swap3A_351 = arith.constant 1 : i32
    %swap3A_352 = arith.index_cast %swap3A_350 : i32 to index
    %swap3A_353 = arith.index_cast %swap3A_351 : i32 to index
    %swap3A_354 = arith.constant 16 : index
    %swap3A_355 = tpu.vector_load %arg8[%swap3A_352, %swap3A_353, %swap3A_354] {strides = array<i32>} : memref<3x5x80xi32, #tpu.memory_space<vmem>>, vector<1x1x16xi32>,
    %swap3A_356 = vector.shape_cast %swap3A_355 : vector<1x1x16xi32> to vector<16xi32>
    %swap3A_357 = vector.shape_cast %shift_right_logical3A_349 : vector<16xi32> to vector<1x1x16xi32>
    tpu.vector_store %arg8[%swap3A_352, %swap3A_353, %swap3A_354], %swap3A_357 {strides = array<i32>} : memref<3x5x80xi32, #tpu.memory_space<vmem>>, vector<1x1x16xi32>,
    %get3A_358 = arith.constant 0 : i32
    %get3A_359 = arith.constant 1 : i32
    %get3A_360 = arith.index_cast %get3A_358 : i32 to index
    %get3A_361 = arith.index_cast %get3A_359 : i32 to index
    %get3A_362 = arith.constant 32 : index
    %get3A_363 = tpu.vector_load %arg6[%get3A_360, %get3A_361, %get3A_362] {strides = array<i32>} : memref<3x5x80xi32, #tpu.memory_space<vmem>>, vector<1x1x16xi32>,
    %get3A_364 = vector.shape_cast %get3A_363 : vector<1x1x16xi32> to vector<16xi32>
    %and3A_365 = arith.constant 262143 : i32
    %and3A_366 = vector.broadcast %and3A_365 : i32 to vector<16xi32>
    %and3A_367 = arith.andi %get3A_364, %and3A_366 : vector<16xi32>
    %swap3A_368 = arith.constant 0 : i32
    %swap3A_369 = arith.constant 1 : i32
    %swap3A_370 = arith.index_cast %swap3A_368 : i32 to index
    %swap3A_371 = arith.index_cast %swap3A_369 : i32 to index
    %swap3A_372 = arith.constant 32 : index
    %swap3A_373 = tpu.vector_load %arg7[%swap3A_370, %swap3A_371, %swap3A_372] {strides = array<i32>} : memref<3x5x80xi32, #tpu.memory_space<vmem>>, vector<1x1x16xi32>,
    %swap3A_374 = vector.shape_cast %swap3A_373 : vector<1x1x16xi32> to vector<16xi32>
    %swap3A_375 = vector.shape_cast %and3A_367 : vector<16xi32> to vector<1x1x16xi32>
    tpu.vector_store %arg7[%swap3A_370, %swap3A_371, %swap3A_372], %swap3A_375 {strides = array<i32>} : memref<3x5x80xi32, #tpu.memory_space<vmem>>, vector<1x1x16xi32>,
    %shift_right_logical3A_376 = arith.constant 18 : i32
    %shift_right_logical3A_377 = vector.broadcast %shift_right_logical3A_376 : i32 to vector<16xi32>
    %shift_right_logical3A_378 = arith.shrui %get3A_364, %shift_right_logical3A_377 : vector<16xi32>
    %swap3A_379 = arith.constant 0 : i32
    %swap3A_380 = arith.constant 1 : i32
    %swap3A_381 = arith.index_cast %swap3A_379 : i32 to index
    %swap3A_382 = arith.index_cast %swap3A_380 : i32 to index
    %swap3A_383 = arith.constant 32 : index
    %swap3A_384 = tpu.vector_load %arg8[%swap3A_381, %swap3A_382, %swap3A_383] {strides = array<i32>} : memref<3x5x80xi32, #tpu.memory_space<vmem>>, vector<1x1x16xi32>,
    %swap3A_385 = vector.shape_cast %swap3A_384 : vector<1x1x16xi32> to vector<16xi32>
    %swap3A_386 = vector.shape_cast %shift_right_logical3A_378 : vector<16xi32> to vector<1x1x16xi32>
    tpu.vector_store %arg8[%swap3A_381, %swap3A_382, %swap3A_383], %swap3A_386 {strides = array<i32>} : memref<3x5x80xi32, #tpu.memory_space<vmem>>, vector<1x1x16xi32>,
    %get3A_387 = arith.constant 0 : i32
    %get3A_388 = arith.constant 1 : i32
    %get3A_389 = arith.index_cast %get3A_387 : i32 to index
    %get3A_390 = arith.index_cast %get3A_388 : i32 to index
    %get3A_391 = arith.constant 48 : index
    %get3A_392 = tpu.vector_load %arg6[%get3A_389, %get3A_390, %get3A_391] {strides = array<i32>} : memref<3x5x80xi32, #tpu.memory_space<vmem>>, vector<1x1x16xi32>,
    %get3A_393 = vector.shape_cast %get3A_392 : vector<1x1x16xi32> to vector<16xi32>
    %and3A_394 = arith.constant 262143 : i32
    %and3A_395 = vector.broadcast %and3A_394 : i32 to vector<16xi32>
    %and3A_396 = arith.andi %get3A_393, %and3A_395 : vector<16xi32>
    %swap3A_397 = arith.constant 0 : i32
    %swap3A_398 = arith.constant 1 : i32
    %swap3A_399 = arith.index_cast %swap3A_397 : i32 to index
    %swap3A_400 = arith.index_cast %swap3A_398 : i32 to index
    %swap3A_401 = arith.constant 48 : index
    %swap3A_402 = tpu.vector_load %arg7[%swap3A_399, %swap3A_400, %swap3A_401] {strides = array<i32>} : memref<3x5x80xi32, #tpu.memory_space<vmem>>, vector<1x1x16xi32>,
    %swap3A_403 = vector.shape_cast %swap3A_402 : vector<1x1x16xi32> to vector<16xi32>
    %swap3A_404 = vector.shape_cast %and3A_396 : vector<16xi32> to vector<1x1x16xi32>
    tpu.vector_store %arg7[%swap3A_399, %swap3A_400, %swap3A_401], %swap3A_404 {strides = array<i32>} : memref<3x5x80xi32, #tpu.memory_space<vmem>>, vector<1x1x16xi32>,
    %shift_right_logical3A_405 = arith.constant 18 : i32
    %shift_right_logical3A_406 = vector.broadcast %shift_right_logical3A_405 : i32 to vector<16xi32>
    %shift_right_logical3A_407 = arith.shrui %get3A_393, %shift_right_logical3A_406 : vector<16xi32>
    %swap3A_408 = arith.constant 0 : i32
    %swap3A_409 = arith.constant 1 : i32
    %swap3A_410 = arith.index_cast %swap3A_408 : i32 to index
    %swap3A_411 = arith.index_cast %swap3A_409 : i32 to index
    %swap3A_412 = arith.constant 48 : index
    %swap3A_413 = tpu.vector_load %arg8[%swap3A_410, %swap3A_411, %swap3A_412] {strides = array<i32>} : memref<3x5x80xi32, #tpu.memory_space<vmem>>, vector<1x1x16xi32>,
    %swap3A_414 = vector.shape_cast %swap3A_413 : vector<1x1x16xi32> to vector<16xi32>
    %swap3A_415 = vector.shape_cast %shift_right_logical3A_407 : vector<16xi32> to vector<1x1x16xi32>
    tpu.vector_store %arg8[%swap3A_410, %swap3A_411, %swap3A_412], %swap3A_415 {strides = array<i32>} : memref<3x5x80xi32, #tpu.memory_space<vmem>>, vector<1x1x16xi32>,
    %get3A_416 = arith.constant 0 : i32
    %get3A_417 = arith.constant 1 : i32
    %get3A_418 = arith.index_cast %get3A_416 : i32 to index
    %get3A_419 = arith.index_cast %get3A_417 : i32 to index
    %get3A_420 = arith.constant 64 : index
    %get3A_421 = tpu.vector_load %arg6[%get3A_418, %get3A_419, %get3A_420] {strides = array<i32>} : memref<3x5x80xi32, #tpu.memory_space<vmem>>, vector<1x1x16xi32>,
    %get3A_422 = vector.shape_cast %get3A_421 : vector<1x1x16xi32> to vector<16xi32>
    %and3A_423 = arith.constant 262143 : i32
    %and3A_424 = vector.broadcast %and3A_423 : i32 to vector<16xi32>
    %and3A_425 = arith.andi %get3A_422, %and3A_424 : vector<16xi32>
    %swap3A_426 = arith.constant 0 : i32
    %swap3A_427 = arith.constant 1 : i32
    %swap3A_428 = arith.index_cast %swap3A_426 : i32 to index
    %swap3A_429 = arith.index_cast %swap3A_427 : i32 to index
    %swap3A_430 = arith.constant 64 : index
    %swap3A_431 = tpu.vector_load %arg7[%swap3A_428, %swap3A_429, %swap3A_430] {strides = array<i32>} : memref<3x5x80xi32, #tpu.memory_space<vmem>>, vector<1x1x16xi32>,
    %swap3A_432 = vector.shape_cast %swap3A_431 : vector<1x1x16xi32> to vector<16xi32>
    %swap3A_433 = vector.shape_cast %and3A_425 : vector<16xi32> to vector<1x1x16xi32>
    tpu.vector_store %arg7[%swap3A_428, %swap3A_429, %swap3A_430], %swap3A_433 {strides = array<i32>} : memref<3x5x80xi32, #tpu.memory_space<vmem>>, vector<1x1x16xi32>,
    %shift_right_logical3A_434 = arith.constant 18 : i32
    %shift_right_logical3A_435 = vector.broadcast %shift_right_logical3A_434 : i32 to vector<16xi32>
    %shift_right_logical3A_436 = arith.shrui %get3A_422, %shift_right_logical3A_435 : vector<16xi32>
    %swap3A_437 = arith.constant 0 : i32
    %swap3A_438 = arith.constant 1 : i32
    %swap3A_439 = arith.index_cast %swap3A_437 : i32 to index
    %swap3A_440 = arith.index_cast %swap3A_438 : i32 to index
    %swap3A_441 = arith.constant 64 : index
    %swap3A_442 = tpu.vector_load %arg8[%swap3A_439, %swap3A_440, %swap3A_441] {strides = array<i32>} : memref<3x5x80xi32, #tpu.memory_space<vmem>>, vector<1x1x16xi32>,
    %swap3A_443 = vector.shape_cast %swap3A_442 : vector<1x1x16xi32> to vector<16xi32>
    %swap3A_444 = vector.shape_cast %shift_right_logical3A_436 : vector<16xi32> to vector<1x1x16xi32>
    tpu.vector_store %arg8[%swap3A_439, %swap3A_440, %swap3A_441], %swap3A_444 {strides = array<i32>} : memref<3x5x80xi32, #tpu.memory_space<vmem>>, vector<1x1x16xi32>,
    %get3A_445 = arith.constant 0 : i32
    %get3A_446 = arith.constant 2 : i32
    %get3A_447 = arith.index_cast %get3A_445 : i32 to index
    %get3A_448 = arith.index_cast %get3A_446 : i32 to index
    %get3A_449 = arith.constant 0 : index
    %get3A_450 = tpu.vector_load %arg6[%get3A_447, %get3A_448, %get3A_449] {strides = array<i32>} : memref<3x5x80xi32, #tpu.memory_space<vmem>>, vector<1x1x16xi32>,
    %get3A_451 = vector.shape_cast %get3A_450 : vector<1x1x16xi32> to vector<16xi32>
    %and3A_452 = arith.constant 262143 : i32
    %and3A_453 = vector.broadcast %and3A_452 : i32 to vector<16xi32>
    %and3A_454 = arith.andi %get3A_451, %and3A_453 : vector<16xi32>
    %swap3A_455 = arith.constant 0 : i32
    %swap3A_456 = arith.constant 2 : i32
    %swap3A_457 = arith.index_cast %swap3A_455 : i32 to index
    %swap3A_458 = arith.index_cast %swap3A_456 : i32 to index
    %swap3A_459 = arith.constant 0 : index
    %swap3A_460 = tpu.vector_load %arg7[%swap3A_457, %swap3A_458, %swap3A_459] {strides = array<i32>} : memref<3x5x80xi32, #tpu.memory_space<vmem>>, vector<1x1x16xi32>,
    %swap3A_461 = vector.shape_cast %swap3A_460 : vector<1x1x16xi32> to vector<16xi32>
    %swap3A_462 = vector.shape_cast %and3A_454 : vector<16xi32> to vector<1x1x16xi32>
    tpu.vector_store %arg7[%swap3A_457, %swap3A_458, %swap3A_459], %swap3A_462 {strides = array<i32>} : memref<3x5x80xi32, #tpu.memory_space<vmem>>, vector<1x1x16xi32>,
    %shift_right_logical3A_463 = arith.constant 18 : i32
    %shift_right_logical3A_464 = vector.broadcast %shift_right_logical3A_463 : i32 to vector<16xi32>
    %shift_right_logical3A_465 = arith.shrui %get3A_451, %shift_right_logical3A_464 : vector<16xi32>
    %swap3A_466 = arith.constant 0 : i32
    %swap3A_467 = arith.constant 2 : i32
    %swap3A_468 = arith.index_cast %swap3A_466 : i32 to index
    %swap3A_469 = arith.index_cast %swap3A_467 : i32 to index
    %swap3A_470 = arith.constant 0 : index
    %swap3A_471 = tpu.vector_load %arg8[%swap3A_468, %swap3A_469, %swap3A_470] {strides = array<i32>} : memref<3x5x80xi32, #tpu.memory_space<vmem>>, vector<1x1x16xi32>,
    %swap3A_472 = vector.shape_cast %swap3A_471 : vector<1x1x16xi32> to vector<16xi32>
    %swap3A_473 = vector.shape_cast %shift_right_logical3A_465 : vector<16xi32> to vector<1x1x16xi32>
    tpu.vector_store %arg8[%swap3A_468, %swap3A_469, %swap3A_470], %swap3A_473 {strides = array<i32>} : memref<3x5x80xi32, #tpu.memory_space<vmem>>, vector<1x1x16xi32>,
    %get3A_474 = arith.constant 0 : i32
    %get3A_475 = arith.constant 2 : i32
    %get3A_476 = arith.index_cast %get3A_474 : i32 to index
    %get3A_477 = arith.index_cast %get3A_475 : i32 to index
    %get3A_478 = arith.constant 16 : index
    %get3A_479 = tpu.vector_load %arg6[%get3A_476, %get3A_477, %get3A_478] {strides = array<i32>} : memref<3x5x80xi32, #tpu.memory_space<vmem>>, vector<1x1x16xi32>,
    %get3A_480 = vector.shape_cast %get3A_479 : vector<1x1x16xi32> to vector<16xi32>
    %and3A_481 = arith.constant 262143 : i32
    %and3A_482 = vector.broadcast %and3A_481 : i32 to vector<16xi32>
    %and3A_483 = arith.andi %get3A_480, %and3A_482 : vector<16xi32>
    %swap3A_484 = arith.constant 0 : i32
    %swap3A_485 = arith.constant 2 : i32
    %swap3A_486 = arith.index_cast %swap3A_484 : i32 to index
    %swap3A_487 = arith.index_cast %swap3A_485 : i32 to index
    %swap3A_488 = arith.constant 16 : index
    %swap3A_489 = tpu.vector_load %arg7[%swap3A_486, %swap3A_487, %swap3A_488] {strides = array<i32>} : memref<3x5x80xi32, #tpu.memory_space<vmem>>, vector<1x1x16xi32>,
    %swap3A_490 = vector.shape_cast %swap3A_489 : vector<1x1x16xi32> to vector<16xi32>
    %swap3A_491 = vector.shape_cast %and3A_483 : vector<16xi32> to vector<1x1x16xi32>
    tpu.vector_store %arg7[%swap3A_486, %swap3A_487, %swap3A_488], %swap3A_491 {strides = array<i32>} : memref<3x5x80xi32, #tpu.memory_space<vmem>>, vector<1x1x16xi32>,
    %shift_right_logical3A_492 = arith.constant 18 : i32
    %shift_right_logical3A_493 = vector.broadcast %shift_right_logical3A_492 : i32 to vector<16xi32>
    %shift_right_logical3A_494 = arith.shrui %get3A_480, %shift_right_logical3A_493 : vector<16xi32>
    %swap3A_495 = arith.constant 0 : i32
    %swap3A_496 = arith.constant 2 : i32
    %swap3A_497 = arith.index_cast %swap3A_495 : i32 to index
    %swap3A_498 = arith.index_cast %swap3A_496 : i32 to index
    %swap3A_499 = arith.constant 16 : index
    %swap3A_500 = tpu.vector_load %arg8[%swap3A_497, %swap3A_498, %swap3A_499] {strides = array<i32>} : memref<3x5x80xi32, #tpu.memory_space<vmem>>, vector<1x1x16xi32>,
    %swap3A_501 = vector.shape_cast %swap3A_500 : vector<1x1x16xi32> to vector<16xi32>
    %swap3A_502 = vector.shape_cast %shift_right_logical3A_494 : vector<16xi32> to vector<1x1x16xi32>
    tpu.vector_store %arg8[%swap3A_497, %swap3A_498, %swap3A_499], %swap3A_502 {strides = array<i32>} : memref<3x5x80xi32, #tpu.memory_space<vmem>>, vector<1x1x16xi32>,
    %get3A_503 = arith.constant 0 : i32
    %get3A_504 = arith.constant 2 : i32
    %get3A_505 = arith.index_cast %get3A_503 : i32 to index
    %get3A_506 = arith.index_cast %get3A_504 : i32 to index
    %get3A_507 = arith.constant 32 : index
    %get3A_508 = tpu.vector_load %arg6[%get3A_505, %get3A_506, %get3A_507] {strides = array<i32>} : memref<3x5x80xi32, #tpu.memory_space<vmem>>, vector<1x1x16xi32>,
    %get3A_509 = vector.shape_cast %get3A_508 : vector<1x1x16xi32> to vector<16xi32>
    %and3A_510 = arith.constant 262143 : i32
    %and3A_511 = vector.broadcast %and3A_510 : i32 to vector<16xi32>
    %and3A_512 = arith.andi %get3A_509, %and3A_511 : vector<16xi32>
    %swap3A_513 = arith.constant 0 : i32
    %swap3A_514 = arith.constant 2 : i32
    %swap3A_515 = arith.index_cast %swap3A_513 : i32 to index
    %swap3A_516 = arith.index_cast %swap3A_514 : i32 to index
    %swap3A_517 = arith.constant 32 : index
    %swap3A_518 = tpu.vector_load %arg7[%swap3A_515, %swap3A_516, %swap3A_517] {strides = array<i32>} : memref<3x5x80xi32, #tpu.memory_space<vmem>>, vector<1x1x16xi32>,
    %swap3A_519 = vector.shape_cast %swap3A_518 : vector<1x1x16xi32> to vector<16xi32>
    %swap3A_520 = vector.shape_cast %and3A_512 : vector<16xi32> to vector<1x1x16xi32>
    tpu.vector_store %arg7[%swap3A_515, %swap3A_516, %swap3A_517], %swap3A_520 {strides = array<i32>} : memref<3x5x80xi32, #tpu.memory_space<vmem>>, vector<1x1x16xi32>,
    %shift_right_logical3A_521 = arith.constant 18 : i32
    %shift_right_logical3A_522 = vector.broadcast %shift_right_logical3A_521 : i32 to vector<16xi32>
    %shift_right_logical3A_523 = arith.shrui %get3A_509, %shift_right_logical3A_522 : vector<16xi32>
    %swap3A_524 = arith.constant 0 : i32
    %swap3A_525 = arith.constant 2 : i32
    %swap3A_526 = arith.index_cast %swap3A_524 : i32 to index
    %swap3A_527 = arith.index_cast %swap3A_525 : i32 to index
    %swap3A_528 = arith.constant 32 : index
    %swap3A_529 = tpu.vector_load %arg8[%swap3A_526, %swap3A_527, %swap3A_528] {strides = array<i32>} : memref<3x5x80xi32, #tpu.memory_space<vmem>>, vector<1x1x16xi32>,
    %swap3A_530 = vector.shape_cast %swap3A_529 : vector<1x1x16xi32> to vector<16xi32>
    %swap3A_531 = vector.shape_cast %shift_right_logical3A_523 : vector<16xi32> to vector<1x1x16xi32>
    tpu.vector_store %arg8[%swap3A_526, %swap3A_527, %swap3A_528], %swap3A_531 {strides = array<i32>} : memref<3x5x80xi32, #tpu.memory_space<vmem>>, vector<1x1x16xi32>,
    %get3A_532 = arith.constant 0 : i32
    %get3A_533 = arith.constant 2 : i32
    %get3A_534 = arith.index_cast %get3A_532 : i32 to index
    %get3A_535 = arith.index_cast %get3A_533 : i32 to index
    %get3A_536 = arith.constant 48 : index
    %get3A_537 = tpu.vector_load %arg6[%get3A_534, %get3A_535, %get3A_536] {strides = array<i32>} : memref<3x5x80xi32, #tpu.memory_space<vmem>>, vector<1x1x16xi32>,
    %get3A_538 = vector.shape_cast %get3A_537 : vector<1x1x16xi32> to vector<16xi32>
    %and3A_539 = arith.constant 262143 : i32
    %and3A_540 = vector.broadcast %and3A_539 : i32 to vector<16xi32>
    %and3A_541 = arith.andi %get3A_538, %and3A_540 : vector<16xi32>
    %swap3A_542 = arith.constant 0 : i32
    %swap3A_543 = arith.constant 2 : i32
    %swap3A_544 = arith.index_cast %swap3A_542 : i32 to index
    %swap3A_545 = arith.index_cast %swap3A_543 : i32 to index
    %swap3A_546 = arith.constant 48 : index
    %swap3A_547 = tpu.vector_load %arg7[%swap3A_544, %swap3A_545, %swap3A_546] {strides = array<i32>} : memref<3x5x80xi32, #tpu.memory_space<vmem>>, vector<1x1x16xi32>,
    %swap3A_548 = vector.shape_cast %swap3A_547 : vector<1x1x16xi32> to vector<16xi32>
    %swap3A_549 = vector.shape_cast %and3A_541 : vector<16xi32> to vector<1x1x16xi32>
    tpu.vector_store %arg7[%swap3A_544, %swap3A_545, %swap3A_546], %swap3A_549 {strides = array<i32>} : memref<3x5x80xi32, #tpu.memory_space<vmem>>, vector<1x1x16xi32>,
    %shift_right_logical3A_550 = arith.constant 18 : i32
    %shift_right_logical3A_551 = vector.broadcast %shift_right_logical3A_550 : i32 to vector<16xi32>
    %shift_right_logical3A_552 = arith.shrui %get3A_538, %shift_right_logical3A_551 : vector<16xi32>
    %swap3A_553 = arith.constant 0 : i32
    %swap3A_554 = arith.constant 2 : i32
    %swap3A_555 = arith.index_cast %swap3A_553 : i32 to index
    %swap3A_556 = arith.index_cast %swap3A_554 : i32 to index
    %swap3A_557 = arith.constant 48 : index
    %swap3A_558 = tpu.vector_load %arg8[%swap3A_555, %swap3A_556, %swap3A_557] {strides = array<i32>} : memref<3x5x80xi32, #tpu.memory_space<vmem>>, vector<1x1x16xi32>,
    %swap3A_559 = vector.shape_cast %swap3A_558 : vector<1x1x16xi32> to vector<16xi32>
    %swap3A_560 = vector.shape_cast %shift_right_logical3A_552 : vector<16xi32> to vector<1x1x16xi32>
    tpu.vector_store %arg8[%swap3A_555, %swap3A_556, %swap3A_557], %swap3A_560 {strides = array<i32>} : memref<3x5x80xi32, #tpu.memory_space<vmem>>, vector<1x1x16xi32>,
    %get3A_561 = arith.constant 0 : i32
    %get3A_562 = arith.constant 2 : i32
    %get3A_563 = arith.index_cast %get3A_561 : i32 to index
    %get3A_564 = arith.index_cast %get3A_562 : i32 to index
    %get3A_565 = arith.constant 64 : index
    %get3A_566 = tpu.vector_load %arg6[%get3A_563, %get3A_564, %get3A_565] {strides = array<i32>} : memref<3x5x80xi32, #tpu.memory_space<vmem>>, vector<1x1x16xi32>,
    %get3A_567 = vector.shape_cast %get3A_566 : vector<1x1x16xi32> to vector<16xi32>
    %and3A_568 = arith.constant 262143 : i32
    %and3A_569 = vector.broadcast %and3A_568 : i32 to vector<16xi32>
    %and3A_570 = arith.andi %get3A_567, %and3A_569 : vector<16xi32>
    %swap3A_571 = arith.constant 0 : i32
    %swap3A_572 = arith.constant 2 : i32
    %swap3A_573 = arith.index_cast %swap3A_571 : i32 to index
    %swap3A_574 = arith.index_cast %swap3A_572 : i32 to index
    %swap3A_575 = arith.constant 64 : index
    %swap3A_576 = tpu.vector_load %arg7[%swap3A_573, %swap3A_574, %swap3A_575] {strides = array<i32>} : memref<3x5x80xi32, #tpu.memory_space<vmem>>, vector<1x1x16xi32>,
    %swap3A_577 = vector.shape_cast %swap3A_576 : vector<1x1x16xi32> to vector<16xi32>
    %swap3A_578 = vector.shape_cast %and3A_570 : vector<16xi32> to vector<1x1x16xi32>
    tpu.vector_store %arg7[%swap3A_573, %swap3A_574, %swap3A_575], %swap3A_578 {strides = array<i32>} : memref<3x5x80xi32, #tpu.memory_space<vmem>>, vector<1x1x16xi32>,
    %shift_right_logical3A_579 = arith.constant 18 : i32
    %shift_right_logical3A_580 = vector.broadcast %shift_right_logical3A_579 : i32 to vector<16xi32>
    %shift_right_logical3A_581 = arith.shrui %get3A_567, %shift_right_logical3A_580 : vector<16xi32>
    %swap3A_582 = arith.constant 0 : i32
    %swap3A_583 = arith.constant 2 : i32
    %swap3A_584 = arith.index_cast %swap3A_582 : i32 to index
    %swap3A_585 = arith.index_cast %swap3A_583 : i32 to index
    %swap3A_586 = arith.constant 64 : index
    %swap3A_587 = tpu.vector_load %arg8[%swap3A_584, %swap3A_585, %swap3A_586] {strides = array<i32>} : memref<3x5x80xi32, #tpu.memory_space<vmem>>, vector<1x1x16xi32>,
    %swap3A_588 = vector.shape_cast %swap3A_587 : vector<1x1x16xi32> to vector<16xi32>
    %swap3A_589 = vector.shape_cast %shift_right_logical3A_581 : vector<16xi32> to vector<1x1x16xi32>
    tpu.vector_store %arg8[%swap3A_584, %swap3A_585, %swap3A_586], %swap3A_589 {strides = array<i32>} : memref<3x5x80xi32, #tpu.memory_space<vmem>>, vector<1x1x16xi32>,
    %get3A_590 = arith.constant 0 : i32
    %get3A_591 = arith.constant 3 : i32
    %get3A_592 = arith.index_cast %get3A_590 : i32 to index
    %get3A_593 = arith.index_cast %get3A_591 : i32 to index
    %get3A_594 = arith.constant 0 : index
    %get3A_595 = tpu.vector_load %arg6[%get3A_592, %get3A_593, %get3A_594] {strides = array<i32>} : memref<3x5x80xi32, #tpu.memory_space<vmem>>, vector<1x1x16xi32>,
    %get3A_596 = vector.shape_cast %get3A_595 : vector<1x1x16xi32> to vector<16xi32>
    %and3A_597 = arith.constant 262143 : i32
    %and3A_598 = vector.broadcast %and3A_597 : i32 to vector<16xi32>
    %and3A_599 = arith.andi %get3A_596, %and3A_598 : vector<16xi32>
    %swap3A_600 = arith.constant 0 : i32
    %swap3A_601 = arith.constant 3 : i32
    %swap3A_602 = arith.index_cast %swap3A_600 : i32 to index
    %swap3A_603 = arith.index_cast %swap3A_601 : i32 to index
    %swap3A_604 = arith.constant 0 : index
    %swap3A_605 = tpu.vector_load %arg7[%swap3A_602, %swap3A_603, %swap3A_604] {strides = array<i32>} : memref<3x5x80xi32, #tpu.memory_space<vmem>>, vector<1x1x16xi32>,
    %swap3A_606 = vector.shape_cast %swap3A_605 : vector<1x1x16xi32> to vector<16xi32>
    %swap3A_607 = vector.shape_cast %and3A_599 : vector<16xi32> to vector<1x1x16xi32>
    tpu.vector_store %arg7[%swap3A_602, %swap3A_603, %swap3A_604], %swap3A_607 {strides = array<i32>} : memref<3x5x80xi32, #tpu.memory_space<vmem>>, vector<1x1x16xi32>,
    %shift_right_logical3A_608 = arith.constant 18 : i32
    %shift_right_logical3A_609 = vector.broadcast %shift_right_logical3A_608 : i32 to vector<16xi32>
    %shift_right_logical3A_610 = arith.shrui %get3A_596, %shift_right_logical3A_609 : vector<16xi32>
    %swap3A_611 = arith.constant 0 : i32
    %swap3A_612 = arith.constant 3 : i32
    %swap3A_613 = arith.index_cast %swap3A_611 : i32 to index
    %swap3A_614 = arith.index_cast %swap3A_612 : i32 to index
    %swap3A_615 = arith.constant 0 : index
    %swap3A_616 = tpu.vector_load %arg8[%swap3A_613, %swap3A_614, %swap3A_615] {strides = array<i32>} : memref<3x5x80xi32, #tpu.memory_space<vmem>>, vector<1x1x16xi32>,
    %swap3A_617 = vector.shape_cast %swap3A_616 : vector<1x1x16xi32> to vector<16xi32>
    %swap3A_618 = vector.shape_cast %shift_right_logical3A_610 : vector<16xi32> to vector<1x1x16xi32>
    tpu.vector_store %arg8[%swap3A_613, %swap3A_614, %swap3A_615], %swap3A_618 {strides = array<i32>} : memref<3x5x80xi32, #tpu.memory_space<vmem>>, vector<1x1x16xi32>,
    %get3A_619 = arith.constant 0 : i32
    %get3A_620 = arith.constant 3 : i32
    %get3A_621 = arith.index_cast %get3A_619 : i32 to index
    %get3A_622 = arith.index_cast %get3A_620 : i32 to index
    %get3A_623 = arith.constant 16 : index
    %get3A_624 = tpu.vector_load %arg6[%get3A_621, %get3A_622, %get3A_623] {strides = array<i32>} : memref<3x5x80xi32, #tpu.memory_space<vmem>>, vector<1x1x16xi32>,
    %get3A_625 = vector.shape_cast %get3A_624 : vector<1x1x16xi32> to vector<16xi32>
    %and3A_626 = arith.constant 262143 : i32
    %and3A_627 = vector.broadcast %and3A_626 : i32 to vector<16xi32>
    %and3A_628 = arith.andi %get3A_625, %and3A_627 : vector<16xi32>
    %swap3A_629 = arith.constant 0 : i32
    %swap3A_630 = arith.constant 3 : i32
    %swap3A_631 = arith.index_cast %swap3A_629 : i32 to index
    %swap3A_632 = arith.index_cast %swap3A_630 : i32 to index
    %swap3A_633 = arith.constant 16 : index
    %swap3A_634 = tpu.vector_load %arg7[%swap3A_631, %swap3A_632, %swap3A_633] {strides = array<i32>} : memref<3x5x80xi32, #tpu.memory_space<vmem>>, vector<1x1x16xi32>,
    %swap3A_635 = vector.shape_cast %swap3A_634 : vector<1x1x16xi32> to vector<16xi32>
    %swap3A_636 = vector.shape_cast %and3A_628 : vector<16xi32> to vector<1x1x16xi32>
    tpu.vector_store %arg7[%swap3A_631, %swap3A_632, %swap3A_633], %swap3A_636 {strides = array<i32>} : memref<3x5x80xi32, #tpu.memory_space<vmem>>, vector<1x1x16xi32>,
    %shift_right_logical3A_637 = arith.constant 18 : i32
    %shift_right_logical3A_638 = vector.broadcast %shift_right_logical3A_637 : i32 to vector<16xi32>
    %shift_right_logical3A_639 = arith.shrui %get3A_625, %shift_right_logical3A_638 : vector<16xi32>
    %swap3A_640 = arith.constant 0 : i32
    %swap3A_641 = arith.constant 3 : i32
    %swap3A_642 = arith.index_cast %swap3A_640 : i32 to index
    %swap3A_643 = arith.index_cast %swap3A_641 : i32 to index
    %swap3A_644 = arith.constant 16 : index
    %swap3A_645 = tpu.vector_load %arg8[%swap3A_642, %swap3A_643, %swap3A_644] {strides = array<i32>} : memref<3x5x80xi32, #tpu.memory_space<vmem>>, vector<1x1x16xi32>,
    %swap3A_646 = vector.shape_cast %swap3A_645 : vector<1x1x16xi32> to vector<16xi32>
    %swap3A_647 = vector.shape_cast %shift_right_logical3A_639 : vector<16xi32> to vector<1x1x16xi32>
    tpu.vector_store %arg8[%swap3A_642, %swap3A_643, %swap3A_644], %swap3A_647 {strides = array<i32>} : memref<3x5x80xi32, #tpu.memory_space<vmem>>, vector<1x1x16xi32>,
    %get3A_648 = arith.constant 0 : i32
    %get3A_649 = arith.constant 3 : i32
    %get3A_650 = arith.index_cast %get3A_648 : i32 to index
    %get3A_651 = arith.index_cast %get3A_649 : i32 to index
    %get3A_652 = arith.constant 32 : index
    %get3A_653 = tpu.vector_load %arg6[%get3A_650, %get3A_651, %get3A_652] {strides = array<i32>} : memref<3x5x80xi32, #tpu.memory_space<vmem>>, vector<1x1x16xi32>,
    %get3A_654 = vector.shape_cast %get3A_653 : vector<1x1x16xi32> to vector<16xi32>
    %and3A_655 = arith.constant 262143 : i32
    %and3A_656 = vector.broadcast %and3A_655 : i32 to vector<16xi32>
    %and3A_657 = arith.andi %get3A_654, %and3A_656 : vector<16xi32>
    %swap3A_658 = arith.constant 0 : i32
    %swap3A_659 = arith.constant 3 : i32
    %swap3A_660 = arith.index_cast %swap3A_658 : i32 to index
    %swap3A_661 = arith.index_cast %swap3A_659 : i32 to index
    %swap3A_662 = arith.constant 32 : index
    %swap3A_663 = tpu.vector_load %arg7[%swap3A_660, %swap3A_661, %swap3A_662] {strides = array<i32>} : memref<3x5x80xi32, #tpu.memory_space<vmem>>, vector<1x1x16xi32>,
    %swap3A_664 = vector.shape_cast %swap3A_663 : vector<1x1x16xi32> to vector<16xi32>
    %swap3A_665 = vector.shape_cast %and3A_657 : vector<16xi32> to vector<1x1x16xi32>
    tpu.vector_store %arg7[%swap3A_660, %swap3A_661, %swap3A_662], %swap3A_665 {strides = array<i32>} : memref<3x5x80xi32, #tpu.memory_space<vmem>>, vector<1x1x16xi32>,
    %shift_right_logical3A_666 = arith.constant 18 : i32
    %shift_right_logical3A_667 = vector.broadcast %shift_right_logical3A_666 : i32 to vector<16xi32>
    %shift_right_logical3A_668 = arith.shrui %get3A_654, %shift_right_logical3A_667 : vector<16xi32>
    %swap3A_669 = arith.constant 0 : i32
    %swap3A_670 = arith.constant 3 : i32
    %swap3A_671 = arith.index_cast %swap3A_669 : i32 to index
    %swap3A_672 = arith.index_cast %swap3A_670 : i32 to index
    %swap3A_673 = arith.constant 32 : index
    %swap3A_674 = tpu.vector_load %arg8[%swap3A_671, %swap3A_672, %swap3A_673] {strides = array<i32>} : memref<3x5x80xi32, #tpu.memory_space<vmem>>, vector<1x1x16xi32>,
    %swap3A_675 = vector.shape_cast %swap3A_674 : vector<1x1x16xi32> to vector<16xi32>
    %swap3A_676 = vector.shape_cast %shift_right_logical3A_668 : vector<16xi32> to vector<1x1x16xi32>
    tpu.vector_store %arg8[%swap3A_671, %swap3A_672, %swap3A_673], %swap3A_676 {strides = array<i32>} : memref<3x5x80xi32, #tpu.memory_space<vmem>>, vector<1x1x16xi32>,
    %get3A_677 = arith.constant 0 : i32
    %get3A_678 = arith.constant 3 : i32
    %get3A_679 = arith.index_cast %get3A_677 : i32 to index
    %get3A_680 = arith.index_cast %get3A_678 : i32 to index
    %get3A_681 = arith.constant 48 : index
    %get3A_682 = tpu.vector_load %arg6[%get3A_679, %get3A_680, %get3A_681] {strides = array<i32>} : memref<3x5x80xi32, #tpu.memory_space<vmem>>, vector<1x1x16xi32>,
    %get3A_683 = vector.shape_cast %get3A_682 : vector<1x1x16xi32> to vector<16xi32>
    %and3A_684 = arith.constant 262143 : i32
    %and3A_685 = vector.broadcast %and3A_684 : i32 to vector<16xi32>
    %and3A_686 = arith.andi %get3A_683, %and3A_685 : vector<16xi32>
    %swap3A_687 = arith.constant 0 : i32
    %swap3A_688 = arith.constant 3 : i32
    %swap3A_689 = arith.index_cast %swap3A_687 : i32 to index
    %swap3A_690 = arith.index_cast %swap3A_688 : i32 to index
    %swap3A_691 = arith.constant 48 : index
    %swap3A_692 = tpu.vector_load %arg7[%swap3A_689, %swap3A_690, %swap3A_691] {strides = array<i32>} : memref<3x5x80xi32, #tpu.memory_space<vmem>>, vector<1x1x16xi32>,
    %swap3A_693 = vector.shape_cast %swap3A_692 : vector<1x1x16xi32> to vector<16xi32>
    %swap3A_694 = vector.shape_cast %and3A_686 : vector<16xi32> to vector<1x1x16xi32>
    tpu.vector_store %arg7[%swap3A_689, %swap3A_690, %swap3A_691], %swap3A_694 {strides = array<i32>} : memref<3x5x80xi32, #tpu.memory_space<vmem>>, vector<1x1x16xi32>,
    %shift_right_logical3A_695 = arith.constant 18 : i32
    %shift_right_logical3A_696 = vector.broadcast %shift_right_logical3A_695 : i32 to vector<16xi32>
    %shift_right_logical3A_697 = arith.shrui %get3A_683, %shift_right_logical3A_696 : vector<16xi32>
    %swap3A_698 = arith.constant 0 : i32
    %swap3A_699 = arith.constant 3 : i32
    %swap3A_700 = arith.index_cast %swap3A_698 : i32 to index
    %swap3A_701 = arith.index_cast %swap3A_699 : i32 to index
    %swap3A_702 = arith.constant 48 : index
    %swap3A_703 = tpu.vector_load %arg8[%swap3A_700, %swap3A_701, %swap3A_702] {strides = array<i32>} : memref<3x5x80xi32, #tpu.memory_space<vmem>>, vector<1x1x16xi32>,
    %swap3A_704 = vector.shape_cast %swap3A_703 : vector<1x1x16xi32> to vector<16xi32>
    %swap3A_705 = vector.shape_cast %shift_right_logical3A_697 : vector<16xi32> to vector<1x1x16xi32>
    tpu.vector_store %arg8[%swap3A_700, %swap3A_701, %swap3A_702], %swap3A_705 {strides = array<i32>} : memref<3x5x80xi32, #tpu.memory_space<vmem>>, vector<1x1x16xi32>,
    %get3A_706 = arith.constant 0 : i32
    %get3A_707 = arith.constant 3 : i32
    %get3A_708 = arith.index_cast %get3A_706 : i32 to index
    %get3A_709 = arith.index_cast %get3A_707 : i32 to index
    %get3A_710 = arith.constant 64 : index
    %get3A_711 = tpu.vector_load %arg6[%get3A_708, %get3A_709, %get3A_710] {strides = array<i32>} : memref<3x5x80xi32, #tpu.memory_space<vmem>>, vector<1x1x16xi32>,
    %get3A_712 = vector.shape_cast %get3A_711 : vector<1x1x16xi32> to vector<16xi32>
    %and3A_713 = arith.constant 262143 : i32
    %and3A_714 = vector.broadcast %and3A_713 : i32 to vector<16xi32>
    %and3A_715 = arith.andi %get3A_712, %and3A_714 : vector<16xi32>
    %swap3A_716 = arith.constant 0 : i32
    %swap3A_717 = arith.constant 3 : i32
    %swap3A_718 = arith.index_cast %swap3A_716 : i32 to index
    %swap3A_719 = arith.index_cast %swap3A_717 : i32 to index
    %swap3A_720 = arith.constant 64 : index
    %swap3A_721 = tpu.vector_load %arg7[%swap3A_718, %swap3A_719, %swap3A_720] {strides = array<i32>} : memref<3x5x80xi32, #tpu.memory_space<vmem>>, vector<1x1x16xi32>,
    %swap3A_722 = vector.shape_cast %swap3A_721 : vector<1x1x16xi32> to vector<16xi32>
    %swap3A_723 = vector.shape_cast %and3A_715 : vector<16xi32> to vector<1x1x16xi32>
    tpu.vector_store %arg7[%swap3A_718, %swap3A_719, %swap3A_720], %swap3A_723 {strides = array<i32>} : memref<3x5x80xi32, #tpu.memory_space<vmem>>, vector<1x1x16xi32>,
    %shift_right_logical3A_724 = arith.constant 18 : i32
    %shift_right_logical3A_725 = vector.broadcast %shift_right_logical3A_724 : i32 to vector<16xi32>
    %shift_right_logical3A_726 = arith.shrui %get3A_712, %shift_right_logical3A_725 : vector<16xi32>
    %swap3A_727 = arith.constant 0 : i32
    %swap3A_728 = arith.constant 3 : i32
    %swap3A_729 = arith.index_cast %swap3A_727 : i32 to index
    %swap3A_730 = arith.index_cast %swap3A_728 : i32 to index
    %swap3A_731 = arith.constant 64 : index
    %swap3A_732 = tpu.vector_load %arg8[%swap3A_729, %swap3A_730, %swap3A_731] {strides = array<i32>} : memref<3x5x80xi32, #tpu.memory_space<vmem>>, vector<1x1x16xi32>,
    %swap3A_733 = vector.shape_cast %swap3A_732 : vector<1x1x16xi32> to vector<16xi32>
    %swap3A_734 = vector.shape_cast %shift_right_logical3A_726 : vector<16xi32> to vector<1x1x16xi32>
    tpu.vector_store %arg8[%swap3A_729, %swap3A_730, %swap3A_731], %swap3A_734 {strides = array<i32>} : memref<3x5x80xi32, #tpu.memory_space<vmem>>, vector<1x1x16xi32>,
    %get3A_735 = arith.constant 0 : i32
    %get3A_736 = arith.constant 4 : i32
    %get3A_737 = arith.index_cast %get3A_735 : i32 to index
    %get3A_738 = arith.index_cast %get3A_736 : i32 to index
    %get3A_739 = arith.constant 0 : index
    %get3A_740 = tpu.vector_load %arg6[%get3A_737, %get3A_738, %get3A_739] {strides = array<i32>} : memref<3x5x80xi32, #tpu.memory_space<vmem>>, vector<1x1x16xi32>,
    %get3A_741 = vector.shape_cast %get3A_740 : vector<1x1x16xi32> to vector<16xi32>
    %and3A_742 = arith.constant 262143 : i32
    %and3A_743 = vector.broadcast %and3A_742 : i32 to vector<16xi32>
    %and3A_744 = arith.andi %get3A_741, %and3A_743 : vector<16xi32>
    %swap3A_745 = arith.constant 0 : i32
    %swap3A_746 = arith.constant 4 : i32
    %swap3A_747 = arith.index_cast %swap3A_745 : i32 to index
    %swap3A_748 = arith.index_cast %swap3A_746 : i32 to index
    %swap3A_749 = arith.constant 0 : index
    %swap3A_750 = tpu.vector_load %arg7[%swap3A_747, %swap3A_748, %swap3A_749] {strides = array<i32>} : memref<3x5x80xi32, #tpu.memory_space<vmem>>, vector<1x1x16xi32>,
    %swap3A_751 = vector.shape_cast %swap3A_750 : vector<1x1x16xi32> to vector<16xi32>
    %swap3A_752 = vector.shape_cast %and3A_744 : vector<16xi32> to vector<1x1x16xi32>
    tpu.vector_store %arg7[%swap3A_747, %swap3A_748, %swap3A_749], %swap3A_752 {strides = array<i32>} : memref<3x5x80xi32, #tpu.memory_space<vmem>>, vector<1x1x16xi32>,
    %shift_right_logical3A_753 = arith.constant 18 : i32
    %shift_right_logical3A_754 = vector.broadcast %shift_right_logical3A_753 : i32 to vector<16xi32>
    %shift_right_logical3A_755 = arith.shrui %get3A_741, %shift_right_logical3A_754 : vector<16xi32>
    %swap3A_756 = arith.constant 0 : i32
    %swap3A_757 = arith.constant 4 : i32
    %swap3A_758 = arith.index_cast %swap3A_756 : i32 to index
    %swap3A_759 = arith.index_cast %swap3A_757 : i32 to index
    %swap3A_760 = arith.constant 0 : index
    %swap3A_761 = tpu.vector_load %arg8[%swap3A_758, %swap3A_759, %swap3A_760] {strides = array<i32>} : memref<3x5x80xi32, #tpu.memory_space<vmem>>, vector<1x1x16xi32>,
    %swap3A_762 = vector.shape_cast %swap3A_761 : vector<1x1x16xi32> to vector<16xi32>
    %swap3A_763 = vector.shape_cast %shift_right_logical3A_755 : vector<16xi32> to vector<1x1x16xi32>
    tpu.vector_store %arg8[%swap3A_758, %swap3A_759, %swap3A_760], %swap3A_763 {strides = array<i32>} : memref<3x5x80xi32, #tpu.memory_space<vmem>>, vector<1x1x16xi32>,
    %get3A_764 = arith.constant 0 : i32
    %get3A_765 = arith.constant 4 : i32
    %get3A_766 = arith.index_cast %get3A_764 : i32 to index
    %get3A_767 = arith.index_cast %get3A_765 : i32 to index
    %get3A_768 = arith.constant 16 : index
    %get3A_769 = tpu.vector_load %arg6[%get3A_766, %get3A_767, %get3A_768] {strides = array<i32>} : memref<3x5x80xi32, #tpu.memory_space<vmem>>, vector<1x1x16xi32>,
    %get3A_770 = vector.shape_cast %get3A_769 : vector<1x1x16xi32> to vector<16xi32>
    %and3A_771 = arith.constant 262143 : i32
    %and3A_772 = vector.broadcast %and3A_771 : i32 to vector<16xi32>
    %and3A_773 = arith.andi %get3A_770, %and3A_772 : vector<16xi32>
    %swap3A_774 = arith.constant 0 : i32
    %swap3A_775 = arith.constant 4 : i32
    %swap3A_776 = arith.index_cast %swap3A_774 : i32 to index
    %swap3A_777 = arith.index_cast %swap3A_775 : i32 to index
    %swap3A_778 = arith.constant 16 : index
    %swap3A_779 = tpu.vector_load %arg7[%swap3A_776, %swap3A_777, %swap3A_778] {strides = array<i32>} : memref<3x5x80xi32, #tpu.memory_space<vmem>>, vector<1x1x16xi32>,
    %swap3A_780 = vector.shape_cast %swap3A_779 : vector<1x1x16xi32> to vector<16xi32>
    %swap3A_781 = vector.shape_cast %and3A_773 : vector<16xi32> to vector<1x1x16xi32>
    tpu.vector_store %arg7[%swap3A_776, %swap3A_777, %swap3A_778], %swap3A_781 {strides = array<i32>} : memref<3x5x80xi32, #tpu.memory_space<vmem>>, vector<1x1x16xi32>,
    %shift_right_logical3A_782 = arith.constant 18 : i32
    %shift_right_logical3A_783 = vector.broadcast %shift_right_logical3A_782 : i32 to vector<16xi32>
    %shift_right_logical3A_784 = arith.shrui %get3A_770, %shift_right_logical3A_783 : vector<16xi32>
    %swap3A_785 = arith.constant 0 : i32
    %swap3A_786 = arith.constant 4 : i32
    %swap3A_787 = arith.index_cast %swap3A_785 : i32 to index
    %swap3A_788 = arith.index_cast %swap3A_786 : i32 to index
    %swap3A_789 = arith.constant 16 : index
    %swap3A_790 = tpu.vector_load %arg8[%swap3A_787, %swap3A_788, %swap3A_789] {strides = array<i32>} : memref<3x5x80xi32, #tpu.memory_space<vmem>>, vector<1x1x16xi32>,
    %swap3A_791 = vector.shape_cast %swap3A_790 : vector<1x1x16xi32> to vector<16xi32>
    %swap3A_792 = vector.shape_cast %shift_right_logical3A_784 : vector<16xi32> to vector<1x1x16xi32>
    tpu.vector_store %arg8[%swap3A_787, %swap3A_788, %swap3A_789], %swap3A_792 {strides = array<i32>} : memref<3x5x80xi32, #tpu.memory_space<vmem>>, vector<1x1x16xi32>,
    %get3A_793 = arith.constant 0 : i32
    %get3A_794 = arith.constant 4 : i32
    %get3A_795 = arith.index_cast %get3A_793 : i32 to index
    %get3A_796 = arith.index_cast %get3A_794 : i32 to index
    %get3A_797 = arith.constant 32 : index
    %get3A_798 = tpu.vector_load %arg6[%get3A_795, %get3A_796, %get3A_797] {strides = array<i32>} : memref<3x5x80xi32, #tpu.memory_space<vmem>>, vector<1x1x16xi32>,
    %get3A_799 = vector.shape_cast %get3A_798 : vector<1x1x16xi32> to vector<16xi32>
    %and3A_800 = arith.constant 262143 : i32
    %and3A_801 = vector.broadcast %and3A_800 : i32 to vector<16xi32>
    %and3A_802 = arith.andi %get3A_799, %and3A_801 : vector<16xi32>
    %swap3A_803 = arith.constant 0 : i32
    %swap3A_804 = arith.constant 4 : i32
    %swap3A_805 = arith.index_cast %swap3A_803 : i32 to index
    %swap3A_806 = arith.index_cast %swap3A_804 : i32 to index
    %swap3A_807 = arith.constant 32 : index
    %swap3A_808 = tpu.vector_load %arg7[%swap3A_805, %swap3A_806, %swap3A_807] {strides = array<i32>} : memref<3x5x80xi32, #tpu.memory_space<vmem>>, vector<1x1x16xi32>,
    %swap3A_809 = vector.shape_cast %swap3A_808 : vector<1x1x16xi32> to vector<16xi32>
    %swap3A_810 = vector.shape_cast %and3A_802 : vector<16xi32> to vector<1x1x16xi32>
    tpu.vector_store %arg7[%swap3A_805, %swap3A_806, %swap3A_807], %swap3A_810 {strides = array<i32>} : memref<3x5x80xi32, #tpu.memory_space<vmem>>, vector<1x1x16xi32>,
    %shift_right_logical3A_811 = arith.constant 18 : i32
    %shift_right_logical3A_812 = vector.broadcast %shift_right_logical3A_811 : i32 to vector<16xi32>
    %shift_right_logical3A_813 = arith.shrui %get3A_799, %shift_right_logical3A_812 : vector<16xi32>
    %swap3A_814 = arith.constant 0 : i32
    %swap3A_815 = arith.constant 4 : i32
    %swap3A_816 = arith.index_cast %swap3A_814 : i32 to index
    %swap3A_817 = arith.index_cast %swap3A_815 : i32 to index
    %swap3A_818 = arith.constant 32 : index
    %swap3A_819 = tpu.vector_load %arg8[%swap3A_816, %swap3A_817, %swap3A_818] {strides = array<i32>} : memref<3x5x80xi32, #tpu.memory_space<vmem>>, vector<1x1x16xi32>,
    %swap3A_820 = vector.shape_cast %swap3A_819 : vector<1x1x16xi32> to vector<16xi32>
    %swap3A_821 = vector.shape_cast %shift_right_logical3A_813 : vector<16xi32> to vector<1x1x16xi32>
    tpu.vector_store %arg8[%swap3A_816, %swap3A_817, %swap3A_818], %swap3A_821 {strides = array<i32>} : memref<3x5x80xi32, #tpu.memory_space<vmem>>, vector<1x1x16xi32>,
    %get3A_822 = arith.constant 0 : i32
    %get3A_823 = arith.constant 4 : i32
    %get3A_824 = arith.index_cast %get3A_822 : i32 to index
    %get3A_825 = arith.index_cast %get3A_823 : i32 to index
    %get3A_826 = arith.constant 48 : index
    %get3A_827 = tpu.vector_load %arg6[%get3A_824, %get3A_825, %get3A_826] {strides = array<i32>} : memref<3x5x80xi32, #tpu.memory_space<vmem>>, vector<1x1x16xi32>,
    %get3A_828 = vector.shape_cast %get3A_827 : vector<1x1x16xi32> to vector<16xi32>
    %and3A_829 = arith.constant 262143 : i32
    %and3A_830 = vector.broadcast %and3A_829 : i32 to vector<16xi32>
    %and3A_831 = arith.andi %get3A_828, %and3A_830 : vector<16xi32>
    %swap3A_832 = arith.constant 0 : i32
    %swap3A_833 = arith.constant 4 : i32
    %swap3A_834 = arith.index_cast %swap3A_832 : i32 to index
    %swap3A_835 = arith.index_cast %swap3A_833 : i32 to index
    %swap3A_836 = arith.constant 48 : index
    %swap3A_837 = tpu.vector_load %arg7[%swap3A_834, %swap3A_835, %swap3A_836] {strides = array<i32>} : memref<3x5x80xi32, #tpu.memory_space<vmem>>, vector<1x1x16xi32>,
    %swap3A_838 = vector.shape_cast %swap3A_837 : vector<1x1x16xi32> to vector<16xi32>
    %swap3A_839 = vector.shape_cast %and3A_831 : vector<16xi32> to vector<1x1x16xi32>
    tpu.vector_store %arg7[%swap3A_834, %swap3A_835, %swap3A_836], %swap3A_839 {strides = array<i32>} : memref<3x5x80xi32, #tpu.memory_space<vmem>>, vector<1x1x16xi32>,
    %shift_right_logical3A_840 = arith.constant 18 : i32
    %shift_right_logical3A_841 = vector.broadcast %shift_right_logical3A_840 : i32 to vector<16xi32>
    %shift_right_logical3A_842 = arith.shrui %get3A_828, %shift_right_logical3A_841 : vector<16xi32>
    %swap3A_843 = arith.constant 0 : i32
    %swap3A_844 = arith.constant 4 : i32
    %swap3A_845 = arith.index_cast %swap3A_843 : i32 to index
    %swap3A_846 = arith.index_cast %swap3A_844 : i32 to index
    %swap3A_847 = arith.constant 48 : index
    %swap3A_848 = tpu.vector_load %arg8[%swap3A_845, %swap3A_846, %swap3A_847] {strides = array<i32>} : memref<3x5x80xi32, #tpu.memory_space<vmem>>, vector<1x1x16xi32>,
    %swap3A_849 = vector.shape_cast %swap3A_848 : vector<1x1x16xi32> to vector<16xi32>
    %swap3A_850 = vector.shape_cast %shift_right_logical3A_842 : vector<16xi32> to vector<1x1x16xi32>
    tpu.vector_store %arg8[%swap3A_845, %swap3A_846, %swap3A_847], %swap3A_850 {strides = array<i32>} : memref<3x5x80xi32, #tpu.memory_space<vmem>>, vector<1x1x16xi32>,
    %get3A_851 = arith.constant 0 : i32
    %get3A_852 = arith.constant 4 : i32
    %get3A_853 = arith.index_cast %get3A_851 : i32 to index
    %get3A_854 = arith.index_cast %get3A_852 : i32 to index
    %get3A_855 = arith.constant 64 : index
    %get3A_856 = tpu.vector_load %arg6[%get3A_853, %get3A_854, %get3A_855] {strides = array<i32>} : memref<3x5x80xi32, #tpu.memory_space<vmem>>, vector<1x1x16xi32>,
    %get3A_857 = vector.shape_cast %get3A_856 : vector<1x1x16xi32> to vector<16xi32>
    %and3A_858 = arith.constant 262143 : i32
    %and3A_859 = vector.broadcast %and3A_858 : i32 to vector<16xi32>
    %and3A_860 = arith.andi %get3A_857, %and3A_859 : vector<16xi32>
    %swap3A_861 = arith.constant 0 : i32
    %swap3A_862 = arith.constant 4 : i32
    %swap3A_863 = arith.index_cast %swap3A_861 : i32 to index
    %swap3A_864 = arith.index_cast %swap3A_862 : i32 to index
    %swap3A_865 = arith.constant 64 : index
    %swap3A_866 = tpu.vector_load %arg7[%swap3A_863, %swap3A_864, %swap3A_865] {strides = array<i32>} : memref<3x5x80xi32, #tpu.memory_space<vmem>>, vector<1x1x16xi32>,
    %swap3A_867 = vector.shape_cast %swap3A_866 : vector<1x1x16xi32> to vector<16xi32>
    %swap3A_868 = vector.shape_cast %and3A_860 : vector<16xi32> to vector<1x1x16xi32>
    tpu.vector_store %arg7[%swap3A_863, %swap3A_864, %swap3A_865], %swap3A_868 {strides = array<i32>} : memref<3x5x80xi32, #tpu.memory_space<vmem>>, vector<1x1x16xi32>,
    %shift_right_logical3A_869 = arith.constant 18 : i32
    %shift_right_logical3A_870 = vector.broadcast %shift_right_logical3A_869 : i32 to vector<16xi32>
    %shift_right_logical3A_871 = arith.shrui %get3A_857, %shift_right_logical3A_870 : vector<16xi32>
    %swap3A_872 = arith.constant 0 : i32
    %swap3A_873 = arith.constant 4 : i32
    %swap3A_874 = arith.index_cast %swap3A_872 : i32 to index
    %swap3A_875 = arith.index_cast %swap3A_873 : i32 to index
    %swap3A_876 = arith.constant 64 : index
    %swap3A_877 = tpu.vector_load %arg8[%swap3A_874, %swap3A_875, %swap3A_876] {strides = array<i32>} : memref<3x5x80xi32, #tpu.memory_space<vmem>>, vector<1x1x16xi32>,
    %swap3A_878 = vector.shape_cast %swap3A_877 : vector<1x1x16xi32> to vector<16xi32>
    %swap3A_879 = vector.shape_cast %shift_right_logical3A_871 : vector<16xi32> to vector<1x1x16xi32>
    tpu.vector_store %arg8[%swap3A_874, %swap3A_875, %swap3A_876], %swap3A_879 {strides = array<i32>} : memref<3x5x80xi32, #tpu.memory_space<vmem>>, vector<1x1x16xi32>,
    %dma_start3A_880 = arith.constant 0 : i32
    %dma_start3A_881 = arith.constant 0 : i32
    %dma_start3A_882 = arith.constant 0 : i32
    %dma_start3A_883 = arith.constant 0 : i32
    %dma_start3A_884 = arith.constant 0 : i32
    %dma_start3A_885 = tpu.memref_slice %arg9[%dma_start3A_882, %dma_start3A_883, %dma_start3A_884] : memref<2x5x80xi32, #tpu.memory_space<vmem>> -> memref<1x1x80xi32, #tpu.memory_space<vmem>>
    %dma_start3A_886 = tpu.memref_squeeze %dma_start3A_885 : memref<1x1x80xi32, #tpu.memory_space<vmem>> -> memref<80xi32, #tpu.memory_space<vmem>>
    %dma_start3A_887 = arith.constant 0 : i32
    %dma_start3A_888 = tpu.memref_slice %arg7[%dma_start3A_880, %dma_start3A_881, %dma_start3A_887] : memref<3x5x80xi32, #tpu.memory_space<vmem>> -> memref<1x1x80xi32, #tpu.memory_space<vmem>>
    %dma_start3A_889 = tpu.memref_squeeze %dma_start3A_888 : memref<1x1x80xi32, #tpu.memory_space<vmem>> -> memref<80xi32, #tpu.memory_space<vmem>>
    %dma_start3A_890 = arith.constant 0 : i32
    %dma_start3A_891 = tpu.memref_slice %arg3[%dma_start3A_890] : memref<256000xi32, #tpu.memory_space<hbm>> -> memref<256000xi32, #tpu.memory_space<hbm>>
    tpu.enqueue_indirect_dma source(%dma_start3A_891 : memref<256000xi32, #tpu.memory_space<hbm>>) target(%dma_start3A_886 : memref<80xi32, #tpu.memory_space<vmem>>) offsets(%dma_start3A_889 : memref<80xi32, #tpu.memory_space<vmem>>) semaphore(%arg16 : memref<!tpu.dma_semaphore, #tpu.memory_space<semaphore_mem>>)
    %dma_start3A_892 = arith.constant 0 : i32
    %dma_start3A_893 = arith.constant 1 : i32
    %dma_start3A_894 = arith.constant 0 : i32
    %dma_start3A_895 = arith.constant 1 : i32
    %dma_start3A_896 = arith.constant 0 : i32
    %dma_start3A_897 = tpu.memref_slice %arg9[%dma_start3A_894, %dma_start3A_895, %dma_start3A_896] : memref<2x5x80xi32, #tpu.memory_space<vmem>> -> memref<1x1x80xi32, #tpu.memory_space<vmem>>
    %dma_start3A_898 = tpu.memref_squeeze %dma_start3A_897 : memref<1x1x80xi32, #tpu.memory_space<vmem>> -> memref<80xi32, #tpu.memory_space<vmem>>
    %dma_start3A_899 = arith.constant 0 : i32
    %dma_start3A_900 = tpu.memref_slice %arg7[%dma_start3A_892, %dma_start3A_893, %dma_start3A_899] : memref<3x5x80xi32, #tpu.memory_space<vmem>> -> memref<1x1x80xi32, #tpu.memory_space<vmem>>
    %dma_start3A_901 = tpu.memref_squeeze %dma_start3A_900 : memref<1x1x80xi32, #tpu.memory_space<vmem>> -> memref<80xi32, #tpu.memory_space<vmem>>
    %dma_start3A_902 = arith.constant 0 : i32
    %dma_start3A_903 = tpu.memref_slice %arg3[%dma_start3A_902] : memref<256000xi32, #tpu.memory_space<hbm>> -> memref<256000xi32, #tpu.memory_space<hbm>>
    tpu.enqueue_indirect_dma source(%dma_start3A_903 : memref<256000xi32, #tpu.memory_space<hbm>>) target(%dma_start3A_898 : memref<80xi32, #tpu.memory_space<vmem>>) offsets(%dma_start3A_901 : memref<80xi32, #tpu.memory_space<vmem>>) semaphore(%arg16 : memref<!tpu.dma_semaphore, #tpu.memory_space<semaphore_mem>>)
    %dma_start3A_904 = arith.constant 0 : i32
    %dma_start3A_905 = arith.constant 2 : i32
    %dma_start3A_906 = arith.constant 0 : i32
    %dma_start3A_907 = arith.constant 2 : i32
    %dma_start3A_908 = arith.constant 0 : i32
    %dma_start3A_909 = tpu.memref_slice %arg9[%dma_start3A_906, %dma_start3A_907, %dma_start3A_908] : memref<2x5x80xi32, #tpu.memory_space<vmem>> -> memref<1x1x80xi32, #tpu.memory_space<vmem>>
    %dma_start3A_910 = tpu.memref_squeeze %dma_start3A_909 : memref<1x1x80xi32, #tpu.memory_space<vmem>> -> memref<80xi32, #tpu.memory_space<vmem>>
    %dma_start3A_911 = arith.constant 0 : i32
    %dma_start3A_912 = tpu.memref_slice %arg7[%dma_start3A_904, %dma_start3A_905, %dma_start3A_911] : memref<3x5x80xi32, #tpu.memory_space<vmem>> -> memref<1x1x80xi32, #tpu.memory_space<vmem>>
    %dma_start3A_913 = tpu.memref_squeeze %dma_start3A_912 : memref<1x1x80xi32, #tpu.memory_space<vmem>> -> memref<80xi32, #tpu.memory_space<vmem>>
    %dma_start3A_914 = arith.constant 0 : i32
    %dma_start3A_915 = tpu.memref_slice %arg3[%dma_start3A_914] : memref<256000xi32, #tpu.memory_space<hbm>> -> memref<256000xi32, #tpu.memory_space<hbm>>
    tpu.enqueue_indirect_dma source(%dma_start3A_915 : memref<256000xi32, #tpu.memory_space<hbm>>) target(%dma_start3A_910 : memref<80xi32, #tpu.memory_space<vmem>>) offsets(%dma_start3A_913 : memref<80xi32, #tpu.memory_space<vmem>>) semaphore(%arg16 : memref<!tpu.dma_semaphore, #tpu.memory_space<semaphore_mem>>)
    %dma_start3A_916 = arith.constant 0 : i32
    %dma_start3A_917 = arith.constant 3 : i32
    %dma_start3A_918 = arith.constant 0 : i32
    %dma_start3A_919 = arith.constant 3 : i32
    %dma_start3A_920 = arith.constant 0 : i32
    %dma_start3A_921 = tpu.memref_slice %arg9[%dma_start3A_918, %dma_start3A_919, %dma_start3A_920] : memref<2x5x80xi32, #tpu.memory_space<vmem>> -> memref<1x1x80xi32, #tpu.memory_space<vmem>>
    %dma_start3A_922 = tpu.memref_squeeze %dma_start3A_921 : memref<1x1x80xi32, #tpu.memory_space<vmem>> -> memref<80xi32, #tpu.memory_space<vmem>>
    %dma_start3A_923 = arith.constant 0 : i32
    %dma_start3A_924 = tpu.memref_slice %arg7[%dma_start3A_916, %dma_start3A_917, %dma_start3A_923] : memref<3x5x80xi32, #tpu.memory_space<vmem>> -> memref<1x1x80xi32, #tpu.memory_space<vmem>>
    %dma_start3A_925 = tpu.memref_squeeze %dma_start3A_924 : memref<1x1x80xi32, #tpu.memory_space<vmem>> -> memref<80xi32, #tpu.memory_space<vmem>>
    %dma_start3A_926 = arith.constant 0 : i32
    %dma_start3A_927 = tpu.memref_slice %arg3[%dma_start3A_926] : memref<256000xi32, #tpu.memory_space<hbm>> -> memref<256000xi32, #tpu.memory_space<hbm>>
    tpu.enqueue_indirect_dma source(%dma_start3A_927 : memref<256000xi32, #tpu.memory_space<hbm>>) target(%dma_start3A_922 : memref<80xi32, #tpu.memory_space<vmem>>) offsets(%dma_start3A_925 : memref<80xi32, #tpu.memory_space<vmem>>) semaphore(%arg16 : memref<!tpu.dma_semaphore, #tpu.memory_space<semaphore_mem>>)
    %dma_start3A_928 = arith.constant 0 : i32
    %dma_start3A_929 = arith.constant 4 : i32
    %dma_start3A_930 = arith.constant 0 : i32
    %dma_start3A_931 = arith.constant 4 : i32
    %dma_start3A_932 = arith.constant 0 : i32
    %dma_start3A_933 = tpu.memref_slice %arg9[%dma_start3A_930, %dma_start3A_931, %dma_start3A_932] : memref<2x5x80xi32, #tpu.memory_space<vmem>> -> memref<1x1x80xi32, #tpu.memory_space<vmem>>
    %dma_start3A_934 = tpu.memref_squeeze %dma_start3A_933 : memref<1x1x80xi32, #tpu.memory_space<vmem>> -> memref<80xi32, #tpu.memory_space<vmem>>
    %dma_start3A_935 = arith.constant 0 : i32
    %dma_start3A_936 = tpu.memref_slice %arg7[%dma_start3A_928, %dma_start3A_929, %dma_start3A_935] : memref<3x5x80xi32, #tpu.memory_space<vmem>> -> memref<1x1x80xi32, #tpu.memory_space<vmem>>
    %dma_start3A_937 = tpu.memref_squeeze %dma_start3A_936 : memref<1x1x80xi32, #tpu.memory_space<vmem>> -> memref<80xi32, #tpu.memory_space<vmem>>
    %dma_start3A_938 = arith.constant 0 : i32
    %dma_start3A_939 = tpu.memref_slice %arg3[%dma_start3A_938] : memref<256000xi32, #tpu.memory_space<hbm>> -> memref<256000xi32, #tpu.memory_space<hbm>>
    tpu.enqueue_indirect_dma source(%dma_start3A_939 : memref<256000xi32, #tpu.memory_space<hbm>>) target(%dma_start3A_934 : memref<80xi32, #tpu.memory_space<vmem>>) offsets(%dma_start3A_937 : memref<80xi32, #tpu.memory_space<vmem>>) semaphore(%arg16 : memref<!tpu.dma_semaphore, #tpu.memory_space<semaphore_mem>>)
    %scan3A_940 = arith.constant 0 : i32
    %scan3A_941 = arith.constant 0 : i32
    %scan3A_942 = arith.constant 20 : i32
    %scan3A_943 = arith.addi %scan3A_941, %scan3A_942 : i32
    %scan3A_944 = arith.constant 1 : i32
    scf.for %scan3A_1223 = %scan3A_941 to %scan3A_943 step %scan3A_944  : i32 {
      %rem3A = arith.constant 3 : i32
      %rem3A_1224 = arith.remsi %scan3A_1223, %rem3A : i32
      %add3A_1225 = arith.constant 1 : i32
      %add3A_1226 = arith.addi %scan3A_1223, %add3A_1225 : i32
      %rem3A_1227 = arith.constant 3 : i32
      %rem3A_1228 = arith.remsi %add3A_1226, %rem3A_1227 : i32
      %rem3A_1229 = arith.constant 2 : i32
      %rem3A_1230 = arith.remsi %scan3A_1223, %rem3A_1229 : i32
      %ge3A = arith.constant 2 : i32
      %ge3A_1231 = arith.cmpi sge, %scan3A_1223, %ge3A : i32
      %convert_element_type3A = arith.extui %ge3A_1231 : i1 to i32
      %cond3A = arith.constant 0 : i32
      %cond3A_1232 = arith.cmpi ne, %convert_element_type3A, %cond3A : i32
      scf.if %cond3A_1232 {
        %add3A_1876 = arith.constant 1 : i32
        %add3A_1877 = arith.addi %scan3A_1223, %add3A_1876 : i32
        %rem3A_1878 = arith.constant 3 : i32
        %rem3A_1879 = arith.remsi %add3A_1877, %rem3A_1878 : i32
        %dma_wait3A_1880 = arith.constant 0 : i32
        %dma_wait3A_1881 = arith.constant 0 : i32
        %dma_wait3A_1882 = arith.constant 0 : i32
        %dma_wait3A_1883 = arith.constant 0 : i32
        %dma_wait3A_1884 = tpu.memref_slice %arg10[%rem3A_1230, %dma_wait3A_1880, %dma_wait3A_1882, %dma_wait3A_1883] : memref<2x5x80x64xf32, #tpu.memory_space<vmem>> -> memref<1x1x80x64xf32, #tpu.memory_space<vmem>>
        %dma_wait3A_1885 = tpu.memref_squeeze %dma_wait3A_1884 : memref<1x1x80x64xf32, #tpu.memory_space<vmem>> -> memref<80x64xf32, #tpu.memory_space<vmem>>
        %dma_wait3A_1886 = arith.constant 0 : i32
        %dma_wait3A_1887 = tpu.memref_slice %arg8[%rem3A_1879, %dma_wait3A_1881, %dma_wait3A_1886] : memref<3x5x80xi32, #tpu.memory_space<vmem>> -> memref<1x1x80xi32, #tpu.memory_space<vmem>>
        %dma_wait3A_1888 = tpu.memref_squeeze %dma_wait3A_1887 : memref<1x1x80xi32, #tpu.memory_space<vmem>> -> memref<80xi32, #tpu.memory_space<vmem>>
        %dma_wait3A_1889 = arith.constant 0 : i32
        %dma_wait3A_1890 = arith.constant 0 : i32
        %dma_wait3A_1891 = tpu.memref_slice %arg14[%dma_wait3A_1889, %dma_wait3A_1890] : memref<10240x64xf32, #tpu.memory_space<vmem_shared>> -> memref<10240x64xf32, #tpu.memory_space<vmem_shared>>
        tpu.wait_indirect_dma semaphore(%arg18 : memref<!tpu.dma_semaphore, #tpu.memory_space<semaphore_mem>>) src(%dma_wait3A_1885 : memref<80x64xf32, #tpu.memory_space<vmem>>) dst(%dma_wait3A_1891 : memref<10240x64xf32, #tpu.memory_space<vmem_shared>>)
        %dma_wait3A_1892 = arith.constant 1 : i32
        %dma_wait3A_1893 = arith.constant 1 : i32
        %dma_wait3A_1894 = arith.constant 0 : i32
        %dma_wait3A_1895 = arith.constant 0 : i32
        %dma_wait3A_1896 = tpu.memref_slice %arg10[%rem3A_1230, %dma_wait3A_1892, %dma_wait3A_1894, %dma_wait3A_1895] : memref<2x5x80x64xf32, #tpu.memory_space<vmem>> -> memref<1x1x80x64xf32, #tpu.memory_space<vmem>>
        %dma_wait3A_1897 = tpu.memref_squeeze %dma_wait3A_1896 : memref<1x1x80x64xf32, #tpu.memory_space<vmem>> -> memref<80x64xf32, #tpu.memory_space<vmem>>
        %dma_wait3A_1898 = arith.constant 0 : i32
        %dma_wait3A_1899 = tpu.memref_slice %arg8[%rem3A_1879, %dma_wait3A_1893, %dma_wait3A_1898] : memref<3x5x80xi32, #tpu.memory_space<vmem>> -> memref<1x1x80xi32, #tpu.memory_space<vmem>>
        %dma_wait3A_1900 = tpu.memref_squeeze %dma_wait3A_1899 : memref<1x1x80xi32, #tpu.memory_space<vmem>> -> memref<80xi32, #tpu.memory_space<vmem>>
        %dma_wait3A_1901 = arith.constant 0 : i32
        %dma_wait3A_1902 = arith.constant 0 : i32
        %dma_wait3A_1903 = tpu.memref_slice %arg14[%dma_wait3A_1901, %dma_wait3A_1902] : memref<10240x64xf32, #tpu.memory_space<vmem_shared>> -> memref<10240x64xf32, #tpu.memory_space<vmem_shared>>
        tpu.wait_indirect_dma semaphore(%arg18 : memref<!tpu.dma_semaphore, #tpu.memory_space<semaphore_mem>>) src(%dma_wait3A_1897 : memref<80x64xf32, #tpu.memory_space<vmem>>) dst(%dma_wait3A_1903 : memref<10240x64xf32, #tpu.memory_space<vmem_shared>>)
        %dma_wait3A_1904 = arith.constant 2 : i32
        %dma_wait3A_1905 = arith.constant 2 : i32
        %dma_wait3A_1906 = arith.constant 0 : i32
        %dma_wait3A_1907 = arith.constant 0 : i32
        %dma_wait3A_1908 = tpu.memref_slice %arg10[%rem3A_1230, %dma_wait3A_1904, %dma_wait3A_1906, %dma_wait3A_1907] : memref<2x5x80x64xf32, #tpu.memory_space<vmem>> -> memref<1x1x80x64xf32, #tpu.memory_space<vmem>>
        %dma_wait3A_1909 = tpu.memref_squeeze %dma_wait3A_1908 : memref<1x1x80x64xf32, #tpu.memory_space<vmem>> -> memref<80x64xf32, #tpu.memory_space<vmem>>
        %dma_wait3A_1910 = arith.constant 0 : i32
        %dma_wait3A_1911 = tpu.memref_slice %arg8[%rem3A_1879, %dma_wait3A_1905, %dma_wait3A_1910] : memref<3x5x80xi32, #tpu.memory_space<vmem>> -> memref<1x1x80xi32, #tpu.memory_space<vmem>>
        %dma_wait3A_1912 = tpu.memref_squeeze %dma_wait3A_1911 : memref<1x1x80xi32, #tpu.memory_space<vmem>> -> memref<80xi32, #tpu.memory_space<vmem>>
        %dma_wait3A_1913 = arith.constant 0 : i32
        %dma_wait3A_1914 = arith.constant 0 : i32
        %dma_wait3A_1915 = tpu.memref_slice %arg14[%dma_wait3A_1913, %dma_wait3A_1914] : memref<10240x64xf32, #tpu.memory_space<vmem_shared>> -> memref<10240x64xf32, #tpu.memory_space<vmem_shared>>
        tpu.wait_indirect_dma semaphore(%arg18 : memref<!tpu.dma_semaphore, #tpu.memory_space<semaphore_mem>>) src(%dma_wait3A_1909 : memref<80x64xf32, #tpu.memory_space<vmem>>) dst(%dma_wait3A_1915 : memref<10240x64xf32, #tpu.memory_space<vmem_shared>>)
        %dma_wait3A_1916 = arith.constant 3 : i32
        %dma_wait3A_1917 = arith.constant 3 : i32
        %dma_wait3A_1918 = arith.constant 0 : i32
        %dma_wait3A_1919 = arith.constant 0 : i32
        %dma_wait3A_1920 = tpu.memref_slice %arg10[%rem3A_1230, %dma_wait3A_1916, %dma_wait3A_1918, %dma_wait3A_1919] : memref<2x5x80x64xf32, #tpu.memory_space<vmem>> -> memref<1x1x80x64xf32, #tpu.memory_space<vmem>>
        %dma_wait3A_1921 = tpu.memref_squeeze %dma_wait3A_1920 : memref<1x1x80x64xf32, #tpu.memory_space<vmem>> -> memref<80x64xf32, #tpu.memory_space<vmem>>
        %dma_wait3A_1922 = arith.constant 0 : i32
        %dma_wait3A_1923 = tpu.memref_slice %arg8[%rem3A_1879, %dma_wait3A_1917, %dma_wait3A_1922] : memref<3x5x80xi32, #tpu.memory_space<vmem>> -> memref<1x1x80xi32, #tpu.memory_space<vmem>>
        %dma_wait3A_1924 = tpu.memref_squeeze %dma_wait3A_1923 : memref<1x1x80xi32, #tpu.memory_space<vmem>> -> memref<80xi32, #tpu.memory_space<vmem>>
        %dma_wait3A_1925 = arith.constant 0 : i32
        %dma_wait3A_1926 = arith.constant 0 : i32
        %dma_wait3A_1927 = tpu.memref_slice %arg14[%dma_wait3A_1925, %dma_wait3A_1926] : memref<10240x64xf32, #tpu.memory_space<vmem_shared>> -> memref<10240x64xf32, #tpu.memory_space<vmem_shared>>
        tpu.wait_indirect_dma semaphore(%arg18 : memref<!tpu.dma_semaphore, #tpu.memory_space<semaphore_mem>>) src(%dma_wait3A_1921 : memref<80x64xf32, #tpu.memory_space<vmem>>) dst(%dma_wait3A_1927 : memref<10240x64xf32, #tpu.memory_space<vmem_shared>>)
        %dma_wait3A_1928 = arith.constant 4 : i32
        %dma_wait3A_1929 = arith.constant 4 : i32
        %dma_wait3A_1930 = arith.constant 0 : i32
        %dma_wait3A_1931 = arith.constant 0 : i32
        %dma_wait3A_1932 = tpu.memref_slice %arg10[%rem3A_1230, %dma_wait3A_1928, %dma_wait3A_1930, %dma_wait3A_1931] : memref<2x5x80x64xf32, #tpu.memory_space<vmem>> -> memref<1x1x80x64xf32, #tpu.memory_space<vmem>>
        %dma_wait3A_1933 = tpu.memref_squeeze %dma_wait3A_1932 : memref<1x1x80x64xf32, #tpu.memory_space<vmem>> -> memref<80x64xf32, #tpu.memory_space<vmem>>
        %dma_wait3A_1934 = arith.constant 0 : i32
        %dma_wait3A_1935 = tpu.memref_slice %arg8[%rem3A_1879, %dma_wait3A_1929, %dma_wait3A_1934] : memref<3x5x80xi32, #tpu.memory_space<vmem>> -> memref<1x1x80xi32, #tpu.memory_space<vmem>>
        %dma_wait3A_1936 = tpu.memref_squeeze %dma_wait3A_1935 : memref<1x1x80xi32, #tpu.memory_space<vmem>> -> memref<80xi32, #tpu.memory_space<vmem>>
        %dma_wait3A_1937 = arith.constant 0 : i32
        %dma_wait3A_1938 = arith.constant 0 : i32
        %dma_wait3A_1939 = tpu.memref_slice %arg14[%dma_wait3A_1937, %dma_wait3A_1938] : memref<10240x64xf32, #tpu.memory_space<vmem_shared>> -> memref<10240x64xf32, #tpu.memory_space<vmem_shared>>
        tpu.wait_indirect_dma semaphore(%arg18 : memref<!tpu.dma_semaphore, #tpu.memory_space<semaphore_mem>>) src(%dma_wait3A_1933 : memref<80x64xf32, #tpu.memory_space<vmem>>) dst(%dma_wait3A_1939 : memref<10240x64xf32, #tpu.memory_space<vmem_shared>>)
      } else {
      }
      %add3A_1233 = arith.constant 1 : i32
      %add3A_1234 = arith.addi %scan3A_1223, %add3A_1233 : i32
      %lt3A = arith.constant 20 : i32
      %lt3A_1235 = arith.cmpi slt, %add3A_1234, %lt3A : i32
      %convert_element_type3A_1236 = arith.extui %lt3A_1235 : i1 to i32
      %cond3A_1237 = arith.constant 0 : i32
      %cond3A_1238 = arith.cmpi ne, %convert_element_type3A_1236, %cond3A_1237 : i32
      scf.if %cond3A_1238 {
        %add3A_1876 = arith.constant 1 : i32
        %add3A_1877 = arith.addi %scan3A_1223, %add3A_1876 : i32
        %mul3A_1878 = arith.constant 5 : i32
        %mul3A_1879 = arith.muli %add3A_1877, %mul3A_1878 : i32
        %add3A_1880 = arith.constant 0 : i32
        %add3A_1881 = arith.addi %mul3A_1879, %add3A_1880 : i32
        %mul3A_1882 = arith.constant 80 : i32
        %mul3A_1883 = arith.muli %add3A_1881, %mul3A_1882 : i32
        %add3A_1884 = arith.addi %mul3A_2, %mul3A_1883 : i32
        %dma_start3A_1885 = arith.constant 0 : i32
        %dma_start3A_1886 = arith.constant 0 : i32
        %dma_start3A_1887 = tpu.memref_slice %arg6[%rem3A_1228, %dma_start3A_1885, %dma_start3A_1886] : memref<3x5x80xi32, #tpu.memory_space<vmem>> -> memref<1x1x80xi32, #tpu.memory_space<vmem>>
        %dma_start3A_1888 = tpu.memref_squeeze %dma_start3A_1887 : memref<1x1x80xi32, #tpu.memory_space<vmem>> -> memref<80xi32, #tpu.memory_space<vmem>>
        %dma_start3A_1889 = tpu.memref_slice %arg4[%add3A_1884] : memref<256000xi32, #tpu.memory_space<hbm>> -> memref<80xi32, #tpu.memory_space<hbm>>
        %dma_start3A_1890 = arith.constant 0 : i32
        %dma_start3A_1891 = tpu.memref_slice %arg6[%rem3A_1228, %dma_start3A_1885, %dma_start3A_1890] : memref<3x5x80xi32, #tpu.memory_space<vmem>> -> memref<1x1x80xi32, #tpu.memory_space<vmem>>
        %dma_start3A_1892 = tpu.memref_squeeze %dma_start3A_1891 : memref<1x1x80xi32, #tpu.memory_space<vmem>> -> memref<80xi32, #tpu.memory_space<vmem>>
        %dma_start3A_1893 = tpu.memref_slice %arg4[%add3A_1884] : memref<256000xi32, #tpu.memory_space<hbm>> -> memref<80xi32, #tpu.memory_space<hbm>>
        tpu.enqueue_dma source(%dma_start3A_1893 : memref<80xi32, #tpu.memory_space<hbm>>) target(%dma_start3A_1892 : memref<80xi32, #tpu.memory_space<vmem>>) target_semaphore(%arg15 : memref<!tpu.dma_semaphore, #tpu.memory_space<semaphore_mem>>)
        %mul3A_1894 = arith.constant 5 : i32
        %mul3A_1895 = arith.muli %add3A_1877, %mul3A_1894 : i32
        %add3A_1896 = arith.constant 1 : i32
        %add3A_1897 = arith.addi %mul3A_1895, %add3A_1896 : i32
        %mul3A_1898 = arith.constant 80 : i32
        %mul3A_1899 = arith.muli %add3A_1897, %mul3A_1898 : i32
        %add3A_1900 = arith.addi %mul3A_2, %mul3A_1899 : i32
        %dma_start3A_1901 = arith.constant 1 : i32
        %dma_start3A_1902 = arith.constant 0 : i32
        %dma_start3A_1903 = tpu.memref_slice %arg6[%rem3A_1228, %dma_start3A_1901, %dma_start3A_1902] : memref<3x5x80xi32, #tpu.memory_space<vmem>> -> memref<1x1x80xi32, #tpu.memory_space<vmem>>
        %dma_start3A_1904 = tpu.memref_squeeze %dma_start3A_1903 : memref<1x1x80xi32, #tpu.memory_space<vmem>> -> memref<80xi32, #tpu.memory_space<vmem>>
        %dma_start3A_1905 = tpu.memref_slice %arg4[%add3A_1900] : memref<256000xi32, #tpu.memory_space<hbm>> -> memref<80xi32, #tpu.memory_space<hbm>>
        %dma_start3A_1906 = arith.constant 0 : i32
        %dma_start3A_1907 = tpu.memref_slice %arg6[%rem3A_1228, %dma_start3A_1901, %dma_start3A_1906] : memref<3x5x80xi32, #tpu.memory_space<vmem>> -> memref<1x1x80xi32, #tpu.memory_space<vmem>>
        %dma_start3A_1908 = tpu.memref_squeeze %dma_start3A_1907 : memref<1x1x80xi32, #tpu.memory_space<vmem>> -> memref<80xi32, #tpu.memory_space<vmem>>
        %dma_start3A_1909 = tpu.memref_slice %arg4[%add3A_1900] : memref<256000xi32, #tpu.memory_space<hbm>> -> memref<80xi32, #tpu.memory_space<hbm>>
        tpu.enqueue_dma source(%dma_start3A_1909 : memref<80xi32, #tpu.memory_space<hbm>>) target(%dma_start3A_1908 : memref<80xi32, #tpu.memory_space<vmem>>) target_semaphore(%arg15 : memref<!tpu.dma_semaphore, #tpu.memory_space<semaphore_mem>>)
        %mul3A_1910 = arith.constant 5 : i32
        %mul3A_1911 = arith.muli %add3A_1877, %mul3A_1910 : i32
        %add3A_1912 = arith.constant 2 : i32
        %add3A_1913 = arith.addi %mul3A_1911, %add3A_1912 : i32
        %mul3A_1914 = arith.constant 80 : i32
        %mul3A_1915 = arith.muli %add3A_1913, %mul3A_1914 : i32
        %add3A_1916 = arith.addi %mul3A_2, %mul3A_1915 : i32
        %dma_start3A_1917 = arith.constant 2 : i32
        %dma_start3A_1918 = arith.constant 0 : i32
        %dma_start3A_1919 = tpu.memref_slice %arg6[%rem3A_1228, %dma_start3A_1917, %dma_start3A_1918] : memref<3x5x80xi32, #tpu.memory_space<vmem>> -> memref<1x1x80xi32, #tpu.memory_space<vmem>>
        %dma_start3A_1920 = tpu.memref_squeeze %dma_start3A_1919 : memref<1x1x80xi32, #tpu.memory_space<vmem>> -> memref<80xi32, #tpu.memory_space<vmem>>
        %dma_start3A_1921 = tpu.memref_slice %arg4[%add3A_1916] : memref<256000xi32, #tpu.memory_space<hbm>> -> memref<80xi32, #tpu.memory_space<hbm>>
        %dma_start3A_1922 = arith.constant 0 : i32
        %dma_start3A_1923 = tpu.memref_slice %arg6[%rem3A_1228, %dma_start3A_1917, %dma_start3A_1922] : memref<3x5x80xi32, #tpu.memory_space<vmem>> -> memref<1x1x80xi32, #tpu.memory_space<vmem>>
        %dma_start3A_1924 = tpu.memref_squeeze %dma_start3A_1923 : memref<1x1x80xi32, #tpu.memory_space<vmem>> -> memref<80xi32, #tpu.memory_space<vmem>>
        %dma_start3A_1925 = tpu.memref_slice %arg4[%add3A_1916] : memref<256000xi32, #tpu.memory_space<hbm>> -> memref<80xi32, #tpu.memory_space<hbm>>
        tpu.enqueue_dma source(%dma_start3A_1925 : memref<80xi32, #tpu.memory_space<hbm>>) target(%dma_start3A_1924 : memref<80xi32, #tpu.memory_space<vmem>>) target_semaphore(%arg15 : memref<!tpu.dma_semaphore, #tpu.memory_space<semaphore_mem>>)
        %mul3A_1926 = arith.constant 5 : i32
        %mul3A_1927 = arith.muli %add3A_1877, %mul3A_1926 : i32
        %add3A_1928 = arith.constant 3 : i32
        %add3A_1929 = arith.addi %mul3A_1927, %add3A_1928 : i32
        %mul3A_1930 = arith.constant 80 : i32
        %mul3A_1931 = arith.muli %add3A_1929, %mul3A_1930 : i32
        %add3A_1932 = arith.addi %mul3A_2, %mul3A_1931 : i32
        %dma_start3A_1933 = arith.constant 3 : i32
        %dma_start3A_1934 = arith.constant 0 : i32
        %dma_start3A_1935 = tpu.memref_slice %arg6[%rem3A_1228, %dma_start3A_1933, %dma_start3A_1934] : memref<3x5x80xi32, #tpu.memory_space<vmem>> -> memref<1x1x80xi32, #tpu.memory_space<vmem>>
        %dma_start3A_1936 = tpu.memref_squeeze %dma_start3A_1935 : memref<1x1x80xi32, #tpu.memory_space<vmem>> -> memref<80xi32, #tpu.memory_space<vmem>>
        %dma_start3A_1937 = tpu.memref_slice %arg4[%add3A_1932] : memref<256000xi32, #tpu.memory_space<hbm>> -> memref<80xi32, #tpu.memory_space<hbm>>
        %dma_start3A_1938 = arith.constant 0 : i32
        %dma_start3A_1939 = tpu.memref_slice %arg6[%rem3A_1228, %dma_start3A_1933, %dma_start3A_1938] : memref<3x5x80xi32, #tpu.memory_space<vmem>> -> memref<1x1x80xi32, #tpu.memory_space<vmem>>
        %dma_start3A_1940 = tpu.memref_squeeze %dma_start3A_1939 : memref<1x1x80xi32, #tpu.memory_space<vmem>> -> memref<80xi32, #tpu.memory_space<vmem>>
        %dma_start3A_1941 = tpu.memref_slice %arg4[%add3A_1932] : memref<256000xi32, #tpu.memory_space<hbm>> -> memref<80xi32, #tpu.memory_space<hbm>>
        tpu.enqueue_dma source(%dma_start3A_1941 : memref<80xi32, #tpu.memory_space<hbm>>) target(%dma_start3A_1940 : memref<80xi32, #tpu.memory_space<vmem>>) target_semaphore(%arg15 : memref<!tpu.dma_semaphore, #tpu.memory_space<semaphore_mem>>)
        %mul3A_1942 = arith.constant 5 : i32
        %mul3A_1943 = arith.muli %add3A_1877, %mul3A_1942 : i32
        %add3A_1944 = arith.constant 4 : i32
        %add3A_1945 = arith.addi %mul3A_1943, %add3A_1944 : i32
        %mul3A_1946 = arith.constant 80 : i32
        %mul3A_1947 = arith.muli %add3A_1945, %mul3A_1946 : i32
        %add3A_1948 = arith.addi %mul3A_2, %mul3A_1947 : i32
        %dma_start3A_1949 = arith.constant 4 : i32
        %dma_start3A_1950 = arith.constant 0 : i32
        %dma_start3A_1951 = tpu.memref_slice %arg6[%rem3A_1228, %dma_start3A_1949, %dma_start3A_1950] : memref<3x5x80xi32, #tpu.memory_space<vmem>> -> memref<1x1x80xi32, #tpu.memory_space<vmem>>
        %dma_start3A_1952 = tpu.memref_squeeze %dma_start3A_1951 : memref<1x1x80xi32, #tpu.memory_space<vmem>> -> memref<80xi32, #tpu.memory_space<vmem>>
        %dma_start3A_1953 = tpu.memref_slice %arg4[%add3A_1948] : memref<256000xi32, #tpu.memory_space<hbm>> -> memref<80xi32, #tpu.memory_space<hbm>>
        %dma_start3A_1954 = arith.constant 0 : i32
        %dma_start3A_1955 = tpu.memref_slice %arg6[%rem3A_1228, %dma_start3A_1949, %dma_start3A_1954] : memref<3x5x80xi32, #tpu.memory_space<vmem>> -> memref<1x1x80xi32, #tpu.memory_space<vmem>>
        %dma_start3A_1956 = tpu.memref_squeeze %dma_start3A_1955 : memref<1x1x80xi32, #tpu.memory_space<vmem>> -> memref<80xi32, #tpu.memory_space<vmem>>
        %dma_start3A_1957 = tpu.memref_slice %arg4[%add3A_1948] : memref<256000xi32, #tpu.memory_space<hbm>> -> memref<80xi32, #tpu.memory_space<hbm>>
        tpu.enqueue_dma source(%dma_start3A_1957 : memref<80xi32, #tpu.memory_space<hbm>>) target(%dma_start3A_1956 : memref<80xi32, #tpu.memory_space<vmem>>) target_semaphore(%arg15 : memref<!tpu.dma_semaphore, #tpu.memory_space<semaphore_mem>>)
      } else {
      }
      %dma_wait3A_1239 = arith.constant 0 : i32
      %dma_wait3A_1240 = arith.constant 0 : i32
      %dma_wait3A_1241 = arith.constant 0 : i32
      %dma_wait3A_1242 = tpu.memref_slice %arg9[%rem3A_1230, %dma_wait3A_1240, %dma_wait3A_1241] : memref<2x5x80xi32, #tpu.memory_space<vmem>> -> memref<1x1x80xi32, #tpu.memory_space<vmem>>
      %dma_wait3A_1243 = tpu.memref_squeeze %dma_wait3A_1242 : memref<1x1x80xi32, #tpu.memory_space<vmem>> -> memref<80xi32, #tpu.memory_space<vmem>>
      %dma_wait3A_1244 = arith.constant 0 : i32
      %dma_wait3A_1245 = tpu.memref_slice %arg7[%rem3A_1224, %dma_wait3A_1239, %dma_wait3A_1244] : memref<3x5x80xi32, #tpu.memory_space<vmem>> -> memref<1x1x80xi32, #tpu.memory_space<vmem>>
      %dma_wait3A_1246 = tpu.memref_squeeze %dma_wait3A_1245 : memref<1x1x80xi32, #tpu.memory_space<vmem>> -> memref<80xi32, #tpu.memory_space<vmem>>
      %dma_wait3A_1247 = arith.constant 0 : i32
      %dma_wait3A_1248 = tpu.memref_slice %arg3[%dma_wait3A_1247] : memref<256000xi32, #tpu.memory_space<hbm>> -> memref<256000xi32, #tpu.memory_space<hbm>>
      tpu.wait_indirect_dma semaphore(%arg16 : memref<!tpu.dma_semaphore, #tpu.memory_space<semaphore_mem>>) src(%dma_wait3A_1248 : memref<256000xi32, #tpu.memory_space<hbm>>) dst(%dma_wait3A_1243 : memref<80xi32, #tpu.memory_space<vmem>>)
      %dma_wait3A_1249 = arith.constant 1 : i32
      %dma_wait3A_1250 = arith.constant 1 : i32
      %dma_wait3A_1251 = arith.constant 0 : i32
      %dma_wait3A_1252 = tpu.memref_slice %arg9[%rem3A_1230, %dma_wait3A_1250, %dma_wait3A_1251] : memref<2x5x80xi32, #tpu.memory_space<vmem>> -> memref<1x1x80xi32, #tpu.memory_space<vmem>>
      %dma_wait3A_1253 = tpu.memref_squeeze %dma_wait3A_1252 : memref<1x1x80xi32, #tpu.memory_space<vmem>> -> memref<80xi32, #tpu.memory_space<vmem>>
      %dma_wait3A_1254 = arith.constant 0 : i32
      %dma_wait3A_1255 = tpu.memref_slice %arg7[%rem3A_1224, %dma_wait3A_1249, %dma_wait3A_1254] : memref<3x5x80xi32, #tpu.memory_space<vmem>> -> memref<1x1x80xi32, #tpu.memory_space<vmem>>
      %dma_wait3A_1256 = tpu.memref_squeeze %dma_wait3A_1255 : memref<1x1x80xi32, #tpu.memory_space<vmem>> -> memref<80xi32, #tpu.memory_space<vmem>>
      %dma_wait3A_1257 = arith.constant 0 : i32
      %dma_wait3A_1258 = tpu.memref_slice %arg3[%dma_wait3A_1257] : memref<256000xi32, #tpu.memory_space<hbm>> -> memref<256000xi32, #tpu.memory_space<hbm>>
      tpu.wait_indirect_dma semaphore(%arg16 : memref<!tpu.dma_semaphore, #tpu.memory_space<semaphore_mem>>) src(%dma_wait3A_1258 : memref<256000xi32, #tpu.memory_space<hbm>>) dst(%dma_wait3A_1253 : memref<80xi32, #tpu.memory_space<vmem>>)
      %dma_wait3A_1259 = arith.constant 2 : i32
      %dma_wait3A_1260 = arith.constant 2 : i32
      %dma_wait3A_1261 = arith.constant 0 : i32
      %dma_wait3A_1262 = tpu.memref_slice %arg9[%rem3A_1230, %dma_wait3A_1260, %dma_wait3A_1261] : memref<2x5x80xi32, #tpu.memory_space<vmem>> -> memref<1x1x80xi32, #tpu.memory_space<vmem>>
      %dma_wait3A_1263 = tpu.memref_squeeze %dma_wait3A_1262 : memref<1x1x80xi32, #tpu.memory_space<vmem>> -> memref<80xi32, #tpu.memory_space<vmem>>
      %dma_wait3A_1264 = arith.constant 0 : i32
      %dma_wait3A_1265 = tpu.memref_slice %arg7[%rem3A_1224, %dma_wait3A_1259, %dma_wait3A_1264] : memref<3x5x80xi32, #tpu.memory_space<vmem>> -> memref<1x1x80xi32, #tpu.memory_space<vmem>>
      %dma_wait3A_1266 = tpu.memref_squeeze %dma_wait3A_1265 : memref<1x1x80xi32, #tpu.memory_space<vmem>> -> memref<80xi32, #tpu.memory_space<vmem>>
      %dma_wait3A_1267 = arith.constant 0 : i32
      %dma_wait3A_1268 = tpu.memref_slice %arg3[%dma_wait3A_1267] : memref<256000xi32, #tpu.memory_space<hbm>> -> memref<256000xi32, #tpu.memory_space<hbm>>
      tpu.wait_indirect_dma semaphore(%arg16 : memref<!tpu.dma_semaphore, #tpu.memory_space<semaphore_mem>>) src(%dma_wait3A_1268 : memref<256000xi32, #tpu.memory_space<hbm>>) dst(%dma_wait3A_1263 : memref<80xi32, #tpu.memory_space<vmem>>)
      %dma_wait3A_1269 = arith.constant 3 : i32
      %dma_wait3A_1270 = arith.constant 3 : i32
      %dma_wait3A_1271 = arith.constant 0 : i32
      %dma_wait3A_1272 = tpu.memref_slice %arg9[%rem3A_1230, %dma_wait3A_1270, %dma_wait3A_1271] : memref<2x5x80xi32, #tpu.memory_space<vmem>> -> memref<1x1x80xi32, #tpu.memory_space<vmem>>
      %dma_wait3A_1273 = tpu.memref_squeeze %dma_wait3A_1272 : memref<1x1x80xi32, #tpu.memory_space<vmem>> -> memref<80xi32, #tpu.memory_space<vmem>>
      %dma_wait3A_1274 = arith.constant 0 : i32
      %dma_wait3A_1275 = tpu.memref_slice %arg7[%rem3A_1224, %dma_wait3A_1269, %dma_wait3A_1274] : memref<3x5x80xi32, #tpu.memory_space<vmem>> -> memref<1x1x80xi32, #tpu.memory_space<vmem>>
      %dma_wait3A_1276 = tpu.memref_squeeze %dma_wait3A_1275 : memref<1x1x80xi32, #tpu.memory_space<vmem>> -> memref<80xi32, #tpu.memory_space<vmem>>
      %dma_wait3A_1277 = arith.constant 0 : i32
      %dma_wait3A_1278 = tpu.memref_slice %arg3[%dma_wait3A_1277] : memref<256000xi32, #tpu.memory_space<hbm>> -> memref<256000xi32, #tpu.memory_space<hbm>>
      tpu.wait_indirect_dma semaphore(%arg16 : memref<!tpu.dma_semaphore, #tpu.memory_space<semaphore_mem>>) src(%dma_wait3A_1278 : memref<256000xi32, #tpu.memory_space<hbm>>) dst(%dma_wait3A_1273 : memref<80xi32, #tpu.memory_space<vmem>>)
      %dma_wait3A_1279 = arith.constant 4 : i32
      %dma_wait3A_1280 = arith.constant 4 : i32
      %dma_wait3A_1281 = arith.constant 0 : i32
      %dma_wait3A_1282 = tpu.memref_slice %arg9[%rem3A_1230, %dma_wait3A_1280, %dma_wait3A_1281] : memref<2x5x80xi32, #tpu.memory_space<vmem>> -> memref<1x1x80xi32, #tpu.memory_space<vmem>>
      %dma_wait3A_1283 = tpu.memref_squeeze %dma_wait3A_1282 : memref<1x1x80xi32, #tpu.memory_space<vmem>> -> memref<80xi32, #tpu.memory_space<vmem>>
      %dma_wait3A_1284 = arith.constant 0 : i32
      %dma_wait3A_1285 = tpu.memref_slice %arg7[%rem3A_1224, %dma_wait3A_1279, %dma_wait3A_1284] : memref<3x5x80xi32, #tpu.memory_space<vmem>> -> memref<1x1x80xi32, #tpu.memory_space<vmem>>
      %dma_wait3A_1286 = tpu.memref_squeeze %dma_wait3A_1285 : memref<1x1x80xi32, #tpu.memory_space<vmem>> -> memref<80xi32, #tpu.memory_space<vmem>>
      %dma_wait3A_1287 = arith.constant 0 : i32
      %dma_wait3A_1288 = tpu.memref_slice %arg3[%dma_wait3A_1287] : memref<256000xi32, #tpu.memory_space<hbm>> -> memref<256000xi32, #tpu.memory_space<hbm>>
      tpu.wait_indirect_dma semaphore(%arg16 : memref<!tpu.dma_semaphore, #tpu.memory_space<semaphore_mem>>) src(%dma_wait3A_1288 : memref<256000xi32, #tpu.memory_space<hbm>>) dst(%dma_wait3A_1283 : memref<80xi32, #tpu.memory_space<vmem>>)
      %get3A_1289 = arith.constant 0 : i32
      %get3A_1290 = arith.index_cast %rem3A_1230 : i32 to index
      %get3A_1291 = arith.index_cast %get3A_1289 : i32 to index
      %get3A_1292 = arith.constant 0 : index
      %get3A_1293 = tpu.vector_load %arg9[%get3A_1290, %get3A_1291, %get3A_1292] {strides = array<i32>} : memref<2x5x80xi32, #tpu.memory_space<vmem>>, vector<1x1x16xi32>,
      %get3A_1294 = vector.shape_cast %get3A_1293 : vector<1x1x16xi32> to vector<16xi32>
      %mul3A_1295 = arith.constant 2 : i32
      %mul3A_1296 = vector.broadcast %mul3A_1295 : i32 to vector<16xi32>
      %mul3A_1297 = arith.muli %get3A_1294, %mul3A_1296 : vector<16xi32>
      %swap3A_1298 = arith.constant 0 : i32
      %swap3A_1299 = arith.index_cast %rem3A_1230 : i32 to index
      %swap3A_1300 = arith.index_cast %swap3A_1298 : i32 to index
      %swap3A_1301 = arith.constant 0 : index
      %swap3A_1302 = tpu.vector_load %arg9[%swap3A_1299, %swap3A_1300, %swap3A_1301] {strides = array<i32>} : memref<2x5x80xi32, #tpu.memory_space<vmem>>, vector<1x1x16xi32>,
      %swap3A_1303 = vector.shape_cast %swap3A_1302 : vector<1x1x16xi32> to vector<16xi32>
      %swap3A_1304 = vector.shape_cast %mul3A_1297 : vector<16xi32> to vector<1x1x16xi32>
      tpu.vector_store %arg9[%swap3A_1299, %swap3A_1300, %swap3A_1301], %swap3A_1304 {strides = array<i32>} : memref<2x5x80xi32, #tpu.memory_space<vmem>>, vector<1x1x16xi32>,
      %get3A_1305 = arith.constant 0 : i32
      %get3A_1306 = arith.index_cast %rem3A_1230 : i32 to index
      %get3A_1307 = arith.index_cast %get3A_1305 : i32 to index
      %get3A_1308 = arith.constant 16 : index
      %get3A_1309 = tpu.vector_load %arg9[%get3A_1306, %get3A_1307, %get3A_1308] {strides = array<i32>} : memref<2x5x80xi32, #tpu.memory_space<vmem>>, vector<1x1x16xi32>,
      %get3A_1310 = vector.shape_cast %get3A_1309 : vector<1x1x16xi32> to vector<16xi32>
      %mul3A_1311 = arith.constant 2 : i32
      %mul3A_1312 = vector.broadcast %mul3A_1311 : i32 to vector<16xi32>
      %mul3A_1313 = arith.muli %get3A_1310, %mul3A_1312 : vector<16xi32>
      %swap3A_1314 = arith.constant 0 : i32
      %swap3A_1315 = arith.index_cast %rem3A_1230 : i32 to index
      %swap3A_1316 = arith.index_cast %swap3A_1314 : i32 to index
      %swap3A_1317 = arith.constant 16 : index
      %swap3A_1318 = tpu.vector_load %arg9[%swap3A_1315, %swap3A_1316, %swap3A_1317] {strides = array<i32>} : memref<2x5x80xi32, #tpu.memory_space<vmem>>, vector<1x1x16xi32>,
      %swap3A_1319 = vector.shape_cast %swap3A_1318 : vector<1x1x16xi32> to vector<16xi32>
      %swap3A_1320 = vector.shape_cast %mul3A_1313 : vector<16xi32> to vector<1x1x16xi32>
      tpu.vector_store %arg9[%swap3A_1315, %swap3A_1316, %swap3A_1317], %swap3A_1320 {strides = array<i32>} : memref<2x5x80xi32, #tpu.memory_space<vmem>>, vector<1x1x16xi32>,
      %get3A_1321 = arith.constant 0 : i32
      %get3A_1322 = arith.index_cast %rem3A_1230 : i32 to index
      %get3A_1323 = arith.index_cast %get3A_1321 : i32 to index
      %get3A_1324 = arith.constant 32 : index
      %get3A_1325 = tpu.vector_load %arg9[%get3A_1322, %get3A_1323, %get3A_1324] {strides = array<i32>} : memref<2x5x80xi32, #tpu.memory_space<vmem>>, vector<1x1x16xi32>,
      %get3A_1326 = vector.shape_cast %get3A_1325 : vector<1x1x16xi32> to vector<16xi32>
      %mul3A_1327 = arith.constant 2 : i32
      %mul3A_1328 = vector.broadcast %mul3A_1327 : i32 to vector<16xi32>
      %mul3A_1329 = arith.muli %get3A_1326, %mul3A_1328 : vector<16xi32>
      %swap3A_1330 = arith.constant 0 : i32
      %swap3A_1331 = arith.index_cast %rem3A_1230 : i32 to index
      %swap3A_1332 = arith.index_cast %swap3A_1330 : i32 to index
      %swap3A_1333 = arith.constant 32 : index
      %swap3A_1334 = tpu.vector_load %arg9[%swap3A_1331, %swap3A_1332, %swap3A_1333] {strides = array<i32>} : memref<2x5x80xi32, #tpu.memory_space<vmem>>, vector<1x1x16xi32>,
      %swap3A_1335 = vector.shape_cast %swap3A_1334 : vector<1x1x16xi32> to vector<16xi32>
      %swap3A_1336 = vector.shape_cast %mul3A_1329 : vector<16xi32> to vector<1x1x16xi32>
      tpu.vector_store %arg9[%swap3A_1331, %swap3A_1332, %swap3A_1333], %swap3A_1336 {strides = array<i32>} : memref<2x5x80xi32, #tpu.memory_space<vmem>>, vector<1x1x16xi32>,
      %get3A_1337 = arith.constant 0 : i32
      %get3A_1338 = arith.index_cast %rem3A_1230 : i32 to index
      %get3A_1339 = arith.index_cast %get3A_1337 : i32 to index
      %get3A_1340 = arith.constant 48 : index
      %get3A_1341 = tpu.vector_load %arg9[%get3A_1338, %get3A_1339, %get3A_1340] {strides = array<i32>} : memref<2x5x80xi32, #tpu.memory_space<vmem>>, vector<1x1x16xi32>,
      %get3A_1342 = vector.shape_cast %get3A_1341 : vector<1x1x16xi32> to vector<16xi32>
      %mul3A_1343 = arith.constant 2 : i32
      %mul3A_1344 = vector.broadcast %mul3A_1343 : i32 to vector<16xi32>
      %mul3A_1345 = arith.muli %get3A_1342, %mul3A_1344 : vector<16xi32>
      %swap3A_1346 = arith.constant 0 : i32
      %swap3A_1347 = arith.index_cast %rem3A_1230 : i32 to index
      %swap3A_1348 = arith.index_cast %swap3A_1346 : i32 to index
      %swap3A_1349 = arith.constant 48 : index
      %swap3A_1350 = tpu.vector_load %arg9[%swap3A_1347, %swap3A_1348, %swap3A_1349] {strides = array<i32>} : memref<2x5x80xi32, #tpu.memory_space<vmem>>, vector<1x1x16xi32>,
      %swap3A_1351 = vector.shape_cast %swap3A_1350 : vector<1x1x16xi32> to vector<16xi32>
      %swap3A_1352 = vector.shape_cast %mul3A_1345 : vector<16xi32> to vector<1x1x16xi32>
      tpu.vector_store %arg9[%swap3A_1347, %swap3A_1348, %swap3A_1349], %swap3A_1352 {strides = array<i32>} : memref<2x5x80xi32, #tpu.memory_space<vmem>>, vector<1x1x16xi32>,
      %get3A_1353 = arith.constant 0 : i32
      %get3A_1354 = arith.index_cast %rem3A_1230 : i32 to index
      %get3A_1355 = arith.index_cast %get3A_1353 : i32 to index
      %get3A_1356 = arith.constant 64 : index
      %get3A_1357 = tpu.vector_load %arg9[%get3A_1354, %get3A_1355, %get3A_1356] {strides = array<i32>} : memref<2x5x80xi32, #tpu.memory_space<vmem>>, vector<1x1x16xi32>,
      %get3A_1358 = vector.shape_cast %get3A_1357 : vector<1x1x16xi32> to vector<16xi32>
      %mul3A_1359 = arith.constant 2 : i32
      %mul3A_1360 = vector.broadcast %mul3A_1359 : i32 to vector<16xi32>
      %mul3A_1361 = arith.muli %get3A_1358, %mul3A_1360 : vector<16xi32>
      %swap3A_1362 = arith.constant 0 : i32
      %swap3A_1363 = arith.index_cast %rem3A_1230 : i32 to index
      %swap3A_1364 = arith.index_cast %swap3A_1362 : i32 to index
      %swap3A_1365 = arith.constant 64 : index
      %swap3A_1366 = tpu.vector_load %arg9[%swap3A_1363, %swap3A_1364, %swap3A_1365] {strides = array<i32>} : memref<2x5x80xi32, #tpu.memory_space<vmem>>, vector<1x1x16xi32>,
      %swap3A_1367 = vector.shape_cast %swap3A_1366 : vector<1x1x16xi32> to vector<16xi32>
      %swap3A_1368 = vector.shape_cast %mul3A_1361 : vector<16xi32> to vector<1x1x16xi32>
      tpu.vector_store %arg9[%swap3A_1363, %swap3A_1364, %swap3A_1365], %swap3A_1368 {strides = array<i32>} : memref<2x5x80xi32, #tpu.memory_space<vmem>>, vector<1x1x16xi32>,
      %get3A_1369 = arith.constant 1 : i32
      %get3A_1370 = arith.index_cast %rem3A_1230 : i32 to index
      %get3A_1371 = arith.index_cast %get3A_1369 : i32 to index
      %get3A_1372 = arith.constant 0 : index
      %get3A_1373 = tpu.vector_load %arg9[%get3A_1370, %get3A_1371, %get3A_1372] {strides = array<i32>} : memref<2x5x80xi32, #tpu.memory_space<vmem>>, vector<1x1x16xi32>,
      %get3A_1374 = vector.shape_cast %get3A_1373 : vector<1x1x16xi32> to vector<16xi32>
      %mul3A_1375 = arith.constant 2 : i32
      %mul3A_1376 = vector.broadcast %mul3A_1375 : i32 to vector<16xi32>
      %mul3A_1377 = arith.muli %get3A_1374, %mul3A_1376 : vector<16xi32>
      %swap3A_1378 = arith.constant 1 : i32
      %swap3A_1379 = arith.index_cast %rem3A_1230 : i32 to index
      %swap3A_1380 = arith.index_cast %swap3A_1378 : i32 to index
      %swap3A_1381 = arith.constant 0 : index
      %swap3A_1382 = tpu.vector_load %arg9[%swap3A_1379, %swap3A_1380, %swap3A_1381] {strides = array<i32>} : memref<2x5x80xi32, #tpu.memory_space<vmem>>, vector<1x1x16xi32>,
      %swap3A_1383 = vector.shape_cast %swap3A_1382 : vector<1x1x16xi32> to vector<16xi32>
      %swap3A_1384 = vector.shape_cast %mul3A_1377 : vector<16xi32> to vector<1x1x16xi32>
      tpu.vector_store %arg9[%swap3A_1379, %swap3A_1380, %swap3A_1381], %swap3A_1384 {strides = array<i32>} : memref<2x5x80xi32, #tpu.memory_space<vmem>>, vector<1x1x16xi32>,
      %get3A_1385 = arith.constant 1 : i32
      %get3A_1386 = arith.index_cast %rem3A_1230 : i32 to index
      %get3A_1387 = arith.index_cast %get3A_1385 : i32 to index
      %get3A_1388 = arith.constant 16 : index
      %get3A_1389 = tpu.vector_load %arg9[%get3A_1386, %get3A_1387, %get3A_1388] {strides = array<i32>} : memref<2x5x80xi32, #tpu.memory_space<vmem>>, vector<1x1x16xi32>,
      %get3A_1390 = vector.shape_cast %get3A_1389 : vector<1x1x16xi32> to vector<16xi32>
      %mul3A_1391 = arith.constant 2 : i32
      %mul3A_1392 = vector.broadcast %mul3A_1391 : i32 to vector<16xi32>
      %mul3A_1393 = arith.muli %get3A_1390, %mul3A_1392 : vector<16xi32>
      %swap3A_1394 = arith.constant 1 : i32
      %swap3A_1395 = arith.index_cast %rem3A_1230 : i32 to index
      %swap3A_1396 = arith.index_cast %swap3A_1394 : i32 to index
      %swap3A_1397 = arith.constant 16 : index
      %swap3A_1398 = tpu.vector_load %arg9[%swap3A_1395, %swap3A_1396, %swap3A_1397] {strides = array<i32>} : memref<2x5x80xi32, #tpu.memory_space<vmem>>, vector<1x1x16xi32>,
      %swap3A_1399 = vector.shape_cast %swap3A_1398 : vector<1x1x16xi32> to vector<16xi32>
      %swap3A_1400 = vector.shape_cast %mul3A_1393 : vector<16xi32> to vector<1x1x16xi32>
      tpu.vector_store %arg9[%swap3A_1395, %swap3A_1396, %swap3A_1397], %swap3A_1400 {strides = array<i32>} : memref<2x5x80xi32, #tpu.memory_space<vmem>>, vector<1x1x16xi32>,
      %get3A_1401 = arith.constant 1 : i32
      %get3A_1402 = arith.index_cast %rem3A_1230 : i32 to index
      %get3A_1403 = arith.index_cast %get3A_1401 : i32 to index
      %get3A_1404 = arith.constant 32 : index
      %get3A_1405 = tpu.vector_load %arg9[%get3A_1402, %get3A_1403, %get3A_1404] {strides = array<i32>} : memref<2x5x80xi32, #tpu.memory_space<vmem>>, vector<1x1x16xi32>,
      %get3A_1406 = vector.shape_cast %get3A_1405 : vector<1x1x16xi32> to vector<16xi32>
      %mul3A_1407 = arith.constant 2 : i32
      %mul3A_1408 = vector.broadcast %mul3A_1407 : i32 to vector<16xi32>
      %mul3A_1409 = arith.muli %get3A_1406, %mul3A_1408 : vector<16xi32>
      %swap3A_1410 = arith.constant 1 : i32
      %swap3A_1411 = arith.index_cast %rem3A_1230 : i32 to index
      %swap3A_1412 = arith.index_cast %swap3A_1410 : i32 to index
      %swap3A_1413 = arith.constant 32 : index
      %swap3A_1414 = tpu.vector_load %arg9[%swap3A_1411, %swap3A_1412, %swap3A_1413] {strides = array<i32>} : memref<2x5x80xi32, #tpu.memory_space<vmem>>, vector<1x1x16xi32>,
      %swap3A_1415 = vector.shape_cast %swap3A_1414 : vector<1x1x16xi32> to vector<16xi32>
      %swap3A_1416 = vector.shape_cast %mul3A_1409 : vector<16xi32> to vector<1x1x16xi32>
      tpu.vector_store %arg9[%swap3A_1411, %swap3A_1412, %swap3A_1413], %swap3A_1416 {strides = array<i32>} : memref<2x5x80xi32, #tpu.memory_space<vmem>>, vector<1x1x16xi32>,
      %get3A_1417 = arith.constant 1 : i32
      %get3A_1418 = arith.index_cast %rem3A_1230 : i32 to index
      %get3A_1419 = arith.index_cast %get3A_1417 : i32 to index
      %get3A_1420 = arith.constant 48 : index
      %get3A_1421 = tpu.vector_load %arg9[%get3A_1418, %get3A_1419, %get3A_1420] {strides = array<i32>} : memref<2x5x80xi32, #tpu.memory_space<vmem>>, vector<1x1x16xi32>,
      %get3A_1422 = vector.shape_cast %get3A_1421 : vector<1x1x16xi32> to vector<16xi32>
      %mul3A_1423 = arith.constant 2 : i32
      %mul3A_1424 = vector.broadcast %mul3A_1423 : i32 to vector<16xi32>
      %mul3A_1425 = arith.muli %get3A_1422, %mul3A_1424 : vector<16xi32>
      %swap3A_1426 = arith.constant 1 : i32
      %swap3A_1427 = arith.index_cast %rem3A_1230 : i32 to index
      %swap3A_1428 = arith.index_cast %swap3A_1426 : i32 to index
      %swap3A_1429 = arith.constant 48 : index
      %swap3A_1430 = tpu.vector_load %arg9[%swap3A_1427, %swap3A_1428, %swap3A_1429] {strides = array<i32>} : memref<2x5x80xi32, #tpu.memory_space<vmem>>, vector<1x1x16xi32>,
      %swap3A_1431 = vector.shape_cast %swap3A_1430 : vector<1x1x16xi32> to vector<16xi32>
      %swap3A_1432 = vector.shape_cast %mul3A_1425 : vector<16xi32> to vector<1x1x16xi32>
      tpu.vector_store %arg9[%swap3A_1427, %swap3A_1428, %swap3A_1429], %swap3A_1432 {strides = array<i32>} : memref<2x5x80xi32, #tpu.memory_space<vmem>>, vector<1x1x16xi32>,
      %get3A_1433 = arith.constant 1 : i32
      %get3A_1434 = arith.index_cast %rem3A_1230 : i32 to index
      %get3A_1435 = arith.index_cast %get3A_1433 : i32 to index
      %get3A_1436 = arith.constant 64 : index
      %get3A_1437 = tpu.vector_load %arg9[%get3A_1434, %get3A_1435, %get3A_1436] {strides = array<i32>} : memref<2x5x80xi32, #tpu.memory_space<vmem>>, vector<1x1x16xi32>,
      %get3A_1438 = vector.shape_cast %get3A_1437 : vector<1x1x16xi32> to vector<16xi32>
      %mul3A_1439 = arith.constant 2 : i32
      %mul3A_1440 = vector.broadcast %mul3A_1439 : i32 to vector<16xi32>
      %mul3A_1441 = arith.muli %get3A_1438, %mul3A_1440 : vector<16xi32>
      %swap3A_1442 = arith.constant 1 : i32
      %swap3A_1443 = arith.index_cast %rem3A_1230 : i32 to index
      %swap3A_1444 = arith.index_cast %swap3A_1442 : i32 to index
      %swap3A_1445 = arith.constant 64 : index
      %swap3A_1446 = tpu.vector_load %arg9[%swap3A_1443, %swap3A_1444, %swap3A_1445] {strides = array<i32>} : memref<2x5x80xi32, #tpu.memory_space<vmem>>, vector<1x1x16xi32>,
      %swap3A_1447 = vector.shape_cast %swap3A_1446 : vector<1x1x16xi32> to vector<16xi32>
      %swap3A_1448 = vector.shape_cast %mul3A_1441 : vector<16xi32> to vector<1x1x16xi32>
      tpu.vector_store %arg9[%swap3A_1443, %swap3A_1444, %swap3A_1445], %swap3A_1448 {strides = array<i32>} : memref<2x5x80xi32, #tpu.memory_space<vmem>>, vector<1x1x16xi32>,
      %get3A_1449 = arith.constant 2 : i32
      %get3A_1450 = arith.index_cast %rem3A_1230 : i32 to index
      %get3A_1451 = arith.index_cast %get3A_1449 : i32 to index
      %get3A_1452 = arith.constant 0 : index
      %get3A_1453 = tpu.vector_load %arg9[%get3A_1450, %get3A_1451, %get3A_1452] {strides = array<i32>} : memref<2x5x80xi32, #tpu.memory_space<vmem>>, vector<1x1x16xi32>,
      %get3A_1454 = vector.shape_cast %get3A_1453 : vector<1x1x16xi32> to vector<16xi32>
      %mul3A_1455 = arith.constant 2 : i32
      %mul3A_1456 = vector.broadcast %mul3A_1455 : i32 to vector<16xi32>
      %mul3A_1457 = arith.muli %get3A_1454, %mul3A_1456 : vector<16xi32>
      %swap3A_1458 = arith.constant 2 : i32
      %swap3A_1459 = arith.index_cast %rem3A_1230 : i32 to index
      %swap3A_1460 = arith.index_cast %swap3A_1458 : i32 to index
      %swap3A_1461 = arith.constant 0 : index
      %swap3A_1462 = tpu.vector_load %arg9[%swap3A_1459, %swap3A_1460, %swap3A_1461] {strides = array<i32>} : memref<2x5x80xi32, #tpu.memory_space<vmem>>, vector<1x1x16xi32>,
      %swap3A_1463 = vector.shape_cast %swap3A_1462 : vector<1x1x16xi32> to vector<16xi32>
      %swap3A_1464 = vector.shape_cast %mul3A_1457 : vector<16xi32> to vector<1x1x16xi32>
      tpu.vector_store %arg9[%swap3A_1459, %swap3A_1460, %swap3A_1461], %swap3A_1464 {strides = array<i32>} : memref<2x5x80xi32, #tpu.memory_space<vmem>>, vector<1x1x16xi32>,
      %get3A_1465 = arith.constant 2 : i32
      %get3A_1466 = arith.index_cast %rem3A_1230 : i32 to index
      %get3A_1467 = arith.index_cast %get3A_1465 : i32 to index
      %get3A_1468 = arith.constant 16 : index
      %get3A_1469 = tpu.vector_load %arg9[%get3A_1466, %get3A_1467, %get3A_1468] {strides = array<i32>} : memref<2x5x80xi32, #tpu.memory_space<vmem>>, vector<1x1x16xi32>,
      %get3A_1470 = vector.shape_cast %get3A_1469 : vector<1x1x16xi32> to vector<16xi32>
      %mul3A_1471 = arith.constant 2 : i32
      %mul3A_1472 = vector.broadcast %mul3A_1471 : i32 to vector<16xi32>
      %mul3A_1473 = arith.muli %get3A_1470, %mul3A_1472 : vector<16xi32>
      %swap3A_1474 = arith.constant 2 : i32
      %swap3A_1475 = arith.index_cast %rem3A_1230 : i32 to index
      %swap3A_1476 = arith.index_cast %swap3A_1474 : i32 to index
      %swap3A_1477 = arith.constant 16 : index
      %swap3A_1478 = tpu.vector_load %arg9[%swap3A_1475, %swap3A_1476, %swap3A_1477] {strides = array<i32>} : memref<2x5x80xi32, #tpu.memory_space<vmem>>, vector<1x1x16xi32>,
      %swap3A_1479 = vector.shape_cast %swap3A_1478 : vector<1x1x16xi32> to vector<16xi32>
      %swap3A_1480 = vector.shape_cast %mul3A_1473 : vector<16xi32> to vector<1x1x16xi32>
      tpu.vector_store %arg9[%swap3A_1475, %swap3A_1476, %swap3A_1477], %swap3A_1480 {strides = array<i32>} : memref<2x5x80xi32, #tpu.memory_space<vmem>>, vector<1x1x16xi32>,
      %get3A_1481 = arith.constant 2 : i32
      %get3A_1482 = arith.index_cast %rem3A_1230 : i32 to index
      %get3A_1483 = arith.index_cast %get3A_1481 : i32 to index
      %get3A_1484 = arith.constant 32 : index
      %get3A_1485 = tpu.vector_load %arg9[%get3A_1482, %get3A_1483, %get3A_1484] {strides = array<i32>} : memref<2x5x80xi32, #tpu.memory_space<vmem>>, vector<1x1x16xi32>,
      %get3A_1486 = vector.shape_cast %get3A_1485 : vector<1x1x16xi32> to vector<16xi32>
      %mul3A_1487 = arith.constant 2 : i32
      %mul3A_1488 = vector.broadcast %mul3A_1487 : i32 to vector<16xi32>
      %mul3A_1489 = arith.muli %get3A_1486, %mul3A_1488 : vector<16xi32>
      %swap3A_1490 = arith.constant 2 : i32
      %swap3A_1491 = arith.index_cast %rem3A_1230 : i32 to index
      %swap3A_1492 = arith.index_cast %swap3A_1490 : i32 to index
      %swap3A_1493 = arith.constant 32 : index
      %swap3A_1494 = tpu.vector_load %arg9[%swap3A_1491, %swap3A_1492, %swap3A_1493] {strides = array<i32>} : memref<2x5x80xi32, #tpu.memory_space<vmem>>, vector<1x1x16xi32>,
      %swap3A_1495 = vector.shape_cast %swap3A_1494 : vector<1x1x16xi32> to vector<16xi32>
      %swap3A_1496 = vector.shape_cast %mul3A_1489 : vector<16xi32> to vector<1x1x16xi32>
      tpu.vector_store %arg9[%swap3A_1491, %swap3A_1492, %swap3A_1493], %swap3A_1496 {strides = array<i32>} : memref<2x5x80xi32, #tpu.memory_space<vmem>>, vector<1x1x16xi32>,
      %get3A_1497 = arith.constant 2 : i32
      %get3A_1498 = arith.index_cast %rem3A_1230 : i32 to index
      %get3A_1499 = arith.index_cast %get3A_1497 : i32 to index
      %get3A_1500 = arith.constant 48 : index
      %get3A_1501 = tpu.vector_load %arg9[%get3A_1498, %get3A_1499, %get3A_1500] {strides = array<i32>} : memref<2x5x80xi32, #tpu.memory_space<vmem>>, vector<1x1x16xi32>,
      %get3A_1502 = vector.shape_cast %get3A_1501 : vector<1x1x16xi32> to vector<16xi32>
      %mul3A_1503 = arith.constant 2 : i32
      %mul3A_1504 = vector.broadcast %mul3A_1503 : i32 to vector<16xi32>
      %mul3A_1505 = arith.muli %get3A_1502, %mul3A_1504 : vector<16xi32>
      %swap3A_1506 = arith.constant 2 : i32
      %swap3A_1507 = arith.index_cast %rem3A_1230 : i32 to index
      %swap3A_1508 = arith.index_cast %swap3A_1506 : i32 to index
      %swap3A_1509 = arith.constant 48 : index
      %swap3A_1510 = tpu.vector_load %arg9[%swap3A_1507, %swap3A_1508, %swap3A_1509] {strides = array<i32>} : memref<2x5x80xi32, #tpu.memory_space<vmem>>, vector<1x1x16xi32>,
      %swap3A_1511 = vector.shape_cast %swap3A_1510 : vector<1x1x16xi32> to vector<16xi32>
      %swap3A_1512 = vector.shape_cast %mul3A_1505 : vector<16xi32> to vector<1x1x16xi32>
      tpu.vector_store %arg9[%swap3A_1507, %swap3A_1508, %swap3A_1509], %swap3A_1512 {strides = array<i32>} : memref<2x5x80xi32, #tpu.memory_space<vmem>>, vector<1x1x16xi32>,
      %get3A_1513 = arith.constant 2 : i32
      %get3A_1514 = arith.index_cast %rem3A_1230 : i32 to index
      %get3A_1515 = arith.index_cast %get3A_1513 : i32 to index
      %get3A_1516 = arith.constant 64 : index
      %get3A_1517 = tpu.vector_load %arg9[%get3A_1514, %get3A_1515, %get3A_1516] {strides = array<i32>} : memref<2x5x80xi32, #tpu.memory_space<vmem>>, vector<1x1x16xi32>,
      %get3A_1518 = vector.shape_cast %get3A_1517 : vector<1x1x16xi32> to vector<16xi32>
      %mul3A_1519 = arith.constant 2 : i32
      %mul3A_1520 = vector.broadcast %mul3A_1519 : i32 to vector<16xi32>
      %mul3A_1521 = arith.muli %get3A_1518, %mul3A_1520 : vector<16xi32>
      %swap3A_1522 = arith.constant 2 : i32
      %swap3A_1523 = arith.index_cast %rem3A_1230 : i32 to index
      %swap3A_1524 = arith.index_cast %swap3A_1522 : i32 to index
      %swap3A_1525 = arith.constant 64 : index
      %swap3A_1526 = tpu.vector_load %arg9[%swap3A_1523, %swap3A_1524, %swap3A_1525] {strides = array<i32>} : memref<2x5x80xi32, #tpu.memory_space<vmem>>, vector<1x1x16xi32>,
      %swap3A_1527 = vector.shape_cast %swap3A_1526 : vector<1x1x16xi32> to vector<16xi32>
      %swap3A_1528 = vector.shape_cast %mul3A_1521 : vector<16xi32> to vector<1x1x16xi32>
      tpu.vector_store %arg9[%swap3A_1523, %swap3A_1524, %swap3A_1525], %swap3A_1528 {strides = array<i32>} : memref<2x5x80xi32, #tpu.memory_space<vmem>>, vector<1x1x16xi32>,
      %get3A_1529 = arith.constant 3 : i32
      %get3A_1530 = arith.index_cast %rem3A_1230 : i32 to index
      %get3A_1531 = arith.index_cast %get3A_1529 : i32 to index
      %get3A_1532 = arith.constant 0 : index
      %get3A_1533 = tpu.vector_load %arg9[%get3A_1530, %get3A_1531, %get3A_1532] {strides = array<i32>} : memref<2x5x80xi32, #tpu.memory_space<vmem>>, vector<1x1x16xi32>,
      %get3A_1534 = vector.shape_cast %get3A_1533 : vector<1x1x16xi32> to vector<16xi32>
      %mul3A_1535 = arith.constant 2 : i32
      %mul3A_1536 = vector.broadcast %mul3A_1535 : i32 to vector<16xi32>
      %mul3A_1537 = arith.muli %get3A_1534, %mul3A_1536 : vector<16xi32>
      %swap3A_1538 = arith.constant 3 : i32
      %swap3A_1539 = arith.index_cast %rem3A_1230 : i32 to index
      %swap3A_1540 = arith.index_cast %swap3A_1538 : i32 to index
      %swap3A_1541 = arith.constant 0 : index
      %swap3A_1542 = tpu.vector_load %arg9[%swap3A_1539, %swap3A_1540, %swap3A_1541] {strides = array<i32>} : memref<2x5x80xi32, #tpu.memory_space<vmem>>, vector<1x1x16xi32>,
      %swap3A_1543 = vector.shape_cast %swap3A_1542 : vector<1x1x16xi32> to vector<16xi32>
      %swap3A_1544 = vector.shape_cast %mul3A_1537 : vector<16xi32> to vector<1x1x16xi32>
      tpu.vector_store %arg9[%swap3A_1539, %swap3A_1540, %swap3A_1541], %swap3A_1544 {strides = array<i32>} : memref<2x5x80xi32, #tpu.memory_space<vmem>>, vector<1x1x16xi32>,
      %get3A_1545 = arith.constant 3 : i32
      %get3A_1546 = arith.index_cast %rem3A_1230 : i32 to index
      %get3A_1547 = arith.index_cast %get3A_1545 : i32 to index
      %get3A_1548 = arith.constant 16 : index
      %get3A_1549 = tpu.vector_load %arg9[%get3A_1546, %get3A_1547, %get3A_1548] {strides = array<i32>} : memref<2x5x80xi32, #tpu.memory_space<vmem>>, vector<1x1x16xi32>,
      %get3A_1550 = vector.shape_cast %get3A_1549 : vector<1x1x16xi32> to vector<16xi32>
      %mul3A_1551 = arith.constant 2 : i32
      %mul3A_1552 = vector.broadcast %mul3A_1551 : i32 to vector<16xi32>
      %mul3A_1553 = arith.muli %get3A_1550, %mul3A_1552 : vector<16xi32>
      %swap3A_1554 = arith.constant 3 : i32
      %swap3A_1555 = arith.index_cast %rem3A_1230 : i32 to index
      %swap3A_1556 = arith.index_cast %swap3A_1554 : i32 to index
      %swap3A_1557 = arith.constant 16 : index
      %swap3A_1558 = tpu.vector_load %arg9[%swap3A_1555, %swap3A_1556, %swap3A_1557] {strides = array<i32>} : memref<2x5x80xi32, #tpu.memory_space<vmem>>, vector<1x1x16xi32>,
      %swap3A_1559 = vector.shape_cast %swap3A_1558 : vector<1x1x16xi32> to vector<16xi32>
      %swap3A_1560 = vector.shape_cast %mul3A_1553 : vector<16xi32> to vector<1x1x16xi32>
      tpu.vector_store %arg9[%swap3A_1555, %swap3A_1556, %swap3A_1557], %swap3A_1560 {strides = array<i32>} : memref<2x5x80xi32, #tpu.memory_space<vmem>>, vector<1x1x16xi32>,
      %get3A_1561 = arith.constant 3 : i32
      %get3A_1562 = arith.index_cast %rem3A_1230 : i32 to index
      %get3A_1563 = arith.index_cast %get3A_1561 : i32 to index
      %get3A_1564 = arith.constant 32 : index
      %get3A_1565 = tpu.vector_load %arg9[%get3A_1562, %get3A_1563, %get3A_1564] {strides = array<i32>} : memref<2x5x80xi32, #tpu.memory_space<vmem>>, vector<1x1x16xi32>,
      %get3A_1566 = vector.shape_cast %get3A_1565 : vector<1x1x16xi32> to vector<16xi32>
      %mul3A_1567 = arith.constant 2 : i32
      %mul3A_1568 = vector.broadcast %mul3A_1567 : i32 to vector<16xi32>
      %mul3A_1569 = arith.muli %get3A_1566, %mul3A_1568 : vector<16xi32>
      %swap3A_1570 = arith.constant 3 : i32
      %swap3A_1571 = arith.index_cast %rem3A_1230 : i32 to index
      %swap3A_1572 = arith.index_cast %swap3A_1570 : i32 to index
      %swap3A_1573 = arith.constant 32 : index
      %swap3A_1574 = tpu.vector_load %arg9[%swap3A_1571, %swap3A_1572, %swap3A_1573] {strides = array<i32>} : memref<2x5x80xi32, #tpu.memory_space<vmem>>, vector<1x1x16xi32>,
      %swap3A_1575 = vector.shape_cast %swap3A_1574 : vector<1x1x16xi32> to vector<16xi32>
      %swap3A_1576 = vector.shape_cast %mul3A_1569 : vector<16xi32> to vector<1x1x16xi32>
      tpu.vector_store %arg9[%swap3A_1571, %swap3A_1572, %swap3A_1573], %swap3A_1576 {strides = array<i32>} : memref<2x5x80xi32, #tpu.memory_space<vmem>>, vector<1x1x16xi32>,
      %get3A_1577 = arith.constant 3 : i32
      %get3A_1578 = arith.index_cast %rem3A_1230 : i32 to index
      %get3A_1579 = arith.index_cast %get3A_1577 : i32 to index
      %get3A_1580 = arith.constant 48 : index
      %get3A_1581 = tpu.vector_load %arg9[%get3A_1578, %get3A_1579, %get3A_1580] {strides = array<i32>} : memref<2x5x80xi32, #tpu.memory_space<vmem>>, vector<1x1x16xi32>,
      %get3A_1582 = vector.shape_cast %get3A_1581 : vector<1x1x16xi32> to vector<16xi32>
      %mul3A_1583 = arith.constant 2 : i32
      %mul3A_1584 = vector.broadcast %mul3A_1583 : i32 to vector<16xi32>
      %mul3A_1585 = arith.muli %get3A_1582, %mul3A_1584 : vector<16xi32>
      %swap3A_1586 = arith.constant 3 : i32
      %swap3A_1587 = arith.index_cast %rem3A_1230 : i32 to index
      %swap3A_1588 = arith.index_cast %swap3A_1586 : i32 to index
      %swap3A_1589 = arith.constant 48 : index
      %swap3A_1590 = tpu.vector_load %arg9[%swap3A_1587, %swap3A_1588, %swap3A_1589] {strides = array<i32>} : memref<2x5x80xi32, #tpu.memory_space<vmem>>, vector<1x1x16xi32>,
      %swap3A_1591 = vector.shape_cast %swap3A_1590 : vector<1x1x16xi32> to vector<16xi32>
      %swap3A_1592 = vector.shape_cast %mul3A_1585 : vector<16xi32> to vector<1x1x16xi32>
      tpu.vector_store %arg9[%swap3A_1587, %swap3A_1588, %swap3A_1589], %swap3A_1592 {strides = array<i32>} : memref<2x5x80xi32, #tpu.memory_space<vmem>>, vector<1x1x16xi32>,
      %get3A_1593 = arith.constant 3 : i32
      %get3A_1594 = arith.index_cast %rem3A_1230 : i32 to index
      %get3A_1595 = arith.index_cast %get3A_1593 : i32 to index
      %get3A_1596 = arith.constant 64 : index
      %get3A_1597 = tpu.vector_load %arg9[%get3A_1594, %get3A_1595, %get3A_1596] {strides = array<i32>} : memref<2x5x80xi32, #tpu.memory_space<vmem>>, vector<1x1x16xi32>,
      %get3A_1598 = vector.shape_cast %get3A_1597 : vector<1x1x16xi32> to vector<16xi32>
      %mul3A_1599 = arith.constant 2 : i32
      %mul3A_1600 = vector.broadcast %mul3A_1599 : i32 to vector<16xi32>
      %mul3A_1601 = arith.muli %get3A_1598, %mul3A_1600 : vector<16xi32>
      %swap3A_1602 = arith.constant 3 : i32
      %swap3A_1603 = arith.index_cast %rem3A_1230 : i32 to index
      %swap3A_1604 = arith.index_cast %swap3A_1602 : i32 to index
      %swap3A_1605 = arith.constant 64 : index
      %swap3A_1606 = tpu.vector_load %arg9[%swap3A_1603, %swap3A_1604, %swap3A_1605] {strides = array<i32>} : memref<2x5x80xi32, #tpu.memory_space<vmem>>, vector<1x1x16xi32>,
      %swap3A_1607 = vector.shape_cast %swap3A_1606 : vector<1x1x16xi32> to vector<16xi32>
      %swap3A_1608 = vector.shape_cast %mul3A_1601 : vector<16xi32> to vector<1x1x16xi32>
      tpu.vector_store %arg9[%swap3A_1603, %swap3A_1604, %swap3A_1605], %swap3A_1608 {strides = array<i32>} : memref<2x5x80xi32, #tpu.memory_space<vmem>>, vector<1x1x16xi32>,
      %get3A_1609 = arith.constant 4 : i32
      %get3A_1610 = arith.index_cast %rem3A_1230 : i32 to index
      %get3A_1611 = arith.index_cast %get3A_1609 : i32 to index
      %get3A_1612 = arith.constant 0 : index
      %get3A_1613 = tpu.vector_load %arg9[%get3A_1610, %get3A_1611, %get3A_1612] {strides = array<i32>} : memref<2x5x80xi32, #tpu.memory_space<vmem>>, vector<1x1x16xi32>,
      %get3A_1614 = vector.shape_cast %get3A_1613 : vector<1x1x16xi32> to vector<16xi32>
      %mul3A_1615 = arith.constant 2 : i32
      %mul3A_1616 = vector.broadcast %mul3A_1615 : i32 to vector<16xi32>
      %mul3A_1617 = arith.muli %get3A_1614, %mul3A_1616 : vector<16xi32>
      %swap3A_1618 = arith.constant 4 : i32
      %swap3A_1619 = arith.index_cast %rem3A_1230 : i32 to index
      %swap3A_1620 = arith.index_cast %swap3A_1618 : i32 to index
      %swap3A_1621 = arith.constant 0 : index
      %swap3A_1622 = tpu.vector_load %arg9[%swap3A_1619, %swap3A_1620, %swap3A_1621] {strides = array<i32>} : memref<2x5x80xi32, #tpu.memory_space<vmem>>, vector<1x1x16xi32>,
      %swap3A_1623 = vector.shape_cast %swap3A_1622 : vector<1x1x16xi32> to vector<16xi32>
      %swap3A_1624 = vector.shape_cast %mul3A_1617 : vector<16xi32> to vector<1x1x16xi32>
      tpu.vector_store %arg9[%swap3A_1619, %swap3A_1620, %swap3A_1621], %swap3A_1624 {strides = array<i32>} : memref<2x5x80xi32, #tpu.memory_space<vmem>>, vector<1x1x16xi32>,
      %get3A_1625 = arith.constant 4 : i32
      %get3A_1626 = arith.index_cast %rem3A_1230 : i32 to index
      %get3A_1627 = arith.index_cast %get3A_1625 : i32 to index
      %get3A_1628 = arith.constant 16 : index
      %get3A_1629 = tpu.vector_load %arg9[%get3A_1626, %get3A_1627, %get3A_1628] {strides = array<i32>} : memref<2x5x80xi32, #tpu.memory_space<vmem>>, vector<1x1x16xi32>,
      %get3A_1630 = vector.shape_cast %get3A_1629 : vector<1x1x16xi32> to vector<16xi32>
      %mul3A_1631 = arith.constant 2 : i32
      %mul3A_1632 = vector.broadcast %mul3A_1631 : i32 to vector<16xi32>
      %mul3A_1633 = arith.muli %get3A_1630, %mul3A_1632 : vector<16xi32>
      %swap3A_1634 = arith.constant 4 : i32
      %swap3A_1635 = arith.index_cast %rem3A_1230 : i32 to index
      %swap3A_1636 = arith.index_cast %swap3A_1634 : i32 to index
      %swap3A_1637 = arith.constant 16 : index
      %swap3A_1638 = tpu.vector_load %arg9[%swap3A_1635, %swap3A_1636, %swap3A_1637] {strides = array<i32>} : memref<2x5x80xi32, #tpu.memory_space<vmem>>, vector<1x1x16xi32>,
      %swap3A_1639 = vector.shape_cast %swap3A_1638 : vector<1x1x16xi32> to vector<16xi32>
      %swap3A_1640 = vector.shape_cast %mul3A_1633 : vector<16xi32> to vector<1x1x16xi32>
      tpu.vector_store %arg9[%swap3A_1635, %swap3A_1636, %swap3A_1637], %swap3A_1640 {strides = array<i32>} : memref<2x5x80xi32, #tpu.memory_space<vmem>>, vector<1x1x16xi32>,
      %get3A_1641 = arith.constant 4 : i32
      %get3A_1642 = arith.index_cast %rem3A_1230 : i32 to index
      %get3A_1643 = arith.index_cast %get3A_1641 : i32 to index
      %get3A_1644 = arith.constant 32 : index
      %get3A_1645 = tpu.vector_load %arg9[%get3A_1642, %get3A_1643, %get3A_1644] {strides = array<i32>} : memref<2x5x80xi32, #tpu.memory_space<vmem>>, vector<1x1x16xi32>,
      %get3A_1646 = vector.shape_cast %get3A_1645 : vector<1x1x16xi32> to vector<16xi32>
      %mul3A_1647 = arith.constant 2 : i32
      %mul3A_1648 = vector.broadcast %mul3A_1647 : i32 to vector<16xi32>
      %mul3A_1649 = arith.muli %get3A_1646, %mul3A_1648 : vector<16xi32>
      %swap3A_1650 = arith.constant 4 : i32
      %swap3A_1651 = arith.index_cast %rem3A_1230 : i32 to index
      %swap3A_1652 = arith.index_cast %swap3A_1650 : i32 to index
      %swap3A_1653 = arith.constant 32 : index
      %swap3A_1654 = tpu.vector_load %arg9[%swap3A_1651, %swap3A_1652, %swap3A_1653] {strides = array<i32>} : memref<2x5x80xi32, #tpu.memory_space<vmem>>, vector<1x1x16xi32>,
      %swap3A_1655 = vector.shape_cast %swap3A_1654 : vector<1x1x16xi32> to vector<16xi32>
      %swap3A_1656 = vector.shape_cast %mul3A_1649 : vector<16xi32> to vector<1x1x16xi32>
      tpu.vector_store %arg9[%swap3A_1651, %swap3A_1652, %swap3A_1653], %swap3A_1656 {strides = array<i32>} : memref<2x5x80xi32, #tpu.memory_space<vmem>>, vector<1x1x16xi32>,
      %get3A_1657 = arith.constant 4 : i32
      %get3A_1658 = arith.index_cast %rem3A_1230 : i32 to index
      %get3A_1659 = arith.index_cast %get3A_1657 : i32 to index
      %get3A_1660 = arith.constant 48 : index
      %get3A_1661 = tpu.vector_load %arg9[%get3A_1658, %get3A_1659, %get3A_1660] {strides = array<i32>} : memref<2x5x80xi32, #tpu.memory_space<vmem>>, vector<1x1x16xi32>,
      %get3A_1662 = vector.shape_cast %get3A_1661 : vector<1x1x16xi32> to vector<16xi32>
      %mul3A_1663 = arith.constant 2 : i32
      %mul3A_1664 = vector.broadcast %mul3A_1663 : i32 to vector<16xi32>
      %mul3A_1665 = arith.muli %get3A_1662, %mul3A_1664 : vector<16xi32>
      %swap3A_1666 = arith.constant 4 : i32
      %swap3A_1667 = arith.index_cast %rem3A_1230 : i32 to index
      %swap3A_1668 = arith.index_cast %swap3A_1666 : i32 to index
      %swap3A_1669 = arith.constant 48 : index
      %swap3A_1670 = tpu.vector_load %arg9[%swap3A_1667, %swap3A_1668, %swap3A_1669] {strides = array<i32>} : memref<2x5x80xi32, #tpu.memory_space<vmem>>, vector<1x1x16xi32>,
      %swap3A_1671 = vector.shape_cast %swap3A_1670 : vector<1x1x16xi32> to vector<16xi32>
      %swap3A_1672 = vector.shape_cast %mul3A_1665 : vector<16xi32> to vector<1x1x16xi32>
      tpu.vector_store %arg9[%swap3A_1667, %swap3A_1668, %swap3A_1669], %swap3A_1672 {strides = array<i32>} : memref<2x5x80xi32, #tpu.memory_space<vmem>>, vector<1x1x16xi32>,
      %get3A_1673 = arith.constant 4 : i32
      %get3A_1674 = arith.index_cast %rem3A_1230 : i32 to index
      %get3A_1675 = arith.index_cast %get3A_1673 : i32 to index
      %get3A_1676 = arith.constant 64 : index
      %get3A_1677 = tpu.vector_load %arg9[%get3A_1674, %get3A_1675, %get3A_1676] {strides = array<i32>} : memref<2x5x80xi32, #tpu.memory_space<vmem>>, vector<1x1x16xi32>,
      %get3A_1678 = vector.shape_cast %get3A_1677 : vector<1x1x16xi32> to vector<16xi32>
      %mul3A_1679 = arith.constant 2 : i32
      %mul3A_1680 = vector.broadcast %mul3A_1679 : i32 to vector<16xi32>
      %mul3A_1681 = arith.muli %get3A_1678, %mul3A_1680 : vector<16xi32>
      %swap3A_1682 = arith.constant 4 : i32
      %swap3A_1683 = arith.index_cast %rem3A_1230 : i32 to index
      %swap3A_1684 = arith.index_cast %swap3A_1682 : i32 to index
      %swap3A_1685 = arith.constant 64 : index
      %swap3A_1686 = tpu.vector_load %arg9[%swap3A_1683, %swap3A_1684, %swap3A_1685] {strides = array<i32>} : memref<2x5x80xi32, #tpu.memory_space<vmem>>, vector<1x1x16xi32>,
      %swap3A_1687 = vector.shape_cast %swap3A_1686 : vector<1x1x16xi32> to vector<16xi32>
      %swap3A_1688 = vector.shape_cast %mul3A_1681 : vector<16xi32> to vector<1x1x16xi32>
      tpu.vector_store %arg9[%swap3A_1683, %swap3A_1684, %swap3A_1685], %swap3A_1688 {strides = array<i32>} : memref<2x5x80xi32, #tpu.memory_space<vmem>>, vector<1x1x16xi32>,
      %dma_start3A_1689 = arith.constant 0 : i32
      %dma_start3A_1690 = arith.constant 0 : i32
      %dma_start3A_1691 = arith.constant 0 : i32
      %dma_start3A_1692 = arith.constant 0 : i32
      %dma_start3A_1693 = tpu.memref_slice %arg10[%rem3A_1230, %dma_start3A_1690, %dma_start3A_1691, %dma_start3A_1692] : memref<2x5x80x64xf32, #tpu.memory_space<vmem>> -> memref<1x1x80x64xf32, #tpu.memory_space<vmem>>
      %dma_start3A_1694 = tpu.memref_squeeze %dma_start3A_1693 : memref<1x1x80x64xf32, #tpu.memory_space<vmem>> -> memref<80x64xf32, #tpu.memory_space<vmem>>
      %dma_start3A_1695 = arith.constant 0 : i32
      %dma_start3A_1696 = tpu.memref_slice %arg9[%rem3A_1230, %dma_start3A_1689, %dma_start3A_1695] : memref<2x5x80xi32, #tpu.memory_space<vmem>> -> memref<1x1x80xi32, #tpu.memory_space<vmem>>
      %dma_start3A_1697 = tpu.memref_squeeze %dma_start3A_1696 : memref<1x1x80xi32, #tpu.memory_space<vmem>> -> memref<80xi32, #tpu.memory_space<vmem>>
      %dma_start3A_1698 = arith.constant 0 : i32
      %dma_start3A_1699 = arith.constant 0 : i32
      %dma_start3A_1700 = tpu.memref_slice %arg2[%dma_start3A_1698, %dma_start3A_1699] : memref<200000x64xf32, #tpu.memory_space<hbm>> -> memref<200000x64xf32, #tpu.memory_space<hbm>>
      tpu.enqueue_indirect_dma source(%dma_start3A_1700 : memref<200000x64xf32, #tpu.memory_space<hbm>>) target(%dma_start3A_1694 : memref<80x64xf32, #tpu.memory_space<vmem>>) offsets(%dma_start3A_1697 : memref<80xi32, #tpu.memory_space<vmem>>) semaphore(%arg17 : memref<!tpu.dma_semaphore, #tpu.memory_space<semaphore_mem>>)
      %dma_start3A_1701 = arith.constant 1 : i32
      %dma_start3A_1702 = arith.constant 1 : i32
      %dma_start3A_1703 = arith.constant 0 : i32
      %dma_start3A_1704 = arith.constant 0 : i32
      %dma_start3A_1705 = tpu.memref_slice %arg10[%rem3A_1230, %dma_start3A_1702, %dma_start3A_1703, %dma_start3A_1704] : memref<2x5x80x64xf32, #tpu.memory_space<vmem>> -> memref<1x1x80x64xf32, #tpu.memory_space<vmem>>
      %dma_start3A_1706 = tpu.memref_squeeze %dma_start3A_1705 : memref<1x1x80x64xf32, #tpu.memory_space<vmem>> -> memref<80x64xf32, #tpu.memory_space<vmem>>
      %dma_start3A_1707 = arith.constant 0 : i32
      %dma_start3A_1708 = tpu.memref_slice %arg9[%rem3A_1230, %dma_start3A_1701, %dma_start3A_1707] : memref<2x5x80xi32, #tpu.memory_space<vmem>> -> memref<1x1x80xi32, #tpu.memory_space<vmem>>
      %dma_start3A_1709 = tpu.memref_squeeze %dma_start3A_1708 : memref<1x1x80xi32, #tpu.memory_space<vmem>> -> memref<80xi32, #tpu.memory_space<vmem>>
      %dma_start3A_1710 = arith.constant 0 : i32
      %dma_start3A_1711 = arith.constant 0 : i32
      %dma_start3A_1712 = tpu.memref_slice %arg2[%dma_start3A_1710, %dma_start3A_1711] : memref<200000x64xf32, #tpu.memory_space<hbm>> -> memref<200000x64xf32, #tpu.memory_space<hbm>>
      tpu.enqueue_indirect_dma source(%dma_start3A_1712 : memref<200000x64xf32, #tpu.memory_space<hbm>>) target(%dma_start3A_1706 : memref<80x64xf32, #tpu.memory_space<vmem>>) offsets(%dma_start3A_1709 : memref<80xi32, #tpu.memory_space<vmem>>) semaphore(%arg17 : memref<!tpu.dma_semaphore, #tpu.memory_space<semaphore_mem>>)
      %dma_start3A_1713 = arith.constant 2 : i32
      %dma_start3A_1714 = arith.constant 2 : i32
      %dma_start3A_1715 = arith.constant 0 : i32
      %dma_start3A_1716 = arith.constant 0 : i32
      %dma_start3A_1717 = tpu.memref_slice %arg10[%rem3A_1230, %dma_start3A_1714, %dma_start3A_1715, %dma_start3A_1716] : memref<2x5x80x64xf32, #tpu.memory_space<vmem>> -> memref<1x1x80x64xf32, #tpu.memory_space<vmem>>
      %dma_start3A_1718 = tpu.memref_squeeze %dma_start3A_1717 : memref<1x1x80x64xf32, #tpu.memory_space<vmem>> -> memref<80x64xf32, #tpu.memory_space<vmem>>
      %dma_start3A_1719 = arith.constant 0 : i32
      %dma_start3A_1720 = tpu.memref_slice %arg9[%rem3A_1230, %dma_start3A_1713, %dma_start3A_1719] : memref<2x5x80xi32, #tpu.memory_space<vmem>> -> memref<1x1x80xi32, #tpu.memory_space<vmem>>
      %dma_start3A_1721 = tpu.memref_squeeze %dma_start3A_1720 : memref<1x1x80xi32, #tpu.memory_space<vmem>> -> memref<80xi32, #tpu.memory_space<vmem>>
      %dma_start3A_1722 = arith.constant 0 : i32
      %dma_start3A_1723 = arith.constant 0 : i32
      %dma_start3A_1724 = tpu.memref_slice %arg2[%dma_start3A_1722, %dma_start3A_1723] : memref<200000x64xf32, #tpu.memory_space<hbm>> -> memref<200000x64xf32, #tpu.memory_space<hbm>>
      tpu.enqueue_indirect_dma source(%dma_start3A_1724 : memref<200000x64xf32, #tpu.memory_space<hbm>>) target(%dma_start3A_1718 : memref<80x64xf32, #tpu.memory_space<vmem>>) offsets(%dma_start3A_1721 : memref<80xi32, #tpu.memory_space<vmem>>) semaphore(%arg17 : memref<!tpu.dma_semaphore, #tpu.memory_space<semaphore_mem>>)
      %dma_start3A_1725 = arith.constant 3 : i32
      %dma_start3A_1726 = arith.constant 3 : i32
      %dma_start3A_1727 = arith.constant 0 : i32
      %dma_start3A_1728 = arith.constant 0 : i32
      %dma_start3A_1729 = tpu.memref_slice %arg10[%rem3A_1230, %dma_start3A_1726, %dma_start3A_1727, %dma_start3A_1728] : memref<2x5x80x64xf32, #tpu.memory_space<vmem>> -> memref<1x1x80x64xf32, #tpu.memory_space<vmem>>
      %dma_start3A_1730 = tpu.memref_squeeze %dma_start3A_1729 : memref<1x1x80x64xf32, #tpu.memory_space<vmem>> -> memref<80x64xf32, #tpu.memory_space<vmem>>
      %dma_start3A_1731 = arith.constant 0 : i32
      %dma_start3A_1732 = tpu.memref_slice %arg9[%rem3A_1230, %dma_start3A_1725, %dma_start3A_1731] : memref<2x5x80xi32, #tpu.memory_space<vmem>> -> memref<1x1x80xi32, #tpu.memory_space<vmem>>
      %dma_start3A_1733 = tpu.memref_squeeze %dma_start3A_1732 : memref<1x1x80xi32, #tpu.memory_space<vmem>> -> memref<80xi32, #tpu.memory_space<vmem>>
      %dma_start3A_1734 = arith.constant 0 : i32
      %dma_start3A_1735 = arith.constant 0 : i32
      %dma_start3A_1736 = tpu.memref_slice %arg2[%dma_start3A_1734, %dma_start3A_1735] : memref<200000x64xf32, #tpu.memory_space<hbm>> -> memref<200000x64xf32, #tpu.memory_space<hbm>>
      tpu.enqueue_indirect_dma source(%dma_start3A_1736 : memref<200000x64xf32, #tpu.memory_space<hbm>>) target(%dma_start3A_1730 : memref<80x64xf32, #tpu.memory_space<vmem>>) offsets(%dma_start3A_1733 : memref<80xi32, #tpu.memory_space<vmem>>) semaphore(%arg17 : memref<!tpu.dma_semaphore, #tpu.memory_space<semaphore_mem>>)
      %dma_start3A_1737 = arith.constant 4 : i32
      %dma_start3A_1738 = arith.constant 4 : i32
      %dma_start3A_1739 = arith.constant 0 : i32
      %dma_start3A_1740 = arith.constant 0 : i32
      %dma_start3A_1741 = tpu.memref_slice %arg10[%rem3A_1230, %dma_start3A_1738, %dma_start3A_1739, %dma_start3A_1740] : memref<2x5x80x64xf32, #tpu.memory_space<vmem>> -> memref<1x1x80x64xf32, #tpu.memory_space<vmem>>
      %dma_start3A_1742 = tpu.memref_squeeze %dma_start3A_1741 : memref<1x1x80x64xf32, #tpu.memory_space<vmem>> -> memref<80x64xf32, #tpu.memory_space<vmem>>
      %dma_start3A_1743 = arith.constant 0 : i32
      %dma_start3A_1744 = tpu.memref_slice %arg9[%rem3A_1230, %dma_start3A_1737, %dma_start3A_1743] : memref<2x5x80xi32, #tpu.memory_space<vmem>> -> memref<1x1x80xi32, #tpu.memory_space<vmem>>
      %dma_start3A_1745 = tpu.memref_squeeze %dma_start3A_1744 : memref<1x1x80xi32, #tpu.memory_space<vmem>> -> memref<80xi32, #tpu.memory_space<vmem>>
      %dma_start3A_1746 = arith.constant 0 : i32
      %dma_start3A_1747 = arith.constant 0 : i32
      %dma_start3A_1748 = tpu.memref_slice %arg2[%dma_start3A_1746, %dma_start3A_1747] : memref<200000x64xf32, #tpu.memory_space<hbm>> -> memref<200000x64xf32, #tpu.memory_space<hbm>>
      tpu.enqueue_indirect_dma source(%dma_start3A_1748 : memref<200000x64xf32, #tpu.memory_space<hbm>>) target(%dma_start3A_1742 : memref<80x64xf32, #tpu.memory_space<vmem>>) offsets(%dma_start3A_1745 : memref<80xi32, #tpu.memory_space<vmem>>) semaphore(%arg17 : memref<!tpu.dma_semaphore, #tpu.memory_space<semaphore_mem>>)
      %add3A_1749 = arith.constant 1 : i32
      %add3A_1750 = arith.addi %scan3A_1223, %add3A_1749 : i32
      %lt3A_1751 = arith.constant 20 : i32
      %lt3A_1752 = arith.cmpi slt, %add3A_1750, %lt3A_1751 : i32
      %convert_element_type3A_1753 = arith.extui %lt3A_1752 : i1 to i32
      %cond3A_1754 = arith.constant 0 : i32
      %cond3A_1755 = arith.cmpi ne, %convert_element_type3A_1753, %cond3A_1754 : i32
      scf.if %cond3A_1755 {
        %dma_wait3A_1876 = arith.constant 0 : i32
        %dma_wait3A_1877 = arith.constant 0 : i32
        %dma_wait3A_1878 = arith.constant 0 : i32
        %dma_wait3A_1879 = tpu.memref_slice %arg6[%dma_wait3A_1876, %dma_wait3A_1877, %dma_wait3A_1878] : memref<3x5x80xi32, #tpu.memory_space<vmem>> -> memref<1x1x80xi32, #tpu.memory_space<vmem>>
        %dma_wait3A_1880 = tpu.memref_squeeze %dma_wait3A_1879 : memref<1x1x80xi32, #tpu.memory_space<vmem>> -> memref<80xi32, #tpu.memory_space<vmem>>
        %dma_wait3A_1881 = arith.constant 0 : i32
        %dma_wait3A_1882 = tpu.memref_slice %arg4[%dma_wait3A_1881] : memref<256000xi32, #tpu.memory_space<hbm>> -> memref<80xi32, #tpu.memory_space<hbm>>
        %dma_wait3A_1883 = arith.constant 0 : i32
        %dma_wait3A_1884 = tpu.memref_slice %arg6[%dma_wait3A_1876, %dma_wait3A_1877, %dma_wait3A_1883] : memref<3x5x80xi32, #tpu.memory_space<vmem>> -> memref<1x1x80xi32, #tpu.memory_space<vmem>>
        %dma_wait3A_1885 = tpu.memref_squeeze %dma_wait3A_1884 : memref<1x1x80xi32, #tpu.memory_space<vmem>> -> memref<80xi32, #tpu.memory_space<vmem>>
        %dma_wait3A_1886 = arith.constant 0 : i32
        %dma_wait3A_1887 = tpu.memref_slice %arg4[%dma_wait3A_1886] : memref<256000xi32, #tpu.memory_space<hbm>> -> memref<80xi32, #tpu.memory_space<hbm>>
        tpu.wait_dma2 semaphore(%arg15 : memref<!tpu.dma_semaphore, #tpu.memory_space<semaphore_mem>>) src(%dma_wait3A_1887 : memref<80xi32, #tpu.memory_space<hbm>>) dst(%dma_wait3A_1885 : memref<80xi32, #tpu.memory_space<vmem>>)
        %dma_wait3A_1888 = arith.constant 0 : i32
        %dma_wait3A_1889 = arith.constant 0 : i32
        %dma_wait3A_1890 = arith.constant 0 : i32
        %dma_wait3A_1891 = tpu.memref_slice %arg6[%dma_wait3A_1888, %dma_wait3A_1889, %dma_wait3A_1890] : memref<3x5x80xi32, #tpu.memory_space<vmem>> -> memref<1x1x80xi32, #tpu.memory_space<vmem>>
        %dma_wait3A_1892 = tpu.memref_squeeze %dma_wait3A_1891 : memref<1x1x80xi32, #tpu.memory_space<vmem>> -> memref<80xi32, #tpu.memory_space<vmem>>
        %dma_wait3A_1893 = arith.constant 0 : i32
        %dma_wait3A_1894 = tpu.memref_slice %arg4[%dma_wait3A_1893] : memref<256000xi32, #tpu.memory_space<hbm>> -> memref<80xi32, #tpu.memory_space<hbm>>
        %dma_wait3A_1895 = arith.constant 0 : i32
        %dma_wait3A_1896 = tpu.memref_slice %arg6[%dma_wait3A_1888, %dma_wait3A_1889, %dma_wait3A_1895] : memref<3x5x80xi32, #tpu.memory_space<vmem>> -> memref<1x1x80xi32, #tpu.memory_space<vmem>>
        %dma_wait3A_1897 = tpu.memref_squeeze %dma_wait3A_1896 : memref<1x1x80xi32, #tpu.memory_space<vmem>> -> memref<80xi32, #tpu.memory_space<vmem>>
        %dma_wait3A_1898 = arith.constant 0 : i32
        %dma_wait3A_1899 = tpu.memref_slice %arg4[%dma_wait3A_1898] : memref<256000xi32, #tpu.memory_space<hbm>> -> memref<80xi32, #tpu.memory_space<hbm>>
        tpu.wait_dma2 semaphore(%arg15 : memref<!tpu.dma_semaphore, #tpu.memory_space<semaphore_mem>>) src(%dma_wait3A_1899 : memref<80xi32, #tpu.memory_space<hbm>>) dst(%dma_wait3A_1897 : memref<80xi32, #tpu.memory_space<vmem>>)
        %dma_wait3A_1900 = arith.constant 0 : i32
        %dma_wait3A_1901 = arith.constant 0 : i32
        %dma_wait3A_1902 = arith.constant 0 : i32
        %dma_wait3A_1903 = tpu.memref_slice %arg6[%dma_wait3A_1900, %dma_wait3A_1901, %dma_wait3A_1902] : memref<3x5x80xi32, #tpu.memory_space<vmem>> -> memref<1x1x80xi32, #tpu.memory_space<vmem>>
        %dma_wait3A_1904 = tpu.memref_squeeze %dma_wait3A_1903 : memref<1x1x80xi32, #tpu.memory_space<vmem>> -> memref<80xi32, #tpu.memory_space<vmem>>
        %dma_wait3A_1905 = arith.constant 0 : i32
        %dma_wait3A_1906 = tpu.memref_slice %arg4[%dma_wait3A_1905] : memref<256000xi32, #tpu.memory_space<hbm>> -> memref<80xi32, #tpu.memory_space<hbm>>
        %dma_wait3A_1907 = arith.constant 0 : i32
        %dma_wait3A_1908 = tpu.memref_slice %arg6[%dma_wait3A_1900, %dma_wait3A_1901, %dma_wait3A_1907] : memref<3x5x80xi32, #tpu.memory_space<vmem>> -> memref<1x1x80xi32, #tpu.memory_space<vmem>>
        %dma_wait3A_1909 = tpu.memref_squeeze %dma_wait3A_1908 : memref<1x1x80xi32, #tpu.memory_space<vmem>> -> memref<80xi32, #tpu.memory_space<vmem>>
        %dma_wait3A_1910 = arith.constant 0 : i32
        %dma_wait3A_1911 = tpu.memref_slice %arg4[%dma_wait3A_1910] : memref<256000xi32, #tpu.memory_space<hbm>> -> memref<80xi32, #tpu.memory_space<hbm>>
        tpu.wait_dma2 semaphore(%arg15 : memref<!tpu.dma_semaphore, #tpu.memory_space<semaphore_mem>>) src(%dma_wait3A_1911 : memref<80xi32, #tpu.memory_space<hbm>>) dst(%dma_wait3A_1909 : memref<80xi32, #tpu.memory_space<vmem>>)
        %dma_wait3A_1912 = arith.constant 0 : i32
        %dma_wait3A_1913 = arith.constant 0 : i32
        %dma_wait3A_1914 = arith.constant 0 : i32
        %dma_wait3A_1915 = tpu.memref_slice %arg6[%dma_wait3A_1912, %dma_wait3A_1913, %dma_wait3A_1914] : memref<3x5x80xi32, #tpu.memory_space<vmem>> -> memref<1x1x80xi32, #tpu.memory_space<vmem>>
        %dma_wait3A_1916 = tpu.memref_squeeze %dma_wait3A_1915 : memref<1x1x80xi32, #tpu.memory_space<vmem>> -> memref<80xi32, #tpu.memory_space<vmem>>
        %dma_wait3A_1917 = arith.constant 0 : i32
        %dma_wait3A_1918 = tpu.memref_slice %arg4[%dma_wait3A_1917] : memref<256000xi32, #tpu.memory_space<hbm>> -> memref<80xi32, #tpu.memory_space<hbm>>
        %dma_wait3A_1919 = arith.constant 0 : i32
        %dma_wait3A_1920 = tpu.memref_slice %arg6[%dma_wait3A_1912, %dma_wait3A_1913, %dma_wait3A_1919] : memref<3x5x80xi32, #tpu.memory_space<vmem>> -> memref<1x1x80xi32, #tpu.memory_space<vmem>>
        %dma_wait3A_1921 = tpu.memref_squeeze %dma_wait3A_1920 : memref<1x1x80xi32, #tpu.memory_space<vmem>> -> memref<80xi32, #tpu.memory_space<vmem>>
        %dma_wait3A_1922 = arith.constant 0 : i32
        %dma_wait3A_1923 = tpu.memref_slice %arg4[%dma_wait3A_1922] : memref<256000xi32, #tpu.memory_space<hbm>> -> memref<80xi32, #tpu.memory_space<hbm>>
        tpu.wait_dma2 semaphore(%arg15 : memref<!tpu.dma_semaphore, #tpu.memory_space<semaphore_mem>>) src(%dma_wait3A_1923 : memref<80xi32, #tpu.memory_space<hbm>>) dst(%dma_wait3A_1921 : memref<80xi32, #tpu.memory_space<vmem>>)
        %dma_wait3A_1924 = arith.constant 0 : i32
        %dma_wait3A_1925 = arith.constant 0 : i32
        %dma_wait3A_1926 = arith.constant 0 : i32
        %dma_wait3A_1927 = tpu.memref_slice %arg6[%dma_wait3A_1924, %dma_wait3A_1925, %dma_wait3A_1926] : memref<3x5x80xi32, #tpu.memory_space<vmem>> -> memref<1x1x80xi32, #tpu.memory_space<vmem>>
        %dma_wait3A_1928 = tpu.memref_squeeze %dma_wait3A_1927 : memref<1x1x80xi32, #tpu.memory_space<vmem>> -> memref<80xi32, #tpu.memory_space<vmem>>
        %dma_wait3A_1929 = arith.constant 0 : i32
        %dma_wait3A_1930 = tpu.memref_slice %arg4[%dma_wait3A_1929] : memref<256000xi32, #tpu.memory_space<hbm>> -> memref<80xi32, #tpu.memory_space<hbm>>
        %dma_wait3A_1931 = arith.constant 0 : i32
        %dma_wait3A_1932 = tpu.memref_slice %arg6[%dma_wait3A_1924, %dma_wait3A_1925, %dma_wait3A_1931] : memref<3x5x80xi32, #tpu.memory_space<vmem>> -> memref<1x1x80xi32, #tpu.memory_space<vmem>>
        %dma_wait3A_1933 = tpu.memref_squeeze %dma_wait3A_1932 : memref<1x1x80xi32, #tpu.memory_space<vmem>> -> memref<80xi32, #tpu.memory_space<vmem>>
        %dma_wait3A_1934 = arith.constant 0 : i32
        %dma_wait3A_1935 = tpu.memref_slice %arg4[%dma_wait3A_1934] : memref<256000xi32, #tpu.memory_space<hbm>> -> memref<80xi32, #tpu.memory_space<hbm>>
        tpu.wait_dma2 semaphore(%arg15 : memref<!tpu.dma_semaphore, #tpu.memory_space<semaphore_mem>>) src(%dma_wait3A_1935 : memref<80xi32, #tpu.memory_space<hbm>>) dst(%dma_wait3A_1933 : memref<80xi32, #tpu.memory_space<vmem>>)
        %get3A_1936 = arith.constant 0 : i32
        %get3A_1937 = arith.index_cast %rem3A_1228 : i32 to index
        %get3A_1938 = arith.index_cast %get3A_1936 : i32 to index
        %get3A_1939 = arith.constant 0 : index
        %get3A_1940 = tpu.vector_load %arg6[%get3A_1937, %get3A_1938, %get3A_1939] {strides = array<i32>} : memref<3x5x80xi32, #tpu.memory_space<vmem>>, vector<1x1x16xi32>,
        %get3A_1941 = vector.shape_cast %get3A_1940 : vector<1x1x16xi32> to vector<16xi32>
        %and3A_1942 = arith.constant 262143 : i32
        %and3A_1943 = vector.broadcast %and3A_1942 : i32 to vector<16xi32>
        %and3A_1944 = arith.andi %get3A_1941, %and3A_1943 : vector<16xi32>
        %swap3A_1945 = arith.constant 0 : i32
        %swap3A_1946 = arith.index_cast %rem3A_1228 : i32 to index
        %swap3A_1947 = arith.index_cast %swap3A_1945 : i32 to index
        %swap3A_1948 = arith.constant 0 : index
        %swap3A_1949 = tpu.vector_load %arg7[%swap3A_1946, %swap3A_1947, %swap3A_1948] {strides = array<i32>} : memref<3x5x80xi32, #tpu.memory_space<vmem>>, vector<1x1x16xi32>,
        %swap3A_1950 = vector.shape_cast %swap3A_1949 : vector<1x1x16xi32> to vector<16xi32>
        %swap3A_1951 = vector.shape_cast %and3A_1944 : vector<16xi32> to vector<1x1x16xi32>
        tpu.vector_store %arg7[%swap3A_1946, %swap3A_1947, %swap3A_1948], %swap3A_1951 {strides = array<i32>} : memref<3x5x80xi32, #tpu.memory_space<vmem>>, vector<1x1x16xi32>,
        %shift_right_logical3A_1952 = arith.constant 18 : i32
        %shift_right_logical3A_1953 = vector.broadcast %shift_right_logical3A_1952 : i32 to vector<16xi32>
        %shift_right_logical3A_1954 = arith.shrui %get3A_1941, %shift_right_logical3A_1953 : vector<16xi32>
        %swap3A_1955 = arith.constant 0 : i32
        %swap3A_1956 = arith.index_cast %rem3A_1228 : i32 to index
        %swap3A_1957 = arith.index_cast %swap3A_1955 : i32 to index
        %swap3A_1958 = arith.constant 0 : index
        %swap3A_1959 = tpu.vector_load %arg8[%swap3A_1956, %swap3A_1957, %swap3A_1958] {strides = array<i32>} : memref<3x5x80xi32, #tpu.memory_space<vmem>>, vector<1x1x16xi32>,
        %swap3A_1960 = vector.shape_cast %swap3A_1959 : vector<1x1x16xi32> to vector<16xi32>
        %swap3A_1961 = vector.shape_cast %shift_right_logical3A_1954 : vector<16xi32> to vector<1x1x16xi32>
        tpu.vector_store %arg8[%swap3A_1956, %swap3A_1957, %swap3A_1958], %swap3A_1961 {strides = array<i32>} : memref<3x5x80xi32, #tpu.memory_space<vmem>>, vector<1x1x16xi32>,
        %get3A_1962 = arith.constant 0 : i32
        %get3A_1963 = arith.index_cast %rem3A_1228 : i32 to index
        %get3A_1964 = arith.index_cast %get3A_1962 : i32 to index
        %get3A_1965 = arith.constant 16 : index
        %get3A_1966 = tpu.vector_load %arg6[%get3A_1963, %get3A_1964, %get3A_1965] {strides = array<i32>} : memref<3x5x80xi32, #tpu.memory_space<vmem>>, vector<1x1x16xi32>,
        %get3A_1967 = vector.shape_cast %get3A_1966 : vector<1x1x16xi32> to vector<16xi32>
        %and3A_1968 = arith.constant 262143 : i32
        %and3A_1969 = vector.broadcast %and3A_1968 : i32 to vector<16xi32>
        %and3A_1970 = arith.andi %get3A_1967, %and3A_1969 : vector<16xi32>
        %swap3A_1971 = arith.constant 0 : i32
        %swap3A_1972 = arith.index_cast %rem3A_1228 : i32 to index
        %swap3A_1973 = arith.index_cast %swap3A_1971 : i32 to index
        %swap3A_1974 = arith.constant 16 : index
        %swap3A_1975 = tpu.vector_load %arg7[%swap3A_1972, %swap3A_1973, %swap3A_1974] {strides = array<i32>} : memref<3x5x80xi32, #tpu.memory_space<vmem>>, vector<1x1x16xi32>,
        %swap3A_1976 = vector.shape_cast %swap3A_1975 : vector<1x1x16xi32> to vector<16xi32>
        %swap3A_1977 = vector.shape_cast %and3A_1970 : vector<16xi32> to vector<1x1x16xi32>
        tpu.vector_store %arg7[%swap3A_1972, %swap3A_1973, %swap3A_1974], %swap3A_1977 {strides = array<i32>} : memref<3x5x80xi32, #tpu.memory_space<vmem>>, vector<1x1x16xi32>,
        %shift_right_logical3A_1978 = arith.constant 18 : i32
        %shift_right_logical3A_1979 = vector.broadcast %shift_right_logical3A_1978 : i32 to vector<16xi32>
        %shift_right_logical3A_1980 = arith.shrui %get3A_1967, %shift_right_logical3A_1979 : vector<16xi32>
        %swap3A_1981 = arith.constant 0 : i32
        %swap3A_1982 = arith.index_cast %rem3A_1228 : i32 to index
        %swap3A_1983 = arith.index_cast %swap3A_1981 : i32 to index
        %swap3A_1984 = arith.constant 16 : index
        %swap3A_1985 = tpu.vector_load %arg8[%swap3A_1982, %swap3A_1983, %swap3A_1984] {strides = array<i32>} : memref<3x5x80xi32, #tpu.memory_space<vmem>>, vector<1x1x16xi32>,
        %swap3A_1986 = vector.shape_cast %swap3A_1985 : vector<1x1x16xi32> to vector<16xi32>
        %swap3A_1987 = vector.shape_cast %shift_right_logical3A_1980 : vector<16xi32> to vector<1x1x16xi32>
        tpu.vector_store %arg8[%swap3A_1982, %swap3A_1983, %swap3A_1984], %swap3A_1987 {strides = array<i32>} : memref<3x5x80xi32, #tpu.memory_space<vmem>>, vector<1x1x16xi32>,
        %get3A_1988 = arith.constant 0 : i32
        %get3A_1989 = arith.index_cast %rem3A_1228 : i32 to index
        %get3A_1990 = arith.index_cast %get3A_1988 : i32 to index
        %get3A_1991 = arith.constant 32 : index
        %get3A_1992 = tpu.vector_load %arg6[%get3A_1989, %get3A_1990, %get3A_1991] {strides = array<i32>} : memref<3x5x80xi32, #tpu.memory_space<vmem>>, vector<1x1x16xi32>,
        %get3A_1993 = vector.shape_cast %get3A_1992 : vector<1x1x16xi32> to vector<16xi32>
        %and3A_1994 = arith.constant 262143 : i32
        %and3A_1995 = vector.broadcast %and3A_1994 : i32 to vector<16xi32>
        %and3A_1996 = arith.andi %get3A_1993, %and3A_1995 : vector<16xi32>
        %swap3A_1997 = arith.constant 0 : i32
        %swap3A_1998 = arith.index_cast %rem3A_1228 : i32 to index
        %swap3A_1999 = arith.index_cast %swap3A_1997 : i32 to index
        %swap3A_2000 = arith.constant 32 : index
        %swap3A_2001 = tpu.vector_load %arg7[%swap3A_1998, %swap3A_1999, %swap3A_2000] {strides = array<i32>} : memref<3x5x80xi32, #tpu.memory_space<vmem>>, vector<1x1x16xi32>,
        %swap3A_2002 = vector.shape_cast %swap3A_2001 : vector<1x1x16xi32> to vector<16xi32>
        %swap3A_2003 = vector.shape_cast %and3A_1996 : vector<16xi32> to vector<1x1x16xi32>
        tpu.vector_store %arg7[%swap3A_1998, %swap3A_1999, %swap3A_2000], %swap3A_2003 {strides = array<i32>} : memref<3x5x80xi32, #tpu.memory_space<vmem>>, vector<1x1x16xi32>,
        %shift_right_logical3A_2004 = arith.constant 18 : i32
        %shift_right_logical3A_2005 = vector.broadcast %shift_right_logical3A_2004 : i32 to vector<16xi32>
        %shift_right_logical3A_2006 = arith.shrui %get3A_1993, %shift_right_logical3A_2005 : vector<16xi32>
        %swap3A_2007 = arith.constant 0 : i32
        %swap3A_2008 = arith.index_cast %rem3A_1228 : i32 to index
        %swap3A_2009 = arith.index_cast %swap3A_2007 : i32 to index
        %swap3A_2010 = arith.constant 32 : index
        %swap3A_2011 = tpu.vector_load %arg8[%swap3A_2008, %swap3A_2009, %swap3A_2010] {strides = array<i32>} : memref<3x5x80xi32, #tpu.memory_space<vmem>>, vector<1x1x16xi32>,
        %swap3A_2012 = vector.shape_cast %swap3A_2011 : vector<1x1x16xi32> to vector<16xi32>
        %swap3A_2013 = vector.shape_cast %shift_right_logical3A_2006 : vector<16xi32> to vector<1x1x16xi32>
        tpu.vector_store %arg8[%swap3A_2008, %swap3A_2009, %swap3A_2010], %swap3A_2013 {strides = array<i32>} : memref<3x5x80xi32, #tpu.memory_space<vmem>>, vector<1x1x16xi32>,
        %get3A_2014 = arith.constant 0 : i32
        %get3A_2015 = arith.index_cast %rem3A_1228 : i32 to index
        %get3A_2016 = arith.index_cast %get3A_2014 : i32 to index
        %get3A_2017 = arith.constant 48 : index
        %get3A_2018 = tpu.vector_load %arg6[%get3A_2015, %get3A_2016, %get3A_2017] {strides = array<i32>} : memref<3x5x80xi32, #tpu.memory_space<vmem>>, vector<1x1x16xi32>,
        %get3A_2019 = vector.shape_cast %get3A_2018 : vector<1x1x16xi32> to vector<16xi32>
        %and3A_2020 = arith.constant 262143 : i32
        %and3A_2021 = vector.broadcast %and3A_2020 : i32 to vector<16xi32>
        %and3A_2022 = arith.andi %get3A_2019, %and3A_2021 : vector<16xi32>
        %swap3A_2023 = arith.constant 0 : i32
        %swap3A_2024 = arith.index_cast %rem3A_1228 : i32 to index
        %swap3A_2025 = arith.index_cast %swap3A_2023 : i32 to index
        %swap3A_2026 = arith.constant 48 : index
        %swap3A_2027 = tpu.vector_load %arg7[%swap3A_2024, %swap3A_2025, %swap3A_2026] {strides = array<i32>} : memref<3x5x80xi32, #tpu.memory_space<vmem>>, vector<1x1x16xi32>,
        %swap3A_2028 = vector.shape_cast %swap3A_2027 : vector<1x1x16xi32> to vector<16xi32>
        %swap3A_2029 = vector.shape_cast %and3A_2022 : vector<16xi32> to vector<1x1x16xi32>
        tpu.vector_store %arg7[%swap3A_2024, %swap3A_2025, %swap3A_2026], %swap3A_2029 {strides = array<i32>} : memref<3x5x80xi32, #tpu.memory_space<vmem>>, vector<1x1x16xi32>,
        %shift_right_logical3A_2030 = arith.constant 18 : i32
        %shift_right_logical3A_2031 = vector.broadcast %shift_right_logical3A_2030 : i32 to vector<16xi32>
        %shift_right_logical3A_2032 = arith.shrui %get3A_2019, %shift_right_logical3A_2031 : vector<16xi32>
        %swap3A_2033 = arith.constant 0 : i32
        %swap3A_2034 = arith.index_cast %rem3A_1228 : i32 to index
        %swap3A_2035 = arith.index_cast %swap3A_2033 : i32 to index
        %swap3A_2036 = arith.constant 48 : index
        %swap3A_2037 = tpu.vector_load %arg8[%swap3A_2034, %swap3A_2035, %swap3A_2036] {strides = array<i32>} : memref<3x5x80xi32, #tpu.memory_space<vmem>>, vector<1x1x16xi32>,
        %swap3A_2038 = vector.shape_cast %swap3A_2037 : vector<1x1x16xi32> to vector<16xi32>
        %swap3A_2039 = vector.shape_cast %shift_right_logical3A_2032 : vector<16xi32> to vector<1x1x16xi32>
        tpu.vector_store %arg8[%swap3A_2034, %swap3A_2035, %swap3A_2036], %swap3A_2039 {strides = array<i32>} : memref<3x5x80xi32, #tpu.memory_space<vmem>>, vector<1x1x16xi32>,
        %get3A_2040 = arith.constant 0 : i32
        %get3A_2041 = arith.index_cast %rem3A_1228 : i32 to index
        %get3A_2042 = arith.index_cast %get3A_2040 : i32 to index
        %get3A_2043 = arith.constant 64 : index
        %get3A_2044 = tpu.vector_load %arg6[%get3A_2041, %get3A_2042, %get3A_2043] {strides = array<i32>} : memref<3x5x80xi32, #tpu.memory_space<vmem>>, vector<1x1x16xi32>,
        %get3A_2045 = vector.shape_cast %get3A_2044 : vector<1x1x16xi32> to vector<16xi32>
        %and3A_2046 = arith.constant 262143 : i32
        %and3A_2047 = vector.broadcast %and3A_2046 : i32 to vector<16xi32>
        %and3A_2048 = arith.andi %get3A_2045, %and3A_2047 : vector<16xi32>
        %swap3A_2049 = arith.constant 0 : i32
        %swap3A_2050 = arith.index_cast %rem3A_1228 : i32 to index
        %swap3A_2051 = arith.index_cast %swap3A_2049 : i32 to index
        %swap3A_2052 = arith.constant 64 : index
        %swap3A_2053 = tpu.vector_load %arg7[%swap3A_2050, %swap3A_2051, %swap3A_2052] {strides = array<i32>} : memref<3x5x80xi32, #tpu.memory_space<vmem>>, vector<1x1x16xi32>,
        %swap3A_2054 = vector.shape_cast %swap3A_2053 : vector<1x1x16xi32> to vector<16xi32>
        %swap3A_2055 = vector.shape_cast %and3A_2048 : vector<16xi32> to vector<1x1x16xi32>
        tpu.vector_store %arg7[%swap3A_2050, %swap3A_2051, %swap3A_2052], %swap3A_2055 {strides = array<i32>} : memref<3x5x80xi32, #tpu.memory_space<vmem>>, vector<1x1x16xi32>,
        %shift_right_logical3A_2056 = arith.constant 18 : i32
        %shift_right_logical3A_2057 = vector.broadcast %shift_right_logical3A_2056 : i32 to vector<16xi32>
        %shift_right_logical3A_2058 = arith.shrui %get3A_2045, %shift_right_logical3A_2057 : vector<16xi32>
        %swap3A_2059 = arith.constant 0 : i32
        %swap3A_2060 = arith.index_cast %rem3A_1228 : i32 to index
        %swap3A_2061 = arith.index_cast %swap3A_2059 : i32 to index
        %swap3A_2062 = arith.constant 64 : index
        %swap3A_2063 = tpu.vector_load %arg8[%swap3A_2060, %swap3A_2061, %swap3A_2062] {strides = array<i32>} : memref<3x5x80xi32, #tpu.memory_space<vmem>>, vector<1x1x16xi32>,
        %swap3A_2064 = vector.shape_cast %swap3A_2063 : vector<1x1x16xi32> to vector<16xi32>
        %swap3A_2065 = vector.shape_cast %shift_right_logical3A_2058 : vector<16xi32> to vector<1x1x16xi32>
        tpu.vector_store %arg8[%swap3A_2060, %swap3A_2061, %swap3A_2062], %swap3A_2065 {strides = array<i32>} : memref<3x5x80xi32, #tpu.memory_space<vmem>>, vector<1x1x16xi32>,
        %get3A_2066 = arith.constant 1 : i32
        %get3A_2067 = arith.index_cast %rem3A_1228 : i32 to index
        %get3A_2068 = arith.index_cast %get3A_2066 : i32 to index
        %get3A_2069 = arith.constant 0 : index
        %get3A_2070 = tpu.vector_load %arg6[%get3A_2067, %get3A_2068, %get3A_2069] {strides = array<i32>} : memref<3x5x80xi32, #tpu.memory_space<vmem>>, vector<1x1x16xi32>,
        %get3A_2071 = vector.shape_cast %get3A_2070 : vector<1x1x16xi32> to vector<16xi32>
        %and3A_2072 = arith.constant 262143 : i32
        %and3A_2073 = vector.broadcast %and3A_2072 : i32 to vector<16xi32>
        %and3A_2074 = arith.andi %get3A_2071, %and3A_2073 : vector<16xi32>
        %swap3A_2075 = arith.constant 1 : i32
        %swap3A_2076 = arith.index_cast %rem3A_1228 : i32 to index
        %swap3A_2077 = arith.index_cast %swap3A_2075 : i32 to index
        %swap3A_2078 = arith.constant 0 : index
        %swap3A_2079 = tpu.vector_load %arg7[%swap3A_2076, %swap3A_2077, %swap3A_2078] {strides = array<i32>} : memref<3x5x80xi32, #tpu.memory_space<vmem>>, vector<1x1x16xi32>,
        %swap3A_2080 = vector.shape_cast %swap3A_2079 : vector<1x1x16xi32> to vector<16xi32>
        %swap3A_2081 = vector.shape_cast %and3A_2074 : vector<16xi32> to vector<1x1x16xi32>
        tpu.vector_store %arg7[%swap3A_2076, %swap3A_2077, %swap3A_2078], %swap3A_2081 {strides = array<i32>} : memref<3x5x80xi32, #tpu.memory_space<vmem>>, vector<1x1x16xi32>,
        %shift_right_logical3A_2082 = arith.constant 18 : i32
        %shift_right_logical3A_2083 = vector.broadcast %shift_right_logical3A_2082 : i32 to vector<16xi32>
        %shift_right_logical3A_2084 = arith.shrui %get3A_2071, %shift_right_logical3A_2083 : vector<16xi32>
        %swap3A_2085 = arith.constant 1 : i32
        %swap3A_2086 = arith.index_cast %rem3A_1228 : i32 to index
        %swap3A_2087 = arith.index_cast %swap3A_2085 : i32 to index
        %swap3A_2088 = arith.constant 0 : index
        %swap3A_2089 = tpu.vector_load %arg8[%swap3A_2086, %swap3A_2087, %swap3A_2088] {strides = array<i32>} : memref<3x5x80xi32, #tpu.memory_space<vmem>>, vector<1x1x16xi32>,
        %swap3A_2090 = vector.shape_cast %swap3A_2089 : vector<1x1x16xi32> to vector<16xi32>
        %swap3A_2091 = vector.shape_cast %shift_right_logical3A_2084 : vector<16xi32> to vector<1x1x16xi32>
        tpu.vector_store %arg8[%swap3A_2086, %swap3A_2087, %swap3A_2088], %swap3A_2091 {strides = array<i32>} : memref<3x5x80xi32, #tpu.memory_space<vmem>>, vector<1x1x16xi32>,
        %get3A_2092 = arith.constant 1 : i32
        %get3A_2093 = arith.index_cast %rem3A_1228 : i32 to index
        %get3A_2094 = arith.index_cast %get3A_2092 : i32 to index
        %get3A_2095 = arith.constant 16 : index
        %get3A_2096 = tpu.vector_load %arg6[%get3A_2093, %get3A_2094, %get3A_2095] {strides = array<i32>} : memref<3x5x80xi32, #tpu.memory_space<vmem>>, vector<1x1x16xi32>,
        %get3A_2097 = vector.shape_cast %get3A_2096 : vector<1x1x16xi32> to vector<16xi32>
        %and3A_2098 = arith.constant 262143 : i32
        %and3A_2099 = vector.broadcast %and3A_2098 : i32 to vector<16xi32>
        %and3A_2100 = arith.andi %get3A_2097, %and3A_2099 : vector<16xi32>
        %swap3A_2101 = arith.constant 1 : i32
        %swap3A_2102 = arith.index_cast %rem3A_1228 : i32 to index
        %swap3A_2103 = arith.index_cast %swap3A_2101 : i32 to index
        %swap3A_2104 = arith.constant 16 : index
        %swap3A_2105 = tpu.vector_load %arg7[%swap3A_2102, %swap3A_2103, %swap3A_2104] {strides = array<i32>} : memref<3x5x80xi32, #tpu.memory_space<vmem>>, vector<1x1x16xi32>,
        %swap3A_2106 = vector.shape_cast %swap3A_2105 : vector<1x1x16xi32> to vector<16xi32>
        %swap3A_2107 = vector.shape_cast %and3A_2100 : vector<16xi32> to vector<1x1x16xi32>
        tpu.vector_store %arg7[%swap3A_2102, %swap3A_2103, %swap3A_2104], %swap3A_2107 {strides = array<i32>} : memref<3x5x80xi32, #tpu.memory_space<vmem>>, vector<1x1x16xi32>,
        %shift_right_logical3A_2108 = arith.constant 18 : i32
        %shift_right_logical3A_2109 = vector.broadcast %shift_right_logical3A_2108 : i32 to vector<16xi32>
        %shift_right_logical3A_2110 = arith.shrui %get3A_2097, %shift_right_logical3A_2109 : vector<16xi32>
        %swap3A_2111 = arith.constant 1 : i32
        %swap3A_2112 = arith.index_cast %rem3A_1228 : i32 to index
        %swap3A_2113 = arith.index_cast %swap3A_2111 : i32 to index
        %swap3A_2114 = arith.constant 16 : index
        %swap3A_2115 = tpu.vector_load %arg8[%swap3A_2112, %swap3A_2113, %swap3A_2114] {strides = array<i32>} : memref<3x5x80xi32, #tpu.memory_space<vmem>>, vector<1x1x16xi32>,
        %swap3A_2116 = vector.shape_cast %swap3A_2115 : vector<1x1x16xi32> to vector<16xi32>
        %swap3A_2117 = vector.shape_cast %shift_right_logical3A_2110 : vector<16xi32> to vector<1x1x16xi32>
        tpu.vector_store %arg8[%swap3A_2112, %swap3A_2113, %swap3A_2114], %swap3A_2117 {strides = array<i32>} : memref<3x5x80xi32, #tpu.memory_space<vmem>>, vector<1x1x16xi32>,
        %get3A_2118 = arith.constant 1 : i32
        %get3A_2119 = arith.index_cast %rem3A_1228 : i32 to index
        %get3A_2120 = arith.index_cast %get3A_2118 : i32 to index
        %get3A_2121 = arith.constant 32 : index
        %get3A_2122 = tpu.vector_load %arg6[%get3A_2119, %get3A_2120, %get3A_2121] {strides = array<i32>} : memref<3x5x80xi32, #tpu.memory_space<vmem>>, vector<1x1x16xi32>,
        %get3A_2123 = vector.shape_cast %get3A_2122 : vector<1x1x16xi32> to vector<16xi32>
        %and3A_2124 = arith.constant 262143 : i32
        %and3A_2125 = vector.broadcast %and3A_2124 : i32 to vector<16xi32>
        %and3A_2126 = arith.andi %get3A_2123, %and3A_2125 : vector<16xi32>
        %swap3A_2127 = arith.constant 1 : i32
        %swap3A_2128 = arith.index_cast %rem3A_1228 : i32 to index
        %swap3A_2129 = arith.index_cast %swap3A_2127 : i32 to index
        %swap3A_2130 = arith.constant 32 : index
        %swap3A_2131 = tpu.vector_load %arg7[%swap3A_2128, %swap3A_2129, %swap3A_2130] {strides = array<i32>} : memref<3x5x80xi32, #tpu.memory_space<vmem>>, vector<1x1x16xi32>,
        %swap3A_2132 = vector.shape_cast %swap3A_2131 : vector<1x1x16xi32> to vector<16xi32>
        %swap3A_2133 = vector.shape_cast %and3A_2126 : vector<16xi32> to vector<1x1x16xi32>
        tpu.vector_store %arg7[%swap3A_2128, %swap3A_2129, %swap3A_2130], %swap3A_2133 {strides = array<i32>} : memref<3x5x80xi32, #tpu.memory_space<vmem>>, vector<1x1x16xi32>,
        %shift_right_logical3A_2134 = arith.constant 18 : i32
        %shift_right_logical3A_2135 = vector.broadcast %shift_right_logical3A_2134 : i32 to vector<16xi32>
        %shift_right_logical3A_2136 = arith.shrui %get3A_2123, %shift_right_logical3A_2135 : vector<16xi32>
        %swap3A_2137 = arith.constant 1 : i32
        %swap3A_2138 = arith.index_cast %rem3A_1228 : i32 to index
        %swap3A_2139 = arith.index_cast %swap3A_2137 : i32 to index
        %swap3A_2140 = arith.constant 32 : index
        %swap3A_2141 = tpu.vector_load %arg8[%swap3A_2138, %swap3A_2139, %swap3A_2140] {strides = array<i32>} : memref<3x5x80xi32, #tpu.memory_space<vmem>>, vector<1x1x16xi32>,
        %swap3A_2142 = vector.shape_cast %swap3A_2141 : vector<1x1x16xi32> to vector<16xi32>
        %swap3A_2143 = vector.shape_cast %shift_right_logical3A_2136 : vector<16xi32> to vector<1x1x16xi32>
        tpu.vector_store %arg8[%swap3A_2138, %swap3A_2139, %swap3A_2140], %swap3A_2143 {strides = array<i32>} : memref<3x5x80xi32, #tpu.memory_space<vmem>>, vector<1x1x16xi32>,
        %get3A_2144 = arith.constant 1 : i32
        %get3A_2145 = arith.index_cast %rem3A_1228 : i32 to index
        %get3A_2146 = arith.index_cast %get3A_2144 : i32 to index
        %get3A_2147 = arith.constant 48 : index
        %get3A_2148 = tpu.vector_load %arg6[%get3A_2145, %get3A_2146, %get3A_2147] {strides = array<i32>} : memref<3x5x80xi32, #tpu.memory_space<vmem>>, vector<1x1x16xi32>,
        %get3A_2149 = vector.shape_cast %get3A_2148 : vector<1x1x16xi32> to vector<16xi32>
        %and3A_2150 = arith.constant 262143 : i32
        %and3A_2151 = vector.broadcast %and3A_2150 : i32 to vector<16xi32>
        %and3A_2152 = arith.andi %get3A_2149, %and3A_2151 : vector<16xi32>
        %swap3A_2153 = arith.constant 1 : i32
        %swap3A_2154 = arith.index_cast %rem3A_1228 : i32 to index
        %swap3A_2155 = arith.index_cast %swap3A_2153 : i32 to index
        %swap3A_2156 = arith.constant 48 : index
        %swap3A_2157 = tpu.vector_load %arg7[%swap3A_2154, %swap3A_2155, %swap3A_2156] {strides = array<i32>} : memref<3x5x80xi32, #tpu.memory_space<vmem>>, vector<1x1x16xi32>,
        %swap3A_2158 = vector.shape_cast %swap3A_2157 : vector<1x1x16xi32> to vector<16xi32>
        %swap3A_2159 = vector.shape_cast %and3A_2152 : vector<16xi32> to vector<1x1x16xi32>
        tpu.vector_store %arg7[%swap3A_2154, %swap3A_2155, %swap3A_2156], %swap3A_2159 {strides = array<i32>} : memref<3x5x80xi32, #tpu.memory_space<vmem>>, vector<1x1x16xi32>,
        %shift_right_logical3A_2160 = arith.constant 18 : i32
        %shift_right_logical3A_2161 = vector.broadcast %shift_right_logical3A_2160 : i32 to vector<16xi32>
        %shift_right_logical3A_2162 = arith.shrui %get3A_2149, %shift_right_logical3A_2161 : vector<16xi32>
        %swap3A_2163 = arith.constant 1 : i32
        %swap3A_2164 = arith.index_cast %rem3A_1228 : i32 to index
        %swap3A_2165 = arith.index_cast %swap3A_2163 : i32 to index
        %swap3A_2166 = arith.constant 48 : index
        %swap3A_2167 = tpu.vector_load %arg8[%swap3A_2164, %swap3A_2165, %swap3A_2166] {strides = array<i32>} : memref<3x5x80xi32, #tpu.memory_space<vmem>>, vector<1x1x16xi32>,
        %swap3A_2168 = vector.shape_cast %swap3A_2167 : vector<1x1x16xi32> to vector<16xi32>
        %swap3A_2169 = vector.shape_cast %shift_right_logical3A_2162 : vector<16xi32> to vector<1x1x16xi32>
        tpu.vector_store %arg8[%swap3A_2164, %swap3A_2165, %swap3A_2166], %swap3A_2169 {strides = array<i32>} : memref<3x5x80xi32, #tpu.memory_space<vmem>>, vector<1x1x16xi32>,
        %get3A_2170 = arith.constant 1 : i32
        %get3A_2171 = arith.index_cast %rem3A_1228 : i32 to index
        %get3A_2172 = arith.index_cast %get3A_2170 : i32 to index
        %get3A_2173 = arith.constant 64 : index
        %get3A_2174 = tpu.vector_load %arg6[%get3A_2171, %get3A_2172, %get3A_2173] {strides = array<i32>} : memref<3x5x80xi32, #tpu.memory_space<vmem>>, vector<1x1x16xi32>,
        %get3A_2175 = vector.shape_cast %get3A_2174 : vector<1x1x16xi32> to vector<16xi32>
        %and3A_2176 = arith.constant 262143 : i32
        %and3A_2177 = vector.broadcast %and3A_2176 : i32 to vector<16xi32>
        %and3A_2178 = arith.andi %get3A_2175, %and3A_2177 : vector<16xi32>
        %swap3A_2179 = arith.constant 1 : i32
        %swap3A_2180 = arith.index_cast %rem3A_1228 : i32 to index
        %swap3A_2181 = arith.index_cast %swap3A_2179 : i32 to index
        %swap3A_2182 = arith.constant 64 : index
        %swap3A_2183 = tpu.vector_load %arg7[%swap3A_2180, %swap3A_2181, %swap3A_2182] {strides = array<i32>} : memref<3x5x80xi32, #tpu.memory_space<vmem>>, vector<1x1x16xi32>,
        %swap3A_2184 = vector.shape_cast %swap3A_2183 : vector<1x1x16xi32> to vector<16xi32>
        %swap3A_2185 = vector.shape_cast %and3A_2178 : vector<16xi32> to vector<1x1x16xi32>
        tpu.vector_store %arg7[%swap3A_2180, %swap3A_2181, %swap3A_2182], %swap3A_2185 {strides = array<i32>} : memref<3x5x80xi32, #tpu.memory_space<vmem>>, vector<1x1x16xi32>,
        %shift_right_logical3A_2186 = arith.constant 18 : i32
        %shift_right_logical3A_2187 = vector.broadcast %shift_right_logical3A_2186 : i32 to vector<16xi32>
        %shift_right_logical3A_2188 = arith.shrui %get3A_2175, %shift_right_logical3A_2187 : vector<16xi32>
        %swap3A_2189 = arith.constant 1 : i32
        %swap3A_2190 = arith.index_cast %rem3A_1228 : i32 to index
        %swap3A_2191 = arith.index_cast %swap3A_2189 : i32 to index
        %swap3A_2192 = arith.constant 64 : index
        %swap3A_2193 = tpu.vector_load %arg8[%swap3A_2190, %swap3A_2191, %swap3A_2192] {strides = array<i32>} : memref<3x5x80xi32, #tpu.memory_space<vmem>>, vector<1x1x16xi32>,
        %swap3A_2194 = vector.shape_cast %swap3A_2193 : vector<1x1x16xi32> to vector<16xi32>
        %swap3A_2195 = vector.shape_cast %shift_right_logical3A_2188 : vector<16xi32> to vector<1x1x16xi32>
        tpu.vector_store %arg8[%swap3A_2190, %swap3A_2191, %swap3A_2192], %swap3A_2195 {strides = array<i32>} : memref<3x5x80xi32, #tpu.memory_space<vmem>>, vector<1x1x16xi32>,
        %get3A_2196 = arith.constant 2 : i32
        %get3A_2197 = arith.index_cast %rem3A_1228 : i32 to index
        %get3A_2198 = arith.index_cast %get3A_2196 : i32 to index
        %get3A_2199 = arith.constant 0 : index
        %get3A_2200 = tpu.vector_load %arg6[%get3A_2197, %get3A_2198, %get3A_2199] {strides = array<i32>} : memref<3x5x80xi32, #tpu.memory_space<vmem>>, vector<1x1x16xi32>,
        %get3A_2201 = vector.shape_cast %get3A_2200 : vector<1x1x16xi32> to vector<16xi32>
        %and3A_2202 = arith.constant 262143 : i32
        %and3A_2203 = vector.broadcast %and3A_2202 : i32 to vector<16xi32>
        %and3A_2204 = arith.andi %get3A_2201, %and3A_2203 : vector<16xi32>
        %swap3A_2205 = arith.constant 2 : i32
        %swap3A_2206 = arith.index_cast %rem3A_1228 : i32 to index
        %swap3A_2207 = arith.index_cast %swap3A_2205 : i32 to index
        %swap3A_2208 = arith.constant 0 : index
        %swap3A_2209 = tpu.vector_load %arg7[%swap3A_2206, %swap3A_2207, %swap3A_2208] {strides = array<i32>} : memref<3x5x80xi32, #tpu.memory_space<vmem>>, vector<1x1x16xi32>,
        %swap3A_2210 = vector.shape_cast %swap3A_2209 : vector<1x1x16xi32> to vector<16xi32>
        %swap3A_2211 = vector.shape_cast %and3A_2204 : vector<16xi32> to vector<1x1x16xi32>
        tpu.vector_store %arg7[%swap3A_2206, %swap3A_2207, %swap3A_2208], %swap3A_2211 {strides = array<i32>} : memref<3x5x80xi32, #tpu.memory_space<vmem>>, vector<1x1x16xi32>,
        %shift_right_logical3A_2212 = arith.constant 18 : i32
        %shift_right_logical3A_2213 = vector.broadcast %shift_right_logical3A_2212 : i32 to vector<16xi32>
        %shift_right_logical3A_2214 = arith.shrui %get3A_2201, %shift_right_logical3A_2213 : vector<16xi32>
        %swap3A_2215 = arith.constant 2 : i32
        %swap3A_2216 = arith.index_cast %rem3A_1228 : i32 to index
        %swap3A_2217 = arith.index_cast %swap3A_2215 : i32 to index
        %swap3A_2218 = arith.constant 0 : index
        %swap3A_2219 = tpu.vector_load %arg8[%swap3A_2216, %swap3A_2217, %swap3A_2218] {strides = array<i32>} : memref<3x5x80xi32, #tpu.memory_space<vmem>>, vector<1x1x16xi32>,
        %swap3A_2220 = vector.shape_cast %swap3A_2219 : vector<1x1x16xi32> to vector<16xi32>
        %swap3A_2221 = vector.shape_cast %shift_right_logical3A_2214 : vector<16xi32> to vector<1x1x16xi32>
        tpu.vector_store %arg8[%swap3A_2216, %swap3A_2217, %swap3A_2218], %swap3A_2221 {strides = array<i32>} : memref<3x5x80xi32, #tpu.memory_space<vmem>>, vector<1x1x16xi32>,
        %get3A_2222 = arith.constant 2 : i32
        %get3A_2223 = arith.index_cast %rem3A_1228 : i32 to index
        %get3A_2224 = arith.index_cast %get3A_2222 : i32 to index
        %get3A_2225 = arith.constant 16 : index
        %get3A_2226 = tpu.vector_load %arg6[%get3A_2223, %get3A_2224, %get3A_2225] {strides = array<i32>} : memref<3x5x80xi32, #tpu.memory_space<vmem>>, vector<1x1x16xi32>,
        %get3A_2227 = vector.shape_cast %get3A_2226 : vector<1x1x16xi32> to vector<16xi32>
        %and3A_2228 = arith.constant 262143 : i32
        %and3A_2229 = vector.broadcast %and3A_2228 : i32 to vector<16xi32>
        %and3A_2230 = arith.andi %get3A_2227, %and3A_2229 : vector<16xi32>
        %swap3A_2231 = arith.constant 2 : i32
        %swap3A_2232 = arith.index_cast %rem3A_1228 : i32 to index
        %swap3A_2233 = arith.index_cast %swap3A_2231 : i32 to index
        %swap3A_2234 = arith.constant 16 : index
        %swap3A_2235 = tpu.vector_load %arg7[%swap3A_2232, %swap3A_2233, %swap3A_2234] {strides = array<i32>} : memref<3x5x80xi32, #tpu.memory_space<vmem>>, vector<1x1x16xi32>,
        %swap3A_2236 = vector.shape_cast %swap3A_2235 : vector<1x1x16xi32> to vector<16xi32>
        %swap3A_2237 = vector.shape_cast %and3A_2230 : vector<16xi32> to vector<1x1x16xi32>
        tpu.vector_store %arg7[%swap3A_2232, %swap3A_2233, %swap3A_2234], %swap3A_2237 {strides = array<i32>} : memref<3x5x80xi32, #tpu.memory_space<vmem>>, vector<1x1x16xi32>,
        %shift_right_logical3A_2238 = arith.constant 18 : i32
        %shift_right_logical3A_2239 = vector.broadcast %shift_right_logical3A_2238 : i32 to vector<16xi32>
        %shift_right_logical3A_2240 = arith.shrui %get3A_2227, %shift_right_logical3A_2239 : vector<16xi32>
        %swap3A_2241 = arith.constant 2 : i32
        %swap3A_2242 = arith.index_cast %rem3A_1228 : i32 to index
        %swap3A_2243 = arith.index_cast %swap3A_2241 : i32 to index
        %swap3A_2244 = arith.constant 16 : index
        %swap3A_2245 = tpu.vector_load %arg8[%swap3A_2242, %swap3A_2243, %swap3A_2244] {strides = array<i32>} : memref<3x5x80xi32, #tpu.memory_space<vmem>>, vector<1x1x16xi32>,
        %swap3A_2246 = vector.shape_cast %swap3A_2245 : vector<1x1x16xi32> to vector<16xi32>
        %swap3A_2247 = vector.shape_cast %shift_right_logical3A_2240 : vector<16xi32> to vector<1x1x16xi32>
        tpu.vector_store %arg8[%swap3A_2242, %swap3A_2243, %swap3A_2244], %swap3A_2247 {strides = array<i32>} : memref<3x5x80xi32, #tpu.memory_space<vmem>>, vector<1x1x16xi32>,
        %get3A_2248 = arith.constant 2 : i32
        %get3A_2249 = arith.index_cast %rem3A_1228 : i32 to index
        %get3A_2250 = arith.index_cast %get3A_2248 : i32 to index
        %get3A_2251 = arith.constant 32 : index
        %get3A_2252 = tpu.vector_load %arg6[%get3A_2249, %get3A_2250, %get3A_2251] {strides = array<i32>} : memref<3x5x80xi32, #tpu.memory_space<vmem>>, vector<1x1x16xi32>,
        %get3A_2253 = vector.shape_cast %get3A_2252 : vector<1x1x16xi32> to vector<16xi32>
        %and3A_2254 = arith.constant 262143 : i32
        %and3A_2255 = vector.broadcast %and3A_2254 : i32 to vector<16xi32>
        %and3A_2256 = arith.andi %get3A_2253, %and3A_2255 : vector<16xi32>
        %swap3A_2257 = arith.constant 2 : i32
        %swap3A_2258 = arith.index_cast %rem3A_1228 : i32 to index
        %swap3A_2259 = arith.index_cast %swap3A_2257 : i32 to index
        %swap3A_2260 = arith.constant 32 : index
        %swap3A_2261 = tpu.vector_load %arg7[%swap3A_2258, %swap3A_2259, %swap3A_2260] {strides = array<i32>} : memref<3x5x80xi32, #tpu.memory_space<vmem>>, vector<1x1x16xi32>,
        %swap3A_2262 = vector.shape_cast %swap3A_2261 : vector<1x1x16xi32> to vector<16xi32>
        %swap3A_2263 = vector.shape_cast %and3A_2256 : vector<16xi32> to vector<1x1x16xi32>
        tpu.vector_store %arg7[%swap3A_2258, %swap3A_2259, %swap3A_2260], %swap3A_2263 {strides = array<i32>} : memref<3x5x80xi32, #tpu.memory_space<vmem>>, vector<1x1x16xi32>,
        %shift_right_logical3A_2264 = arith.constant 18 : i32
        %shift_right_logical3A_2265 = vector.broadcast %shift_right_logical3A_2264 : i32 to vector<16xi32>
        %shift_right_logical3A_2266 = arith.shrui %get3A_2253, %shift_right_logical3A_2265 : vector<16xi32>
        %swap3A_2267 = arith.constant 2 : i32
        %swap3A_2268 = arith.index_cast %rem3A_1228 : i32 to index
        %swap3A_2269 = arith.index_cast %swap3A_2267 : i32 to index
        %swap3A_2270 = arith.constant 32 : index
        %swap3A_2271 = tpu.vector_load %arg8[%swap3A_2268, %swap3A_2269, %swap3A_2270] {strides = array<i32>} : memref<3x5x80xi32, #tpu.memory_space<vmem>>, vector<1x1x16xi32>,
        %swap3A_2272 = vector.shape_cast %swap3A_2271 : vector<1x1x16xi32> to vector<16xi32>
        %swap3A_2273 = vector.shape_cast %shift_right_logical3A_2266 : vector<16xi32> to vector<1x1x16xi32>
        tpu.vector_store %arg8[%swap3A_2268, %swap3A_2269, %swap3A_2270], %swap3A_2273 {strides = array<i32>} : memref<3x5x80xi32, #tpu.memory_space<vmem>>, vector<1x1x16xi32>,
        %get3A_2274 = arith.constant 2 : i32
        %get3A_2275 = arith.index_cast %rem3A_1228 : i32 to index
        %get3A_2276 = arith.index_cast %get3A_2274 : i32 to index
        %get3A_2277 = arith.constant 48 : index
        %get3A_2278 = tpu.vector_load %arg6[%get3A_2275, %get3A_2276, %get3A_2277] {strides = array<i32>} : memref<3x5x80xi32, #tpu.memory_space<vmem>>, vector<1x1x16xi32>,
        %get3A_2279 = vector.shape_cast %get3A_2278 : vector<1x1x16xi32> to vector<16xi32>
        %and3A_2280 = arith.constant 262143 : i32
        %and3A_2281 = vector.broadcast %and3A_2280 : i32 to vector<16xi32>
        %and3A_2282 = arith.andi %get3A_2279, %and3A_2281 : vector<16xi32>
        %swap3A_2283 = arith.constant 2 : i32
        %swap3A_2284 = arith.index_cast %rem3A_1228 : i32 to index
        %swap3A_2285 = arith.index_cast %swap3A_2283 : i32 to index
        %swap3A_2286 = arith.constant 48 : index
        %swap3A_2287 = tpu.vector_load %arg7[%swap3A_2284, %swap3A_2285, %swap3A_2286] {strides = array<i32>} : memref<3x5x80xi32, #tpu.memory_space<vmem>>, vector<1x1x16xi32>,
        %swap3A_2288 = vector.shape_cast %swap3A_2287 : vector<1x1x16xi32> to vector<16xi32>
        %swap3A_2289 = vector.shape_cast %and3A_2282 : vector<16xi32> to vector<1x1x16xi32>
        tpu.vector_store %arg7[%swap3A_2284, %swap3A_2285, %swap3A_2286], %swap3A_2289 {strides = array<i32>} : memref<3x5x80xi32, #tpu.memory_space<vmem>>, vector<1x1x16xi32>,
        %shift_right_logical3A_2290 = arith.constant 18 : i32
        %shift_right_logical3A_2291 = vector.broadcast %shift_right_logical3A_2290 : i32 to vector<16xi32>
        %shift_right_logical3A_2292 = arith.shrui %get3A_2279, %shift_right_logical3A_2291 : vector<16xi32>
        %swap3A_2293 = arith.constant 2 : i32
        %swap3A_2294 = arith.index_cast %rem3A_1228 : i32 to index
        %swap3A_2295 = arith.index_cast %swap3A_2293 : i32 to index
        %swap3A_2296 = arith.constant 48 : index
        %swap3A_2297 = tpu.vector_load %arg8[%swap3A_2294, %swap3A_2295, %swap3A_2296] {strides = array<i32>} : memref<3x5x80xi32, #tpu.memory_space<vmem>>, vector<1x1x16xi32>,
        %swap3A_2298 = vector.shape_cast %swap3A_2297 : vector<1x1x16xi32> to vector<16xi32>
        %swap3A_2299 = vector.shape_cast %shift_right_logical3A_2292 : vector<16xi32> to vector<1x1x16xi32>
        tpu.vector_store %arg8[%swap3A_2294, %swap3A_2295, %swap3A_2296], %swap3A_2299 {strides = array<i32>} : memref<3x5x80xi32, #tpu.memory_space<vmem>>, vector<1x1x16xi32>,
        %get3A_2300 = arith.constant 2 : i32
        %get3A_2301 = arith.index_cast %rem3A_1228 : i32 to index
        %get3A_2302 = arith.index_cast %get3A_2300 : i32 to index
        %get3A_2303 = arith.constant 64 : index
        %get3A_2304 = tpu.vector_load %arg6[%get3A_2301, %get3A_2302, %get3A_2303] {strides = array<i32>} : memref<3x5x80xi32, #tpu.memory_space<vmem>>, vector<1x1x16xi32>,
        %get3A_2305 = vector.shape_cast %get3A_2304 : vector<1x1x16xi32> to vector<16xi32>
        %and3A_2306 = arith.constant 262143 : i32
        %and3A_2307 = vector.broadcast %and3A_2306 : i32 to vector<16xi32>
        %and3A_2308 = arith.andi %get3A_2305, %and3A_2307 : vector<16xi32>
        %swap3A_2309 = arith.constant 2 : i32
        %swap3A_2310 = arith.index_cast %rem3A_1228 : i32 to index
        %swap3A_2311 = arith.index_cast %swap3A_2309 : i32 to index
        %swap3A_2312 = arith.constant 64 : index
        %swap3A_2313 = tpu.vector_load %arg7[%swap3A_2310, %swap3A_2311, %swap3A_2312] {strides = array<i32>} : memref<3x5x80xi32, #tpu.memory_space<vmem>>, vector<1x1x16xi32>,
        %swap3A_2314 = vector.shape_cast %swap3A_2313 : vector<1x1x16xi32> to vector<16xi32>
        %swap3A_2315 = vector.shape_cast %and3A_2308 : vector<16xi32> to vector<1x1x16xi32>
        tpu.vector_store %arg7[%swap3A_2310, %swap3A_2311, %swap3A_2312], %swap3A_2315 {strides = array<i32>} : memref<3x5x80xi32, #tpu.memory_space<vmem>>, vector<1x1x16xi32>,
        %shift_right_logical3A_2316 = arith.constant 18 : i32
        %shift_right_logical3A_2317 = vector.broadcast %shift_right_logical3A_2316 : i32 to vector<16xi32>
        %shift_right_logical3A_2318 = arith.shrui %get3A_2305, %shift_right_logical3A_2317 : vector<16xi32>
        %swap3A_2319 = arith.constant 2 : i32
        %swap3A_2320 = arith.index_cast %rem3A_1228 : i32 to index
        %swap3A_2321 = arith.index_cast %swap3A_2319 : i32 to index
        %swap3A_2322 = arith.constant 64 : index
        %swap3A_2323 = tpu.vector_load %arg8[%swap3A_2320, %swap3A_2321, %swap3A_2322] {strides = array<i32>} : memref<3x5x80xi32, #tpu.memory_space<vmem>>, vector<1x1x16xi32>,
        %swap3A_2324 = vector.shape_cast %swap3A_2323 : vector<1x1x16xi32> to vector<16xi32>
        %swap3A_2325 = vector.shape_cast %shift_right_logical3A_2318 : vector<16xi32> to vector<1x1x16xi32>
        tpu.vector_store %arg8[%swap3A_2320, %swap3A_2321, %swap3A_2322], %swap3A_2325 {strides = array<i32>} : memref<3x5x80xi32, #tpu.memory_space<vmem>>, vector<1x1x16xi32>,
        %get3A_2326 = arith.constant 3 : i32
        %get3A_2327 = arith.index_cast %rem3A_1228 : i32 to index
        %get3A_2328 = arith.index_cast %get3A_2326 : i32 to index
        %get3A_2329 = arith.constant 0 : index
        %get3A_2330 = tpu.vector_load %arg6[%get3A_2327, %get3A_2328, %get3A_2329] {strides = array<i32>} : memref<3x5x80xi32, #tpu.memory_space<vmem>>, vector<1x1x16xi32>,
        %get3A_2331 = vector.shape_cast %get3A_2330 : vector<1x1x16xi32> to vector<16xi32>
        %and3A_2332 = arith.constant 262143 : i32
        %and3A_2333 = vector.broadcast %and3A_2332 : i32 to vector<16xi32>
        %and3A_2334 = arith.andi %get3A_2331, %and3A_2333 : vector<16xi32>
        %swap3A_2335 = arith.constant 3 : i32
        %swap3A_2336 = arith.index_cast %rem3A_1228 : i32 to index
        %swap3A_2337 = arith.index_cast %swap3A_2335 : i32 to index
        %swap3A_2338 = arith.constant 0 : index
        %swap3A_2339 = tpu.vector_load %arg7[%swap3A_2336, %swap3A_2337, %swap3A_2338] {strides = array<i32>} : memref<3x5x80xi32, #tpu.memory_space<vmem>>, vector<1x1x16xi32>,
        %swap3A_2340 = vector.shape_cast %swap3A_2339 : vector<1x1x16xi32> to vector<16xi32>
        %swap3A_2341 = vector.shape_cast %and3A_2334 : vector<16xi32> to vector<1x1x16xi32>
        tpu.vector_store %arg7[%swap3A_2336, %swap3A_2337, %swap3A_2338], %swap3A_2341 {strides = array<i32>} : memref<3x5x80xi32, #tpu.memory_space<vmem>>, vector<1x1x16xi32>,
        %shift_right_logical3A_2342 = arith.constant 18 : i32
        %shift_right_logical3A_2343 = vector.broadcast %shift_right_logical3A_2342 : i32 to vector<16xi32>
        %shift_right_logical3A_2344 = arith.shrui %get3A_2331, %shift_right_logical3A_2343 : vector<16xi32>
        %swap3A_2345 = arith.constant 3 : i32
        %swap3A_2346 = arith.index_cast %rem3A_1228 : i32 to index
        %swap3A_2347 = arith.index_cast %swap3A_2345 : i32 to index
        %swap3A_2348 = arith.constant 0 : index
        %swap3A_2349 = tpu.vector_load %arg8[%swap3A_2346, %swap3A_2347, %swap3A_2348] {strides = array<i32>} : memref<3x5x80xi32, #tpu.memory_space<vmem>>, vector<1x1x16xi32>,
        %swap3A_2350 = vector.shape_cast %swap3A_2349 : vector<1x1x16xi32> to vector<16xi32>
        %swap3A_2351 = vector.shape_cast %shift_right_logical3A_2344 : vector<16xi32> to vector<1x1x16xi32>
        tpu.vector_store %arg8[%swap3A_2346, %swap3A_2347, %swap3A_2348], %swap3A_2351 {strides = array<i32>} : memref<3x5x80xi32, #tpu.memory_space<vmem>>, vector<1x1x16xi32>,
        %get3A_2352 = arith.constant 3 : i32
        %get3A_2353 = arith.index_cast %rem3A_1228 : i32 to index
        %get3A_2354 = arith.index_cast %get3A_2352 : i32 to index
        %get3A_2355 = arith.constant 16 : index
        %get3A_2356 = tpu.vector_load %arg6[%get3A_2353, %get3A_2354, %get3A_2355] {strides = array<i32>} : memref<3x5x80xi32, #tpu.memory_space<vmem>>, vector<1x1x16xi32>,
        %get3A_2357 = vector.shape_cast %get3A_2356 : vector<1x1x16xi32> to vector<16xi32>
        %and3A_2358 = arith.constant 262143 : i32
        %and3A_2359 = vector.broadcast %and3A_2358 : i32 to vector<16xi32>
        %and3A_2360 = arith.andi %get3A_2357, %and3A_2359 : vector<16xi32>
        %swap3A_2361 = arith.constant 3 : i32
        %swap3A_2362 = arith.index_cast %rem3A_1228 : i32 to index
        %swap3A_2363 = arith.index_cast %swap3A_2361 : i32 to index
        %swap3A_2364 = arith.constant 16 : index
        %swap3A_2365 = tpu.vector_load %arg7[%swap3A_2362, %swap3A_2363, %swap3A_2364] {strides = array<i32>} : memref<3x5x80xi32, #tpu.memory_space<vmem>>, vector<1x1x16xi32>,
        %swap3A_2366 = vector.shape_cast %swap3A_2365 : vector<1x1x16xi32> to vector<16xi32>
        %swap3A_2367 = vector.shape_cast %and3A_2360 : vector<16xi32> to vector<1x1x16xi32>
        tpu.vector_store %arg7[%swap3A_2362, %swap3A_2363, %swap3A_2364], %swap3A_2367 {strides = array<i32>} : memref<3x5x80xi32, #tpu.memory_space<vmem>>, vector<1x1x16xi32>,
        %shift_right_logical3A_2368 = arith.constant 18 : i32
        %shift_right_logical3A_2369 = vector.broadcast %shift_right_logical3A_2368 : i32 to vector<16xi32>
        %shift_right_logical3A_2370 = arith.shrui %get3A_2357, %shift_right_logical3A_2369 : vector<16xi32>
        %swap3A_2371 = arith.constant 3 : i32
        %swap3A_2372 = arith.index_cast %rem3A_1228 : i32 to index
        %swap3A_2373 = arith.index_cast %swap3A_2371 : i32 to index
        %swap3A_2374 = arith.constant 16 : index
        %swap3A_2375 = tpu.vector_load %arg8[%swap3A_2372, %swap3A_2373, %swap3A_2374] {strides = array<i32>} : memref<3x5x80xi32, #tpu.memory_space<vmem>>, vector<1x1x16xi32>,
        %swap3A_2376 = vector.shape_cast %swap3A_2375 : vector<1x1x16xi32> to vector<16xi32>
        %swap3A_2377 = vector.shape_cast %shift_right_logical3A_2370 : vector<16xi32> to vector<1x1x16xi32>
        tpu.vector_store %arg8[%swap3A_2372, %swap3A_2373, %swap3A_2374], %swap3A_2377 {strides = array<i32>} : memref<3x5x80xi32, #tpu.memory_space<vmem>>, vector<1x1x16xi32>,
        %get3A_2378 = arith.constant 3 : i32
        %get3A_2379 = arith.index_cast %rem3A_1228 : i32 to index
        %get3A_2380 = arith.index_cast %get3A_2378 : i32 to index
        %get3A_2381 = arith.constant 32 : index
        %get3A_2382 = tpu.vector_load %arg6[%get3A_2379, %get3A_2380, %get3A_2381] {strides = array<i32>} : memref<3x5x80xi32, #tpu.memory_space<vmem>>, vector<1x1x16xi32>,
        %get3A_2383 = vector.shape_cast %get3A_2382 : vector<1x1x16xi32> to vector<16xi32>
        %and3A_2384 = arith.constant 262143 : i32
        %and3A_2385 = vector.broadcast %and3A_2384 : i32 to vector<16xi32>
        %and3A_2386 = arith.andi %get3A_2383, %and3A_2385 : vector<16xi32>
        %swap3A_2387 = arith.constant 3 : i32
        %swap3A_2388 = arith.index_cast %rem3A_1228 : i32 to index
        %swap3A_2389 = arith.index_cast %swap3A_2387 : i32 to index
        %swap3A_2390 = arith.constant 32 : index
        %swap3A_2391 = tpu.vector_load %arg7[%swap3A_2388, %swap3A_2389, %swap3A_2390] {strides = array<i32>} : memref<3x5x80xi32, #tpu.memory_space<vmem>>, vector<1x1x16xi32>,
        %swap3A_2392 = vector.shape_cast %swap3A_2391 : vector<1x1x16xi32> to vector<16xi32>
        %swap3A_2393 = vector.shape_cast %and3A_2386 : vector<16xi32> to vector<1x1x16xi32>
        tpu.vector_store %arg7[%swap3A_2388, %swap3A_2389, %swap3A_2390], %swap3A_2393 {strides = array<i32>} : memref<3x5x80xi32, #tpu.memory_space<vmem>>, vector<1x1x16xi32>,
        %shift_right_logical3A_2394 = arith.constant 18 : i32
        %shift_right_logical3A_2395 = vector.broadcast %shift_right_logical3A_2394 : i32 to vector<16xi32>
        %shift_right_logical3A_2396 = arith.shrui %get3A_2383, %shift_right_logical3A_2395 : vector<16xi32>
        %swap3A_2397 = arith.constant 3 : i32
        %swap3A_2398 = arith.index_cast %rem3A_1228 : i32 to index
        %swap3A_2399 = arith.index_cast %swap3A_2397 : i32 to index
        %swap3A_2400 = arith.constant 32 : index
        %swap3A_2401 = tpu.vector_load %arg8[%swap3A_2398, %swap3A_2399, %swap3A_2400] {strides = array<i32>} : memref<3x5x80xi32, #tpu.memory_space<vmem>>, vector<1x1x16xi32>,
        %swap3A_2402 = vector.shape_cast %swap3A_2401 : vector<1x1x16xi32> to vector<16xi32>
        %swap3A_2403 = vector.shape_cast %shift_right_logical3A_2396 : vector<16xi32> to vector<1x1x16xi32>
        tpu.vector_store %arg8[%swap3A_2398, %swap3A_2399, %swap3A_2400], %swap3A_2403 {strides = array<i32>} : memref<3x5x80xi32, #tpu.memory_space<vmem>>, vector<1x1x16xi32>,
        %get3A_2404 = arith.constant 3 : i32
        %get3A_2405 = arith.index_cast %rem3A_1228 : i32 to index
        %get3A_2406 = arith.index_cast %get3A_2404 : i32 to index
        %get3A_2407 = arith.constant 48 : index
        %get3A_2408 = tpu.vector_load %arg6[%get3A_2405, %get3A_2406, %get3A_2407] {strides = array<i32>} : memref<3x5x80xi32, #tpu.memory_space<vmem>>, vector<1x1x16xi32>,
        %get3A_2409 = vector.shape_cast %get3A_2408 : vector<1x1x16xi32> to vector<16xi32>
        %and3A_2410 = arith.constant 262143 : i32
        %and3A_2411 = vector.broadcast %and3A_2410 : i32 to vector<16xi32>
        %and3A_2412 = arith.andi %get3A_2409, %and3A_2411 : vector<16xi32>
        %swap3A_2413 = arith.constant 3 : i32
        %swap3A_2414 = arith.index_cast %rem3A_1228 : i32 to index
        %swap3A_2415 = arith.index_cast %swap3A_2413 : i32 to index
        %swap3A_2416 = arith.constant 48 : index
        %swap3A_2417 = tpu.vector_load %arg7[%swap3A_2414, %swap3A_2415, %swap3A_2416] {strides = array<i32>} : memref<3x5x80xi32, #tpu.memory_space<vmem>>, vector<1x1x16xi32>,
        %swap3A_2418 = vector.shape_cast %swap3A_2417 : vector<1x1x16xi32> to vector<16xi32>
        %swap3A_2419 = vector.shape_cast %and3A_2412 : vector<16xi32> to vector<1x1x16xi32>
        tpu.vector_store %arg7[%swap3A_2414, %swap3A_2415, %swap3A_2416], %swap3A_2419 {strides = array<i32>} : memref<3x5x80xi32, #tpu.memory_space<vmem>>, vector<1x1x16xi32>,
        %shift_right_logical3A_2420 = arith.constant 18 : i32
        %shift_right_logical3A_2421 = vector.broadcast %shift_right_logical3A_2420 : i32 to vector<16xi32>
        %shift_right_logical3A_2422 = arith.shrui %get3A_2409, %shift_right_logical3A_2421 : vector<16xi32>
        %swap3A_2423 = arith.constant 3 : i32
        %swap3A_2424 = arith.index_cast %rem3A_1228 : i32 to index
        %swap3A_2425 = arith.index_cast %swap3A_2423 : i32 to index
        %swap3A_2426 = arith.constant 48 : index
        %swap3A_2427 = tpu.vector_load %arg8[%swap3A_2424, %swap3A_2425, %swap3A_2426] {strides = array<i32>} : memref<3x5x80xi32, #tpu.memory_space<vmem>>, vector<1x1x16xi32>,
        %swap3A_2428 = vector.shape_cast %swap3A_2427 : vector<1x1x16xi32> to vector<16xi32>
        %swap3A_2429 = vector.shape_cast %shift_right_logical3A_2422 : vector<16xi32> to vector<1x1x16xi32>
        tpu.vector_store %arg8[%swap3A_2424, %swap3A_2425, %swap3A_2426], %swap3A_2429 {strides = array<i32>} : memref<3x5x80xi32, #tpu.memory_space<vmem>>, vector<1x1x16xi32>,
        %get3A_2430 = arith.constant 3 : i32
        %get3A_2431 = arith.index_cast %rem3A_1228 : i32 to index
        %get3A_2432 = arith.index_cast %get3A_2430 : i32 to index
        %get3A_2433 = arith.constant 64 : index
        %get3A_2434 = tpu.vector_load %arg6[%get3A_2431, %get3A_2432, %get3A_2433] {strides = array<i32>} : memref<3x5x80xi32, #tpu.memory_space<vmem>>, vector<1x1x16xi32>,
        %get3A_2435 = vector.shape_cast %get3A_2434 : vector<1x1x16xi32> to vector<16xi32>
        %and3A_2436 = arith.constant 262143 : i32
        %and3A_2437 = vector.broadcast %and3A_2436 : i32 to vector<16xi32>
        %and3A_2438 = arith.andi %get3A_2435, %and3A_2437 : vector<16xi32>
        %swap3A_2439 = arith.constant 3 : i32
        %swap3A_2440 = arith.index_cast %rem3A_1228 : i32 to index
        %swap3A_2441 = arith.index_cast %swap3A_2439 : i32 to index
        %swap3A_2442 = arith.constant 64 : index
        %swap3A_2443 = tpu.vector_load %arg7[%swap3A_2440, %swap3A_2441, %swap3A_2442] {strides = array<i32>} : memref<3x5x80xi32, #tpu.memory_space<vmem>>, vector<1x1x16xi32>,
        %swap3A_2444 = vector.shape_cast %swap3A_2443 : vector<1x1x16xi32> to vector<16xi32>
        %swap3A_2445 = vector.shape_cast %and3A_2438 : vector<16xi32> to vector<1x1x16xi32>
        tpu.vector_store %arg7[%swap3A_2440, %swap3A_2441, %swap3A_2442], %swap3A_2445 {strides = array<i32>} : memref<3x5x80xi32, #tpu.memory_space<vmem>>, vector<1x1x16xi32>,
        %shift_right_logical3A_2446 = arith.constant 18 : i32
        %shift_right_logical3A_2447 = vector.broadcast %shift_right_logical3A_2446 : i32 to vector<16xi32>
        %shift_right_logical3A_2448 = arith.shrui %get3A_2435, %shift_right_logical3A_2447 : vector<16xi32>
        %swap3A_2449 = arith.constant 3 : i32
        %swap3A_2450 = arith.index_cast %rem3A_1228 : i32 to index
        %swap3A_2451 = arith.index_cast %swap3A_2449 : i32 to index
        %swap3A_2452 = arith.constant 64 : index
        %swap3A_2453 = tpu.vector_load %arg8[%swap3A_2450, %swap3A_2451, %swap3A_2452] {strides = array<i32>} : memref<3x5x80xi32, #tpu.memory_space<vmem>>, vector<1x1x16xi32>,
        %swap3A_2454 = vector.shape_cast %swap3A_2453 : vector<1x1x16xi32> to vector<16xi32>
        %swap3A_2455 = vector.shape_cast %shift_right_logical3A_2448 : vector<16xi32> to vector<1x1x16xi32>
        tpu.vector_store %arg8[%swap3A_2450, %swap3A_2451, %swap3A_2452], %swap3A_2455 {strides = array<i32>} : memref<3x5x80xi32, #tpu.memory_space<vmem>>, vector<1x1x16xi32>,
        %get3A_2456 = arith.constant 4 : i32
        %get3A_2457 = arith.index_cast %rem3A_1228 : i32 to index
        %get3A_2458 = arith.index_cast %get3A_2456 : i32 to index
        %get3A_2459 = arith.constant 0 : index
        %get3A_2460 = tpu.vector_load %arg6[%get3A_2457, %get3A_2458, %get3A_2459] {strides = array<i32>} : memref<3x5x80xi32, #tpu.memory_space<vmem>>, vector<1x1x16xi32>,
        %get3A_2461 = vector.shape_cast %get3A_2460 : vector<1x1x16xi32> to vector<16xi32>
        %and3A_2462 = arith.constant 262143 : i32
        %and3A_2463 = vector.broadcast %and3A_2462 : i32 to vector<16xi32>
        %and3A_2464 = arith.andi %get3A_2461, %and3A_2463 : vector<16xi32>
        %swap3A_2465 = arith.constant 4 : i32
        %swap3A_2466 = arith.index_cast %rem3A_1228 : i32 to index
        %swap3A_2467 = arith.index_cast %swap3A_2465 : i32 to index
        %swap3A_2468 = arith.constant 0 : index
        %swap3A_2469 = tpu.vector_load %arg7[%swap3A_2466, %swap3A_2467, %swap3A_2468] {strides = array<i32>} : memref<3x5x80xi32, #tpu.memory_space<vmem>>, vector<1x1x16xi32>,
        %swap3A_2470 = vector.shape_cast %swap3A_2469 : vector<1x1x16xi32> to vector<16xi32>
        %swap3A_2471 = vector.shape_cast %and3A_2464 : vector<16xi32> to vector<1x1x16xi32>
        tpu.vector_store %arg7[%swap3A_2466, %swap3A_2467, %swap3A_2468], %swap3A_2471 {strides = array<i32>} : memref<3x5x80xi32, #tpu.memory_space<vmem>>, vector<1x1x16xi32>,
        %shift_right_logical3A_2472 = arith.constant 18 : i32
        %shift_right_logical3A_2473 = vector.broadcast %shift_right_logical3A_2472 : i32 to vector<16xi32>
        %shift_right_logical3A_2474 = arith.shrui %get3A_2461, %shift_right_logical3A_2473 : vector<16xi32>
        %swap3A_2475 = arith.constant 4 : i32
        %swap3A_2476 = arith.index_cast %rem3A_1228 : i32 to index
        %swap3A_2477 = arith.index_cast %swap3A_2475 : i32 to index
        %swap3A_2478 = arith.constant 0 : index
        %swap3A_2479 = tpu.vector_load %arg8[%swap3A_2476, %swap3A_2477, %swap3A_2478] {strides = array<i32>} : memref<3x5x80xi32, #tpu.memory_space<vmem>>, vector<1x1x16xi32>,
        %swap3A_2480 = vector.shape_cast %swap3A_2479 : vector<1x1x16xi32> to vector<16xi32>
        %swap3A_2481 = vector.shape_cast %shift_right_logical3A_2474 : vector<16xi32> to vector<1x1x16xi32>
        tpu.vector_store %arg8[%swap3A_2476, %swap3A_2477, %swap3A_2478], %swap3A_2481 {strides = array<i32>} : memref<3x5x80xi32, #tpu.memory_space<vmem>>, vector<1x1x16xi32>,
        %get3A_2482 = arith.constant 4 : i32
        %get3A_2483 = arith.index_cast %rem3A_1228 : i32 to index
        %get3A_2484 = arith.index_cast %get3A_2482 : i32 to index
        %get3A_2485 = arith.constant 16 : index
        %get3A_2486 = tpu.vector_load %arg6[%get3A_2483, %get3A_2484, %get3A_2485] {strides = array<i32>} : memref<3x5x80xi32, #tpu.memory_space<vmem>>, vector<1x1x16xi32>,
        %get3A_2487 = vector.shape_cast %get3A_2486 : vector<1x1x16xi32> to vector<16xi32>
        %and3A_2488 = arith.constant 262143 : i32
        %and3A_2489 = vector.broadcast %and3A_2488 : i32 to vector<16xi32>
        %and3A_2490 = arith.andi %get3A_2487, %and3A_2489 : vector<16xi32>
        %swap3A_2491 = arith.constant 4 : i32
        %swap3A_2492 = arith.index_cast %rem3A_1228 : i32 to index
        %swap3A_2493 = arith.index_cast %swap3A_2491 : i32 to index
        %swap3A_2494 = arith.constant 16 : index
        %swap3A_2495 = tpu.vector_load %arg7[%swap3A_2492, %swap3A_2493, %swap3A_2494] {strides = array<i32>} : memref<3x5x80xi32, #tpu.memory_space<vmem>>, vector<1x1x16xi32>,
        %swap3A_2496 = vector.shape_cast %swap3A_2495 : vector<1x1x16xi32> to vector<16xi32>
        %swap3A_2497 = vector.shape_cast %and3A_2490 : vector<16xi32> to vector<1x1x16xi32>
        tpu.vector_store %arg7[%swap3A_2492, %swap3A_2493, %swap3A_2494], %swap3A_2497 {strides = array<i32>} : memref<3x5x80xi32, #tpu.memory_space<vmem>>, vector<1x1x16xi32>,
        %shift_right_logical3A_2498 = arith.constant 18 : i32
        %shift_right_logical3A_2499 = vector.broadcast %shift_right_logical3A_2498 : i32 to vector<16xi32>
        %shift_right_logical3A_2500 = arith.shrui %get3A_2487, %shift_right_logical3A_2499 : vector<16xi32>
        %swap3A_2501 = arith.constant 4 : i32
        %swap3A_2502 = arith.index_cast %rem3A_1228 : i32 to index
        %swap3A_2503 = arith.index_cast %swap3A_2501 : i32 to index
        %swap3A_2504 = arith.constant 16 : index
        %swap3A_2505 = tpu.vector_load %arg8[%swap3A_2502, %swap3A_2503, %swap3A_2504] {strides = array<i32>} : memref<3x5x80xi32, #tpu.memory_space<vmem>>, vector<1x1x16xi32>,
        %swap3A_2506 = vector.shape_cast %swap3A_2505 : vector<1x1x16xi32> to vector<16xi32>
        %swap3A_2507 = vector.shape_cast %shift_right_logical3A_2500 : vector<16xi32> to vector<1x1x16xi32>
        tpu.vector_store %arg8[%swap3A_2502, %swap3A_2503, %swap3A_2504], %swap3A_2507 {strides = array<i32>} : memref<3x5x80xi32, #tpu.memory_space<vmem>>, vector<1x1x16xi32>,
        %get3A_2508 = arith.constant 4 : i32
        %get3A_2509 = arith.index_cast %rem3A_1228 : i32 to index
        %get3A_2510 = arith.index_cast %get3A_2508 : i32 to index
        %get3A_2511 = arith.constant 32 : index
        %get3A_2512 = tpu.vector_load %arg6[%get3A_2509, %get3A_2510, %get3A_2511] {strides = array<i32>} : memref<3x5x80xi32, #tpu.memory_space<vmem>>, vector<1x1x16xi32>,
        %get3A_2513 = vector.shape_cast %get3A_2512 : vector<1x1x16xi32> to vector<16xi32>
        %and3A_2514 = arith.constant 262143 : i32
        %and3A_2515 = vector.broadcast %and3A_2514 : i32 to vector<16xi32>
        %and3A_2516 = arith.andi %get3A_2513, %and3A_2515 : vector<16xi32>
        %swap3A_2517 = arith.constant 4 : i32
        %swap3A_2518 = arith.index_cast %rem3A_1228 : i32 to index
        %swap3A_2519 = arith.index_cast %swap3A_2517 : i32 to index
        %swap3A_2520 = arith.constant 32 : index
        %swap3A_2521 = tpu.vector_load %arg7[%swap3A_2518, %swap3A_2519, %swap3A_2520] {strides = array<i32>} : memref<3x5x80xi32, #tpu.memory_space<vmem>>, vector<1x1x16xi32>,
        %swap3A_2522 = vector.shape_cast %swap3A_2521 : vector<1x1x16xi32> to vector<16xi32>
        %swap3A_2523 = vector.shape_cast %and3A_2516 : vector<16xi32> to vector<1x1x16xi32>
        tpu.vector_store %arg7[%swap3A_2518, %swap3A_2519, %swap3A_2520], %swap3A_2523 {strides = array<i32>} : memref<3x5x80xi32, #tpu.memory_space<vmem>>, vector<1x1x16xi32>,
        %shift_right_logical3A_2524 = arith.constant 18 : i32
        %shift_right_logical3A_2525 = vector.broadcast %shift_right_logical3A_2524 : i32 to vector<16xi32>
        %shift_right_logical3A_2526 = arith.shrui %get3A_2513, %shift_right_logical3A_2525 : vector<16xi32>
        %swap3A_2527 = arith.constant 4 : i32
        %swap3A_2528 = arith.index_cast %rem3A_1228 : i32 to index
        %swap3A_2529 = arith.index_cast %swap3A_2527 : i32 to index
        %swap3A_2530 = arith.constant 32 : index
        %swap3A_2531 = tpu.vector_load %arg8[%swap3A_2528, %swap3A_2529, %swap3A_2530] {strides = array<i32>} : memref<3x5x80xi32, #tpu.memory_space<vmem>>, vector<1x1x16xi32>,
        %swap3A_2532 = vector.shape_cast %swap3A_2531 : vector<1x1x16xi32> to vector<16xi32>
        %swap3A_2533 = vector.shape_cast %shift_right_logical3A_2526 : vector<16xi32> to vector<1x1x16xi32>
        tpu.vector_store %arg8[%swap3A_2528, %swap3A_2529, %swap3A_2530], %swap3A_2533 {strides = array<i32>} : memref<3x5x80xi32, #tpu.memory_space<vmem>>, vector<1x1x16xi32>,
        %get3A_2534 = arith.constant 4 : i32
        %get3A_2535 = arith.index_cast %rem3A_1228 : i32 to index
        %get3A_2536 = arith.index_cast %get3A_2534 : i32 to index
        %get3A_2537 = arith.constant 48 : index
        %get3A_2538 = tpu.vector_load %arg6[%get3A_2535, %get3A_2536, %get3A_2537] {strides = array<i32>} : memref<3x5x80xi32, #tpu.memory_space<vmem>>, vector<1x1x16xi32>,
        %get3A_2539 = vector.shape_cast %get3A_2538 : vector<1x1x16xi32> to vector<16xi32>
        %and3A_2540 = arith.constant 262143 : i32
        %and3A_2541 = vector.broadcast %and3A_2540 : i32 to vector<16xi32>
        %and3A_2542 = arith.andi %get3A_2539, %and3A_2541 : vector<16xi32>
        %swap3A_2543 = arith.constant 4 : i32
        %swap3A_2544 = arith.index_cast %rem3A_1228 : i32 to index
        %swap3A_2545 = arith.index_cast %swap3A_2543 : i32 to index
        %swap3A_2546 = arith.constant 48 : index
        %swap3A_2547 = tpu.vector_load %arg7[%swap3A_2544, %swap3A_2545, %swap3A_2546] {strides = array<i32>} : memref<3x5x80xi32, #tpu.memory_space<vmem>>, vector<1x1x16xi32>,
        %swap3A_2548 = vector.shape_cast %swap3A_2547 : vector<1x1x16xi32> to vector<16xi32>
        %swap3A_2549 = vector.shape_cast %and3A_2542 : vector<16xi32> to vector<1x1x16xi32>
        tpu.vector_store %arg7[%swap3A_2544, %swap3A_2545, %swap3A_2546], %swap3A_2549 {strides = array<i32>} : memref<3x5x80xi32, #tpu.memory_space<vmem>>, vector<1x1x16xi32>,
        %shift_right_logical3A_2550 = arith.constant 18 : i32
        %shift_right_logical3A_2551 = vector.broadcast %shift_right_logical3A_2550 : i32 to vector<16xi32>
        %shift_right_logical3A_2552 = arith.shrui %get3A_2539, %shift_right_logical3A_2551 : vector<16xi32>
        %swap3A_2553 = arith.constant 4 : i32
        %swap3A_2554 = arith.index_cast %rem3A_1228 : i32 to index
        %swap3A_2555 = arith.index_cast %swap3A_2553 : i32 to index
        %swap3A_2556 = arith.constant 48 : index
        %swap3A_2557 = tpu.vector_load %arg8[%swap3A_2554, %swap3A_2555, %swap3A_2556] {strides = array<i32>} : memref<3x5x80xi32, #tpu.memory_space<vmem>>, vector<1x1x16xi32>,
        %swap3A_2558 = vector.shape_cast %swap3A_2557 : vector<1x1x16xi32> to vector<16xi32>
        %swap3A_2559 = vector.shape_cast %shift_right_logical3A_2552 : vector<16xi32> to vector<1x1x16xi32>
        tpu.vector_store %arg8[%swap3A_2554, %swap3A_2555, %swap3A_2556], %swap3A_2559 {strides = array<i32>} : memref<3x5x80xi32, #tpu.memory_space<vmem>>, vector<1x1x16xi32>,
        %get3A_2560 = arith.constant 4 : i32
        %get3A_2561 = arith.index_cast %rem3A_1228 : i32 to index
        %get3A_2562 = arith.index_cast %get3A_2560 : i32 to index
        %get3A_2563 = arith.constant 64 : index
        %get3A_2564 = tpu.vector_load %arg6[%get3A_2561, %get3A_2562, %get3A_2563] {strides = array<i32>} : memref<3x5x80xi32, #tpu.memory_space<vmem>>, vector<1x1x16xi32>,
        %get3A_2565 = vector.shape_cast %get3A_2564 : vector<1x1x16xi32> to vector<16xi32>
        %and3A_2566 = arith.constant 262143 : i32
        %and3A_2567 = vector.broadcast %and3A_2566 : i32 to vector<16xi32>
        %and3A_2568 = arith.andi %get3A_2565, %and3A_2567 : vector<16xi32>
        %swap3A_2569 = arith.constant 4 : i32
        %swap3A_2570 = arith.index_cast %rem3A_1228 : i32 to index
        %swap3A_2571 = arith.index_cast %swap3A_2569 : i32 to index
        %swap3A_2572 = arith.constant 64 : index
        %swap3A_2573 = tpu.vector_load %arg7[%swap3A_2570, %swap3A_2571, %swap3A_2572] {strides = array<i32>} : memref<3x5x80xi32, #tpu.memory_space<vmem>>, vector<1x1x16xi32>,
        %swap3A_2574 = vector.shape_cast %swap3A_2573 : vector<1x1x16xi32> to vector<16xi32>
        %swap3A_2575 = vector.shape_cast %and3A_2568 : vector<16xi32> to vector<1x1x16xi32>
        tpu.vector_store %arg7[%swap3A_2570, %swap3A_2571, %swap3A_2572], %swap3A_2575 {strides = array<i32>} : memref<3x5x80xi32, #tpu.memory_space<vmem>>, vector<1x1x16xi32>,
        %shift_right_logical3A_2576 = arith.constant 18 : i32
        %shift_right_logical3A_2577 = vector.broadcast %shift_right_logical3A_2576 : i32 to vector<16xi32>
        %shift_right_logical3A_2578 = arith.shrui %get3A_2565, %shift_right_logical3A_2577 : vector<16xi32>
        %swap3A_2579 = arith.constant 4 : i32
        %swap3A_2580 = arith.index_cast %rem3A_1228 : i32 to index
        %swap3A_2581 = arith.index_cast %swap3A_2579 : i32 to index
        %swap3A_2582 = arith.constant 64 : index
        %swap3A_2583 = tpu.vector_load %arg8[%swap3A_2580, %swap3A_2581, %swap3A_2582] {strides = array<i32>} : memref<3x5x80xi32, #tpu.memory_space<vmem>>, vector<1x1x16xi32>,
        %swap3A_2584 = vector.shape_cast %swap3A_2583 : vector<1x1x16xi32> to vector<16xi32>
        %swap3A_2585 = vector.shape_cast %shift_right_logical3A_2578 : vector<16xi32> to vector<1x1x16xi32>
        tpu.vector_store %arg8[%swap3A_2580, %swap3A_2581, %swap3A_2582], %swap3A_2585 {strides = array<i32>} : memref<3x5x80xi32, #tpu.memory_space<vmem>>, vector<1x1x16xi32>,
        %add3A_2586 = arith.constant 1 : i32
        %add3A_2587 = arith.addi %scan3A_1223, %add3A_2586 : i32
        %rem3A_2588 = arith.constant 2 : i32
        %rem3A_2589 = arith.remsi %add3A_2587, %rem3A_2588 : i32
        %dma_start3A_2590 = arith.constant 0 : i32
        %dma_start3A_2591 = arith.constant 0 : i32
        %dma_start3A_2592 = arith.constant 0 : i32
        %dma_start3A_2593 = tpu.memref_slice %arg9[%rem3A_2589, %dma_start3A_2591, %dma_start3A_2592] : memref<2x5x80xi32, #tpu.memory_space<vmem>> -> memref<1x1x80xi32, #tpu.memory_space<vmem>>
        %dma_start3A_2594 = tpu.memref_squeeze %dma_start3A_2593 : memref<1x1x80xi32, #tpu.memory_space<vmem>> -> memref<80xi32, #tpu.memory_space<vmem>>
        %dma_start3A_2595 = arith.constant 0 : i32
        %dma_start3A_2596 = tpu.memref_slice %arg7[%rem3A_1228, %dma_start3A_2590, %dma_start3A_2595] : memref<3x5x80xi32, #tpu.memory_space<vmem>> -> memref<1x1x80xi32, #tpu.memory_space<vmem>>
        %dma_start3A_2597 = tpu.memref_squeeze %dma_start3A_2596 : memref<1x1x80xi32, #tpu.memory_space<vmem>> -> memref<80xi32, #tpu.memory_space<vmem>>
        %dma_start3A_2598 = arith.constant 0 : i32
        %dma_start3A_2599 = tpu.memref_slice %arg3[%dma_start3A_2598] : memref<256000xi32, #tpu.memory_space<hbm>> -> memref<256000xi32, #tpu.memory_space<hbm>>
        tpu.enqueue_indirect_dma source(%dma_start3A_2599 : memref<256000xi32, #tpu.memory_space<hbm>>) target(%dma_start3A_2594 : memref<80xi32, #tpu.memory_space<vmem>>) offsets(%dma_start3A_2597 : memref<80xi32, #tpu.memory_space<vmem>>) semaphore(%arg16 : memref<!tpu.dma_semaphore, #tpu.memory_space<semaphore_mem>>)
        %dma_start3A_2600 = arith.constant 1 : i32
        %dma_start3A_2601 = arith.constant 1 : i32
        %dma_start3A_2602 = arith.constant 0 : i32
        %dma_start3A_2603 = tpu.memref_slice %arg9[%rem3A_2589, %dma_start3A_2601, %dma_start3A_2602] : memref<2x5x80xi32, #tpu.memory_space<vmem>> -> memref<1x1x80xi32, #tpu.memory_space<vmem>>
        %dma_start3A_2604 = tpu.memref_squeeze %dma_start3A_2603 : memref<1x1x80xi32, #tpu.memory_space<vmem>> -> memref<80xi32, #tpu.memory_space<vmem>>
        %dma_start3A_2605 = arith.constant 0 : i32
        %dma_start3A_2606 = tpu.memref_slice %arg7[%rem3A_1228, %dma_start3A_2600, %dma_start3A_2605] : memref<3x5x80xi32, #tpu.memory_space<vmem>> -> memref<1x1x80xi32, #tpu.memory_space<vmem>>
        %dma_start3A_2607 = tpu.memref_squeeze %dma_start3A_2606 : memref<1x1x80xi32, #tpu.memory_space<vmem>> -> memref<80xi32, #tpu.memory_space<vmem>>
        %dma_start3A_2608 = arith.constant 0 : i32
        %dma_start3A_2609 = tpu.memref_slice %arg3[%dma_start3A_2608] : memref<256000xi32, #tpu.memory_space<hbm>> -> memref<256000xi32, #tpu.memory_space<hbm>>
        tpu.enqueue_indirect_dma source(%dma_start3A_2609 : memref<256000xi32, #tpu.memory_space<hbm>>) target(%dma_start3A_2604 : memref<80xi32, #tpu.memory_space<vmem>>) offsets(%dma_start3A_2607 : memref<80xi32, #tpu.memory_space<vmem>>) semaphore(%arg16 : memref<!tpu.dma_semaphore, #tpu.memory_space<semaphore_mem>>)
        %dma_start3A_2610 = arith.constant 2 : i32
        %dma_start3A_2611 = arith.constant 2 : i32
        %dma_start3A_2612 = arith.constant 0 : i32
        %dma_start3A_2613 = tpu.memref_slice %arg9[%rem3A_2589, %dma_start3A_2611, %dma_start3A_2612] : memref<2x5x80xi32, #tpu.memory_space<vmem>> -> memref<1x1x80xi32, #tpu.memory_space<vmem>>
        %dma_start3A_2614 = tpu.memref_squeeze %dma_start3A_2613 : memref<1x1x80xi32, #tpu.memory_space<vmem>> -> memref<80xi32, #tpu.memory_space<vmem>>
        %dma_start3A_2615 = arith.constant 0 : i32
        %dma_start3A_2616 = tpu.memref_slice %arg7[%rem3A_1228, %dma_start3A_2610, %dma_start3A_2615] : memref<3x5x80xi32, #tpu.memory_space<vmem>> -> memref<1x1x80xi32, #tpu.memory_space<vmem>>
        %dma_start3A_2617 = tpu.memref_squeeze %dma_start3A_2616 : memref<1x1x80xi32, #tpu.memory_space<vmem>> -> memref<80xi32, #tpu.memory_space<vmem>>
        %dma_start3A_2618 = arith.constant 0 : i32
        %dma_start3A_2619 = tpu.memref_slice %arg3[%dma_start3A_2618] : memref<256000xi32, #tpu.memory_space<hbm>> -> memref<256000xi32, #tpu.memory_space<hbm>>
        tpu.enqueue_indirect_dma source(%dma_start3A_2619 : memref<256000xi32, #tpu.memory_space<hbm>>) target(%dma_start3A_2614 : memref<80xi32, #tpu.memory_space<vmem>>) offsets(%dma_start3A_2617 : memref<80xi32, #tpu.memory_space<vmem>>) semaphore(%arg16 : memref<!tpu.dma_semaphore, #tpu.memory_space<semaphore_mem>>)
        %dma_start3A_2620 = arith.constant 3 : i32
        %dma_start3A_2621 = arith.constant 3 : i32
        %dma_start3A_2622 = arith.constant 0 : i32
        %dma_start3A_2623 = tpu.memref_slice %arg9[%rem3A_2589, %dma_start3A_2621, %dma_start3A_2622] : memref<2x5x80xi32, #tpu.memory_space<vmem>> -> memref<1x1x80xi32, #tpu.memory_space<vmem>>
        %dma_start3A_2624 = tpu.memref_squeeze %dma_start3A_2623 : memref<1x1x80xi32, #tpu.memory_space<vmem>> -> memref<80xi32, #tpu.memory_space<vmem>>
        %dma_start3A_2625 = arith.constant 0 : i32
        %dma_start3A_2626 = tpu.memref_slice %arg7[%rem3A_1228, %dma_start3A_2620, %dma_start3A_2625] : memref<3x5x80xi32, #tpu.memory_space<vmem>> -> memref<1x1x80xi32, #tpu.memory_space<vmem>>
        %dma_start3A_2627 = tpu.memref_squeeze %dma_start3A_2626 : memref<1x1x80xi32, #tpu.memory_space<vmem>> -> memref<80xi32, #tpu.memory_space<vmem>>
        %dma_start3A_2628 = arith.constant 0 : i32
        %dma_start3A_2629 = tpu.memref_slice %arg3[%dma_start3A_2628] : memref<256000xi32, #tpu.memory_space<hbm>> -> memref<256000xi32, #tpu.memory_space<hbm>>
        tpu.enqueue_indirect_dma source(%dma_start3A_2629 : memref<256000xi32, #tpu.memory_space<hbm>>) target(%dma_start3A_2624 : memref<80xi32, #tpu.memory_space<vmem>>) offsets(%dma_start3A_2627 : memref<80xi32, #tpu.memory_space<vmem>>) semaphore(%arg16 : memref<!tpu.dma_semaphore, #tpu.memory_space<semaphore_mem>>)
        %dma_start3A_2630 = arith.constant 4 : i32
        %dma_start3A_2631 = arith.constant 4 : i32
        %dma_start3A_2632 = arith.constant 0 : i32
        %dma_start3A_2633 = tpu.memref_slice %arg9[%rem3A_2589, %dma_start3A_2631, %dma_start3A_2632] : memref<2x5x80xi32, #tpu.memory_space<vmem>> -> memref<1x1x80xi32, #tpu.memory_space<vmem>>
        %dma_start3A_2634 = tpu.memref_squeeze %dma_start3A_2633 : memref<1x1x80xi32, #tpu.memory_space<vmem>> -> memref<80xi32, #tpu.memory_space<vmem>>
        %dma_start3A_2635 = arith.constant 0 : i32
        %dma_start3A_2636 = tpu.memref_slice %arg7[%rem3A_1228, %dma_start3A_2630, %dma_start3A_2635] : memref<3x5x80xi32, #tpu.memory_space<vmem>> -> memref<1x1x80xi32, #tpu.memory_space<vmem>>
        %dma_start3A_2637 = tpu.memref_squeeze %dma_start3A_2636 : memref<1x1x80xi32, #tpu.memory_space<vmem>> -> memref<80xi32, #tpu.memory_space<vmem>>
        %dma_start3A_2638 = arith.constant 0 : i32
        %dma_start3A_2639 = tpu.memref_slice %arg3[%dma_start3A_2638] : memref<256000xi32, #tpu.memory_space<hbm>> -> memref<256000xi32, #tpu.memory_space<hbm>>
        tpu.enqueue_indirect_dma source(%dma_start3A_2639 : memref<256000xi32, #tpu.memory_space<hbm>>) target(%dma_start3A_2634 : memref<80xi32, #tpu.memory_space<vmem>>) offsets(%dma_start3A_2637 : memref<80xi32, #tpu.memory_space<vmem>>) semaphore(%arg16 : memref<!tpu.dma_semaphore, #tpu.memory_space<semaphore_mem>>)
      } else {
      }
      %dma_wait3A_1756 = arith.constant 0 : i32
      %dma_wait3A_1757 = arith.constant 0 : i32
      %dma_wait3A_1758 = arith.constant 0 : i32
      %dma_wait3A_1759 = arith.constant 0 : i32
      %dma_wait3A_1760 = tpu.memref_slice %arg10[%rem3A_1230, %dma_wait3A_1757, %dma_wait3A_1758, %dma_wait3A_1759] : memref<2x5x80x64xf32, #tpu.memory_space<vmem>> -> memref<1x1x80x64xf32, #tpu.memory_space<vmem>>
      %dma_wait3A_1761 = tpu.memref_squeeze %dma_wait3A_1760 : memref<1x1x80x64xf32, #tpu.memory_space<vmem>> -> memref<80x64xf32, #tpu.memory_space<vmem>>
      %dma_wait3A_1762 = arith.constant 0 : i32
      %dma_wait3A_1763 = tpu.memref_slice %arg9[%rem3A_1230, %dma_wait3A_1756, %dma_wait3A_1762] : memref<2x5x80xi32, #tpu.memory_space<vmem>> -> memref<1x1x80xi32, #tpu.memory_space<vmem>>
      %dma_wait3A_1764 = tpu.memref_squeeze %dma_wait3A_1763 : memref<1x1x80xi32, #tpu.memory_space<vmem>> -> memref<80xi32, #tpu.memory_space<vmem>>
      %dma_wait3A_1765 = arith.constant 0 : i32
      %dma_wait3A_1766 = arith.constant 0 : i32
      %dma_wait3A_1767 = tpu.memref_slice %arg2[%dma_wait3A_1765, %dma_wait3A_1766] : memref<200000x64xf32, #tpu.memory_space<hbm>> -> memref<200000x64xf32, #tpu.memory_space<hbm>>
      tpu.wait_indirect_dma semaphore(%arg17 : memref<!tpu.dma_semaphore, #tpu.memory_space<semaphore_mem>>) src(%dma_wait3A_1767 : memref<200000x64xf32, #tpu.memory_space<hbm>>) dst(%dma_wait3A_1761 : memref<80x64xf32, #tpu.memory_space<vmem>>)
      %dma_wait3A_1768 = arith.constant 1 : i32
      %dma_wait3A_1769 = arith.constant 1 : i32
      %dma_wait3A_1770 = arith.constant 0 : i32
      %dma_wait3A_1771 = arith.constant 0 : i32
      %dma_wait3A_1772 = tpu.memref_slice %arg10[%rem3A_1230, %dma_wait3A_1769, %dma_wait3A_1770, %dma_wait3A_1771] : memref<2x5x80x64xf32, #tpu.memory_space<vmem>> -> memref<1x1x80x64xf32, #tpu.memory_space<vmem>>
      %dma_wait3A_1773 = tpu.memref_squeeze %dma_wait3A_1772 : memref<1x1x80x64xf32, #tpu.memory_space<vmem>> -> memref<80x64xf32, #tpu.memory_space<vmem>>
      %dma_wait3A_1774 = arith.constant 0 : i32
      %dma_wait3A_1775 = tpu.memref_slice %arg9[%rem3A_1230, %dma_wait3A_1768, %dma_wait3A_1774] : memref<2x5x80xi32, #tpu.memory_space<vmem>> -> memref<1x1x80xi32, #tpu.memory_space<vmem>>
      %dma_wait3A_1776 = tpu.memref_squeeze %dma_wait3A_1775 : memref<1x1x80xi32, #tpu.memory_space<vmem>> -> memref<80xi32, #tpu.memory_space<vmem>>
      %dma_wait3A_1777 = arith.constant 0 : i32
      %dma_wait3A_1778 = arith.constant 0 : i32
      %dma_wait3A_1779 = tpu.memref_slice %arg2[%dma_wait3A_1777, %dma_wait3A_1778] : memref<200000x64xf32, #tpu.memory_space<hbm>> -> memref<200000x64xf32, #tpu.memory_space<hbm>>
      tpu.wait_indirect_dma semaphore(%arg17 : memref<!tpu.dma_semaphore, #tpu.memory_space<semaphore_mem>>) src(%dma_wait3A_1779 : memref<200000x64xf32, #tpu.memory_space<hbm>>) dst(%dma_wait3A_1773 : memref<80x64xf32, #tpu.memory_space<vmem>>)
      %dma_wait3A_1780 = arith.constant 2 : i32
      %dma_wait3A_1781 = arith.constant 2 : i32
      %dma_wait3A_1782 = arith.constant 0 : i32
      %dma_wait3A_1783 = arith.constant 0 : i32
      %dma_wait3A_1784 = tpu.memref_slice %arg10[%rem3A_1230, %dma_wait3A_1781, %dma_wait3A_1782, %dma_wait3A_1783] : memref<2x5x80x64xf32, #tpu.memory_space<vmem>> -> memref<1x1x80x64xf32, #tpu.memory_space<vmem>>
      %dma_wait3A_1785 = tpu.memref_squeeze %dma_wait3A_1784 : memref<1x1x80x64xf32, #tpu.memory_space<vmem>> -> memref<80x64xf32, #tpu.memory_space<vmem>>
      %dma_wait3A_1786 = arith.constant 0 : i32
      %dma_wait3A_1787 = tpu.memref_slice %arg9[%rem3A_1230, %dma_wait3A_1780, %dma_wait3A_1786] : memref<2x5x80xi32, #tpu.memory_space<vmem>> -> memref<1x1x80xi32, #tpu.memory_space<vmem>>
      %dma_wait3A_1788 = tpu.memref_squeeze %dma_wait3A_1787 : memref<1x1x80xi32, #tpu.memory_space<vmem>> -> memref<80xi32, #tpu.memory_space<vmem>>
      %dma_wait3A_1789 = arith.constant 0 : i32
      %dma_wait3A_1790 = arith.constant 0 : i32
      %dma_wait3A_1791 = tpu.memref_slice %arg2[%dma_wait3A_1789, %dma_wait3A_1790] : memref<200000x64xf32, #tpu.memory_space<hbm>> -> memref<200000x64xf32, #tpu.memory_space<hbm>>
      tpu.wait_indirect_dma semaphore(%arg17 : memref<!tpu.dma_semaphore, #tpu.memory_space<semaphore_mem>>) src(%dma_wait3A_1791 : memref<200000x64xf32, #tpu.memory_space<hbm>>) dst(%dma_wait3A_1785 : memref<80x64xf32, #tpu.memory_space<vmem>>)
      %dma_wait3A_1792 = arith.constant 3 : i32
      %dma_wait3A_1793 = arith.constant 3 : i32
      %dma_wait3A_1794 = arith.constant 0 : i32
      %dma_wait3A_1795 = arith.constant 0 : i32
      %dma_wait3A_1796 = tpu.memref_slice %arg10[%rem3A_1230, %dma_wait3A_1793, %dma_wait3A_1794, %dma_wait3A_1795] : memref<2x5x80x64xf32, #tpu.memory_space<vmem>> -> memref<1x1x80x64xf32, #tpu.memory_space<vmem>>
      %dma_wait3A_1797 = tpu.memref_squeeze %dma_wait3A_1796 : memref<1x1x80x64xf32, #tpu.memory_space<vmem>> -> memref<80x64xf32, #tpu.memory_space<vmem>>
      %dma_wait3A_1798 = arith.constant 0 : i32
      %dma_wait3A_1799 = tpu.memref_slice %arg9[%rem3A_1230, %dma_wait3A_1792, %dma_wait3A_1798] : memref<2x5x80xi32, #tpu.memory_space<vmem>> -> memref<1x1x80xi32, #tpu.memory_space<vmem>>
      %dma_wait3A_1800 = tpu.memref_squeeze %dma_wait3A_1799 : memref<1x1x80xi32, #tpu.memory_space<vmem>> -> memref<80xi32, #tpu.memory_space<vmem>>
      %dma_wait3A_1801 = arith.constant 0 : i32
      %dma_wait3A_1802 = arith.constant 0 : i32
      %dma_wait3A_1803 = tpu.memref_slice %arg2[%dma_wait3A_1801, %dma_wait3A_1802] : memref<200000x64xf32, #tpu.memory_space<hbm>> -> memref<200000x64xf32, #tpu.memory_space<hbm>>
      tpu.wait_indirect_dma semaphore(%arg17 : memref<!tpu.dma_semaphore, #tpu.memory_space<semaphore_mem>>) src(%dma_wait3A_1803 : memref<200000x64xf32, #tpu.memory_space<hbm>>) dst(%dma_wait3A_1797 : memref<80x64xf32, #tpu.memory_space<vmem>>)
      %dma_wait3A_1804 = arith.constant 4 : i32
      %dma_wait3A_1805 = arith.constant 4 : i32
      %dma_wait3A_1806 = arith.constant 0 : i32
      %dma_wait3A_1807 = arith.constant 0 : i32
      %dma_wait3A_1808 = tpu.memref_slice %arg10[%rem3A_1230, %dma_wait3A_1805, %dma_wait3A_1806, %dma_wait3A_1807] : memref<2x5x80x64xf32, #tpu.memory_space<vmem>> -> memref<1x1x80x64xf32, #tpu.memory_space<vmem>>
      %dma_wait3A_1809 = tpu.memref_squeeze %dma_wait3A_1808 : memref<1x1x80x64xf32, #tpu.memory_space<vmem>> -> memref<80x64xf32, #tpu.memory_space<vmem>>
      %dma_wait3A_1810 = arith.constant 0 : i32
      %dma_wait3A_1811 = tpu.memref_slice %arg9[%rem3A_1230, %dma_wait3A_1804, %dma_wait3A_1810] : memref<2x5x80xi32, #tpu.memory_space<vmem>> -> memref<1x1x80xi32, #tpu.memory_space<vmem>>
      %dma_wait3A_1812 = tpu.memref_squeeze %dma_wait3A_1811 : memref<1x1x80xi32, #tpu.memory_space<vmem>> -> memref<80xi32, #tpu.memory_space<vmem>>
      %dma_wait3A_1813 = arith.constant 0 : i32
      %dma_wait3A_1814 = arith.constant 0 : i32
      %dma_wait3A_1815 = tpu.memref_slice %arg2[%dma_wait3A_1813, %dma_wait3A_1814] : memref<200000x64xf32, #tpu.memory_space<hbm>> -> memref<200000x64xf32, #tpu.memory_space<hbm>>
      tpu.wait_indirect_dma semaphore(%arg17 : memref<!tpu.dma_semaphore, #tpu.memory_space<semaphore_mem>>) src(%dma_wait3A_1815 : memref<200000x64xf32, #tpu.memory_space<hbm>>) dst(%dma_wait3A_1809 : memref<80x64xf32, #tpu.memory_space<vmem>>)
      %dma_start3A_1816 = arith.constant 0 : i32
      %dma_start3A_1817 = arith.constant 0 : i32
      %dma_start3A_1818 = arith.constant 0 : i32
      %dma_start3A_1819 = arith.constant 0 : i32
      %dma_start3A_1820 = tpu.memref_slice %arg10[%rem3A_1230, %dma_start3A_1816, %dma_start3A_1818, %dma_start3A_1819] : memref<2x5x80x64xf32, #tpu.memory_space<vmem>> -> memref<1x1x80x64xf32, #tpu.memory_space<vmem>>
      %dma_start3A_1821 = tpu.memref_squeeze %dma_start3A_1820 : memref<1x1x80x64xf32, #tpu.memory_space<vmem>> -> memref<80x64xf32, #tpu.memory_space<vmem>>
      %dma_start3A_1822 = arith.constant 0 : i32
      %dma_start3A_1823 = tpu.memref_slice %arg8[%rem3A_1224, %dma_start3A_1817, %dma_start3A_1822] : memref<3x5x80xi32, #tpu.memory_space<vmem>> -> memref<1x1x80xi32, #tpu.memory_space<vmem>>
      %dma_start3A_1824 = tpu.memref_squeeze %dma_start3A_1823 : memref<1x1x80xi32, #tpu.memory_space<vmem>> -> memref<80xi32, #tpu.memory_space<vmem>>
      %dma_start3A_1825 = arith.constant 0 : i32
      %dma_start3A_1826 = arith.constant 0 : i32
      %dma_start3A_1827 = tpu.memref_slice %arg14[%dma_start3A_1825, %dma_start3A_1826] : memref<10240x64xf32, #tpu.memory_space<vmem_shared>> -> memref<10240x64xf32, #tpu.memory_space<vmem_shared>>
      tpu.enqueue_indirect_dma source(%dma_start3A_1821 : memref<80x64xf32, #tpu.memory_space<vmem>>) target(%dma_start3A_1827 : memref<10240x64xf32, #tpu.memory_space<vmem_shared>>) offsets(%dma_start3A_1824 : memref<80xi32, #tpu.memory_space<vmem>>) semaphore(%arg18 : memref<!tpu.dma_semaphore, #tpu.memory_space<semaphore_mem>>) {add = true}
      %dma_start3A_1828 = arith.constant 1 : i32
      %dma_start3A_1829 = arith.constant 1 : i32
      %dma_start3A_1830 = arith.constant 0 : i32
      %dma_start3A_1831 = arith.constant 0 : i32
      %dma_start3A_1832 = tpu.memref_slice %arg10[%rem3A_1230, %dma_start3A_1828, %dma_start3A_1830, %dma_start3A_1831] : memref<2x5x80x64xf32, #tpu.memory_space<vmem>> -> memref<1x1x80x64xf32, #tpu.memory_space<vmem>>
      %dma_start3A_1833 = tpu.memref_squeeze %dma_start3A_1832 : memref<1x1x80x64xf32, #tpu.memory_space<vmem>> -> memref<80x64xf32, #tpu.memory_space<vmem>>
      %dma_start3A_1834 = arith.constant 0 : i32
      %dma_start3A_1835 = tpu.memref_slice %arg8[%rem3A_1224, %dma_start3A_1829, %dma_start3A_1834] : memref<3x5x80xi32, #tpu.memory_space<vmem>> -> memref<1x1x80xi32, #tpu.memory_space<vmem>>
      %dma_start3A_1836 = tpu.memref_squeeze %dma_start3A_1835 : memref<1x1x80xi32, #tpu.memory_space<vmem>> -> memref<80xi32, #tpu.memory_space<vmem>>
      %dma_start3A_1837 = arith.constant 0 : i32
      %dma_start3A_1838 = arith.constant 0 : i32
      %dma_start3A_1839 = tpu.memref_slice %arg14[%dma_start3A_1837, %dma_start3A_1838] : memref<10240x64xf32, #tpu.memory_space<vmem_shared>> -> memref<10240x64xf32, #tpu.memory_space<vmem_shared>>
      tpu.enqueue_indirect_dma source(%dma_start3A_1833 : memref<80x64xf32, #tpu.memory_space<vmem>>) target(%dma_start3A_1839 : memref<10240x64xf32, #tpu.memory_space<vmem_shared>>) offsets(%dma_start3A_1836 : memref<80xi32, #tpu.memory_space<vmem>>) semaphore(%arg18 : memref<!tpu.dma_semaphore, #tpu.memory_space<semaphore_mem>>) {add = true}
      %dma_start3A_1840 = arith.constant 2 : i32
      %dma_start3A_1841 = arith.constant 2 : i32
      %dma_start3A_1842 = arith.constant 0 : i32
      %dma_start3A_1843 = arith.constant 0 : i32
      %dma_start3A_1844 = tpu.memref_slice %arg10[%rem3A_1230, %dma_start3A_1840, %dma_start3A_1842, %dma_start3A_1843] : memref<2x5x80x64xf32, #tpu.memory_space<vmem>> -> memref<1x1x80x64xf32, #tpu.memory_space<vmem>>
      %dma_start3A_1845 = tpu.memref_squeeze %dma_start3A_1844 : memref<1x1x80x64xf32, #tpu.memory_space<vmem>> -> memref<80x64xf32, #tpu.memory_space<vmem>>
      %dma_start3A_1846 = arith.constant 0 : i32
      %dma_start3A_1847 = tpu.memref_slice %arg8[%rem3A_1224, %dma_start3A_1841, %dma_start3A_1846] : memref<3x5x80xi32, #tpu.memory_space<vmem>> -> memref<1x1x80xi32, #tpu.memory_space<vmem>>
      %dma_start3A_1848 = tpu.memref_squeeze %dma_start3A_1847 : memref<1x1x80xi32, #tpu.memory_space<vmem>> -> memref<80xi32, #tpu.memory_space<vmem>>
      %dma_start3A_1849 = arith.constant 0 : i32
      %dma_start3A_1850 = arith.constant 0 : i32
      %dma_start3A_1851 = tpu.memref_slice %arg14[%dma_start3A_1849, %dma_start3A_1850] : memref<10240x64xf32, #tpu.memory_space<vmem_shared>> -> memref<10240x64xf32, #tpu.memory_space<vmem_shared>>
      tpu.enqueue_indirect_dma source(%dma_start3A_1845 : memref<80x64xf32, #tpu.memory_space<vmem>>) target(%dma_start3A_1851 : memref<10240x64xf32, #tpu.memory_space<vmem_shared>>) offsets(%dma_start3A_1848 : memref<80xi32, #tpu.memory_space<vmem>>) semaphore(%arg18 : memref<!tpu.dma_semaphore, #tpu.memory_space<semaphore_mem>>) {add = true}
      %dma_start3A_1852 = arith.constant 3 : i32
      %dma_start3A_1853 = arith.constant 3 : i32
      %dma_start3A_1854 = arith.constant 0 : i32
      %dma_start3A_1855 = arith.constant 0 : i32
      %dma_start3A_1856 = tpu.memref_slice %arg10[%rem3A_1230, %dma_start3A_1852, %dma_start3A_1854, %dma_start3A_1855] : memref<2x5x80x64xf32, #tpu.memory_space<vmem>> -> memref<1x1x80x64xf32, #tpu.memory_space<vmem>>
      %dma_start3A_1857 = tpu.memref_squeeze %dma_start3A_1856 : memref<1x1x80x64xf32, #tpu.memory_space<vmem>> -> memref<80x64xf32, #tpu.memory_space<vmem>>
      %dma_start3A_1858 = arith.constant 0 : i32
      %dma_start3A_1859 = tpu.memref_slice %arg8[%rem3A_1224, %dma_start3A_1853, %dma_start3A_1858] : memref<3x5x80xi32, #tpu.memory_space<vmem>> -> memref<1x1x80xi32, #tpu.memory_space<vmem>>
      %dma_start3A_1860 = tpu.memref_squeeze %dma_start3A_1859 : memref<1x1x80xi32, #tpu.memory_space<vmem>> -> memref<80xi32, #tpu.memory_space<vmem>>
      %dma_start3A_1861 = arith.constant 0 : i32
      %dma_start3A_1862 = arith.constant 0 : i32
      %dma_start3A_1863 = tpu.memref_slice %arg14[%dma_start3A_1861, %dma_start3A_1862] : memref<10240x64xf32, #tpu.memory_space<vmem_shared>> -> memref<10240x64xf32, #tpu.memory_space<vmem_shared>>
      tpu.enqueue_indirect_dma source(%dma_start3A_1857 : memref<80x64xf32, #tpu.memory_space<vmem>>) target(%dma_start3A_1863 : memref<10240x64xf32, #tpu.memory_space<vmem_shared>>) offsets(%dma_start3A_1860 : memref<80xi32, #tpu.memory_space<vmem>>) semaphore(%arg18 : memref<!tpu.dma_semaphore, #tpu.memory_space<semaphore_mem>>) {add = true}
      %dma_start3A_1864 = arith.constant 4 : i32
      %dma_start3A_1865 = arith.constant 4 : i32
      %dma_start3A_1866 = arith.constant 0 : i32
      %dma_start3A_1867 = arith.constant 0 : i32
      %dma_start3A_1868 = tpu.memref_slice %arg10[%rem3A_1230, %dma_start3A_1864, %dma_start3A_1866, %dma_start3A_1867] : memref<2x5x80x64xf32, #tpu.memory_space<vmem>> -> memref<1x1x80x64xf32, #tpu.memory_space<vmem>>
      %dma_start3A_1869 = tpu.memref_squeeze %dma_start3A_1868 : memref<1x1x80x64xf32, #tpu.memory_space<vmem>> -> memref<80x64xf32, #tpu.memory_space<vmem>>
      %dma_start3A_1870 = arith.constant 0 : i32
      %dma_start3A_1871 = tpu.memref_slice %arg8[%rem3A_1224, %dma_start3A_1865, %dma_start3A_1870] : memref<3x5x80xi32, #tpu.memory_space<vmem>> -> memref<1x1x80xi32, #tpu.memory_space<vmem>>
      %dma_start3A_1872 = tpu.memref_squeeze %dma_start3A_1871 : memref<1x1x80xi32, #tpu.memory_space<vmem>> -> memref<80xi32, #tpu.memory_space<vmem>>
      %dma_start3A_1873 = arith.constant 0 : i32
      %dma_start3A_1874 = arith.constant 0 : i32
      %dma_start3A_1875 = tpu.memref_slice %arg14[%dma_start3A_1873, %dma_start3A_1874] : memref<10240x64xf32, #tpu.memory_space<vmem_shared>> -> memref<10240x64xf32, #tpu.memory_space<vmem_shared>>
      tpu.enqueue_indirect_dma source(%dma_start3A_1869 : memref<80x64xf32, #tpu.memory_space<vmem>>) target(%dma_start3A_1875 : memref<10240x64xf32, #tpu.memory_space<vmem_shared>>) offsets(%dma_start3A_1872 : memref<80xi32, #tpu.memory_space<vmem>>) semaphore(%arg18 : memref<!tpu.dma_semaphore, #tpu.memory_space<semaphore_mem>>) {add = true}
    }
    %scan3A_945 = arith.constant 20 : i32
    %dma_wait3A_946 = arith.constant 0 : i32
    %dma_wait3A_947 = arith.constant 0 : i32
    %dma_wait3A_948 = arith.constant 0 : i32
    %dma_wait3A_949 = arith.constant 0 : i32
    %dma_wait3A_950 = arith.constant 0 : i32
    %dma_wait3A_951 = arith.constant 0 : i32
    %dma_wait3A_952 = tpu.memref_slice %arg10[%dma_wait3A_946, %dma_wait3A_947, %dma_wait3A_950, %dma_wait3A_951] : memref<2x5x80x64xf32, #tpu.memory_space<vmem>> -> memref<1x1x80x64xf32, #tpu.memory_space<vmem>>
    %dma_wait3A_953 = tpu.memref_squeeze %dma_wait3A_952 : memref<1x1x80x64xf32, #tpu.memory_space<vmem>> -> memref<80x64xf32, #tpu.memory_space<vmem>>
    %dma_wait3A_954 = arith.constant 0 : i32
    %dma_wait3A_955 = tpu.memref_slice %arg8[%dma_wait3A_948, %dma_wait3A_949, %dma_wait3A_954] : memref<3x5x80xi32, #tpu.memory_space<vmem>> -> memref<1x1x80xi32, #tpu.memory_space<vmem>>
    %dma_wait3A_956 = tpu.memref_squeeze %dma_wait3A_955 : memref<1x1x80xi32, #tpu.memory_space<vmem>> -> memref<80xi32, #tpu.memory_space<vmem>>
    %dma_wait3A_957 = arith.constant 0 : i32
    %dma_wait3A_958 = arith.constant 0 : i32
    %dma_wait3A_959 = tpu.memref_slice %arg14[%dma_wait3A_957, %dma_wait3A_958] : memref<10240x64xf32, #tpu.memory_space<vmem_shared>> -> memref<10240x64xf32, #tpu.memory_space<vmem_shared>>
    tpu.wait_indirect_dma semaphore(%arg18 : memref<!tpu.dma_semaphore, #tpu.memory_space<semaphore_mem>>) src(%dma_wait3A_953 : memref<80x64xf32, #tpu.memory_space<vmem>>) dst(%dma_wait3A_959 : memref<10240x64xf32, #tpu.memory_space<vmem_shared>>)
    %dma_wait3A_960 = arith.constant 0 : i32
    %dma_wait3A_961 = arith.constant 1 : i32
    %dma_wait3A_962 = arith.constant 0 : i32
    %dma_wait3A_963 = arith.constant 1 : i32
    %dma_wait3A_964 = arith.constant 0 : i32
    %dma_wait3A_965 = arith.constant 0 : i32
    %dma_wait3A_966 = tpu.memref_slice %arg10[%dma_wait3A_960, %dma_wait3A_961, %dma_wait3A_964, %dma_wait3A_965] : memref<2x5x80x64xf32, #tpu.memory_space<vmem>> -> memref<1x1x80x64xf32, #tpu.memory_space<vmem>>
    %dma_wait3A_967 = tpu.memref_squeeze %dma_wait3A_966 : memref<1x1x80x64xf32, #tpu.memory_space<vmem>> -> memref<80x64xf32, #tpu.memory_space<vmem>>
    %dma_wait3A_968 = arith.constant 0 : i32
    %dma_wait3A_969 = tpu.memref_slice %arg8[%dma_wait3A_962, %dma_wait3A_963, %dma_wait3A_968] : memref<3x5x80xi32, #tpu.memory_space<vmem>> -> memref<1x1x80xi32, #tpu.memory_space<vmem>>
    %dma_wait3A_970 = tpu.memref_squeeze %dma_wait3A_969 : memref<1x1x80xi32, #tpu.memory_space<vmem>> -> memref<80xi32, #tpu.memory_space<vmem>>
    %dma_wait3A_971 = arith.constant 0 : i32
    %dma_wait3A_972 = arith.constant 0 : i32
    %dma_wait3A_973 = tpu.memref_slice %arg14[%dma_wait3A_971, %dma_wait3A_972] : memref<10240x64xf32, #tpu.memory_space<vmem_shared>> -> memref<10240x64xf32, #tpu.memory_space<vmem_shared>>
    tpu.wait_indirect_dma semaphore(%arg18 : memref<!tpu.dma_semaphore, #tpu.memory_space<semaphore_mem>>) src(%dma_wait3A_967 : memref<80x64xf32, #tpu.memory_space<vmem>>) dst(%dma_wait3A_973 : memref<10240x64xf32, #tpu.memory_space<vmem_shared>>)
    %dma_wait3A_974 = arith.constant 0 : i32
    %dma_wait3A_975 = arith.constant 2 : i32
    %dma_wait3A_976 = arith.constant 0 : i32
    %dma_wait3A_977 = arith.constant 2 : i32
    %dma_wait3A_978 = arith.constant 0 : i32
    %dma_wait3A_979 = arith.constant 0 : i32
    %dma_wait3A_980 = tpu.memref_slice %arg10[%dma_wait3A_974, %dma_wait3A_975, %dma_wait3A_978, %dma_wait3A_979] : memref<2x5x80x64xf32, #tpu.memory_space<vmem>> -> memref<1x1x80x64xf32, #tpu.memory_space<vmem>>
    %dma_wait3A_981 = tpu.memref_squeeze %dma_wait3A_980 : memref<1x1x80x64xf32, #tpu.memory_space<vmem>> -> memref<80x64xf32, #tpu.memory_space<vmem>>
    %dma_wait3A_982 = arith.constant 0 : i32
    %dma_wait3A_983 = tpu.memref_slice %arg8[%dma_wait3A_976, %dma_wait3A_977, %dma_wait3A_982] : memref<3x5x80xi32, #tpu.memory_space<vmem>> -> memref<1x1x80xi32, #tpu.memory_space<vmem>>
    %dma_wait3A_984 = tpu.memref_squeeze %dma_wait3A_983 : memref<1x1x80xi32, #tpu.memory_space<vmem>> -> memref<80xi32, #tpu.memory_space<vmem>>
    %dma_wait3A_985 = arith.constant 0 : i32
    %dma_wait3A_986 = arith.constant 0 : i32
    %dma_wait3A_987 = tpu.memref_slice %arg14[%dma_wait3A_985, %dma_wait3A_986] : memref<10240x64xf32, #tpu.memory_space<vmem_shared>> -> memref<10240x64xf32, #tpu.memory_space<vmem_shared>>
    tpu.wait_indirect_dma semaphore(%arg18 : memref<!tpu.dma_semaphore, #tpu.memory_space<semaphore_mem>>) src(%dma_wait3A_981 : memref<80x64xf32, #tpu.memory_space<vmem>>) dst(%dma_wait3A_987 : memref<10240x64xf32, #tpu.memory_space<vmem_shared>>)
    %dma_wait3A_988 = arith.constant 0 : i32
    %dma_wait3A_989 = arith.constant 3 : i32
    %dma_wait3A_990 = arith.constant 0 : i32
    %dma_wait3A_991 = arith.constant 3 : i32
    %dma_wait3A_992 = arith.constant 0 : i32
    %dma_wait3A_993 = arith.constant 0 : i32
    %dma_wait3A_994 = tpu.memref_slice %arg10[%dma_wait3A_988, %dma_wait3A_989, %dma_wait3A_992, %dma_wait3A_993] : memref<2x5x80x64xf32, #tpu.memory_space<vmem>> -> memref<1x1x80x64xf32, #tpu.memory_space<vmem>>
    %dma_wait3A_995 = tpu.memref_squeeze %dma_wait3A_994 : memref<1x1x80x64xf32, #tpu.memory_space<vmem>> -> memref<80x64xf32, #tpu.memory_space<vmem>>
    %dma_wait3A_996 = arith.constant 0 : i32
    %dma_wait3A_997 = tpu.memref_slice %arg8[%dma_wait3A_990, %dma_wait3A_991, %dma_wait3A_996] : memref<3x5x80xi32, #tpu.memory_space<vmem>> -> memref<1x1x80xi32, #tpu.memory_space<vmem>>
    %dma_wait3A_998 = tpu.memref_squeeze %dma_wait3A_997 : memref<1x1x80xi32, #tpu.memory_space<vmem>> -> memref<80xi32, #tpu.memory_space<vmem>>
    %dma_wait3A_999 = arith.constant 0 : i32
    %dma_wait3A_1000 = arith.constant 0 : i32
    %dma_wait3A_1001 = tpu.memref_slice %arg14[%dma_wait3A_999, %dma_wait3A_1000] : memref<10240x64xf32, #tpu.memory_space<vmem_shared>> -> memref<10240x64xf32, #tpu.memory_space<vmem_shared>>
    tpu.wait_indirect_dma semaphore(%arg18 : memref<!tpu.dma_semaphore, #tpu.memory_space<semaphore_mem>>) src(%dma_wait3A_995 : memref<80x64xf32, #tpu.memory_space<vmem>>) dst(%dma_wait3A_1001 : memref<10240x64xf32, #tpu.memory_space<vmem_shared>>)
    %dma_wait3A_1002 = arith.constant 0 : i32
    %dma_wait3A_1003 = arith.constant 4 : i32
    %dma_wait3A_1004 = arith.constant 0 : i32
    %dma_wait3A_1005 = arith.constant 4 : i32
    %dma_wait3A_1006 = arith.constant 0 : i32
    %dma_wait3A_1007 = arith.constant 0 : i32
    %dma_wait3A_1008 = tpu.memref_slice %arg10[%dma_wait3A_1002, %dma_wait3A_1003, %dma_wait3A_1006, %dma_wait3A_1007] : memref<2x5x80x64xf32, #tpu.memory_space<vmem>> -> memref<1x1x80x64xf32, #tpu.memory_space<vmem>>
    %dma_wait3A_1009 = tpu.memref_squeeze %dma_wait3A_1008 : memref<1x1x80x64xf32, #tpu.memory_space<vmem>> -> memref<80x64xf32, #tpu.memory_space<vmem>>
    %dma_wait3A_1010 = arith.constant 0 : i32
    %dma_wait3A_1011 = tpu.memref_slice %arg8[%dma_wait3A_1004, %dma_wait3A_1005, %dma_wait3A_1010] : memref<3x5x80xi32, #tpu.memory_space<vmem>> -> memref<1x1x80xi32, #tpu.memory_space<vmem>>
    %dma_wait3A_1012 = tpu.memref_squeeze %dma_wait3A_1011 : memref<1x1x80xi32, #tpu.memory_space<vmem>> -> memref<80xi32, #tpu.memory_space<vmem>>
    %dma_wait3A_1013 = arith.constant 0 : i32
    %dma_wait3A_1014 = arith.constant 0 : i32
    %dma_wait3A_1015 = tpu.memref_slice %arg14[%dma_wait3A_1013, %dma_wait3A_1014] : memref<10240x64xf32, #tpu.memory_space<vmem_shared>> -> memref<10240x64xf32, #tpu.memory_space<vmem_shared>>
    tpu.wait_indirect_dma semaphore(%arg18 : memref<!tpu.dma_semaphore, #tpu.memory_space<semaphore_mem>>) src(%dma_wait3A_1009 : memref<80x64xf32, #tpu.memory_space<vmem>>) dst(%dma_wait3A_1015 : memref<10240x64xf32, #tpu.memory_space<vmem_shared>>)
    %dma_wait3A_1016 = arith.constant 1 : i32
    %dma_wait3A_1017 = arith.constant 0 : i32
    %dma_wait3A_1018 = arith.constant 1 : i32
    %dma_wait3A_1019 = arith.constant 0 : i32
    %dma_wait3A_1020 = arith.constant 0 : i32
    %dma_wait3A_1021 = arith.constant 0 : i32
    %dma_wait3A_1022 = tpu.memref_slice %arg10[%dma_wait3A_1016, %dma_wait3A_1017, %dma_wait3A_1020, %dma_wait3A_1021] : memref<2x5x80x64xf32, #tpu.memory_space<vmem>> -> memref<1x1x80x64xf32, #tpu.memory_space<vmem>>
    %dma_wait3A_1023 = tpu.memref_squeeze %dma_wait3A_1022 : memref<1x1x80x64xf32, #tpu.memory_space<vmem>> -> memref<80x64xf32, #tpu.memory_space<vmem>>
    %dma_wait3A_1024 = arith.constant 0 : i32
    %dma_wait3A_1025 = tpu.memref_slice %arg8[%dma_wait3A_1018, %dma_wait3A_1019, %dma_wait3A_1024] : memref<3x5x80xi32, #tpu.memory_space<vmem>> -> memref<1x1x80xi32, #tpu.memory_space<vmem>>
    %dma_wait3A_1026 = tpu.memref_squeeze %dma_wait3A_1025 : memref<1x1x80xi32, #tpu.memory_space<vmem>> -> memref<80xi32, #tpu.memory_space<vmem>>
    %dma_wait3A_1027 = arith.constant 0 : i32
    %dma_wait3A_1028 = arith.constant 0 : i32
    %dma_wait3A_1029 = tpu.memref_slice %arg14[%dma_wait3A_1027, %dma_wait3A_1028] : memref<10240x64xf32, #tpu.memory_space<vmem_shared>> -> memref<10240x64xf32, #tpu.memory_space<vmem_shared>>
    tpu.wait_indirect_dma semaphore(%arg18 : memref<!tpu.dma_semaphore, #tpu.memory_space<semaphore_mem>>) src(%dma_wait3A_1023 : memref<80x64xf32, #tpu.memory_space<vmem>>) dst(%dma_wait3A_1029 : memref<10240x64xf32, #tpu.memory_space<vmem_shared>>)
    %dma_wait3A_1030 = arith.constant 1 : i32
    %dma_wait3A_1031 = arith.constant 1 : i32
    %dma_wait3A_1032 = arith.constant 1 : i32
    %dma_wait3A_1033 = arith.constant 1 : i32
    %dma_wait3A_1034 = arith.constant 0 : i32
    %dma_wait3A_1035 = arith.constant 0 : i32
    %dma_wait3A_1036 = tpu.memref_slice %arg10[%dma_wait3A_1030, %dma_wait3A_1031, %dma_wait3A_1034, %dma_wait3A_1035] : memref<2x5x80x64xf32, #tpu.memory_space<vmem>> -> memref<1x1x80x64xf32, #tpu.memory_space<vmem>>
    %dma_wait3A_1037 = tpu.memref_squeeze %dma_wait3A_1036 : memref<1x1x80x64xf32, #tpu.memory_space<vmem>> -> memref<80x64xf32, #tpu.memory_space<vmem>>
    %dma_wait3A_1038 = arith.constant 0 : i32
    %dma_wait3A_1039 = tpu.memref_slice %arg8[%dma_wait3A_1032, %dma_wait3A_1033, %dma_wait3A_1038] : memref<3x5x80xi32, #tpu.memory_space<vmem>> -> memref<1x1x80xi32, #tpu.memory_space<vmem>>
    %dma_wait3A_1040 = tpu.memref_squeeze %dma_wait3A_1039 : memref<1x1x80xi32, #tpu.memory_space<vmem>> -> memref<80xi32, #tpu.memory_space<vmem>>
    %dma_wait3A_1041 = arith.constant 0 : i32
    %dma_wait3A_1042 = arith.constant 0 : i32
    %dma_wait3A_1043 = tpu.memref_slice %arg14[%dma_wait3A_1041, %dma_wait3A_1042] : memref<10240x64xf32, #tpu.memory_space<vmem_shared>> -> memref<10240x64xf32, #tpu.memory_space<vmem_shared>>
    tpu.wait_indirect_dma semaphore(%arg18 : memref<!tpu.dma_semaphore, #tpu.memory_space<semaphore_mem>>) src(%dma_wait3A_1037 : memref<80x64xf32, #tpu.memory_space<vmem>>) dst(%dma_wait3A_1043 : memref<10240x64xf32, #tpu.memory_space<vmem_shared>>)
    %dma_wait3A_1044 = arith.constant 1 : i32
    %dma_wait3A_1045 = arith.constant 2 : i32
    %dma_wait3A_1046 = arith.constant 1 : i32
    %dma_wait3A_1047 = arith.constant 2 : i32
    %dma_wait3A_1048 = arith.constant 0 : i32
    %dma_wait3A_1049 = arith.constant 0 : i32
    %dma_wait3A_1050 = tpu.memref_slice %arg10[%dma_wait3A_1044, %dma_wait3A_1045, %dma_wait3A_1048, %dma_wait3A_1049] : memref<2x5x80x64xf32, #tpu.memory_space<vmem>> -> memref<1x1x80x64xf32, #tpu.memory_space<vmem>>
    %dma_wait3A_1051 = tpu.memref_squeeze %dma_wait3A_1050 : memref<1x1x80x64xf32, #tpu.memory_space<vmem>> -> memref<80x64xf32, #tpu.memory_space<vmem>>
    %dma_wait3A_1052 = arith.constant 0 : i32
    %dma_wait3A_1053 = tpu.memref_slice %arg8[%dma_wait3A_1046, %dma_wait3A_1047, %dma_wait3A_1052] : memref<3x5x80xi32, #tpu.memory_space<vmem>> -> memref<1x1x80xi32, #tpu.memory_space<vmem>>
    %dma_wait3A_1054 = tpu.memref_squeeze %dma_wait3A_1053 : memref<1x1x80xi32, #tpu.memory_space<vmem>> -> memref<80xi32, #tpu.memory_space<vmem>>
    %dma_wait3A_1055 = arith.constant 0 : i32
    %dma_wait3A_1056 = arith.constant 0 : i32
    %dma_wait3A_1057 = tpu.memref_slice %arg14[%dma_wait3A_1055, %dma_wait3A_1056] : memref<10240x64xf32, #tpu.memory_space<vmem_shared>> -> memref<10240x64xf32, #tpu.memory_space<vmem_shared>>
    tpu.wait_indirect_dma semaphore(%arg18 : memref<!tpu.dma_semaphore, #tpu.memory_space<semaphore_mem>>) src(%dma_wait3A_1051 : memref<80x64xf32, #tpu.memory_space<vmem>>) dst(%dma_wait3A_1057 : memref<10240x64xf32, #tpu.memory_space<vmem_shared>>)
    %dma_wait3A_1058 = arith.constant 1 : i32
    %dma_wait3A_1059 = arith.constant 3 : i32
    %dma_wait3A_1060 = arith.constant 1 : i32
    %dma_wait3A_1061 = arith.constant 3 : i32
    %dma_wait3A_1062 = arith.constant 0 : i32
    %dma_wait3A_1063 = arith.constant 0 : i32
    %dma_wait3A_1064 = tpu.memref_slice %arg10[%dma_wait3A_1058, %dma_wait3A_1059, %dma_wait3A_1062, %dma_wait3A_1063] : memref<2x5x80x64xf32, #tpu.memory_space<vmem>> -> memref<1x1x80x64xf32, #tpu.memory_space<vmem>>
    %dma_wait3A_1065 = tpu.memref_squeeze %dma_wait3A_1064 : memref<1x1x80x64xf32, #tpu.memory_space<vmem>> -> memref<80x64xf32, #tpu.memory_space<vmem>>
    %dma_wait3A_1066 = arith.constant 0 : i32
    %dma_wait3A_1067 = tpu.memref_slice %arg8[%dma_wait3A_1060, %dma_wait3A_1061, %dma_wait3A_1066] : memref<3x5x80xi32, #tpu.memory_space<vmem>> -> memref<1x1x80xi32, #tpu.memory_space<vmem>>
    %dma_wait3A_1068 = tpu.memref_squeeze %dma_wait3A_1067 : memref<1x1x80xi32, #tpu.memory_space<vmem>> -> memref<80xi32, #tpu.memory_space<vmem>>
    %dma_wait3A_1069 = arith.constant 0 : i32
    %dma_wait3A_1070 = arith.constant 0 : i32
    %dma_wait3A_1071 = tpu.memref_slice %arg14[%dma_wait3A_1069, %dma_wait3A_1070] : memref<10240x64xf32, #tpu.memory_space<vmem_shared>> -> memref<10240x64xf32, #tpu.memory_space<vmem_shared>>
    tpu.wait_indirect_dma semaphore(%arg18 : memref<!tpu.dma_semaphore, #tpu.memory_space<semaphore_mem>>) src(%dma_wait3A_1065 : memref<80x64xf32, #tpu.memory_space<vmem>>) dst(%dma_wait3A_1071 : memref<10240x64xf32, #tpu.memory_space<vmem_shared>>)
    %dma_wait3A_1072 = arith.constant 1 : i32
    %dma_wait3A_1073 = arith.constant 4 : i32
    %dma_wait3A_1074 = arith.constant 1 : i32
    %dma_wait3A_1075 = arith.constant 4 : i32
    %dma_wait3A_1076 = arith.constant 0 : i32
    %dma_wait3A_1077 = arith.constant 0 : i32
    %dma_wait3A_1078 = tpu.memref_slice %arg10[%dma_wait3A_1072, %dma_wait3A_1073, %dma_wait3A_1076, %dma_wait3A_1077] : memref<2x5x80x64xf32, #tpu.memory_space<vmem>> -> memref<1x1x80x64xf32, #tpu.memory_space<vmem>>
    %dma_wait3A_1079 = tpu.memref_squeeze %dma_wait3A_1078 : memref<1x1x80x64xf32, #tpu.memory_space<vmem>> -> memref<80x64xf32, #tpu.memory_space<vmem>>
    %dma_wait3A_1080 = arith.constant 0 : i32
    %dma_wait3A_1081 = tpu.memref_slice %arg8[%dma_wait3A_1074, %dma_wait3A_1075, %dma_wait3A_1080] : memref<3x5x80xi32, #tpu.memory_space<vmem>> -> memref<1x1x80xi32, #tpu.memory_space<vmem>>
    %dma_wait3A_1082 = tpu.memref_squeeze %dma_wait3A_1081 : memref<1x1x80xi32, #tpu.memory_space<vmem>> -> memref<80xi32, #tpu.memory_space<vmem>>
    %dma_wait3A_1083 = arith.constant 0 : i32
    %dma_wait3A_1084 = arith.constant 0 : i32
    %dma_wait3A_1085 = tpu.memref_slice %arg14[%dma_wait3A_1083, %dma_wait3A_1084] : memref<10240x64xf32, #tpu.memory_space<vmem_shared>> -> memref<10240x64xf32, #tpu.memory_space<vmem_shared>>
    tpu.wait_indirect_dma semaphore(%arg18 : memref<!tpu.dma_semaphore, #tpu.memory_space<semaphore_mem>>) src(%dma_wait3A_1079 : memref<80x64xf32, #tpu.memory_space<vmem>>) dst(%dma_wait3A_1085 : memref<10240x64xf32, #tpu.memory_space<vmem_shared>>)
    %barrier3A_1086 = arith.constant 0 : index
    tpu.barrier barrier_id(%barrier3A_1086)
    %mul3A_1087 = arith.constant 640 : i32
    %mul3A_1088 = arith.muli %mul3A_1087, %arg1 : i32
    %add3A_1089 = arith.constant 0 : i32
    %add3A_1090 = arith.addi %mul3A_1088, %add3A_1089 : i32
    "tpu.region"() ({
      %run_scoped3A = tpu.sem_alloc : memref<!tpu.dma_semaphore, #tpu.memory_space<semaphore_mem>>
      %dma_start3A_1223 = arith.constant 0 : i32
      %dma_start3A_1224 = tpu.memref_slice %arg14[%add3A_1090, %dma_start3A_1223] : memref<10240x64xf32, #tpu.memory_space<vmem_shared>> -> memref<80x64xf32, #tpu.memory_space<vmem_shared>>
      %dma_start3A_1225 = arith.constant 0 : i32
      %dma_start3A_1226 = tpu.memref_slice %arg14[%add3A_1090, %dma_start3A_1225] : memref<10240x64xf32, #tpu.memory_space<vmem_shared>> -> memref<80x64xf32, #tpu.memory_space<vmem_shared>>
      tpu.enqueue_dma source(%dma_start3A_1226 : memref<80x64xf32, #tpu.memory_space<vmem_shared>>) target(%arg12 : memref<80x64xf32, #tpu.memory_space<vmem>>) target_semaphore(%run_scoped3A : memref<!tpu.dma_semaphore, #tpu.memory_space<semaphore_mem>>)
      %dma_wait3A_1227 = arith.constant 0 : i32
      %dma_wait3A_1228 = tpu.memref_slice %arg14[%add3A_1090, %dma_wait3A_1227] : memref<10240x64xf32, #tpu.memory_space<vmem_shared>> -> memref<80x64xf32, #tpu.memory_space<vmem_shared>>
      %dma_wait3A_1229 = arith.constant 0 : i32
      %dma_wait3A_1230 = tpu.memref_slice %arg14[%add3A_1090, %dma_wait3A_1229] : memref<10240x64xf32, #tpu.memory_space<vmem_shared>> -> memref<80x64xf32, #tpu.memory_space<vmem_shared>>
      tpu.wait_dma2 semaphore(%run_scoped3A : memref<!tpu.dma_semaphore, #tpu.memory_space<semaphore_mem>>) src(%dma_wait3A_1230 : memref<80x64xf32, #tpu.memory_space<vmem_shared>>) dst(%arg12 : memref<80x64xf32, #tpu.memory_space<vmem>>)
      tpu.yield
    }) : () -> ()
    %scan3A_1091 = arith.constant 0 : i32
    %scan3A_1092 = arith.constant 0 : i32
    %scan3A_1093 = arith.constant 240 : i32
    %scan3A_1094 = arith.addi %scan3A_1092, %scan3A_1093 : i32
    %scan3A_1095 = arith.constant 1 : i32
    scf.for %scan3A_1223 = %scan3A_1092 to %scan3A_1094 step %scan3A_1095  : i32 {
      %jit3A = arith.constant 3 : i32
      %div3A = arith.divsi %scan3A_1223, %jit3A : i32
      %sign3A = arith.constant 0 : i32
      %sign3A_1224 = arith.cmpi sgt, %scan3A_1223, %sign3A : i32
      %sign3A_1225 = arith.extui %sign3A_1224 : i1 to i32
      %sign3A_1226 = arith.constant 0 : i32
      %sign3A_1227 = arith.cmpi slt, %scan3A_1223, %sign3A_1226 : i32
      %sign3A_1228 = arith.extui %sign3A_1227 : i1 to i32
      %sign3A_1229 = arith.subi %sign3A_1225, %sign3A_1228 : i32
      %sign3A_1230 = arith.constant 0 : i32
      %sign3A_1231 = arith.cmpi sgt, %jit3A, %sign3A_1230 : i32
      %sign3A_1232 = arith.extui %sign3A_1231 : i1 to i32
      %sign3A_1233 = arith.constant 0 : i32
      %sign3A_1234 = arith.cmpi slt, %jit3A, %sign3A_1233 : i32
      %sign3A_1235 = arith.extui %sign3A_1234 : i1 to i32
      %sign3A_1236 = arith.subi %sign3A_1232, %sign3A_1235 : i32
      %ne3A = arith.cmpi ne, %sign3A_1229, %sign3A_1236 : i32
      %rem3A = arith.remsi %scan3A_1223, %jit3A : i32
      %ne3A_1237 = arith.constant 0 : i32
      %ne3A_1238 = arith.cmpi ne, %rem3A, %ne3A_1237 : i32
      %and3A_1239 = arith.andi %ne3A, %ne3A_1238 : i1
      %sub3A = arith.constant 1 : i32
      %sub3A_1240 = arith.subi %div3A, %sub3A : i32
      %select_n3A = arith.select %and3A_1239, %sub3A_1240, %div3A : i32
      %rem3A_1241 = arith.constant 3 : i32
      %rem3A_1242 = arith.remsi %scan3A_1223, %rem3A_1241 : i32
      %mul3A_1243 = arith.constant 16 : i32
      %mul3A_1244 = arith.muli %rem3A_1242, %mul3A_1243 : i32
      %get3A_1245 = arith.index_cast %select_n3A : i32 to index
      %get3A_1246 = arith.index_cast %mul3A_1244 : i32 to index
      %get3A_1247 = tpu.vector_load %arg12[%get3A_1245, %get3A_1246] {strides = array<i32>} : memref<80x64xf32, #tpu.memory_space<vmem>>, vector<1x16xf32>,
      %get3A_1248 = vector.shape_cast %get3A_1247 : vector<1x16xf32> to vector<16xf32>
      %swap3A_1249 = arith.index_cast %select_n3A : i32 to index
      %swap3A_1250 = arith.index_cast %mul3A_1244 : i32 to index
      %swap3A_1251 = tpu.vector_load %arg13[%swap3A_1249, %swap3A_1250] {strides = array<i32>} : memref<80x48xf32, #tpu.memory_space<vmem>>, vector<1x16xf32>,
      %swap3A_1252 = vector.shape_cast %swap3A_1251 : vector<1x16xf32> to vector<16xf32>
      %swap3A_1253 = vector.shape_cast %get3A_1248 : vector<16xf32> to vector<1x16xf32>
      tpu.vector_store %arg13[%swap3A_1249, %swap3A_1250], %swap3A_1253 {strides = array<i32>} : memref<80x48xf32, #tpu.memory_space<vmem>>, vector<1x16xf32>,
    }
    %scan3A_1096 = arith.constant 240 : i32
    %mul3A_1097 = arith.constant 10240 : i32
    %mul3A_1098 = arith.muli %arg0, %mul3A_1097 : i32
    %mul3A_1099 = arith.constant 640 : i32
    %mul3A_1100 = arith.muli %mul3A_1099, %arg1 : i32
    %add3A_1101 = arith.addi %mul3A_1098, %mul3A_1100 : i32
    %add3A_1102 = arith.constant 0 : i32
    %add3A_1103 = arith.addi %add3A_1101, %add3A_1102 : i32
    "tpu.region"() ({
      %run_scoped3A = tpu.sem_alloc : memref<!tpu.dma_semaphore, #tpu.memory_space<semaphore_mem>>
      %dma_start3A_1223 = arith.constant 0 : i32
      %dma_start3A_1224 = tpu.memref_slice %arg5[%add3A_1103, %dma_start3A_1223] : memref<20480x48xf32, #tpu.memory_space<hbm>> -> memref<80x48xf32, #tpu.memory_space<hbm>>
      %dma_start3A_1225 = arith.constant 0 : i32
      %dma_start3A_1226 = tpu.memref_slice %arg5[%add3A_1103, %dma_start3A_1225] : memref<20480x48xf32, #tpu.memory_space<hbm>> -> memref<80x48xf32, #tpu.memory_space<hbm>>
      tpu.enqueue_dma source(%arg13 : memref<80x48xf32, #tpu.memory_space<vmem>>) target(%dma_start3A_1226 : memref<80x48xf32, #tpu.memory_space<hbm>>) target_semaphore(%run_scoped3A : memref<!tpu.dma_semaphore, #tpu.memory_space<semaphore_mem>>)
      %dma_wait3A_1227 = arith.constant 0 : i32
      %dma_wait3A_1228 = tpu.memref_slice %arg5[%add3A_1103, %dma_wait3A_1227] : memref<20480x48xf32, #tpu.memory_space<hbm>> -> memref<80x48xf32, #tpu.memory_space<hbm>>
      %dma_wait3A_1229 = arith.constant 0 : i32
      %dma_wait3A_1230 = tpu.memref_slice %arg5[%add3A_1103, %dma_wait3A_1229] : memref<20480x48xf32, #tpu.memory_space<hbm>> -> memref<80x48xf32, #tpu.memory_space<hbm>>
      tpu.wait_dma2 semaphore(%run_scoped3A : memref<!tpu.dma_semaphore, #tpu.memory_space<semaphore_mem>>) src(%arg13 : memref<80x48xf32, #tpu.memory_space<vmem>>) dst(%dma_wait3A_1230 : memref<80x48xf32, #tpu.memory_space<hbm>>)
      tpu.yield
    }) : () -> ()
    %mul3A_1104 = arith.constant 640 : i32
    %mul3A_1105 = arith.muli %mul3A_1104, %arg1 : i32
    %add3A_1106 = arith.constant 80 : i32
    %add3A_1107 = arith.addi %mul3A_1105, %add3A_1106 : i32
    "tpu.region"() ({
      %run_scoped3A = tpu.sem_alloc : memref<!tpu.dma_semaphore, #tpu.memory_space<semaphore_mem>>
      %dma_start3A_1223 = arith.constant 0 : i32
      %dma_start3A_1224 = tpu.memref_slice %arg14[%add3A_1107, %dma_start3A_1223] : memref<10240x64xf32, #tpu.memory_space<vmem_shared>> -> memref<80x64xf32, #tpu.memory_space<vmem_shared>>
      %dma_start3A_1225 = arith.constant 0 : i32
      %dma_start3A_1226 = tpu.memref_slice %arg14[%add3A_1107, %dma_start3A_1225] : memref<10240x64xf32, #tpu.memory_space<vmem_shared>> -> memref<80x64xf32, #tpu.memory_space<vmem_shared>>
      tpu.enqueue_dma source(%dma_start3A_1226 : memref<80x64xf32, #tpu.memory_space<vmem_shared>>) target(%arg12 : memref<80x64xf32, #tpu.memory_space<vmem>>) target_semaphore(%run_scoped3A : memref<!tpu.dma_semaphore, #tpu.memory_space<semaphore_mem>>)
      %dma_wait3A_1227 = arith.constant 0 : i32
      %dma_wait3A_1228 = tpu.memref_slice %arg14[%add3A_1107, %dma_wait3A_1227] : memref<10240x64xf32, #tpu.memory_space<vmem_shared>> -> memref<80x64xf32, #tpu.memory_space<vmem_shared>>
      %dma_wait3A_1229 = arith.constant 0 : i32
      %dma_wait3A_1230 = tpu.memref_slice %arg14[%add3A_1107, %dma_wait3A_1229] : memref<10240x64xf32, #tpu.memory_space<vmem_shared>> -> memref<80x64xf32, #tpu.memory_space<vmem_shared>>
      tpu.wait_dma2 semaphore(%run_scoped3A : memref<!tpu.dma_semaphore, #tpu.memory_space<semaphore_mem>>) src(%dma_wait3A_1230 : memref<80x64xf32, #tpu.memory_space<vmem_shared>>) dst(%arg12 : memref<80x64xf32, #tpu.memory_space<vmem>>)
      tpu.yield
    }) : () -> ()
    %scan3A_1108 = arith.constant 0 : i32
    %scan3A_1109 = arith.constant 0 : i32
    %scan3A_1110 = arith.constant 240 : i32
    %scan3A_1111 = arith.addi %scan3A_1109, %scan3A_1110 : i32
    %scan3A_1112 = arith.constant 1 : i32
    scf.for %scan3A_1223 = %scan3A_1109 to %scan3A_1111 step %scan3A_1112  : i32 {
      %jit3A = arith.constant 3 : i32
      %div3A = arith.divsi %scan3A_1223, %jit3A : i32
      %sign3A = arith.constant 0 : i32
      %sign3A_1224 = arith.cmpi sgt, %scan3A_1223, %sign3A : i32
      %sign3A_1225 = arith.extui %sign3A_1224 : i1 to i32
      %sign3A_1226 = arith.constant 0 : i32
      %sign3A_1227 = arith.cmpi slt, %scan3A_1223, %sign3A_1226 : i32
      %sign3A_1228 = arith.extui %sign3A_1227 : i1 to i32
      %sign3A_1229 = arith.subi %sign3A_1225, %sign3A_1228 : i32
      %sign3A_1230 = arith.constant 0 : i32
      %sign3A_1231 = arith.cmpi sgt, %jit3A, %sign3A_1230 : i32
      %sign3A_1232 = arith.extui %sign3A_1231 : i1 to i32
      %sign3A_1233 = arith.constant 0 : i32
      %sign3A_1234 = arith.cmpi slt, %jit3A, %sign3A_1233 : i32
      %sign3A_1235 = arith.extui %sign3A_1234 : i1 to i32
      %sign3A_1236 = arith.subi %sign3A_1232, %sign3A_1235 : i32
      %ne3A = arith.cmpi ne, %sign3A_1229, %sign3A_1236 : i32
      %rem3A = arith.remsi %scan3A_1223, %jit3A : i32
      %ne3A_1237 = arith.constant 0 : i32
      %ne3A_1238 = arith.cmpi ne, %rem3A, %ne3A_1237 : i32
      %and3A_1239 = arith.andi %ne3A, %ne3A_1238 : i1
      %sub3A = arith.constant 1 : i32
      %sub3A_1240 = arith.subi %div3A, %sub3A : i32
      %select_n3A = arith.select %and3A_1239, %sub3A_1240, %div3A : i32
      %rem3A_1241 = arith.constant 3 : i32
      %rem3A_1242 = arith.remsi %scan3A_1223, %rem3A_1241 : i32
      %mul3A_1243 = arith.constant 16 : i32
      %mul3A_1244 = arith.muli %rem3A_1242, %mul3A_1243 : i32
      %get3A_1245 = arith.index_cast %select_n3A : i32 to index
      %get3A_1246 = arith.index_cast %mul3A_1244 : i32 to index
      %get3A_1247 = tpu.vector_load %arg12[%get3A_1245, %get3A_1246] {strides = array<i32>} : memref<80x64xf32, #tpu.memory_space<vmem>>, vector<1x16xf32>,
      %get3A_1248 = vector.shape_cast %get3A_1247 : vector<1x16xf32> to vector<16xf32>
      %swap3A_1249 = arith.index_cast %select_n3A : i32 to index
      %swap3A_1250 = arith.index_cast %mul3A_1244 : i32 to index
      %swap3A_1251 = tpu.vector_load %arg13[%swap3A_1249, %swap3A_1250] {strides = array<i32>} : memref<80x48xf32, #tpu.memory_space<vmem>>, vector<1x16xf32>,
      %swap3A_1252 = vector.shape_cast %swap3A_1251 : vector<1x16xf32> to vector<16xf32>
      %swap3A_1253 = vector.shape_cast %get3A_1248 : vector<16xf32> to vector<1x16xf32>
      tpu.vector_store %arg13[%swap3A_1249, %swap3A_1250], %swap3A_1253 {strides = array<i32>} : memref<80x48xf32, #tpu.memory_space<vmem>>, vector<1x16xf32>,
    }
    %scan3A_1113 = arith.constant 240 : i32
    %mul3A_1114 = arith.constant 10240 : i32
    %mul3A_1115 = arith.muli %arg0, %mul3A_1114 : i32
    %mul3A_1116 = arith.constant 640 : i32
    %mul3A_1117 = arith.muli %mul3A_1116, %arg1 : i32
    %add3A_1118 = arith.addi %mul3A_1115, %mul3A_1117 : i32
    %add3A_1119 = arith.constant 80 : i32
    %add3A_1120 = arith.addi %add3A_1118, %add3A_1119 : i32
    "tpu.region"() ({
      %run_scoped3A = tpu.sem_alloc : memref<!tpu.dma_semaphore, #tpu.memory_space<semaphore_mem>>
      %dma_start3A_1223 = arith.constant 0 : i32
      %dma_start3A_1224 = tpu.memref_slice %arg5[%add3A_1120, %dma_start3A_1223] : memref<20480x48xf32, #tpu.memory_space<hbm>> -> memref<80x48xf32, #tpu.memory_space<hbm>>
      %dma_start3A_1225 = arith.constant 0 : i32
      %dma_start3A_1226 = tpu.memref_slice %arg5[%add3A_1120, %dma_start3A_1225] : memref<20480x48xf32, #tpu.memory_space<hbm>> -> memref<80x48xf32, #tpu.memory_space<hbm>>
      tpu.enqueue_dma source(%arg13 : memref<80x48xf32, #tpu.memory_space<vmem>>) target(%dma_start3A_1226 : memref<80x48xf32, #tpu.memory_space<hbm>>) target_semaphore(%run_scoped3A : memref<!tpu.dma_semaphore, #tpu.memory_space<semaphore_mem>>)
      %dma_wait3A_1227 = arith.constant 0 : i32
      %dma_wait3A_1228 = tpu.memref_slice %arg5[%add3A_1120, %dma_wait3A_1227] : memref<20480x48xf32, #tpu.memory_space<hbm>> -> memref<80x48xf32, #tpu.memory_space<hbm>>
      %dma_wait3A_1229 = arith.constant 0 : i32
      %dma_wait3A_1230 = tpu.memref_slice %arg5[%add3A_1120, %dma_wait3A_1229] : memref<20480x48xf32, #tpu.memory_space<hbm>> -> memref<80x48xf32, #tpu.memory_space<hbm>>
      tpu.wait_dma2 semaphore(%run_scoped3A : memref<!tpu.dma_semaphore, #tpu.memory_space<semaphore_mem>>) src(%arg13 : memref<80x48xf32, #tpu.memory_space<vmem>>) dst(%dma_wait3A_1230 : memref<80x48xf32, #tpu.memory_space<hbm>>)
      tpu.yield
    }) : () -> ()
    %mul3A_1121 = arith.constant 640 : i32
    %mul3A_1122 = arith.muli %mul3A_1121, %arg1 : i32
    %add3A_1123 = arith.constant 160 : i32
    %add3A_1124 = arith.addi %mul3A_1122, %add3A_1123 : i32
    "tpu.region"() ({
      %run_scoped3A = tpu.sem_alloc : memref<!tpu.dma_semaphore, #tpu.memory_space<semaphore_mem>>
      %dma_start3A_1223 = arith.constant 0 : i32
      %dma_start3A_1224 = tpu.memref_slice %arg14[%add3A_1124, %dma_start3A_1223] : memref<10240x64xf32, #tpu.memory_space<vmem_shared>> -> memref<80x64xf32, #tpu.memory_space<vmem_shared>>
      %dma_start3A_1225 = arith.constant 0 : i32
      %dma_start3A_1226 = tpu.memref_slice %arg14[%add3A_1124, %dma_start3A_1225] : memref<10240x64xf32, #tpu.memory_space<vmem_shared>> -> memref<80x64xf32, #tpu.memory_space<vmem_shared>>
      tpu.enqueue_dma source(%dma_start3A_1226 : memref<80x64xf32, #tpu.memory_space<vmem_shared>>) target(%arg12 : memref<80x64xf32, #tpu.memory_space<vmem>>) target_semaphore(%run_scoped3A : memref<!tpu.dma_semaphore, #tpu.memory_space<semaphore_mem>>)
      %dma_wait3A_1227 = arith.constant 0 : i32
      %dma_wait3A_1228 = tpu.memref_slice %arg14[%add3A_1124, %dma_wait3A_1227] : memref<10240x64xf32, #tpu.memory_space<vmem_shared>> -> memref<80x64xf32, #tpu.memory_space<vmem_shared>>
      %dma_wait3A_1229 = arith.constant 0 : i32
      %dma_wait3A_1230 = tpu.memref_slice %arg14[%add3A_1124, %dma_wait3A_1229] : memref<10240x64xf32, #tpu.memory_space<vmem_shared>> -> memref<80x64xf32, #tpu.memory_space<vmem_shared>>
      tpu.wait_dma2 semaphore(%run_scoped3A : memref<!tpu.dma_semaphore, #tpu.memory_space<semaphore_mem>>) src(%dma_wait3A_1230 : memref<80x64xf32, #tpu.memory_space<vmem_shared>>) dst(%arg12 : memref<80x64xf32, #tpu.memory_space<vmem>>)
      tpu.yield
    }) : () -> ()
    %scan3A_1125 = arith.constant 0 : i32
    %scan3A_1126 = arith.constant 0 : i32
    %scan3A_1127 = arith.constant 240 : i32
    %scan3A_1128 = arith.addi %scan3A_1126, %scan3A_1127 : i32
    %scan3A_1129 = arith.constant 1 : i32
    scf.for %scan3A_1223 = %scan3A_1126 to %scan3A_1128 step %scan3A_1129  : i32 {
      %jit3A = arith.constant 3 : i32
      %div3A = arith.divsi %scan3A_1223, %jit3A : i32
      %sign3A = arith.constant 0 : i32
      %sign3A_1224 = arith.cmpi sgt, %scan3A_1223, %sign3A : i32
      %sign3A_1225 = arith.extui %sign3A_1224 : i1 to i32
      %sign3A_1226 = arith.constant 0 : i32
      %sign3A_1227 = arith.cmpi slt, %scan3A_1223, %sign3A_1226 : i32
      %sign3A_1228 = arith.extui %sign3A_1227 : i1 to i32
      %sign3A_1229 = arith.subi %sign3A_1225, %sign3A_1228 : i32
      %sign3A_1230 = arith.constant 0 : i32
      %sign3A_1231 = arith.cmpi sgt, %jit3A, %sign3A_1230 : i32
      %sign3A_1232 = arith.extui %sign3A_1231 : i1 to i32
      %sign3A_1233 = arith.constant 0 : i32
      %sign3A_1234 = arith.cmpi slt, %jit3A, %sign3A_1233 : i32
      %sign3A_1235 = arith.extui %sign3A_1234 : i1 to i32
      %sign3A_1236 = arith.subi %sign3A_1232, %sign3A_1235 : i32
      %ne3A = arith.cmpi ne, %sign3A_1229, %sign3A_1236 : i32
      %rem3A = arith.remsi %scan3A_1223, %jit3A : i32
      %ne3A_1237 = arith.constant 0 : i32
      %ne3A_1238 = arith.cmpi ne, %rem3A, %ne3A_1237 : i32
      %and3A_1239 = arith.andi %ne3A, %ne3A_1238 : i1
      %sub3A = arith.constant 1 : i32
      %sub3A_1240 = arith.subi %div3A, %sub3A : i32
      %select_n3A = arith.select %and3A_1239, %sub3A_1240, %div3A : i32
      %rem3A_1241 = arith.constant 3 : i32
      %rem3A_1242 = arith.remsi %scan3A_1223, %rem3A_1241 : i32
      %mul3A_1243 = arith.constant 16 : i32
      %mul3A_1244 = arith.muli %rem3A_1242, %mul3A_1243 : i32
      %get3A_1245 = arith.index_cast %select_n3A : i32 to index
      %get3A_1246 = arith.index_cast %mul3A_1244 : i32 to index
      %get3A_1247 = tpu.vector_load %arg12[%get3A_1245, %get3A_1246] {strides = array<i32>} : memref<80x64xf32, #tpu.memory_space<vmem>>, vector<1x16xf32>,
      %get3A_1248 = vector.shape_cast %get3A_1247 : vector<1x16xf32> to vector<16xf32>
      %swap3A_1249 = arith.index_cast %select_n3A : i32 to index
      %swap3A_1250 = arith.index_cast %mul3A_1244 : i32 to index
      %swap3A_1251 = tpu.vector_load %arg13[%swap3A_1249, %swap3A_1250] {strides = array<i32>} : memref<80x48xf32, #tpu.memory_space<vmem>>, vector<1x16xf32>,
      %swap3A_1252 = vector.shape_cast %swap3A_1251 : vector<1x16xf32> to vector<16xf32>
      %swap3A_1253 = vector.shape_cast %get3A_1248 : vector<16xf32> to vector<1x16xf32>
      tpu.vector_store %arg13[%swap3A_1249, %swap3A_1250], %swap3A_1253 {strides = array<i32>} : memref<80x48xf32, #tpu.memory_space<vmem>>, vector<1x16xf32>,
    }
    %scan3A_1130 = arith.constant 240 : i32
    %mul3A_1131 = arith.constant 10240 : i32
    %mul3A_1132 = arith.muli %arg0, %mul3A_1131 : i32
    %mul3A_1133 = arith.constant 640 : i32
    %mul3A_1134 = arith.muli %mul3A_1133, %arg1 : i32
    %add3A_1135 = arith.addi %mul3A_1132, %mul3A_1134 : i32
    %add3A_1136 = arith.constant 160 : i32
    %add3A_1137 = arith.addi %add3A_1135, %add3A_1136 : i32
    "tpu.region"() ({
      %run_scoped3A = tpu.sem_alloc : memref<!tpu.dma_semaphore, #tpu.memory_space<semaphore_mem>>
      %dma_start3A_1223 = arith.constant 0 : i32
      %dma_start3A_1224 = tpu.memref_slice %arg5[%add3A_1137, %dma_start3A_1223] : memref<20480x48xf32, #tpu.memory_space<hbm>> -> memref<80x48xf32, #tpu.memory_space<hbm>>
      %dma_start3A_1225 = arith.constant 0 : i32
      %dma_start3A_1226 = tpu.memref_slice %arg5[%add3A_1137, %dma_start3A_1225] : memref<20480x48xf32, #tpu.memory_space<hbm>> -> memref<80x48xf32, #tpu.memory_space<hbm>>
      tpu.enqueue_dma source(%arg13 : memref<80x48xf32, #tpu.memory_space<vmem>>) target(%dma_start3A_1226 : memref<80x48xf32, #tpu.memory_space<hbm>>) target_semaphore(%run_scoped3A : memref<!tpu.dma_semaphore, #tpu.memory_space<semaphore_mem>>)
      %dma_wait3A_1227 = arith.constant 0 : i32
      %dma_wait3A_1228 = tpu.memref_slice %arg5[%add3A_1137, %dma_wait3A_1227] : memref<20480x48xf32, #tpu.memory_space<hbm>> -> memref<80x48xf32, #tpu.memory_space<hbm>>
      %dma_wait3A_1229 = arith.constant 0 : i32
      %dma_wait3A_1230 = tpu.memref_slice %arg5[%add3A_1137, %dma_wait3A_1229] : memref<20480x48xf32, #tpu.memory_space<hbm>> -> memref<80x48xf32, #tpu.memory_space<hbm>>
      tpu.wait_dma2 semaphore(%run_scoped3A : memref<!tpu.dma_semaphore, #tpu.memory_space<semaphore_mem>>) src(%arg13 : memref<80x48xf32, #tpu.memory_space<vmem>>) dst(%dma_wait3A_1230 : memref<80x48xf32, #tpu.memory_space<hbm>>)
      tpu.yield
    }) : () -> ()
    %mul3A_1138 = arith.constant 640 : i32
    %mul3A_1139 = arith.muli %mul3A_1138, %arg1 : i32
    %add3A_1140 = arith.constant 240 : i32
    %add3A_1141 = arith.addi %mul3A_1139, %add3A_1140 : i32
    "tpu.region"() ({
      %run_scoped3A = tpu.sem_alloc : memref<!tpu.dma_semaphore, #tpu.memory_space<semaphore_mem>>
      %dma_start3A_1223 = arith.constant 0 : i32
      %dma_start3A_1224 = tpu.memref_slice %arg14[%add3A_1141, %dma_start3A_1223] : memref<10240x64xf32, #tpu.memory_space<vmem_shared>> -> memref<80x64xf32, #tpu.memory_space<vmem_shared>>
      %dma_start3A_1225 = arith.constant 0 : i32
      %dma_start3A_1226 = tpu.memref_slice %arg14[%add3A_1141, %dma_start3A_1225] : memref<10240x64xf32, #tpu.memory_space<vmem_shared>> -> memref<80x64xf32, #tpu.memory_space<vmem_shared>>
      tpu.enqueue_dma source(%dma_start3A_1226 : memref<80x64xf32, #tpu.memory_space<vmem_shared>>) target(%arg12 : memref<80x64xf32, #tpu.memory_space<vmem>>) target_semaphore(%run_scoped3A : memref<!tpu.dma_semaphore, #tpu.memory_space<semaphore_mem>>)
      %dma_wait3A_1227 = arith.constant 0 : i32
      %dma_wait3A_1228 = tpu.memref_slice %arg14[%add3A_1141, %dma_wait3A_1227] : memref<10240x64xf32, #tpu.memory_space<vmem_shared>> -> memref<80x64xf32, #tpu.memory_space<vmem_shared>>
      %dma_wait3A_1229 = arith.constant 0 : i32
      %dma_wait3A_1230 = tpu.memref_slice %arg14[%add3A_1141, %dma_wait3A_1229] : memref<10240x64xf32, #tpu.memory_space<vmem_shared>> -> memref<80x64xf32, #tpu.memory_space<vmem_shared>>
      tpu.wait_dma2 semaphore(%run_scoped3A : memref<!tpu.dma_semaphore, #tpu.memory_space<semaphore_mem>>) src(%dma_wait3A_1230 : memref<80x64xf32, #tpu.memory_space<vmem_shared>>) dst(%arg12 : memref<80x64xf32, #tpu.memory_space<vmem>>)
      tpu.yield
    }) : () -> ()
    %scan3A_1142 = arith.constant 0 : i32
    %scan3A_1143 = arith.constant 0 : i32
    %scan3A_1144 = arith.constant 240 : i32
    %scan3A_1145 = arith.addi %scan3A_1143, %scan3A_1144 : i32
    %scan3A_1146 = arith.constant 1 : i32
    scf.for %scan3A_1223 = %scan3A_1143 to %scan3A_1145 step %scan3A_1146  : i32 {
      %jit3A = arith.constant 3 : i32
      %div3A = arith.divsi %scan3A_1223, %jit3A : i32
      %sign3A = arith.constant 0 : i32
      %sign3A_1224 = arith.cmpi sgt, %scan3A_1223, %sign3A : i32
      %sign3A_1225 = arith.extui %sign3A_1224 : i1 to i32
      %sign3A_1226 = arith.constant 0 : i32
      %sign3A_1227 = arith.cmpi slt, %scan3A_1223, %sign3A_1226 : i32
      %sign3A_1228 = arith.extui %sign3A_1227 : i1 to i32
      %sign3A_1229 = arith.subi %sign3A_1225, %sign3A_1228 : i32
      %sign3A_1230 = arith.constant 0 : i32
      %sign3A_1231 = arith.cmpi sgt, %jit3A, %sign3A_1230 : i32
      %sign3A_1232 = arith.extui %sign3A_1231 : i1 to i32
      %sign3A_1233 = arith.constant 0 : i32
      %sign3A_1234 = arith.cmpi slt, %jit3A, %sign3A_1233 : i32
      %sign3A_1235 = arith.extui %sign3A_1234 : i1 to i32
      %sign3A_1236 = arith.subi %sign3A_1232, %sign3A_1235 : i32
      %ne3A = arith.cmpi ne, %sign3A_1229, %sign3A_1236 : i32
      %rem3A = arith.remsi %scan3A_1223, %jit3A : i32
      %ne3A_1237 = arith.constant 0 : i32
      %ne3A_1238 = arith.cmpi ne, %rem3A, %ne3A_1237 : i32
      %and3A_1239 = arith.andi %ne3A, %ne3A_1238 : i1
      %sub3A = arith.constant 1 : i32
      %sub3A_1240 = arith.subi %div3A, %sub3A : i32
      %select_n3A = arith.select %and3A_1239, %sub3A_1240, %div3A : i32
      %rem3A_1241 = arith.constant 3 : i32
      %rem3A_1242 = arith.remsi %scan3A_1223, %rem3A_1241 : i32
      %mul3A_1243 = arith.constant 16 : i32
      %mul3A_1244 = arith.muli %rem3A_1242, %mul3A_1243 : i32
      %get3A_1245 = arith.index_cast %select_n3A : i32 to index
      %get3A_1246 = arith.index_cast %mul3A_1244 : i32 to index
      %get3A_1247 = tpu.vector_load %arg12[%get3A_1245, %get3A_1246] {strides = array<i32>} : memref<80x64xf32, #tpu.memory_space<vmem>>, vector<1x16xf32>,
      %get3A_1248 = vector.shape_cast %get3A_1247 : vector<1x16xf32> to vector<16xf32>
      %swap3A_1249 = arith.index_cast %select_n3A : i32 to index
      %swap3A_1250 = arith.index_cast %mul3A_1244 : i32 to index
      %swap3A_1251 = tpu.vector_load %arg13[%swap3A_1249, %swap3A_1250] {strides = array<i32>} : memref<80x48xf32, #tpu.memory_space<vmem>>, vector<1x16xf32>,
      %swap3A_1252 = vector.shape_cast %swap3A_1251 : vector<1x16xf32> to vector<16xf32>
      %swap3A_1253 = vector.shape_cast %get3A_1248 : vector<16xf32> to vector<1x16xf32>
      tpu.vector_store %arg13[%swap3A_1249, %swap3A_1250], %swap3A_1253 {strides = array<i32>} : memref<80x48xf32, #tpu.memory_space<vmem>>, vector<1x16xf32>,
    }
    %scan3A_1147 = arith.constant 240 : i32
    %mul3A_1148 = arith.constant 10240 : i32
    %mul3A_1149 = arith.muli %arg0, %mul3A_1148 : i32
    %mul3A_1150 = arith.constant 640 : i32
    %mul3A_1151 = arith.muli %mul3A_1150, %arg1 : i32
    %add3A_1152 = arith.addi %mul3A_1149, %mul3A_1151 : i32
    %add3A_1153 = arith.constant 240 : i32
    %add3A_1154 = arith.addi %add3A_1152, %add3A_1153 : i32
    "tpu.region"() ({
      %run_scoped3A = tpu.sem_alloc : memref<!tpu.dma_semaphore, #tpu.memory_space<semaphore_mem>>
      %dma_start3A_1223 = arith.constant 0 : i32
      %dma_start3A_1224 = tpu.memref_slice %arg5[%add3A_1154, %dma_start3A_1223] : memref<20480x48xf32, #tpu.memory_space<hbm>> -> memref<80x48xf32, #tpu.memory_space<hbm>>
      %dma_start3A_1225 = arith.constant 0 : i32
      %dma_start3A_1226 = tpu.memref_slice %arg5[%add3A_1154, %dma_start3A_1225] : memref<20480x48xf32, #tpu.memory_space<hbm>> -> memref<80x48xf32, #tpu.memory_space<hbm>>
      tpu.enqueue_dma source(%arg13 : memref<80x48xf32, #tpu.memory_space<vmem>>) target(%dma_start3A_1226 : memref<80x48xf32, #tpu.memory_space<hbm>>) target_semaphore(%run_scoped3A : memref<!tpu.dma_semaphore, #tpu.memory_space<semaphore_mem>>)
      %dma_wait3A_1227 = arith.constant 0 : i32
      %dma_wait3A_1228 = tpu.memref_slice %arg5[%add3A_1154, %dma_wait3A_1227] : memref<20480x48xf32, #tpu.memory_space<hbm>> -> memref<80x48xf32, #tpu.memory_space<hbm>>
      %dma_wait3A_1229 = arith.constant 0 : i32
      %dma_wait3A_1230 = tpu.memref_slice %arg5[%add3A_1154, %dma_wait3A_1229] : memref<20480x48xf32, #tpu.memory_space<hbm>> -> memref<80x48xf32, #tpu.memory_space<hbm>>
      tpu.wait_dma2 semaphore(%run_scoped3A : memref<!tpu.dma_semaphore, #tpu.memory_space<semaphore_mem>>) src(%arg13 : memref<80x48xf32, #tpu.memory_space<vmem>>) dst(%dma_wait3A_1230 : memref<80x48xf32, #tpu.memory_space<hbm>>)
      tpu.yield
    }) : () -> ()
    %mul3A_1155 = arith.constant 640 : i32
    %mul3A_1156 = arith.muli %mul3A_1155, %arg1 : i32
    %add3A_1157 = arith.constant 320 : i32
    %add3A_1158 = arith.addi %mul3A_1156, %add3A_1157 : i32
    "tpu.region"() ({
      %run_scoped3A = tpu.sem_alloc : memref<!tpu.dma_semaphore, #tpu.memory_space<semaphore_mem>>
      %dma_start3A_1223 = arith.constant 0 : i32
      %dma_start3A_1224 = tpu.memref_slice %arg14[%add3A_1158, %dma_start3A_1223] : memref<10240x64xf32, #tpu.memory_space<vmem_shared>> -> memref<80x64xf32, #tpu.memory_space<vmem_shared>>
      %dma_start3A_1225 = arith.constant 0 : i32
      %dma_start3A_1226 = tpu.memref_slice %arg14[%add3A_1158, %dma_start3A_1225] : memref<10240x64xf32, #tpu.memory_space<vmem_shared>> -> memref<80x64xf32, #tpu.memory_space<vmem_shared>>
      tpu.enqueue_dma source(%dma_start3A_1226 : memref<80x64xf32, #tpu.memory_space<vmem_shared>>) target(%arg12 : memref<80x64xf32, #tpu.memory_space<vmem>>) target_semaphore(%run_scoped3A : memref<!tpu.dma_semaphore, #tpu.memory_space<semaphore_mem>>)
      %dma_wait3A_1227 = arith.constant 0 : i32
      %dma_wait3A_1228 = tpu.memref_slice %arg14[%add3A_1158, %dma_wait3A_1227] : memref<10240x64xf32, #tpu.memory_space<vmem_shared>> -> memref<80x64xf32, #tpu.memory_space<vmem_shared>>
      %dma_wait3A_1229 = arith.constant 0 : i32
      %dma_wait3A_1230 = tpu.memref_slice %arg14[%add3A_1158, %dma_wait3A_1229] : memref<10240x64xf32, #tpu.memory_space<vmem_shared>> -> memref<80x64xf32, #tpu.memory_space<vmem_shared>>
      tpu.wait_dma2 semaphore(%run_scoped3A : memref<!tpu.dma_semaphore, #tpu.memory_space<semaphore_mem>>) src(%dma_wait3A_1230 : memref<80x64xf32, #tpu.memory_space<vmem_shared>>) dst(%arg12 : memref<80x64xf32, #tpu.memory_space<vmem>>)
      tpu.yield
    }) : () -> ()
    %scan3A_1159 = arith.constant 0 : i32
    %scan3A_1160 = arith.constant 0 : i32
    %scan3A_1161 = arith.constant 240 : i32
    %scan3A_1162 = arith.addi %scan3A_1160, %scan3A_1161 : i32
    %scan3A_1163 = arith.constant 1 : i32
    scf.for %scan3A_1223 = %scan3A_1160 to %scan3A_1162 step %scan3A_1163  : i32 {
      %jit3A = arith.constant 3 : i32
      %div3A = arith.divsi %scan3A_1223, %jit3A : i32
      %sign3A = arith.constant 0 : i32
      %sign3A_1224 = arith.cmpi sgt, %scan3A_1223, %sign3A : i32
      %sign3A_1225 = arith.extui %sign3A_1224 : i1 to i32
      %sign3A_1226 = arith.constant 0 : i32
      %sign3A_1227 = arith.cmpi slt, %scan3A_1223, %sign3A_1226 : i32
      %sign3A_1228 = arith.extui %sign3A_1227 : i1 to i32
      %sign3A_1229 = arith.subi %sign3A_1225, %sign3A_1228 : i32
      %sign3A_1230 = arith.constant 0 : i32
      %sign3A_1231 = arith.cmpi sgt, %jit3A, %sign3A_1230 : i32
      %sign3A_1232 = arith.extui %sign3A_1231 : i1 to i32
      %sign3A_1233 = arith.constant 0 : i32
      %sign3A_1234 = arith.cmpi slt, %jit3A, %sign3A_1233 : i32
      %sign3A_1235 = arith.extui %sign3A_1234 : i1 to i32
      %sign3A_1236 = arith.subi %sign3A_1232, %sign3A_1235 : i32
      %ne3A = arith.cmpi ne, %sign3A_1229, %sign3A_1236 : i32
      %rem3A = arith.remsi %scan3A_1223, %jit3A : i32
      %ne3A_1237 = arith.constant 0 : i32
      %ne3A_1238 = arith.cmpi ne, %rem3A, %ne3A_1237 : i32
      %and3A_1239 = arith.andi %ne3A, %ne3A_1238 : i1
      %sub3A = arith.constant 1 : i32
      %sub3A_1240 = arith.subi %div3A, %sub3A : i32
      %select_n3A = arith.select %and3A_1239, %sub3A_1240, %div3A : i32
      %rem3A_1241 = arith.constant 3 : i32
      %rem3A_1242 = arith.remsi %scan3A_1223, %rem3A_1241 : i32
      %mul3A_1243 = arith.constant 16 : i32
      %mul3A_1244 = arith.muli %rem3A_1242, %mul3A_1243 : i32
      %get3A_1245 = arith.index_cast %select_n3A : i32 to index
      %get3A_1246 = arith.index_cast %mul3A_1244 : i32 to index
      %get3A_1247 = tpu.vector_load %arg12[%get3A_1245, %get3A_1246] {strides = array<i32>} : memref<80x64xf32, #tpu.memory_space<vmem>>, vector<1x16xf32>,
      %get3A_1248 = vector.shape_cast %get3A_1247 : vector<1x16xf32> to vector<16xf32>
      %swap3A_1249 = arith.index_cast %select_n3A : i32 to index
      %swap3A_1250 = arith.index_cast %mul3A_1244 : i32 to index
      %swap3A_1251 = tpu.vector_load %arg13[%swap3A_1249, %swap3A_1250] {strides = array<i32>} : memref<80x48xf32, #tpu.memory_space<vmem>>, vector<1x16xf32>,
      %swap3A_1252 = vector.shape_cast %swap3A_1251 : vector<1x16xf32> to vector<16xf32>
      %swap3A_1253 = vector.shape_cast %get3A_1248 : vector<16xf32> to vector<1x16xf32>
      tpu.vector_store %arg13[%swap3A_1249, %swap3A_1250], %swap3A_1253 {strides = array<i32>} : memref<80x48xf32, #tpu.memory_space<vmem>>, vector<1x16xf32>,
    }
    %scan3A_1164 = arith.constant 240 : i32
    %mul3A_1165 = arith.constant 10240 : i32
    %mul3A_1166 = arith.muli %arg0, %mul3A_1165 : i32
    %mul3A_1167 = arith.constant 640 : i32
    %mul3A_1168 = arith.muli %mul3A_1167, %arg1 : i32
    %add3A_1169 = arith.addi %mul3A_1166, %mul3A_1168 : i32
    %add3A_1170 = arith.constant 320 : i32
    %add3A_1171 = arith.addi %add3A_1169, %add3A_1170 : i32
    "tpu.region"() ({
      %run_scoped3A = tpu.sem_alloc : memref<!tpu.dma_semaphore, #tpu.memory_space<semaphore_mem>>
      %dma_start3A_1223 = arith.constant 0 : i32
      %dma_start3A_1224 = tpu.memref_slice %arg5[%add3A_1171, %dma_start3A_1223] : memref<20480x48xf32, #tpu.memory_space<hbm>> -> memref<80x48xf32, #tpu.memory_space<hbm>>
      %dma_start3A_1225 = arith.constant 0 : i32
      %dma_start3A_1226 = tpu.memref_slice %arg5[%add3A_1171, %dma_start3A_1225] : memref<20480x48xf32, #tpu.memory_space<hbm>> -> memref<80x48xf32, #tpu.memory_space<hbm>>
      tpu.enqueue_dma source(%arg13 : memref<80x48xf32, #tpu.memory_space<vmem>>) target(%dma_start3A_1226 : memref<80x48xf32, #tpu.memory_space<hbm>>) target_semaphore(%run_scoped3A : memref<!tpu.dma_semaphore, #tpu.memory_space<semaphore_mem>>)
      %dma_wait3A_1227 = arith.constant 0 : i32
      %dma_wait3A_1228 = tpu.memref_slice %arg5[%add3A_1171, %dma_wait3A_1227] : memref<20480x48xf32, #tpu.memory_space<hbm>> -> memref<80x48xf32, #tpu.memory_space<hbm>>
      %dma_wait3A_1229 = arith.constant 0 : i32
      %dma_wait3A_1230 = tpu.memref_slice %arg5[%add3A_1171, %dma_wait3A_1229] : memref<20480x48xf32, #tpu.memory_space<hbm>> -> memref<80x48xf32, #tpu.memory_space<hbm>>
      tpu.wait_dma2 semaphore(%run_scoped3A : memref<!tpu.dma_semaphore, #tpu.memory_space<semaphore_mem>>) src(%arg13 : memref<80x48xf32, #tpu.memory_space<vmem>>) dst(%dma_wait3A_1230 : memref<80x48xf32, #tpu.memory_space<hbm>>)
      tpu.yield
    }) : () -> ()
    %mul3A_1172 = arith.constant 640 : i32
    %mul3A_1173 = arith.muli %mul3A_1172, %arg1 : i32
    %add3A_1174 = arith.constant 400 : i32
    %add3A_1175 = arith.addi %mul3A_1173, %add3A_1174 : i32
    "tpu.region"() ({
      %run_scoped3A = tpu.sem_alloc : memref<!tpu.dma_semaphore, #tpu.memory_space<semaphore_mem>>
      %dma_start3A_1223 = arith.constant 0 : i32
      %dma_start3A_1224 = tpu.memref_slice %arg14[%add3A_1175, %dma_start3A_1223] : memref<10240x64xf32, #tpu.memory_space<vmem_shared>> -> memref<80x64xf32, #tpu.memory_space<vmem_shared>>
      %dma_start3A_1225 = arith.constant 0 : i32
      %dma_start3A_1226 = tpu.memref_slice %arg14[%add3A_1175, %dma_start3A_1225] : memref<10240x64xf32, #tpu.memory_space<vmem_shared>> -> memref<80x64xf32, #tpu.memory_space<vmem_shared>>
      tpu.enqueue_dma source(%dma_start3A_1226 : memref<80x64xf32, #tpu.memory_space<vmem_shared>>) target(%arg12 : memref<80x64xf32, #tpu.memory_space<vmem>>) target_semaphore(%run_scoped3A : memref<!tpu.dma_semaphore, #tpu.memory_space<semaphore_mem>>)
      %dma_wait3A_1227 = arith.constant 0 : i32
      %dma_wait3A_1228 = tpu.memref_slice %arg14[%add3A_1175, %dma_wait3A_1227] : memref<10240x64xf32, #tpu.memory_space<vmem_shared>> -> memref<80x64xf32, #tpu.memory_space<vmem_shared>>
      %dma_wait3A_1229 = arith.constant 0 : i32
      %dma_wait3A_1230 = tpu.memref_slice %arg14[%add3A_1175, %dma_wait3A_1229] : memref<10240x64xf32, #tpu.memory_space<vmem_shared>> -> memref<80x64xf32, #tpu.memory_space<vmem_shared>>
      tpu.wait_dma2 semaphore(%run_scoped3A : memref<!tpu.dma_semaphore, #tpu.memory_space<semaphore_mem>>) src(%dma_wait3A_1230 : memref<80x64xf32, #tpu.memory_space<vmem_shared>>) dst(%arg12 : memref<80x64xf32, #tpu.memory_space<vmem>>)
      tpu.yield
    }) : () -> ()
    %scan3A_1176 = arith.constant 0 : i32
    %scan3A_1177 = arith.constant 0 : i32
    %scan3A_1178 = arith.constant 240 : i32
    %scan3A_1179 = arith.addi %scan3A_1177, %scan3A_1178 : i32
    %scan3A_1180 = arith.constant 1 : i32
    scf.for %scan3A_1223 = %scan3A_1177 to %scan3A_1179 step %scan3A_1180  : i32 {
      %jit3A = arith.constant 3 : i32
      %div3A = arith.divsi %scan3A_1223, %jit3A : i32
      %sign3A = arith.constant 0 : i32
      %sign3A_1224 = arith.cmpi sgt, %scan3A_1223, %sign3A : i32
      %sign3A_1225 = arith.extui %sign3A_1224 : i1 to i32
      %sign3A_1226 = arith.constant 0 : i32
      %sign3A_1227 = arith.cmpi slt, %scan3A_1223, %sign3A_1226 : i32
      %sign3A_1228 = arith.extui %sign3A_1227 : i1 to i32
      %sign3A_1229 = arith.subi %sign3A_1225, %sign3A_1228 : i32
      %sign3A_1230 = arith.constant 0 : i32
      %sign3A_1231 = arith.cmpi sgt, %jit3A, %sign3A_1230 : i32
      %sign3A_1232 = arith.extui %sign3A_1231 : i1 to i32
      %sign3A_1233 = arith.constant 0 : i32
      %sign3A_1234 = arith.cmpi slt, %jit3A, %sign3A_1233 : i32
      %sign3A_1235 = arith.extui %sign3A_1234 : i1 to i32
      %sign3A_1236 = arith.subi %sign3A_1232, %sign3A_1235 : i32
      %ne3A = arith.cmpi ne, %sign3A_1229, %sign3A_1236 : i32
      %rem3A = arith.remsi %scan3A_1223, %jit3A : i32
      %ne3A_1237 = arith.constant 0 : i32
      %ne3A_1238 = arith.cmpi ne, %rem3A, %ne3A_1237 : i32
      %and3A_1239 = arith.andi %ne3A, %ne3A_1238 : i1
      %sub3A = arith.constant 1 : i32
      %sub3A_1240 = arith.subi %div3A, %sub3A : i32
      %select_n3A = arith.select %and3A_1239, %sub3A_1240, %div3A : i32
      %rem3A_1241 = arith.constant 3 : i32
      %rem3A_1242 = arith.remsi %scan3A_1223, %rem3A_1241 : i32
      %mul3A_1243 = arith.constant 16 : i32
      %mul3A_1244 = arith.muli %rem3A_1242, %mul3A_1243 : i32
      %get3A_1245 = arith.index_cast %select_n3A : i32 to index
      %get3A_1246 = arith.index_cast %mul3A_1244 : i32 to index
      %get3A_1247 = tpu.vector_load %arg12[%get3A_1245, %get3A_1246] {strides = array<i32>} : memref<80x64xf32, #tpu.memory_space<vmem>>, vector<1x16xf32>,
      %get3A_1248 = vector.shape_cast %get3A_1247 : vector<1x16xf32> to vector<16xf32>
      %swap3A_1249 = arith.index_cast %select_n3A : i32 to index
      %swap3A_1250 = arith.index_cast %mul3A_1244 : i32 to index
      %swap3A_1251 = tpu.vector_load %arg13[%swap3A_1249, %swap3A_1250] {strides = array<i32>} : memref<80x48xf32, #tpu.memory_space<vmem>>, vector<1x16xf32>,
      %swap3A_1252 = vector.shape_cast %swap3A_1251 : vector<1x16xf32> to vector<16xf32>
      %swap3A_1253 = vector.shape_cast %get3A_1248 : vector<16xf32> to vector<1x16xf32>
      tpu.vector_store %arg13[%swap3A_1249, %swap3A_1250], %swap3A_1253 {strides = array<i32>} : memref<80x48xf32, #tpu.memory_space<vmem>>, vector<1x16xf32>,
    }
    %scan3A_1181 = arith.constant 240 : i32
    %mul3A_1182 = arith.constant 10240 : i32
    %mul3A_1183 = arith.muli %arg0, %mul3A_1182 : i32
    %mul3A_1184 = arith.constant 640 : i32
    %mul3A_1185 = arith.muli %mul3A_1184, %arg1 : i32
    %add3A_1186 = arith.addi %mul3A_1183, %mul3A_1185 : i32
    %add3A_1187 = arith.constant 400 : i32
    %add3A_1188 = arith.addi %add3A_1186, %add3A_1187 : i32
    "tpu.region"() ({
      %run_scoped3A = tpu.sem_alloc : memref<!tpu.dma_semaphore, #tpu.memory_space<semaphore_mem>>
      %dma_start3A_1223 = arith.constant 0 : i32
      %dma_start3A_1224 = tpu.memref_slice %arg5[%add3A_1188, %dma_start3A_1223] : memref<20480x48xf32, #tpu.memory_space<hbm>> -> memref<80x48xf32, #tpu.memory_space<hbm>>
      %dma_start3A_1225 = arith.constant 0 : i32
      %dma_start3A_1226 = tpu.memref_slice %arg5[%add3A_1188, %dma_start3A_1225] : memref<20480x48xf32, #tpu.memory_space<hbm>> -> memref<80x48xf32, #tpu.memory_space<hbm>>
      tpu.enqueue_dma source(%arg13 : memref<80x48xf32, #tpu.memory_space<vmem>>) target(%dma_start3A_1226 : memref<80x48xf32, #tpu.memory_space<hbm>>) target_semaphore(%run_scoped3A : memref<!tpu.dma_semaphore, #tpu.memory_space<semaphore_mem>>)
      %dma_wait3A_1227 = arith.constant 0 : i32
      %dma_wait3A_1228 = tpu.memref_slice %arg5[%add3A_1188, %dma_wait3A_1227] : memref<20480x48xf32, #tpu.memory_space<hbm>> -> memref<80x48xf32, #tpu.memory_space<hbm>>
      %dma_wait3A_1229 = arith.constant 0 : i32
      %dma_wait3A_1230 = tpu.memref_slice %arg5[%add3A_1188, %dma_wait3A_1229] : memref<20480x48xf32, #tpu.memory_space<hbm>> -> memref<80x48xf32, #tpu.memory_space<hbm>>
      tpu.wait_dma2 semaphore(%run_scoped3A : memref<!tpu.dma_semaphore, #tpu.memory_space<semaphore_mem>>) src(%arg13 : memref<80x48xf32, #tpu.memory_space<vmem>>) dst(%dma_wait3A_1230 : memref<80x48xf32, #tpu.memory_space<hbm>>)
      tpu.yield
    }) : () -> ()
    %mul3A_1189 = arith.constant 640 : i32
    %mul3A_1190 = arith.muli %mul3A_1189, %arg1 : i32
    %add3A_1191 = arith.constant 480 : i32
    %add3A_1192 = arith.addi %mul3A_1190, %add3A_1191 : i32
    "tpu.region"() ({
      %run_scoped3A = tpu.sem_alloc : memref<!tpu.dma_semaphore, #tpu.memory_space<semaphore_mem>>
      %dma_start3A_1223 = arith.constant 0 : i32
      %dma_start3A_1224 = tpu.memref_slice %arg14[%add3A_1192, %dma_start3A_1223] : memref<10240x64xf32, #tpu.memory_space<vmem_shared>> -> memref<80x64xf32, #tpu.memory_space<vmem_shared>>
      %dma_start3A_1225 = arith.constant 0 : i32
      %dma_start3A_1226 = tpu.memref_slice %arg14[%add3A_1192, %dma_start3A_1225] : memref<10240x64xf32, #tpu.memory_space<vmem_shared>> -> memref<80x64xf32, #tpu.memory_space<vmem_shared>>
      tpu.enqueue_dma source(%dma_start3A_1226 : memref<80x64xf32, #tpu.memory_space<vmem_shared>>) target(%arg12 : memref<80x64xf32, #tpu.memory_space<vmem>>) target_semaphore(%run_scoped3A : memref<!tpu.dma_semaphore, #tpu.memory_space<semaphore_mem>>)
      %dma_wait3A_1227 = arith.constant 0 : i32
      %dma_wait3A_1228 = tpu.memref_slice %arg14[%add3A_1192, %dma_wait3A_1227] : memref<10240x64xf32, #tpu.memory_space<vmem_shared>> -> memref<80x64xf32, #tpu.memory_space<vmem_shared>>
      %dma_wait3A_1229 = arith.constant 0 : i32
      %dma_wait3A_1230 = tpu.memref_slice %arg14[%add3A_1192, %dma_wait3A_1229] : memref<10240x64xf32, #tpu.memory_space<vmem_shared>> -> memref<80x64xf32, #tpu.memory_space<vmem_shared>>
      tpu.wait_dma2 semaphore(%run_scoped3A : memref<!tpu.dma_semaphore, #tpu.memory_space<semaphore_mem>>) src(%dma_wait3A_1230 : memref<80x64xf32, #tpu.memory_space<vmem_shared>>) dst(%arg12 : memref<80x64xf32, #tpu.memory_space<vmem>>)
      tpu.yield
    }) : () -> ()
    %scan3A_1193 = arith.constant 0 : i32
    %scan3A_1194 = arith.constant 0 : i32
    %scan3A_1195 = arith.constant 240 : i32
    %scan3A_1196 = arith.addi %scan3A_1194, %scan3A_1195 : i32
    %scan3A_1197 = arith.constant 1 : i32
    scf.for %scan3A_1223 = %scan3A_1194 to %scan3A_1196 step %scan3A_1197  : i32 {
      %jit3A = arith.constant 3 : i32
      %div3A = arith.divsi %scan3A_1223, %jit3A : i32
      %sign3A = arith.constant 0 : i32
      %sign3A_1224 = arith.cmpi sgt, %scan3A_1223, %sign3A : i32
      %sign3A_1225 = arith.extui %sign3A_1224 : i1 to i32
      %sign3A_1226 = arith.constant 0 : i32
      %sign3A_1227 = arith.cmpi slt, %scan3A_1223, %sign3A_1226 : i32
      %sign3A_1228 = arith.extui %sign3A_1227 : i1 to i32
      %sign3A_1229 = arith.subi %sign3A_1225, %sign3A_1228 : i32
      %sign3A_1230 = arith.constant 0 : i32
      %sign3A_1231 = arith.cmpi sgt, %jit3A, %sign3A_1230 : i32
      %sign3A_1232 = arith.extui %sign3A_1231 : i1 to i32
      %sign3A_1233 = arith.constant 0 : i32
      %sign3A_1234 = arith.cmpi slt, %jit3A, %sign3A_1233 : i32
      %sign3A_1235 = arith.extui %sign3A_1234 : i1 to i32
      %sign3A_1236 = arith.subi %sign3A_1232, %sign3A_1235 : i32
      %ne3A = arith.cmpi ne, %sign3A_1229, %sign3A_1236 : i32
      %rem3A = arith.remsi %scan3A_1223, %jit3A : i32
      %ne3A_1237 = arith.constant 0 : i32
      %ne3A_1238 = arith.cmpi ne, %rem3A, %ne3A_1237 : i32
      %and3A_1239 = arith.andi %ne3A, %ne3A_1238 : i1
      %sub3A = arith.constant 1 : i32
      %sub3A_1240 = arith.subi %div3A, %sub3A : i32
      %select_n3A = arith.select %and3A_1239, %sub3A_1240, %div3A : i32
      %rem3A_1241 = arith.constant 3 : i32
      %rem3A_1242 = arith.remsi %scan3A_1223, %rem3A_1241 : i32
      %mul3A_1243 = arith.constant 16 : i32
      %mul3A_1244 = arith.muli %rem3A_1242, %mul3A_1243 : i32
      %get3A_1245 = arith.index_cast %select_n3A : i32 to index
      %get3A_1246 = arith.index_cast %mul3A_1244 : i32 to index
      %get3A_1247 = tpu.vector_load %arg12[%get3A_1245, %get3A_1246] {strides = array<i32>} : memref<80x64xf32, #tpu.memory_space<vmem>>, vector<1x16xf32>,
      %get3A_1248 = vector.shape_cast %get3A_1247 : vector<1x16xf32> to vector<16xf32>
      %swap3A_1249 = arith.index_cast %select_n3A : i32 to index
      %swap3A_1250 = arith.index_cast %mul3A_1244 : i32 to index
      %swap3A_1251 = tpu.vector_load %arg13[%swap3A_1249, %swap3A_1250] {strides = array<i32>} : memref<80x48xf32, #tpu.memory_space<vmem>>, vector<1x16xf32>,
      %swap3A_1252 = vector.shape_cast %swap3A_1251 : vector<1x16xf32> to vector<16xf32>
      %swap3A_1253 = vector.shape_cast %get3A_1248 : vector<16xf32> to vector<1x16xf32>
      tpu.vector_store %arg13[%swap3A_1249, %swap3A_1250], %swap3A_1253 {strides = array<i32>} : memref<80x48xf32, #tpu.memory_space<vmem>>, vector<1x16xf32>,
    }
    %scan3A_1198 = arith.constant 240 : i32
    %mul3A_1199 = arith.constant 10240 : i32
    %mul3A_1200 = arith.muli %arg0, %mul3A_1199 : i32
    %mul3A_1201 = arith.constant 640 : i32
    %mul3A_1202 = arith.muli %mul3A_1201, %arg1 : i32
    %add3A_1203 = arith.addi %mul3A_1200, %mul3A_1202 : i32
    %add3A_1204 = arith.constant 480 : i32
    %add3A_1205 = arith.addi %add3A_1203, %add3A_1204 : i32
    "tpu.region"() ({
      %run_scoped3A = tpu.sem_alloc : memref<!tpu.dma_semaphore, #tpu.memory_space<semaphore_mem>>
      %dma_start3A_1223 = arith.constant 0 : i32
      %dma_start3A_1224 = tpu.memref_slice %arg5[%add3A_1205, %dma_start3A_1223] : memref<20480x48xf32, #tpu.memory_space<hbm>> -> memref<80x48xf32, #tpu.memory_space<hbm>>
      %dma_start3A_1225 = arith.constant 0 : i32
      %dma_start3A_1226 = tpu.memref_slice %arg5[%add3A_1205, %dma_start3A_1225] : memref<20480x48xf32, #tpu.memory_space<hbm>> -> memref<80x48xf32, #tpu.memory_space<hbm>>
      tpu.enqueue_dma source(%arg13 : memref<80x48xf32, #tpu.memory_space<vmem>>) target(%dma_start3A_1226 : memref<80x48xf32, #tpu.memory_space<hbm>>) target_semaphore(%run_scoped3A : memref<!tpu.dma_semaphore, #tpu.memory_space<semaphore_mem>>)
      %dma_wait3A_1227 = arith.constant 0 : i32
      %dma_wait3A_1228 = tpu.memref_slice %arg5[%add3A_1205, %dma_wait3A_1227] : memref<20480x48xf32, #tpu.memory_space<hbm>> -> memref<80x48xf32, #tpu.memory_space<hbm>>
      %dma_wait3A_1229 = arith.constant 0 : i32
      %dma_wait3A_1230 = tpu.memref_slice %arg5[%add3A_1205, %dma_wait3A_1229] : memref<20480x48xf32, #tpu.memory_space<hbm>> -> memref<80x48xf32, #tpu.memory_space<hbm>>
      tpu.wait_dma2 semaphore(%run_scoped3A : memref<!tpu.dma_semaphore, #tpu.memory_space<semaphore_mem>>) src(%arg13 : memref<80x48xf32, #tpu.memory_space<vmem>>) dst(%dma_wait3A_1230 : memref<80x48xf32, #tpu.memory_space<hbm>>)
      tpu.yield
    }) : () -> ()
    %mul3A_1206 = arith.constant 640 : i32
    %mul3A_1207 = arith.muli %mul3A_1206, %arg1 : i32
    %add3A_1208 = arith.constant 560 : i32
    %add3A_1209 = arith.addi %mul3A_1207, %add3A_1208 : i32
    "tpu.region"() ({
      %run_scoped3A = tpu.sem_alloc : memref<!tpu.dma_semaphore, #tpu.memory_space<semaphore_mem>>
      %dma_start3A_1223 = arith.constant 0 : i32
      %dma_start3A_1224 = tpu.memref_slice %arg14[%add3A_1209, %dma_start3A_1223] : memref<10240x64xf32, #tpu.memory_space<vmem_shared>> -> memref<80x64xf32, #tpu.memory_space<vmem_shared>>
      %dma_start3A_1225 = arith.constant 0 : i32
      %dma_start3A_1226 = tpu.memref_slice %arg14[%add3A_1209, %dma_start3A_1225] : memref<10240x64xf32, #tpu.memory_space<vmem_shared>> -> memref<80x64xf32, #tpu.memory_space<vmem_shared>>
      tpu.enqueue_dma source(%dma_start3A_1226 : memref<80x64xf32, #tpu.memory_space<vmem_shared>>) target(%arg12 : memref<80x64xf32, #tpu.memory_space<vmem>>) target_semaphore(%run_scoped3A : memref<!tpu.dma_semaphore, #tpu.memory_space<semaphore_mem>>)
      %dma_wait3A_1227 = arith.constant 0 : i32
      %dma_wait3A_1228 = tpu.memref_slice %arg14[%add3A_1209, %dma_wait3A_1227] : memref<10240x64xf32, #tpu.memory_space<vmem_shared>> -> memref<80x64xf32, #tpu.memory_space<vmem_shared>>
      %dma_wait3A_1229 = arith.constant 0 : i32
      %dma_wait3A_1230 = tpu.memref_slice %arg14[%add3A_1209, %dma_wait3A_1229] : memref<10240x64xf32, #tpu.memory_space<vmem_shared>> -> memref<80x64xf32, #tpu.memory_space<vmem_shared>>
      tpu.wait_dma2 semaphore(%run_scoped3A : memref<!tpu.dma_semaphore, #tpu.memory_space<semaphore_mem>>) src(%dma_wait3A_1230 : memref<80x64xf32, #tpu.memory_space<vmem_shared>>) dst(%arg12 : memref<80x64xf32, #tpu.memory_space<vmem>>)
      tpu.yield
    }) : () -> ()
    %scan3A_1210 = arith.constant 0 : i32
    %scan3A_1211 = arith.constant 0 : i32
    %scan3A_1212 = arith.constant 240 : i32
    %scan3A_1213 = arith.addi %scan3A_1211, %scan3A_1212 : i32
    %scan3A_1214 = arith.constant 1 : i32
    scf.for %scan3A_1223 = %scan3A_1211 to %scan3A_1213 step %scan3A_1214  : i32 {
      %jit3A = arith.constant 3 : i32
      %div3A = arith.divsi %scan3A_1223, %jit3A : i32
      %sign3A = arith.constant 0 : i32
      %sign3A_1224 = arith.cmpi sgt, %scan3A_1223, %sign3A : i32
      %sign3A_1225 = arith.extui %sign3A_1224 : i1 to i32
      %sign3A_1226 = arith.constant 0 : i32
      %sign3A_1227 = arith.cmpi slt, %scan3A_1223, %sign3A_1226 : i32
      %sign3A_1228 = arith.extui %sign3A_1227 : i1 to i32
      %sign3A_1229 = arith.subi %sign3A_1225, %sign3A_1228 : i32
      %sign3A_1230 = arith.constant 0 : i32
      %sign3A_1231 = arith.cmpi sgt, %jit3A, %sign3A_1230 : i32
      %sign3A_1232 = arith.extui %sign3A_1231 : i1 to i32
      %sign3A_1233 = arith.constant 0 : i32
      %sign3A_1234 = arith.cmpi slt, %jit3A, %sign3A_1233 : i32
      %sign3A_1235 = arith.extui %sign3A_1234 : i1 to i32
      %sign3A_1236 = arith.subi %sign3A_1232, %sign3A_1235 : i32
      %ne3A = arith.cmpi ne, %sign3A_1229, %sign3A_1236 : i32
      %rem3A = arith.remsi %scan3A_1223, %jit3A : i32
      %ne3A_1237 = arith.constant 0 : i32
      %ne3A_1238 = arith.cmpi ne, %rem3A, %ne3A_1237 : i32
      %and3A_1239 = arith.andi %ne3A, %ne3A_1238 : i1
      %sub3A = arith.constant 1 : i32
      %sub3A_1240 = arith.subi %div3A, %sub3A : i32
      %select_n3A = arith.select %and3A_1239, %sub3A_1240, %div3A : i32
      %rem3A_1241 = arith.constant 3 : i32
      %rem3A_1242 = arith.remsi %scan3A_1223, %rem3A_1241 : i32
      %mul3A_1243 = arith.constant 16 : i32
      %mul3A_1244 = arith.muli %rem3A_1242, %mul3A_1243 : i32
      %get3A_1245 = arith.index_cast %select_n3A : i32 to index
      %get3A_1246 = arith.index_cast %mul3A_1244 : i32 to index
      %get3A_1247 = tpu.vector_load %arg12[%get3A_1245, %get3A_1246] {strides = array<i32>} : memref<80x64xf32, #tpu.memory_space<vmem>>, vector<1x16xf32>,
      %get3A_1248 = vector.shape_cast %get3A_1247 : vector<1x16xf32> to vector<16xf32>
      %swap3A_1249 = arith.index_cast %select_n3A : i32 to index
      %swap3A_1250 = arith.index_cast %mul3A_1244 : i32 to index
      %swap3A_1251 = tpu.vector_load %arg13[%swap3A_1249, %swap3A_1250] {strides = array<i32>} : memref<80x48xf32, #tpu.memory_space<vmem>>, vector<1x16xf32>,
      %swap3A_1252 = vector.shape_cast %swap3A_1251 : vector<1x16xf32> to vector<16xf32>
      %swap3A_1253 = vector.shape_cast %get3A_1248 : vector<16xf32> to vector<1x16xf32>
      tpu.vector_store %arg13[%swap3A_1249, %swap3A_1250], %swap3A_1253 {strides = array<i32>} : memref<80x48xf32, #tpu.memory_space<vmem>>, vector<1x16xf32>,
    }
    %scan3A_1215 = arith.constant 240 : i32
    %mul3A_1216 = arith.constant 10240 : i32
    %mul3A_1217 = arith.muli %arg0, %mul3A_1216 : i32
    %mul3A_1218 = arith.constant 640 : i32
    %mul3A_1219 = arith.muli %mul3A_1218, %arg1 : i32
    %add3A_1220 = arith.addi %mul3A_1217, %mul3A_1219 : i32
    %add3A_1221 = arith.constant 560 : i32
    %add3A_1222 = arith.addi %add3A_1220, %add3A_1221 : i32
    "tpu.region"() ({
      %run_scoped3A = tpu.sem_alloc : memref<!tpu.dma_semaphore, #tpu.memory_space<semaphore_mem>>
      %dma_start3A_1223 = arith.constant 0 : i32
      %dma_start3A_1224 = tpu.memref_slice %arg5[%add3A_1222, %dma_start3A_1223] : memref<20480x48xf32, #tpu.memory_space<hbm>> -> memref<80x48xf32, #tpu.memory_space<hbm>>
      %dma_start3A_1225 = arith.constant 0 : i32
      %dma_start3A_1226 = tpu.memref_slice %arg5[%add3A_1222, %dma_start3A_1225] : memref<20480x48xf32, #tpu.memory_space<hbm>> -> memref<80x48xf32, #tpu.memory_space<hbm>>
      tpu.enqueue_dma source(%arg13 : memref<80x48xf32, #tpu.memory_space<vmem>>) target(%dma_start3A_1226 : memref<80x48xf32, #tpu.memory_space<hbm>>) target_semaphore(%run_scoped3A : memref<!tpu.dma_semaphore, #tpu.memory_space<semaphore_mem>>)
      %dma_wait3A_1227 = arith.constant 0 : i32
      %dma_wait3A_1228 = tpu.memref_slice %arg5[%add3A_1222, %dma_wait3A_1227] : memref<20480x48xf32, #tpu.memory_space<hbm>> -> memref<80x48xf32, #tpu.memory_space<hbm>>
      %dma_wait3A_1229 = arith.constant 0 : i32
      %dma_wait3A_1230 = tpu.memref_slice %arg5[%add3A_1222, %dma_wait3A_1229] : memref<20480x48xf32, #tpu.memory_space<hbm>> -> memref<80x48xf32, #tpu.memory_space<hbm>>
      tpu.wait_dma2 semaphore(%run_scoped3A : memref<!tpu.dma_semaphore, #tpu.memory_space<semaphore_mem>>) src(%arg13 : memref<80x48xf32, #tpu.memory_space<vmem>>) dst(%dma_wait3A_1230 : memref<80x48xf32, #tpu.memory_space<hbm>>)
      tpu.yield
    }) : () -> ()
    return
  }
}

module attributes {stable_mosaic.version = 14 : i64} {
  func.func @_proj_body(%arg0: i32, %arg1: memref<2000x128xf32, #tpu.memory_space<vmem>>, %arg2: memref<128x128xf32, #tpu.memory_space<vmem>>, %arg3: memref<1x128xf32, #tpu.memory_space<vmem>>, %arg4: memref<2000x128xf32, #tpu.memory_space<vmem>>) attributes {dimension_semantics = [#tpu.dimension_semantics<arbitrary>], iteration_bounds = array<i64: 50>, scalar_prefetch = 0 : i64, scratch_operands = 0 : i64, tpu.core_type = #tpu.core_type<tc>, window_params = [{transform_indices = @transform_0, window_bounds = array<i64: 2000, 128>}, {pipeline_mode = #tpu.pipeline_mode<synchronous>, transform_indices = @transform_1, window_bounds = array<i64: 128, 128>}, {pipeline_mode = #tpu.pipeline_mode<synchronous>, transform_indices = @transform_2, window_bounds = array<i64: 1, 128>}, {transform_indices = @transform_3, window_bounds = array<i64: 2000, 128>}]} {
    %get3A = arith.constant 0 : index
    %get3A_0 = arith.constant 0 : index
    %get3A_1 = vector.load %arg1[%get3A, %get3A_0] : memref<2000x128xf32, #tpu.memory_space<vmem>>, vector<2000x128xf32>
    %get3A_2 = arith.constant 0 : index
    %get3A_3 = arith.constant 0 : index
    %get3A_4 = vector.load %arg2[%get3A_2, %get3A_3] : memref<128x128xf32, #tpu.memory_space<vmem>>, vector<128x128xf32>
    %dot_general3A = arith.constant dense<0.000000e+00> : vector<2000x128xf32>
    %dot_general3A_5 = tpu.matmul %get3A_1, %get3A_4, %dot_general3A {dimension_numbers = #tpu.dot_dimension_numbers<[1], [0], [0], [1], [0, 0, 1, 1], [], []>, transpose_lhs_hint = false} : vector<2000x128xf32>, vector<128x128xf32>, vector<2000x128xf32> -> vector<2000x128xf32>
    %get3A_6 = arith.constant 0 : index
    %get3A_7 = arith.constant 0 : index
    %get3A_8 = vector.load %arg3[%get3A_6, %get3A_7] : memref<1x128xf32, #tpu.memory_space<vmem>>, vector<1x128xf32>
    %add3A = vector.broadcast %get3A_8 : vector<1x128xf32> to vector<2000x128xf32>
    %add3A_9 = arith.addf %dot_general3A_5, %add3A : vector<2000x128xf32>
    %swap3A = arith.constant 0 : index
    %swap3A_10 = arith.constant 0 : index
    %swap3A_11 = vector.load %arg4[%swap3A, %swap3A_10] : memref<2000x128xf32, #tpu.memory_space<vmem>>, vector<2000x128xf32>
    tpu.vector_store %arg4[%swap3A, %swap3A_10], %add3A_9 {strides = array<i32>} : memref<2000x128xf32, #tpu.memory_space<vmem>>, vector<2000x128xf32>,
    return
  }
  func.func @transform_0(%arg0: i32) -> (i32, i32) {
    %c0_i32 = arith.constant 0 : i32
    %c0_i32_0 = arith.constant 0 : i32
    return %arg0, %c0_i32 : i32, i32
  }
  func.func @transform_1(%arg0: i32) -> (i32, i32) {
    %c0_i32 = arith.constant 0 : i32
    %c0_i32_0 = arith.constant 0 : i32
    %c0_i32_1 = arith.constant 0 : i32
    return %c0_i32, %c0_i32_0 : i32, i32
  }
  func.func @transform_2(%arg0: i32) -> (i32, i32) {
    %c0_i32 = arith.constant 0 : i32
    %c0_i32_0 = arith.constant 0 : i32
    %c0_i32_1 = arith.constant 0 : i32
    return %c0_i32, %c0_i32_0 : i32, i32
  }
  func.func @transform_3(%arg0: i32) -> (i32, i32) {
    %c0_i32 = arith.constant 0 : i32
    %c0_i32_0 = arith.constant 0 : i32
    return %arg0, %c0_i32 : i32, i32
  }
}

module attributes {stable_mosaic.version = 14 : i64} {
  func.func @_fin_body(%arg0: i32, %arg1: memref<2x1024x48xf32, #tpu.memory_space<vmem>>, %arg2: memref<32x41xf32, #tpu.memory_space<vmem>>, %arg3: memref<1x41xf32, #tpu.memory_space<vmem>>, %arg4: memref<1024x41xf32, #tpu.memory_space<vmem>>) attributes {dimension_semantics = [#tpu.dimension_semantics<arbitrary>], iteration_bounds = array<i64: 1>, scalar_prefetch = 0 : i64, scratch_operands = 0 : i64, tpu.core_type = #tpu.core_type<tc>, window_params = [{pipeline_mode = #tpu.pipeline_mode<synchronous>, transform_indices = @transform_0, window_bounds = array<i64: 2, 1024, 48>}, {pipeline_mode = #tpu.pipeline_mode<synchronous>, transform_indices = @transform_1, window_bounds = array<i64: 32, 41>}, {pipeline_mode = #tpu.pipeline_mode<synchronous>, transform_indices = @transform_2, window_bounds = array<i64: 1, 41>}, {pipeline_mode = #tpu.pipeline_mode<synchronous>, transform_indices = @transform_3, window_bounds = array<i64: 1024, 41>}]} {
    %get3A = arith.constant 0 : index
    %get3A_0 = arith.constant 0 : index
    %get3A_1 = arith.constant 0 : index
    %get3A_2 = vector.load %arg1[%get3A, %get3A_0, %get3A_1] : memref<2x1024x48xf32, #tpu.memory_space<vmem>>, vector<1x1024x48xf32>
    %get3A_3 = vector.shape_cast %get3A_2 : vector<1x1024x48xf32> to vector<1024x48xf32>
    %get3A_4 = arith.constant 1 : index
    %get3A_5 = arith.constant 0 : index
    %get3A_6 = arith.constant 0 : index
    %get3A_7 = vector.load %arg1[%get3A_4, %get3A_5, %get3A_6] : memref<2x1024x48xf32, #tpu.memory_space<vmem>>, vector<1x1024x48xf32>
    %get3A_8 = vector.shape_cast %get3A_7 : vector<1x1024x48xf32> to vector<1024x48xf32>
    %add3A = arith.addf %get3A_3, %get3A_8 : vector<1024x48xf32>
    %slice3A = vector.extract_strided_slice %add3A {offsets = [0, 47], sizes = [1024, 1], strides = [1, 1]} : vector<1024x48xf32> to vector<1024x1xf32>
    %max3A = arith.constant 1.000000e+00 : f32
    %max3A_9 = vector.broadcast %max3A : f32 to vector<1024x1xf32>
    %max3A_10 = arith.maximumf %slice3A, %max3A_9 : vector<1024x1xf32>
    %slice3A_11 = vector.extract_strided_slice %add3A {offsets = [0, 0], sizes = [1024, 32], strides = [1, 1]} : vector<1024x48xf32> to vector<1024x32xf32>
    %div3A = vector.broadcast %max3A_10 : vector<1024x1xf32> to vector<1024x32xf32>
    %div3A_12 = arith.divf %slice3A_11, %div3A : vector<1024x32xf32>
    %get3A_13 = arith.constant 0 : index
    %get3A_14 = arith.constant 0 : index
    %get3A_15 = vector.load %arg2[%get3A_13, %get3A_14] : memref<32x41xf32, #tpu.memory_space<vmem>>, vector<32x41xf32>
    %dot_general3A = arith.constant dense<0.000000e+00> : vector<1024x41xf32>
    %dot_general3A_16 = tpu.matmul %div3A_12, %get3A_15, %dot_general3A {dimension_numbers = #tpu.dot_dimension_numbers<[1], [0], [0], [1], [0, 0, 1, 1], [], []>, transpose_lhs_hint = false} : vector<1024x32xf32>, vector<32x41xf32>, vector<1024x41xf32> -> vector<1024x41xf32>
    %get3A_17 = arith.constant 0 : index
    %get3A_18 = arith.constant 0 : index
    %get3A_19 = vector.load %arg3[%get3A_17, %get3A_18] : memref<1x41xf32, #tpu.memory_space<vmem>>, vector<1x41xf32>
    %add3A_20 = vector.broadcast %get3A_19 : vector<1x41xf32> to vector<1024x41xf32>
    %add3A_21 = arith.addf %dot_general3A_16, %add3A_20 : vector<1024x41xf32>
    %reduce_max3A = arith.constant dense<0xFF800000> : vector<1024xf32>
    %reduce_max3A_22 = vector.multi_reduction <maximumf>, %add3A_21, %reduce_max3A [1] : vector<1024x41xf32> to vector<1024xf32>
    %broadcast_in_dim3A = vector.shape_cast %reduce_max3A_22 : vector<1024xf32> to vector<1024x1xf32>
    %sub3A = vector.broadcast %broadcast_in_dim3A : vector<1024x1xf32> to vector<1024x41xf32>
    %sub3A_23 = arith.subf %add3A_21, %sub3A : vector<1024x41xf32>
    %exp3A = math.exp %sub3A_23 : vector<1024x41xf32>
    %reduce_sum3A = arith.constant dense<0.000000e+00> : vector<1024xf32>
    %reduce_sum3A_24 = vector.multi_reduction <add>, %exp3A, %reduce_sum3A [1] : vector<1024x41xf32> to vector<1024xf32>
    %broadcast_in_dim3A_25 = vector.shape_cast %reduce_sum3A_24 : vector<1024xf32> to vector<1024x1xf32>
    %log3A = math.log %broadcast_in_dim3A_25 : vector<1024x1xf32>
    %add3A_26 = arith.addf %log3A, %broadcast_in_dim3A : vector<1024x1xf32>
    %sub3A_27 = vector.broadcast %add3A_26 : vector<1024x1xf32> to vector<1024x41xf32>
    %sub3A_28 = arith.subf %add3A_21, %sub3A_27 : vector<1024x41xf32>
    %swap3A = arith.constant 0 : index
    %swap3A_29 = arith.constant 0 : index
    %swap3A_30 = vector.load %arg4[%swap3A, %swap3A_29] : memref<1024x41xf32, #tpu.memory_space<vmem>>, vector<1024x41xf32>
    tpu.vector_store %arg4[%swap3A, %swap3A_29], %sub3A_28 {strides = array<i32>} : memref<1024x41xf32, #tpu.memory_space<vmem>>, vector<1024x41xf32>,
    return
  }
  func.func @transform_0(%arg0: i32) -> (i32, i32, i32) {
    %c0_i32 = arith.constant 0 : i32
    %c0_i32_0 = arith.constant 0 : i32
    %c0_i32_1 = arith.constant 0 : i32
    %c0_i32_2 = arith.constant 0 : i32
    return %c0_i32, %c0_i32_0, %c0_i32_1 : i32, i32, i32
  }
  func.func @transform_1(%arg0: i32) -> (i32, i32) {
    %c0_i32 = arith.constant 0 : i32
    %c0_i32_0 = arith.constant 0 : i32
    %c0_i32_1 = arith.constant 0 : i32
    return %c0_i32, %c0_i32_0 : i32, i32
  }
  func.func @transform_2(%arg0: i32) -> (i32, i32) {
    %c0_i32 = arith.constant 0 : i32
    %c0_i32_0 = arith.constant 0 : i32
    %c0_i32_1 = arith.constant 0 : i32
    return %c0_i32, %c0_i32_0 : i32, i32
  }
  func.func @transform_3(%arg0: i32) -> (i32, i32) {
    %c0_i32 = arith.constant 0 : i32
    %c0_i32_0 = arith.constant 0 : i32
    %c0_i32_1 = arith.constant 0 : i32
    return %c0_i32, %c0_i32_0 : i32, i32
  }
}

</mosaic_0001>

<sc_bundles>
// kernel: kernel.6.cloned.1.call-start
scs
__scs_entry_jumppad:
0x0: {  	(pc) =	sbr.rel $0x88, $3  }
0x1: {  	(tag) =	ssettag $0x0;
	lr =	simm.s32 $0x1  }
0x2: {  	[smem:$0x3F99] =	sst lr;
	_ =	strace $0xD0000000  }
0x3: {  	_ = 	snop  }
0x4: {  	_ = 	snop  }
0x5: {  	_ = 	snop  }
0x6: {  	_ = 	snop  }
0x7: {  	_ = 	snop  }
__scs_overlays_trampoline_lowered:
0x8: {  	[smem:$0x3FA8] =	sst s0  }
0x9: {  	[smem:$0x3FA9] =	sst s1  }
0xa: {  	[smem:$0x3FAA] =	sst s2  }
0xb: {  	[smem:$0x3FAB] =	sst s3  }
0xc: {  	[smem:$0x3FAC] =	sst s4  }
0xd: {  	[smem:$0x3FAD] =	sst s5  }
0xe: {  	[smem:$0x3FAE] =	sst s6  }
0xf: {  	[smem:$0x3FAF] =	sst s7  }
0x10: {  	[smem:$0x3FB0] =	sst s8  }
0x11: {  	[smem:$0x3FB1] =	sst s9;
	s0 =	simm.s32 @!p0 $0x0  }
0x12: {  	s1 =	sld [smem:$0x3F97];
	s0 =	simm.s32 @p0 $0x1  }
0x13: {  	[smem:$0x3FB2] =	sst s0;
	s0 =	simm.s32 @!p1 $0x0  }
0x14: {  	s2 =	sld [smem:$0x3F96];
	s0 =	simm.s32 @p1 $0x1  }
0x15: {  	[smem:$0x3FB3] =	sst s0;
	s0 =	simm.s32 @!p2 $0x0  }
0x16: {  	s3 =	sld [smem:$0x3FDB];
	s0 =	simm.s32 @p2 $0x1  }
0x17: {  	s4 =	simm.s32 $0x1BF5;
	[smem:$0x3FB5] =	sst s0  }
0x18: {  	s0 =	sld [smem:$0x3F98];
	_ =	swait.ge [sflag:s4], $0x0  }
0x19: {  	s7 =	sld [smem:$0x3F99]  }
0x1a: {  	s8 =	sadd.s32 $0xFFFFE003, lr  }
0x1b: {  	s9 =	sadd.s32 $0xFFFFFEF7, lr;
	s5 =	simm.s32 $0xFFFFFFFF;
	p2 =	slt.u32 s8, $0xFFFFF086  }
0x1c: {  	p1 =	slt.u32 s9, $0xF7A;
	s5 =	simm.s32 @!p2 $0x0  }
0x1d: {  	s5 =	simm.s32 @p1 $0x1;
	p0 =	seq.s32 s7, s2  }
0x1e: {  	s7 =	smul.u32 @!p0 $0xF7A, s2;
	p2 =	seq.s32 @!p0 s5, $0x0  }
0x1f: {  	s9 =	smul.u32 $0xF7A, s1;
	s8 =	simm.s32 @!p0 $0x1BF5;
	p2 =	por !p2, p0  }
0x20: {  	[sflag:s8] =	ssyncset.s32 @!p0 $0xFFFFF086;
	s6 =	sadd.s32 @!p0 s3, s7;
	s7 =	simm.s32 @!p0 $0x108  }
0x21: {  	s3 =	sadd.s32 s3, s9;
	s6 =	sadd.s32 @!p0 $0x88, s6;
	s7 =	simm.s32 @p2 $0x1082  }
0x22: {  	[simem:s7], [sflag:s8] =	dma.local @!p0 [hbm:s6], $0xF7A  }
0x23: {  	s9 =	sor.u32 $0xD0000000, s2;
	s6 =	simm.s32 $0x108;
	_ =	swait.ge @!p0 [sflag:s8], $0x0  }
0x24: {  	s3 =	sadd.s32 $0x88, s3;
	s6 =	simm.s32 @!p1 $0x1082;
	[sflag:s4] =	ssyncset.s32 $0xFFFFF086  }
0x25: {  	[simem:s6], [sflag:s4] =	dma.local [hbm:s3], $0xF7A  }
0x26: {  	[smem:$0x3F99] =	sst s1;
	(tag) =	ssettag s2;
	_ =	strace s9  }
0x27: {  	s1 =	sld [smem:$0x3FA9]  }
0x28: {  	s2 =	sld [smem:$0x3FAA]  }
0x29: {  	s4 =	sld [smem:$0x3FAC]  }
0x2a: {  	p0 =	seq.s32 s5, $0x0;
	s5 =	sld [smem:$0x3FAD]  }
0x2b: {  	s6 =	sld [smem:$0x3FAE]  }
0x2c: {  	s7 =	sld [smem:$0x3FAF]  }
0x2d: {  	s3 =	simm.s32 $0x108;
	s8 =	sld [smem:$0x3FB0]  }
0x2e: {  	s3 =	simm.s32 @!p0 $0x1082;
	s9 =	sld [smem:$0x3FB1]  }
0x2f: {  	lr =	sadd.s32 s0, s3;
	s0 =	sld [smem:$0x3FA8]  }
0x30: {  	s3 =	sld [smem:$0x3FAB]  }
0x31: {  	[smem:$0x3FB4] =	sst s10  }
0x32: {  	s10 =	sld [smem:$0x3FB2];
	_ =	sdelay $0x3  }
0x33: {  	p0 =	seq.s32 s10, $0x1;
	s10 =	sld [smem:$0x3FB4];
	_ =	sdelay $0x3  }
0x34: {  	[smem:$0x3FB4] =	sst s10  }
0x35: {  	s10 =	sld [smem:$0x3FB3];
	_ =	sdelay $0x3  }
0x36: {  	p1 =	seq.s32 s10, $0x1;
	s10 =	sld [smem:$0x3FB4];
	_ =	sdelay $0x3  }
0x37: {  	[smem:$0x3FB4] =	sst s10  }
0x38: {  	s10 =	sld [smem:$0x3FB5]  }
0x39: {  	_ = 	snop;
	(pc) =	sbr.ind lr, $3  }
0x3a: {  	_ = 	snop  }
0x3b: {  	_ = 	snop  }
0x3c: {  	p2 =	seq.s32 s10, $0x1;
	s10 =	sld [smem:$0x3FB4]  }
0x3d: {  	_ =	shalt  }
0x3e: {  	_ =	shalt  }
0x3f: {  	_ =	shalt  }
0x40: {  	_ =	shalt  }
0x41: {  	_ =	shalt  }
0x42: {  	_ =	shalt  }
0x43: {  	_ =	shalt  }
0x44: {  	_ =	shalt  }
0x45: {  	_ =	shalt  }
0x46: {  	_ =	shalt  }
0x47: {  	_ =	shalt  }
0x48: {  	_ =	shalt  }
0x49: {  	_ =	shalt  }
0x4a: {  	_ =	shalt  }
0x4b: {  	_ =	shalt  }
0x4c: {  	_ =	shalt  }
0x4d: {  	_ =	shalt  }
0x4e: {  	_ =	shalt  }
0x4f: {  	_ =	shalt  }
0x50: {  	_ =	shalt  }
0x51: {  	_ =	shalt  }
0x52: {  	_ =	shalt  }
0x53: {  	_ =	shalt  }
0x54: {  	_ =	shalt  }
0x55: {  	_ =	shalt  }
0x56: {  	_ =	shalt  }
0x57: {  	_ =	shalt  }
0x58: {  	_ =	shalt  }
0x59: {  	_ =	shalt  }
0x5a: {  	_ =	shalt  }
0x5b: {  	_ =	shalt  }
0x5c: {  	_ =	shalt  }
0x5d: {  	_ =	shalt  }
0x5e: {  	_ =	shalt  }
0x5f: {  	_ =	shalt  }
0x60: {  	_ =	shalt  }
0x61: {  	_ =	shalt  }
0x62: {  	_ =	shalt  }
0x63: {  	_ =	shalt  }
0x64: {  	_ =	shalt  }
0x65: {  	_ =	shalt  }
0x66: {  	_ =	shalt  }
0x67: {  	_ =	shalt  }
0x68: {  	_ =	shalt  }
0x69: {  	_ =	shalt  }
0x6a: {  	_ =	shalt  }
0x6b: {  	_ =	shalt  }
0x6c: {  	_ =	shalt  }
0x6d: {  	_ =	shalt  }
0x6e: {  	_ =	shalt  }
0x6f: {  	_ =	shalt  }
0x70: {  	_ =	shalt  }
0x71: {  	_ =	shalt  }
0x72: {  	_ =	shalt  }
0x73: {  	_ =	shalt  }
0x74: {  	_ =	shalt  }
0x75: {  	_ =	shalt  }
0x76: {  	_ =	shalt  }
0x77: {  	_ =	shalt  }
0x78: {  	_ =	shalt  }
0x79: {  	_ =	shalt  }
0x7a: {  	_ =	shalt  }
0x7b: {  	_ =	shalt  }
0x7c: {  	_ =	shalt  }
0x7d: {  	_ =	shalt  }
0x7e: {  	_ =	shalt  }
0x7f: {  	_ =	shalt  }
0x80: {  	_ =	shalt  }
0x81: {  	_ =	shalt  }
0x82: {  	_ =	shalt  }
0x83: {  	_ =	shalt  }
0x84: {  	_ =	shalt  }
0x85: {  	_ =	shalt  }
0x86: {  	_ =	shalt  }
0x87: {  	_ =	shalt  }
.Lfunc_end0:
.L_simem_size_0:
called_computation_lowered:
.L_overlay_start_0:
0x88: {  	s2 =	sld [smem:$0x3FD9]  }
0x89: {  	s3 =	sld [smem:$0x3FFE];
	_ =	sdelay $0x1  }
0x8a: {  	s1 =	srdreg.scid  }
0x8b: {  	s0 =	sand.u32 $0x1, s1  }
0x8c: {  	s17 =	sshll.u32 s0, $0xA;
	s2 =	sadd.s32 s3, s2  }
0x8d: {  	s2 =	sadd.s32 s2, s17  }
0x8e: {  	[smem:$0x3FC0] =	sst s2  }
0x8f: {  	_ = 	snop  }
0x90: {  	s2 =	sld [smem:$0x3FC8];
	(tm) =	ssettm $0x1  }
0x91: {  	s18 =	sld [smem:$0x3FFB];
	_ =	sdelay $0x3  }
0x92: {  	_ =	strace s18  }
0x93: {  	s3 =	sld [smem:$0x3FFC];
	_ =	sdelay $0x3  }
0x94: {  	_ =	strace s3  }
0x95: {  	s3 =	sld [smem:$0x3FFD];
	_ =	sdelay $0x3  }
0x96: {  	_ =	strace s3  }
0x97: {  	_ =	strace $0x8FFFFFFF  }
0x98: {  	s19 =	sld [smem:$0x3FDB];
	_ =	sdelay $0x1  }
0x99: {  	s4 =	simm.s32 $_scs_section_size  }
0x9a: {  	s5 =	simm.s32 $_size__tile_overlayer_lowered;
	s6 =	simm.s32 $_tile_overlayer_lowered  }
0x9b: {  	s22 =	simm.s32 $0x1BFF;
	s21 =	sshll.u32 s6, $0x1;
	s3 =	sadd.s32 s4, s19  }
0x9c: {  	s7 =	simm.s32 $0x0;
	s20 =	sshll.u32 s5, $0x1;
	s5 =	sadd.s32 s21, s3  }
0x9d: {  	[timem:s7], [sflag:s22] =	dma.local [hbm:s5], s20  }
0x9e: {  	_ =	swait.ge [sflag:s22], s20  }
0x9f: {  	s4 =	ssub.s32 $0x0, s20;
	[sflag:s22] =	ssyncset.done $0x0  }
0xa0: {  	[sflag:s22] =	ssyncadd.s32 s4;
	_ =	sdelay $0x1  }
0xa1: {  	s23 =	simm.s32 $0x1B8B  }
0xa2: {  	_ =	swait.ge [sflag:s23], $0x1  }
0xa3: {  	[sflag:s23] =	ssyncset.done $0x0  }
0xa4: {  	s25 =	simm.s32 $0x1B8E;
	s24 =	sld [smem:$0x3FFE];
	[sflag:s23] =	ssyncadd.s32 $0xFFFFFFFF  }
0xa5: {  	s26 =	simm.s32 $execute0_lowered;
	[smem:$0x3FD2] =	sst s25  }
0xa6: {  	s5 =	sshll.u32 s26, $0x1;
	_ =	strace $0x80000046;
	[dreg:$0x1] =	wrdreg $0xFFFFFFFF  }
0xa7: {  	s28 =	simm.s32 $_size_execute0_lowered;
	s3 =	sadd.s32 s3, s5;
	[dreg:$0x0] =	wrdreg $0x0  }
0xa8: {  	s5 =	sshll.u32 s28, $0x1;
	[dreg:$0x2] =	wrdreg s3  }
0xa9: {  	[dreg:$0x3] =	wrdreg s5  }
0xaa: {  	[dreg:$0x4] =	wrdreg $0xC0  }
0xab: {  	_ =	task [dreg:s7], $0x5FFFF  }
0xac: {  	[dreg:$0x1] =	wrdreg $0xFFFFFFFF  }
0xad: {  	[dreg:$0x0] =	wrdreg $0x60  }
0xae: {  	[dreg:$0x2] =	wrdreg s24  }
0xaf: {  	[dreg:$0x3] =	wrdreg s2  }
0xb0: {  	[dreg:$0x4] =	wrdreg $0x110300  }
0xb1: {  	[dreg:$0x5] =	wrdreg $0x9  }
0xb2: {  	_ =	task.clear_ibuf [dreg:s7], $0x6FFFF;
	_ =	strace $0x90000046  }
0xb3: {  	s29 =	simm.s32 $0x9;
	_ =	strace $0x80000048  }
0xb4: {  	_ =	swait.ge [sflag:s29], $0x1  }
0xb5: {  	[sflag:s29] =	ssyncadd.s32 $0xFFFFFFFF  }
0xb6: {  	_ =	strace $0x90000048  }
0xb7: {  	_ =	sfence  }
0xb8: {  	s30 =	sld [smem:$0x0];
	_ =	sdelay $0x2  }
0xb9: {  	s31 =	sshll.u32 s1, $0xD;
	s1 =	sshrl.u32 s1, $0x2  }
0xba: {  	s3 =	sand.u32 $0x4000, s31;
	s1 =	sadd.s32 s1, s30  }
0xbb: {  	s0 =	sor.u32 s3, s0;
	s1 =	sshll.u32 s1, $0x11  }
0xbc: {  	s0 =	sor.u32 s1, s0  }
0xbd: {  	s0 =	sadd.s32 $0x8F2B, s0  }
0xbe: {  	[sflag:s0] =	ssyncadd.remote.s32 $0x1  }
0xbf: {  	_ =	sfence.sel $0xFFFF  }
0xc0: {  	[dreg:$0x0] =	wrdreg $0xFFFFFFFF;
	(pc) =	sbr.abs _section_cstart, $3  }
0xc1: {  	[dreg:$0x1] =	wrdreg $0xFFFFFFFF  }
0xc2: {  	_ =	task.clear_ibuf [dreg:s7], $0x2FFFF;
	_ =	strace $0x9FFFFFFF  }
0xc3: {  	(tm) =	ssettm $0x7FFFFFFF  }
tec
execute0_lowered:
.L_overlay_start_1:
0x0: {  	(tag) =	ssettag $0x1  }
0x1: {  	s0 =	rddreg [dreg:$0x0]  }
0x2: {  	s1 =	rddreg [dreg:$0x1]  }
0x3: {  	s2 =	rddreg [dreg:$0x2];
	s4 =	simm.s32 $0x0  }
0x4: {  	s13 =	stileid.u32;
	s3 =	srdreg.scid;
	s31 =	simm.s32 $0x10130  }
0x5: {  	[smem:$0x7FF] =	sst s4;
	s5 =	sadd.s32 $0x8E00, s0;
	s8 =	smul.u32 $0x280, s13  }
0x6: {  	s6 =	sadd.s32 $0x1000, s0;
	s0 =	sadd.s32 $0x18F800, s0;
	s7 =	smul.u32 $0x28000, s13  }
0x7: {  	s3 =	sand.u32 $0x1, s3;
	s14 =	smul.u32 $0x1F40, s13;
	_ =	strace $0x80000047  }
0x8: {  	s9 =	ssub.s32 $0x2, s3;
	s10 =	sshll.u32 s3, $0x4;
	s11 =	smul.u32 $0x2800, s3  }
0x9: {  	s3 =	smul.u32 $0x1F400, s3;
	s12 =	sshrl.u32 s9, $0x1;
	s7 =	sshrl.u32 s7, $0x2  }
0xa: {  	s10 =	sor.u32 s13, s10;
	s20 =	sadd.s32 s7, s2;
	s9 =	ssub.s32 s9, s12  }
0xb: {  	s10 =	smul.u32 $0x1F40, s10;
	s9 =	smax.u32 s9, $0x1;
	[dreg:$0x4] =	wrdreg s20  }
0xc: {  	s19 =	sadd.s32 s14, s3;
	s14 =	sadd.s32 $0x7800, s20;
	[dreg:$0x11] =	wrdreg s9  }
0xd: {  	s8 =	sadd.s32 s8, s11;
	s25 =	sadd.s32 $0x1400, s20;
	[dreg:$0x15] =	wrdreg s14  }
0xe: {  	s11 =	smul.u32 $0x30, s8;
	s26 =	sadd.s32 $0x2800, s20;
	[dreg:$0x5] =	wrdreg s25  }
0xf: {  	s28 =	sadd.s32 $0x3C00, s20;
	s8 =	smul.u32 $0x6, s8;
	[dreg:$0x6] =	wrdreg s26  }
0x10: {  	s23 =	sadd.s32 $0x2D0, s19;
	s29 =	sadd.s32 $0x5000, s20;
	[dreg:$0x7] =	wrdreg s28  }
0x11: {  	s30 =	sadd.s32 $0x6400, s20;
	s10 =	sshrl.u32 s10, $0x3;
	[dreg:$0x13] =	wrdreg s29  }
0x12: {  	[dreg:$0x14] =	wrdreg s30;
	s11 =	sshrl.u32 s11, $0x3;
	s7 =	sadd.s32 s6, s10  }
0x13: {  	s12 =	sadd.s32 s0, s11;
	s0 =	sadd.s32 s0, s8;
	[dreg:$0x8] =	wrdreg s7  }
0x14: {  	s3 =	sshrl.u32 s23, $0x3;
	[dreg:$0x9] =	wrdreg s0;
	s15 =	sadd.s32 $0x1E0, s12  }
0x15: {  	s14 =	simm.s32 $0x5;
	s16 =	sadd.s32 $0x3C0, s12;
	[dreg:$0xa] =	wrdreg s15  }
0x16: {  	s10 =	sadd.s32 $0x280, s19;
	s17 =	sadd.s32 $0x5A0, s12;
	[dreg:$0xb] =	wrdreg s16  }
0x17: {  	s11 =	sadd.s32 $0x230, s19;
	s18 =	sadd.s32 $0x780, s12;
	[dreg:$0xc] =	wrdreg s17  }
0x18: {  	s21 =	sadd.s32 $0x960, s12;
	s22 =	sadd.s32 $0xB40, s12;
	[dreg:$0xd] =	wrdreg s18  }
0x19: {  	s24 =	sadd.s32 $0xD20, s12;
	s8 =	sshrl.u32 s11, $0x3;
	[dreg:$0xe] =	wrdreg s21  }
0x1a: {  	s12 =	sadd.s32 $0x1E0, s19;
	s0 =	sadd.s32 $0x190, s19;
	[dreg:$0xf] =	wrdreg s22  }
0x1b: {  	s19 =	sadd.s32 $0x28, s7;
	[dreg:$0x10] =	wrdreg s24;
	s21 =	sadd.s32 s3, s6  }
0x1c: {  	s3 =	sshrl.u32 s10, $0x3;
	s23 =	sadd.s32 s8, s6;
	[dreg:$0x12] =	wrdreg s0  }
0x1d: {  	s13 =	sshrl.u32 s12, $0x3;
	s15 =	sadd.s32 $0x8C00, s20;
	[dreg:$0x1a] =	wrdreg s19  }
0x1e: {  	s16 =	sadd.s32 $0xA, s7;
	s17 =	sadd.s32 $0x14, s7;
	[dreg:$0x16] =	wrdreg s15  }
0x1f: {  	s18 =	sadd.s32 $0x1E, s7;
	s19 =	simm.s32 $0x4;
	[dreg:$0x17] =	wrdreg s16  }
0x20: {  	s0 =	simm.s32 $0x0;
	s22 =	sadd.s32 s3, s6;
	[dreg:$0x18] =	wrdreg s17  }
0x21: {  	s24 =	sadd.s32 s13, s6;
	[dreg:$0x19] =	wrdreg s18;
	s15 =	simm.s32 $0x50  }
0x22: {  	v0 =	vimm.f32 $0.0e+00;
	s16 =	simm.s32 $0x1;
	s17 =	simm.s32 $0x2;
	s18 =	simm.s32 $0x3  }
.LBB2_1:
0x23: {  	s3 =	sand.u32 $0x7F00, s4  }
0x24: {  	s8 =	sand.u32 $0x30, s4;
	s9 =	sshrl.u32 s3, $0x2  }
0x25: {  	s3 =	simm.s32 $0x40;
	s9 =	sor.u32 s8, s9;
	s8 =	simm.s32 $0x0  }
.LBB2_2:
0x26: {  	p0 =	sne.s32 s3, $0x4FC0  }
0x27: {  	[tilespmem:s9+$0xD930] =	vst v0;
	s8 =	sadd.s32 $0x10, s8;
	s9 =	smov.u32 s3;
	s3 =	sadd.s32 $0x40, s3  }
.Ltmp0:
0x28: {  	(pc) =	sbr.rel @p0 .LBB2_2-.Ltmp0, $4  }
0x29: {  	_ = 	snop  }
0x2a: {  	s9 =	sand.u32 $0x7F00, s9  }
0x2b: {  	s10 =	sand.u32 $0x30, s8;
	s9 =	sshrl.u32 s9, $0x2  }
0x2c: {  	s9 =	sor.u32 s10, s9  }
0x2d: {  	[tilespmem:s9+$0xD930] =	vst v0;
	s7 =	simm.s32 $0xD930  }
0x2e: {  	[spmem:s20] =	stream.linear.scatter [tilespmem:s7], [sflag:$0x5], $0x1400, $0x38;
	[tilespmem:$0x1B030] =	vst v63  }
0x2f: {  	_ =	swait.ge [sflag:s14], $0x1400  }
0x30: {  	[sflag:s14] =	ssyncset.done $0x0  }
0x31: {  	[sflag:s14] =	ssyncadd.s32 $0xFFFFEC00  }
0x32: {  	[spmem:s25] =	stream.linear.scatter [tilespmem:s7], [sflag:$0x5], $0x1400, $0x38;
	[tilespmem:$0x1B030] =	vst v63  }
0x33: {  	_ =	swait.ge [sflag:s14], $0x1400  }
0x34: {  	[sflag:s14] =	ssyncset.done $0x0  }
0x35: {  	[sflag:s14] =	ssyncadd.s32 $0xFFFFEC00  }
0x36: {  	[spmem:s26] =	stream.linear.scatter [tilespmem:s7], [sflag:$0x5], $0x1400, $0x38;
	[tilespmem:$0x1B030] =	vst v63  }
0x37: {  	_ =	swait.ge [sflag:s14], $0x1400  }
0x38: {  	[sflag:s14] =	ssyncset.done $0x0  }
0x39: {  	[sflag:s14] =	ssyncadd.s32 $0xFFFFEC00  }
0x3a: {  	[spmem:s28] =	stream.linear.scatter [tilespmem:s7], [sflag:$0x5], $0x1400, $0x38;
	[tilespmem:$0x1B030] =	vst v63  }
0x3b: {  	_ =	swait.ge [sflag:s14], $0x1400  }
0x3c: {  	[sflag:s14] =	ssyncset.done $0x0  }
0x3d: {  	[sflag:s14] =	ssyncadd.s32 $0xFFFFEC00  }
0x3e: {  	[spmem:s29] =	stream.linear.scatter [tilespmem:s7], [sflag:$0x5], $0x1400, $0x38;
	[tilespmem:$0x1B030] =	vst v63  }
0x3f: {  	_ =	swait.ge [sflag:s14], $0x1400  }
0x40: {  	[sflag:s14] =	ssyncset.done $0x0  }
0x41: {  	[sflag:s14] =	ssyncadd.s32 $0xFFFFEC00  }
0x42: {  	[spmem:s30] =	stream.linear.scatter [tilespmem:s7], [sflag:$0x5], $0x1400, $0x38;
	[tilespmem:$0x1B030] =	vst v63  }
0x43: {  	_ =	swait.ge [sflag:s14], $0x1400  }
0x44: {  	[sflag:s14] =	ssyncset.done $0x0  }
0x45: {  	s3 =	rddreg [dreg:$0x15];
	[sflag:s14] =	ssyncadd.s32 $0xFFFFEC00  }
0x46: {  	[spmem:s3] =	stream.linear.scatter [tilespmem:s7], [sflag:$0x5], $0x1400, $0x38;
	[tilespmem:$0x1B030] =	vst v63  }
0x47: {  	_ =	swait.ge [sflag:s14], $0x1400  }
0x48: {  	[sflag:s14] =	ssyncset.done $0x0  }
0x49: {  	s20 =	rddreg [dreg:$0x16];
	[sflag:s14] =	ssyncadd.s32 $0xFFFFEC00  }
0x4a: {  	[spmem:s20] =	stream.linear.scatter [tilespmem:s7], [sflag:$0x5], $0x1400, $0x38;
	[tilespmem:$0x1B030] =	vst v63  }
0x4b: {  	_ =	swait.ge [sflag:s14], $0x1400  }
0x4c: {  	[sflag:s14] =	ssyncset.done $0x0  }
0x4d: {  	[sflag:s14] =	ssyncadd.s32 $0xFFFFEC00  }
0x4e: {  	[bflag:$0x0] =	sbarrier.arrive $0xFFFF  }
0x4f: {  	s3 =	simm.s32 $0x0;
	s25 =	rddreg [dreg:$0x8]  }
0x50: {  	[tilespmem:s3], [sflag:$0x1] =	stream.linear.gather [hbm4b:s25+s3], $0x50, $0x38;
	[tilespmem:$0x1B030] =	vst v63  }
0x51: {  	s26 =	rddreg [dreg:$0x17]  }
0x52: {  	[tilespmem:s15], [sflag:$0x1] =	stream.linear.gather [hbm4b:s26+s3], $0x50, $0x38;
	[tilespmem:$0x1B030] =	vst v63  }
0x53: {  	s8 =	simm.s32 $0xA0;
	s28 =	rddreg [dreg:$0x18]  }
0x54: {  	[tilespmem:s8], [sflag:$0x1] =	stream.linear.gather [hbm4b:s28+s3], $0x50, $0x38;
	[tilespmem:$0x1B030] =	vst v63  }
0x55: {  	s30 =	simm.s32 $0xF0;
	s29 =	rddreg [dreg:$0x19]  }
0x56: {  	[tilespmem:s30], [sflag:$0x1] =	stream.linear.gather [hbm4b:s29+s3], $0x50, $0x38;
	[tilespmem:$0x1B030] =	vst v63  }
0x57: {  	s9 =	simm.s32 $0x140;
	s8 =	rddreg [dreg:$0x1a]  }
0x58: {  	[tilespmem:s9], [sflag:$0x1] =	stream.linear.gather [hbm4b:s8+s3], $0x50, $0x38;
	[tilespmem:$0x1B030] =	vst v63  }
0x59: {  	_ =	swait.ge [sflag:s16], $0x50  }
0x5a: {  	[sflag:s16] =	ssyncset.done $0x0  }
0x5b: {  	[sflag:s16] =	ssyncadd.s32 $0xFFFFFFB0  }
0x5c: {  	_ =	swait.ge [sflag:s16], $0x50  }
0x5d: {  	[sflag:s16] =	ssyncset.done $0x0  }
0x5e: {  	[sflag:s16] =	ssyncadd.s32 $0xFFFFFFB0  }
0x5f: {  	_ =	swait.ge [sflag:s16], $0x50  }
0x60: {  	[sflag:s16] =	ssyncset.done $0x0  }
0x61: {  	[sflag:s16] =	ssyncadd.s32 $0xFFFFFFB0  }
0x62: {  	_ =	swait.ge [sflag:s16], $0x50  }
0x63: {  	[sflag:s16] =	ssyncset.done $0x0  }
0x64: {  	[sflag:s16] =	ssyncadd.s32 $0xFFFFFFB0  }
0x65: {  	_ =	swait.ge [sflag:s16], $0x50  }
0x66: {  	[sflag:s16] =	ssyncset.done $0x0  }
0x67: {  	[sflag:s16] =	ssyncadd.s32 $0xFFFFFFB0  }
0x68: {  	v1 =	vld [tilespmem:$0x0];
	_ =	sdelay $0x1  }
0x69: {  	v2 =	vld [tilespmem:$0x10];
	_ =	sdelay $0x1  }
0x6a: {  	v3 =	vld [tilespmem:$0x20]  }
0x6b: {  	v4 =	vand.u32 $0x3FFFF, v1  }
0x6c: {  	v56 =	vld [tilespmem:$0x30];
	v1 =	vshrl.u32 v1, $0x12;
	[tilespmem:$0x4B0] =	vst v4  }
0x6d: {  	[tilespmem:$0x960] =	vst v1;
	v1 =	vand.u32 $0x3FFFF, v2  }
0x6e: {  	[tilespmem:$0x4C0] =	vst v1;
	v1 =	vshrl.u32 v2, $0x12;
	v2 =	vld [tilespmem:$0x40]  }
0x6f: {  	[tilespmem:$0x970] =	vst v1;
	v1 =	vand.u32 $0x3FFFF, v3  }
0x70: {  	[tilespmem:$0x4D0] =	vst v1;
	v1 =	vshrl.u32 v3, $0x12;
	v3 =	vld [tilespmem:$0x50]  }
0x71: {  	[tilespmem:$0x980] =	vst v1;
	v1 =	vand.u32 $0x3FFFF, v56  }
0x72: {  	v57 =	vld [tilespmem:$0x60];
	[tilespmem:$0x4E0] =	vst v1;
	v1 =	vshrl.u32 v56, $0x12  }
0x73: {  	[tilespmem:$0x990] =	vst v1;
	v1 =	vand.u32 $0x3FFFF, v2  }
0x74: {  	[tilespmem:$0x4F0] =	vst v1;
	v1 =	vshrl.u32 v2, $0x12;
	v2 =	vld [tilespmem:$0x70]  }
0x75: {  	[tilespmem:$0x9A0] =	vst v1;
	v1 =	vand.u32 $0x3FFFF, v3  }
0x76: {  	[tilespmem:$0x500] =	vst v1;
	v1 =	vshrl.u32 v3, $0x12;
	v3 =	vld [tilespmem:$0x80]  }
0x77: {  	[tilespmem:$0x9B0] =	vst v1;
	v1 =	vand.u32 $0x3FFFF, v57  }
0x78: {  	v58 =	vld [tilespmem:$0x90];
	[tilespmem:$0x510] =	vst v1;
	v1 =	vshrl.u32 v57, $0x12  }
0x79: {  	[tilespmem:$0x9C0] =	vst v1;
	v1 =	vand.u32 $0x3FFFF, v2  }
0x7a: {  	[tilespmem:$0x520] =	vst v1;
	v1 =	vshrl.u32 v2, $0x12;
	v2 =	vld [tilespmem:$0xA0]  }
0x7b: {  	[tilespmem:$0x9D0] =	vst v1;
	v1 =	vand.u32 $0x3FFFF, v3  }
0x7c: {  	[tilespmem:$0x530] =	vst v1;
	v1 =	vshrl.u32 v3, $0x12;
	v3 =	vld [tilespmem:$0xB0]  }
0x7d: {  	[tilespmem:$0x9E0] =	vst v1;
	v1 =	vand.u32 $0x3FFFF, v58  }
0x7e: {  	v59 =	vld [tilespmem:$0xC0];
	[tilespmem:$0x540] =	vst v1;
	v1 =	vshrl.u32 v58, $0x12  }
0x7f: {  	[tilespmem:$0x9F0] =	vst v1;
	v1 =	vand.u32 $0x3FFFF, v2  }
0x80: {  	[tilespmem:$0x550] =	vst v1;
	v1 =	vshrl.u32 v2, $0x12;
	v2 =	vld [tilespmem:$0xD0]  }
0x81: {  	[tilespmem:$0xA00] =	vst v1;
	v1 =	vand.u32 $0x3FFFF, v3  }
0x82: {  	[tilespmem:$0x560] =	vst v1;
	v1 =	vshrl.u32 v3, $0x12;
	v3 =	vld [tilespmem:$0xE0]  }
0x83: {  	[tilespmem:$0xA10] =	vst v1;
	v1 =	vand.u32 $0x3FFFF, v59  }
0x84: {  	v60 =	vld [tilespmem:$0xF0];
	[tilespmem:$0x570] =	vst v1;
	v1 =	vshrl.u32 v59, $0x12  }
0x85: {  	[tilespmem:$0xA20] =	vst v1;
	v1 =	vand.u32 $0x3FFFF, v2  }
0x86: {  	[tilespmem:$0x580] =	vst v1;
	v1 =	vshrl.u32 v2, $0x12;
	v2 =	vld [tilespmem:$0x100]  }
0x87: {  	[tilespmem:$0xA30] =	vst v1;
	v1 =	vand.u32 $0x3FFFF, v3  }
0x88: {  	[tilespmem:$0x590] =	vst v1;
	v1 =	vshrl.u32 v3, $0x12;
	v3 =	vld [tilespmem:$0x110]  }
0x89: {  	[tilespmem:$0xA40] =	vst v1;
	v1 =	vand.u32 $0x3FFFF, v60  }
0x8a: {  	v61 =	vld [tilespmem:$0x120];
	[tilespmem:$0x5A0] =	vst v1;
	v1 =	vshrl.u32 v60, $0x12  }
0x8b: {  	[tilespmem:$0xA50] =	vst v1;
	v1 =	vand.u32 $0x3FFFF, v2  }
0x8c: {  	[tilespmem:$0x5B0] =	vst v1;
	v1 =	vshrl.u32 v2, $0x12;
	v2 =	vld [tilespmem:$0x130]  }
0x8d: {  	[tilespmem:$0xA60] =	vst v1;
	v1 =	vand.u32 $0x3FFFF, v3  }
0x8e: {  	[tilespmem:$0x5C0] =	vst v1;
	v1 =	vshrl.u32 v3, $0x12;
	v3 =	vld [tilespmem:$0x140]  }
0x8f: {  	[tilespmem:$0xA70] =	vst v1;
	v1 =	vand.u32 $0x3FFFF, v61  }
0x90: {  	v62 =	vld [tilespmem:$0x150];
	[tilespmem:$0x5D0] =	vst v1;
	v1 =	vshrl.u32 v61, $0x12  }
0x91: {  	[tilespmem:$0xA80] =	vst v1;
	v1 =	vand.u32 $0x3FFFF, v2  }
0x92: {  	[tilespmem:$0x5E0] =	vst v1;
	v1 =	vshrl.u32 v2, $0x12;
	v2 =	vld [tilespmem:$0x160]  }
0x93: {  	[tilespmem:$0xA90] =	vst v1;
	v1 =	vand.u32 $0x3FFFF, v3  }
0x94: {  	[tilespmem:$0x5F0] =	vst v1;
	v1 =	vshrl.u32 v3, $0x12;
	v3 =	vld [tilespmem:$0x170]  }
0x95: {  	[tilespmem:$0xAA0] =	vst v1;
	v1 =	vand.u32 $0x3FFFF, v62  }
0x96: {  	v63 =	vld [tilespmem:$0x180];
	[tilespmem:$0x600] =	vst v1;
	v1 =	vshrl.u32 v62, $0x12  }
0x97: {  	[tilespmem:$0xAB0] =	vst v1;
	v1 =	vand.u32 $0x3FFFF, v2  }
0x98: {  	[tilespmem:$0x610] =	vst v1;
	v1 =	vshrl.u32 v2, $0x12  }
0x99: {  	[tilespmem:$0xAC0] =	vst v1;
	v1 =	vand.u32 $0x3FFFF, v3  }
0x9a: {  	[tilespmem:$0x620] =	vst v1;
	v1 =	vshrl.u32 v3, $0x12  }
0x9b: {  	[tilespmem:$0xAD0] =	vst v1;
	v1 =	vand.u32 $0x3FFFF, v63  }
0x9c: {  	[tilespmem:$0x630] =	vst v1;
	v1 =	vshrl.u32 v63, $0x12  }
0x9d: {  	s10 =	simm.s32 $0x4B0;
	s11 =	simm.s32 $0xE10;
	[tilespmem:$0xAE0] =	vst v1  }
0x9e: {  	[tilespmem:s11], [sflag:$0x2] =	stream.indirect.gather [hbm4b:s1+s15], $0x1, s10, s15, $0xb8;
	[tilespmem:$0x1B030] =	vst v63  }
0x9f: {  	s12 =	simm.s32 $0x500;
	s13 =	simm.s32 $0xE60  }
0xa0: {  	[tilespmem:s13], [sflag:$0x2] =	stream.indirect.gather [hbm4b:s1+s15], $0x1, s12, s15, $0xb8;
	[tilespmem:$0x1B030] =	vst v63  }
0xa1: {  	s20 =	simm.s32 $0x550;
	s25 =	simm.s32 $0xEB0  }
0xa2: {  	[tilespmem:s25], [sflag:$0x2] =	stream.indirect.gather [hbm4b:s1+s15], $0x1, s20, s15, $0xb8;
	[tilespmem:$0x1B030] =	vst v63  }
.Ltmp1:
0xa3: {  	_ = 	snop;
	(pc) =	sbr.rel .LBB2_4-.Ltmp1, $4  }
0xa4: {  	s26 =	simm.s32 $0x5A0;
	s28 =	simm.s32 $0xF00;
	s29 =	simm.s32 $0x5F0  }
0xa5: {  	[tilespmem:s28], [sflag:$0x2] =	stream.indirect.gather [hbm4b:s1+s15], $0x1, s26, s15, $0xb8;
	[tilespmem:$0x1B030] =	vst v63  }
0xa6: {  	s30 =	simm.s32 $0xF50;
	s12 =	simm.s32 $0x0;
	s25 =	rddreg [dreg:$0x12]  }
0xa7: {  	[tilespmem:s30], [sflag:$0x2] =	stream.indirect.gather [hbm4b:s1+s15], $0x1, s29, s15, $0xb8;
	[tilespmem:$0x1B030] =	vst v63  }
.LBB2_6:
0xa8: {  	_ =	swait.ge [sflag:s18], $0x1400  }
0xa9: {  	[sflag:s18] =	ssyncset.done $0x0  }
0xaa: {  	[sflag:s18] =	ssyncadd.s32 $0xFFFFEC00  }
0xab: {  	_ =	swait.ge [sflag:s18], $0x1400  }
0xac: {  	[sflag:s18] =	ssyncset.done $0x0  }
0xad: {  	s7 =	sshrl.u32 s8, $0x9;
	[sflag:s18] =	ssyncadd.s32 $0xFFFFEC00  }
0xae: {  	s7 =	sand.u32 $0x7F, s7;
	_ =	swait.ge [sflag:s18], $0x1400  }
0xaf: {  	s7 =	smul.u32 $0x3, s7;
	[sflag:s18] =	ssyncset.done $0x0  }
0xb0: {  	[sflag:s18] =	ssyncadd.s32 $0xFFFFEC00  }
0xb1: {  	s3 =	ssub.s32 s3, s7;
	_ =	swait.ge [sflag:s18], $0x1400  }
0xb2: {  	s3 =	sand.u32 $0xFF, s3;
	[sflag:s18] =	ssyncset.done $0x0  }
0xb3: {  	s3 =	smul.u32 $0x640, s3;
	[sflag:s18] =	ssyncadd.s32 $0xFFFFEC00  }
0xb4: {  	_ =	swait.ge [sflag:s18], $0x1400  }
0xb5: {  	s3 =	sshrl.u32 s3, $0x2;
	[sflag:s18] =	ssyncset.done $0x0  }
0xb6: {  	s8 =	sadd.s32 $0x960, s3;
	[sflag:s18] =	ssyncadd.s32 $0xFFFFEC00  }
0xb7: {  	[spmem:s2] =	stream.indirect.scatter.add.f32 [tilespmem:s9], [sflag:$0x4], $0x40, s8, s15, $0xb8;
	[tilespmem:$0x1B030] =	vst v63  }
0xb8: {  	s12 =	sadd.s32 $0x32, s12;
	s13 =	sadd.s32 $0x9B0, s3  }
0xb9: {  	[spmem:s2] =	stream.indirect.scatter.add.f32 [tilespmem:s10], [sflag:$0x4], $0x40, s13, s15, $0xb8;
	[tilespmem:$0x1B030] =	vst v63  }
0xba: {  	p0 =	sne.s32 s12, $0x3E8;
	s20 =	sadd.s32 $0xA00, s3  }
0xbb: {  	[spmem:s2] =	stream.indirect.scatter.add.f32 [tilespmem:s26], [sflag:$0x4], $0x40, s20, s15, $0xb8;
	[tilespmem:$0x1B030] =	vst v63  }
.Ltmp2:
0xbc: {  	s30 =	sadd.s32 $0xA50, s3;
	(pc) =	sbr.rel @!p0 .LBB2_7-.Ltmp2, $4  }
0xbd: {  	[spmem:s2] =	stream.indirect.scatter.add.f32 [tilespmem:s28], [sflag:$0x4], $0x40, s30, s15, $0xb8;
	[tilespmem:$0x1B030] =	vst v63  }
0xbe: {  	s3 =	sadd.s32 $0xAA0, s3  }
0xbf: {  	[spmem:s2] =	stream.indirect.scatter.add.f32 [tilespmem:s29], [sflag:$0x4], $0x40, s3, s15, $0xb8;
	[tilespmem:$0x1B030] =	vst v63  }
0xc0: {  	s25 =	sadd.s32 $0x190, s25;
	s3 =	smov.u32 s11  }
.LBB2_4:
0xc1: {  	p0 =	slt.u32 s3, $0x2  }
0xc2: {  	s9 =	simm.s32 @!p0 $0x4  }
0xc3: {  	_ =	swait.ge @!p0 [sflag:s9], $0x1400  }
0xc4: {  	[sflag:s9] =	ssyncset.done @!p0 $0x0  }
0xc5: {  	[sflag:s9] =	ssyncadd.s32 @!p0 $0xFFFFEC00  }
0xc6: {  	_ =	swait.ge @!p0 [sflag:s9], $0x1400  }
0xc7: {  	[sflag:s9] =	ssyncset.done @!p0 $0x0  }
0xc8: {  	s8 =	smul.u32 $0xAB, s3;
	[sflag:s9] =	ssyncadd.s32 @!p0 $0xFFFFEC00  }
0xc9: {  	_ =	swait.ge @!p0 [sflag:s9], $0x1400  }
0xca: {  	s10 =	sadd.s32 $0xAB, s8;
	[sflag:s9] =	ssyncset.done @!p0 $0x0  }
0xcb: {  	s10 =	sshrl.u32 s10, $0x9;
	[sflag:s9] =	ssyncadd.s32 @!p0 $0xFFFFEC00  }
0xcc: {  	s10 =	sand.u32 $0x7F, s10;
	_ =	swait.ge @!p0 [sflag:s9], $0x1400  }
0xcd: {  	s10 =	smul.u32 $0x3, s10;
	[sflag:s9] =	ssyncset.done @!p0 $0x0  }
0xce: {  	s11 =	sadd.s32 $0x1, s3;
	[sflag:s9] =	ssyncadd.s32 @!p0 $0xFFFFEC00  }
0xcf: {  	p1 =	seq.s32 @!p0 s12, $0x3B6;
	s10 =	ssub.s32 s11, s10;
	_ =	swait.ge @!p0 [sflag:s9], $0x1400  }
0xd0: {  	p1 =	por p0, !p1;
	s30 =	sand.u32 $0xFF, s10;
	[sflag:s9] =	ssyncset.done @!p0 $0x0  }
0xd1: {  	[sflag:s9] =	ssyncadd.s32 @!p0 $0xFFFFEC00;
	s9 =	smul.u32 @p1 $0x640, s30  }
0xd2: {  	s10 =	sshrl.u32 @p1 s25, $0x3  }
0xd3: {  	s10 =	sadd.s32 @p1 s6, s10;
	s9 =	sshrl.u32 @p1 s9, $0x2  }
0xd4: {  	[tilespmem:s9], [sflag:$0x1] =	stream.linear.gather @p1 [hbm4b:s10+s4], $0x50, $0x38;
	[tilespmem:$0x1B030] =	vst v63  }
0xd5: {  	s26 =	sadd.s32 @p1 s12, s24;
	s10 =	sadd.s32 @p1 $0x50, s9  }
0xd6: {  	[tilespmem:s10], [sflag:$0x1] =	stream.linear.gather @p1 [hbm4b:s26+s4], $0x50, $0x38;
	[tilespmem:$0x1B030] =	vst v63  }
0xd7: {  	s10 =	sadd.s32 @p1 $0xA0, s9;
	s26 =	sadd.s32 @p1 s12, s23  }
0xd8: {  	[tilespmem:s10], [sflag:$0x1] =	stream.linear.gather @p1 [hbm4b:s26+s4], $0x50, $0x38;
	[tilespmem:$0x1B030] =	vst v63  }
0xd9: {  	s10 =	sadd.s32 @p1 $0xF0, s9;
	s26 =	sadd.s32 @p1 s12, s22  }
0xda: {  	[tilespmem:s10], [sflag:$0x1] =	stream.linear.gather @p1 [hbm4b:s26+s4], $0x50, $0x38;
	[tilespmem:$0x1B030] =	vst v63  }
0xdb: {  	s9 =	sadd.s32 @p1 $0x140, s9;
	s10 =	sadd.s32 @p1 s12, s21  }
0xdc: {  	[tilespmem:s9], [sflag:$0x1] =	stream.linear.gather @p1 [hbm4b:s10+s4], $0x50, $0x38;
	[tilespmem:$0x1B030] =	vst v63  }
0xdd: {  	_ =	swait.ge [sflag:s17], $0x50  }
0xde: {  	[sflag:s17] =	ssyncset.done $0x0  }
0xdf: {  	[sflag:s17] =	ssyncadd.s32 $0xFFFFFFB0  }
0xe0: {  	_ =	swait.ge [sflag:s17], $0x50  }
0xe1: {  	[sflag:s17] =	ssyncset.done $0x0  }
0xe2: {  	[sflag:s17] =	ssyncadd.s32 $0xFFFFFFB0  }
0xe3: {  	_ =	swait.ge [sflag:s17], $0x50  }
0xe4: {  	[sflag:s17] =	ssyncset.done $0x0  }
0xe5: {  	[sflag:s17] =	ssyncadd.s32 $0xFFFFFFB0  }
0xe6: {  	_ =	swait.ge [sflag:s17], $0x50  }
0xe7: {  	[sflag:s17] =	ssyncset.done $0x0  }
0xe8: {  	s26 =	sand.u32 $0x1, s3;
	[sflag:s17] =	ssyncadd.s32 $0xFFFFFFB0  }
0xe9: {  	s7 =	smul.u32 $0x640, s26;
	_ =	swait.ge [sflag:s17], $0x50  }
0xea: {  	[sflag:s17] =	ssyncset.done $0x0  }
0xeb: {  	s29 =	sshrl.u32 s7, $0x2;
	[sflag:s17] =	ssyncadd.s32 $0xFFFFFFB0  }
0xec: {  	v1 =	vld [tilespmem:s29+$0xE10]  }
0xed: {  	v2 =	vld [tilespmem:s29+$0xE20]  }
0xee: {  	v3 =	vld [tilespmem:s29+$0xE30]  }
0xef: {  	v4 =	vld [tilespmem:s29+$0xE40]  }
0xf0: {  	v5 =	vld [tilespmem:s29+$0xE50]  }
0xf1: {  	v6 =	vld [tilespmem:s29+$0xE60];
	v1 =	vshll.u32 v1, $0x1  }
0xf2: {  	[tilespmem:s29+$0xE10] =	vst v1;
	v1 =	vshll.u32 v2, $0x1;
	v2 =	vld [tilespmem:s29+$0xE70]  }
0xf3: {  	[tilespmem:s29+$0xE20] =	vst v1;
	v1 =	vshll.u32 v3, $0x1;
	v3 =	vld [tilespmem:s29+$0xE80]  }
0xf4: {  	v53 =	vld [tilespmem:s29+$0xE90];
	[tilespmem:s29+$0xE30] =	vst v1;
	v1 =	vshll.u32 v4, $0x1  }
0xf5: {  	v54 =	vld [tilespmem:s29+$0xEA0];
	[tilespmem:s29+$0xE40] =	vst v1;
	v1 =	vshll.u32 v5, $0x1  }
0xf6: {  	v55 =	vld [tilespmem:s29+$0xEB0];
	[tilespmem:s29+$0xE50] =	vst v1;
	v1 =	vshll.u32 v6, $0x1  }
0xf7: {  	[tilespmem:s29+$0xE60] =	vst v1;
	v1 =	vshll.u32 v2, $0x1;
	v2 =	vld [tilespmem:s29+$0xEC0]  }
0xf8: {  	[tilespmem:s29+$0xE70] =	vst v1;
	v1 =	vshll.u32 v3, $0x1;
	v3 =	vld [tilespmem:s29+$0xED0]  }
0xf9: {  	v56 =	vld [tilespmem:s29+$0xEE0];
	[tilespmem:s29+$0xE80] =	vst v1;
	v1 =	vshll.u32 v53, $0x1  }
0xfa: {  	v57 =	vld [tilespmem:s29+$0xEF0];
	[tilespmem:s29+$0xE90] =	vst v1;
	v1 =	vshll.u32 v54, $0x1  }
0xfb: {  	v58 =	vld [tilespmem:s29+$0xF00];
	[tilespmem:s29+$0xEA0] =	vst v1;
	v1 =	vshll.u32 v55, $0x1  }
0xfc: {  	[tilespmem:s29+$0xEB0] =	vst v1;
	v1 =	vshll.u32 v2, $0x1;
	v2 =	vld [tilespmem:s29+$0xF10]  }
0xfd: {  	[tilespmem:s29+$0xEC0] =	vst v1;
	v1 =	vshll.u32 v3, $0x1;
	v3 =	vld [tilespmem:s29+$0xF20]  }
0xfe: {  	v59 =	vld [tilespmem:s29+$0xF30];
	[tilespmem:s29+$0xED0] =	vst v1;
	v1 =	vshll.u32 v56, $0x1  }
0xff: {  	v60 =	vld [tilespmem:s29+$0xF40];
	[tilespmem:s29+$0xEE0] =	vst v1;
	v1 =	vshll.u32 v57, $0x1  }
0x100: {  	v61 =	vld [tilespmem:s29+$0xF50];
	[tilespmem:s29+$0xEF0] =	vst v1;
	v1 =	vshll.u32 v58, $0x1  }
0x101: {  	[tilespmem:s29+$0xF00] =	vst v1;
	v1 =	vshll.u32 v2, $0x1;
	v2 =	vld [tilespmem:s29+$0xF60]  }
0x102: {  	[tilespmem:s29+$0xF10] =	vst v1;
	v1 =	vshll.u32 v3, $0x1;
	v3 =	vld [tilespmem:s29+$0xF70]  }
0x103: {  	v62 =	vld [tilespmem:s29+$0xF80];
	[tilespmem:s29+$0xF20] =	vst v1;
	v1 =	vshll.u32 v59, $0x1  }
0x104: {  	v63 =	vld [tilespmem:s29+$0xF90];
	[tilespmem:s29+$0xF30] =	vst v1;
	v1 =	vshll.u32 v60, $0x1  }
0x105: {  	[tilespmem:s29+$0xF40] =	vst v1;
	v1 =	vshll.u32 v61, $0x1  }
0x106: {  	[tilespmem:s29+$0xF50] =	vst v1;
	v1 =	vshll.u32 v2, $0x1  }
0x107: {  	s9 =	smul.u32 $0x19000, s26;
	[tilespmem:s29+$0xF60] =	vst v1;
	v1 =	vshll.u32 v3, $0x1  }
0x108: {  	[tilespmem:s29+$0xF70] =	vst v1;
	v1 =	vshll.u32 v62, $0x1  }
0x109: {  	s7 =	sshrl.u32 s9, $0x2;
	[tilespmem:s29+$0xF80] =	vst v1;
	v1 =	vshll.u32 v63, $0x1  }
0x10a: {  	s10 =	sadd.s32 $0xE10, s29;
	s9 =	sadd.s32 $0x1130, s7;
	[tilespmem:s29+$0xF90] =	vst v1  }
0x10b: {  	[tilespmem:s9], [sflag:$0x3] =	stream.indirect.gather [hbm4b:s5+s15], $0x40, s10, s15, $0xb8;
	[tilespmem:$0x1B030] =	vst v63  }
0x10c: {  	p0 =	por @!p0 $0x1, $0x1;
	s13 =	sadd.s32 $0xE60, s29;
	s10 =	sadd.s32 $0x2530, s7  }
0x10d: {  	[tilespmem:s10], [sflag:$0x3] =	stream.indirect.gather [hbm4b:s5+s15], $0x40, s13, s15, $0xb8;
	[tilespmem:$0x1B030] =	vst v63  }
0x10e: {  	p0 =	por @p1 $0x0, $0x0;
	s28 =	sadd.s32 $0xEB0, s29;
	s26 =	sadd.s32 $0x3930, s7  }
0x10f: {  	[tilespmem:s26], [sflag:$0x3] =	stream.indirect.gather [hbm4b:s5+s15], $0x40, s28, s15, $0xb8;
	[tilespmem:$0x1B030] =	vst v63  }
.Ltmp3:
0x110: {  	_ = 	snop;
	(pc) =	sbr.rel @p0 .LBB2_6-.Ltmp3, $4  }
0x111: {  	s13 =	sadd.s32 $0xF00, s29;
	s28 =	sadd.s32 $0x4D30, s7  }
0x112: {  	[tilespmem:s28], [sflag:$0x3] =	stream.indirect.gather [hbm4b:s5+s15], $0x40, s13, s15, $0xb8;
	[tilespmem:$0x1B030] =	vst v63  }
0x113: {  	s20 =	sadd.s32 $0xF50, s29;
	s29 =	sadd.s32 $0x6130, s7  }
0x114: {  	[tilespmem:s29], [sflag:$0x3] =	stream.indirect.gather [hbm4b:s5+s15], $0x40, s20, s15, $0xb8;
	[tilespmem:$0x1B030] =	vst v63  }
0x115: {  	_ =	swait.ge [sflag:s16], $0x50  }
0x116: {  	[sflag:s16] =	ssyncset.done $0x0  }
0x117: {  	[sflag:s16] =	ssyncadd.s32 $0xFFFFFFB0  }
0x118: {  	_ =	swait.ge [sflag:s16], $0x50  }
0x119: {  	[sflag:s16] =	ssyncset.done $0x0  }
0x11a: {  	[sflag:s16] =	ssyncadd.s32 $0xFFFFFFB0  }
0x11b: {  	_ =	swait.ge [sflag:s16], $0x50  }
0x11c: {  	[sflag:s16] =	ssyncset.done $0x0  }
0x11d: {  	[sflag:s16] =	ssyncadd.s32 $0xFFFFFFB0  }
0x11e: {  	_ =	swait.ge [sflag:s16], $0x50  }
0x11f: {  	[sflag:s16] =	ssyncset.done $0x0  }
0x120: {  	[sflag:s16] =	ssyncadd.s32 $0xFFFFFFB0  }
0x121: {  	_ =	swait.ge [sflag:s16], $0x50  }
0x122: {  	s30 =	smul.u32 $0x190, s30;
	[sflag:s16] =	ssyncset.done $0x0  }
0x123: {  	[sflag:s16] =	ssyncadd.s32 $0xFFFFFFB0  }
0x124: {  	v1 =	vld [tilespmem:s30+$0x0];
	_ =	sdelay $0x1  }
0x125: {  	v2 =	vld [tilespmem:s30+$0x10];
	_ =	sdelay $0x1  }
0x126: {  	v3 =	vld [tilespmem:s30+$0x20]  }
0x127: {  	v4 =	vand.u32 $0x3FFFF, v1  }
0x128: {  	v56 =	vld [tilespmem:s30+$0x30];
	v1 =	vshrl.u32 v1, $0x12;
	[tilespmem:s30+$0x4B0] =	vst v4  }
0x129: {  	[tilespmem:s30+$0x960] =	vst v1;
	v1 =	vand.u32 $0x3FFFF, v2  }
0x12a: {  	[tilespmem:s30+$0x4C0] =	vst v1;
	v1 =	vshrl.u32 v2, $0x12;
	v2 =	vld [tilespmem:s30+$0x40]  }
0x12b: {  	[tilespmem:s30+$0x970] =	vst v1;
	v1 =	vand.u32 $0x3FFFF, v3  }
0x12c: {  	[tilespmem:s30+$0x4D0] =	vst v1;
	v1 =	vshrl.u32 v3, $0x12;
	v3 =	vld [tilespmem:s30+$0x50]  }
0x12d: {  	[tilespmem:s30+$0x980] =	vst v1;
	v1 =	vand.u32 $0x3FFFF, v56  }
0x12e: {  	v57 =	vld [tilespmem:s30+$0x60];
	[tilespmem:s30+$0x4E0] =	vst v1;
	v1 =	vshrl.u32 v56, $0x12  }
0x12f: {  	[tilespmem:s30+$0x990] =	vst v1;
	v1 =	vand.u32 $0x3FFFF, v2  }
0x130: {  	[tilespmem:s30+$0x4F0] =	vst v1;
	v1 =	vshrl.u32 v2, $0x12;
	v2 =	vld [tilespmem:s30+$0x70]  }
0x131: {  	[tilespmem:s30+$0x9A0] =	vst v1;
	v1 =	vand.u32 $0x3FFFF, v3  }
0x132: {  	[tilespmem:s30+$0x500] =	vst v1;
	v1 =	vshrl.u32 v3, $0x12;
	v3 =	vld [tilespmem:s30+$0x80]  }
0x133: {  	[tilespmem:s30+$0x9B0] =	vst v1;
	v1 =	vand.u32 $0x3FFFF, v57  }
0x134: {  	v58 =	vld [tilespmem:s30+$0x90];
	[tilespmem:s30+$0x510] =	vst v1;
	v1 =	vshrl.u32 v57, $0x12  }
0x135: {  	[tilespmem:s30+$0x9C0] =	vst v1;
	v1 =	vand.u32 $0x3FFFF, v2  }
0x136: {  	[tilespmem:s30+$0x520] =	vst v1;
	v1 =	vshrl.u32 v2, $0x12;
	v2 =	vld [tilespmem:s30+$0xA0]  }
0x137: {  	[tilespmem:s30+$0x9D0] =	vst v1;
	v1 =	vand.u32 $0x3FFFF, v3  }
0x138: {  	[tilespmem:s30+$0x530] =	vst v1;
	v1 =	vshrl.u32 v3, $0x12;
	v3 =	vld [tilespmem:s30+$0xB0]  }
0x139: {  	[tilespmem:s30+$0x9E0] =	vst v1;
	v1 =	vand.u32 $0x3FFFF, v58  }
0x13a: {  	v59 =	vld [tilespmem:s30+$0xC0];
	[tilespmem:s30+$0x540] =	vst v1;
	v1 =	vshrl.u32 v58, $0x12  }
0x13b: {  	[tilespmem:s30+$0x9F0] =	vst v1;
	v1 =	vand.u32 $0x3FFFF, v2  }
0x13c: {  	[tilespmem:s30+$0x550] =	vst v1;
	v1 =	vshrl.u32 v2, $0x12;
	v2 =	vld [tilespmem:s30+$0xD0]  }
0x13d: {  	[tilespmem:s30+$0xA00] =	vst v1;
	v1 =	vand.u32 $0x3FFFF, v3  }
0x13e: {  	[tilespmem:s30+$0x560] =	vst v1;
	v1 =	vshrl.u32 v3, $0x12;
	v3 =	vld [tilespmem:s30+$0xE0]  }
0x13f: {  	[tilespmem:s30+$0xA10] =	vst v1;
	v1 =	vand.u32 $0x3FFFF, v59  }
0x140: {  	v60 =	vld [tilespmem:s30+$0xF0];
	[tilespmem:s30+$0x570] =	vst v1;
	v1 =	vshrl.u32 v59, $0x12  }
0x141: {  	[tilespmem:s30+$0xA20] =	vst v1;
	v1 =	vand.u32 $0x3FFFF, v2  }
0x142: {  	[tilespmem:s30+$0x580] =	vst v1;
	v1 =	vshrl.u32 v2, $0x12;
	v2 =	vld [tilespmem:s30+$0x100]  }
0x143: {  	[tilespmem:s30+$0xA30] =	vst v1;
	v1 =	vand.u32 $0x3FFFF, v3  }
0x144: {  	[tilespmem:s30+$0x590] =	vst v1;
	v1 =	vshrl.u32 v3, $0x12;
	v3 =	vld [tilespmem:s30+$0x110]  }
0x145: {  	[tilespmem:s30+$0xA40] =	vst v1;
	v1 =	vand.u32 $0x3FFFF, v60  }
0x146: {  	v61 =	vld [tilespmem:s30+$0x120];
	[tilespmem:s30+$0x5A0] =	vst v1;
	v1 =	vshrl.u32 v60, $0x12  }
0x147: {  	[tilespmem:s30+$0xA50] =	vst v1;
	v1 =	vand.u32 $0x3FFFF, v2  }
0x148: {  	[tilespmem:s30+$0x5B0] =	vst v1;
	v1 =	vshrl.u32 v2, $0x12;
	v2 =	vld [tilespmem:s30+$0x130]  }
0x149: {  	[tilespmem:s30+$0xA60] =	vst v1;
	v1 =	vand.u32 $0x3FFFF, v3  }
0x14a: {  	[tilespmem:s30+$0x5C0] =	vst v1;
	v1 =	vshrl.u32 v3, $0x12;
	v3 =	vld [tilespmem:s30+$0x140]  }
0x14b: {  	[tilespmem:s30+$0xA70] =	vst v1;
	v1 =	vand.u32 $0x3FFFF, v61  }
0x14c: {  	v62 =	vld [tilespmem:s30+$0x150];
	[tilespmem:s30+$0x5D0] =	vst v1;
	v1 =	vshrl.u32 v61, $0x12  }
0x14d: {  	[tilespmem:s30+$0xA80] =	vst v1;
	v1 =	vand.u32 $0x3FFFF, v2  }
0x14e: {  	[tilespmem:s30+$0x5E0] =	vst v1;
	v1 =	vshrl.u32 v2, $0x12;
	v2 =	vld [tilespmem:s30+$0x160]  }
0x14f: {  	[tilespmem:s30+$0xA90] =	vst v1;
	v1 =	vand.u32 $0x3FFFF, v3  }
0x150: {  	[tilespmem:s30+$0x5F0] =	vst v1;
	v1 =	vshrl.u32 v3, $0x12;
	v3 =	vld [tilespmem:s30+$0x170]  }
0x151: {  	[tilespmem:s30+$0xAA0] =	vst v1;
	v1 =	vand.u32 $0x3FFFF, v62  }
0x152: {  	v63 =	vld [tilespmem:s30+$0x180];
	[tilespmem:s30+$0x600] =	vst v1;
	v1 =	vshrl.u32 v62, $0x12  }
0x153: {  	[tilespmem:s30+$0xAB0] =	vst v1;
	v1 =	vand.u32 $0x3FFFF, v2  }
0x154: {  	[tilespmem:s30+$0x610] =	vst v1;
	v1 =	vshrl.u32 v2, $0x12  }
0x155: {  	[tilespmem:s30+$0xAC0] =	vst v1;
	v1 =	vand.u32 $0x3FFFF, v3  }
0x156: {  	s7 =	sand.u32 $0x1, s11;
	[tilespmem:s30+$0x620] =	vst v1;
	v1 =	vshrl.u32 v3, $0x12  }
0x157: {  	p0 =	seq.s32 s7, $0x1;
	s7 =	simm.s32 $0x190;
	[tilespmem:s30+$0xAD0] =	vst v1;
	v1 =	vand.u32 $0x3FFFF, v63  }
0x158: {  	s7 =	simm.s32 @!p0 $0x0;
	[tilespmem:s30+$0x630] =	vst v1;
	v1 =	vshrl.u32 v63, $0x12  }
0x159: {  	s13 =	sadd.s32 $0x4B0, s30;
	s20 =	sadd.s32 $0xE10, s7;
	[tilespmem:s30+$0xAE0] =	vst v1  }
0x15a: {  	[tilespmem:s20], [sflag:$0x2] =	stream.indirect.gather [hbm4b:s1+s15], $0x1, s13, s15, $0xb8;
	[tilespmem:$0x1B030] =	vst v63  }
0x15b: {  	s13 =	sadd.s32 $0x500, s30;
	s20 =	sor.u32 $0xE60, s7  }
0x15c: {  	[tilespmem:s20], [sflag:$0x2] =	stream.indirect.gather [hbm4b:s1+s15], $0x1, s13, s15, $0xb8;
	[tilespmem:$0x1B030] =	vst v63  }
0x15d: {  	s13 =	sadd.s32 $0x550, s30;
	s20 =	sadd.s32 $0xEB0, s7  }
0x15e: {  	[tilespmem:s20], [sflag:$0x2] =	stream.indirect.gather [hbm4b:s1+s15], $0x1, s13, s15, $0xb8;
	[tilespmem:$0x1B030] =	vst v63  }
.Ltmp4:
0x15f: {  	_ = 	snop;
	(pc) =	sbr.rel .LBB2_6-.Ltmp4, $4  }
0x160: {  	s13 =	sadd.s32 $0x5A0, s30;
	s20 =	sadd.s32 $0xF00, s7  }
0x161: {  	[tilespmem:s20], [sflag:$0x2] =	stream.indirect.gather [hbm4b:s1+s15], $0x1, s13, s15, $0xb8;
	[tilespmem:$0x1B030] =	vst v63  }
0x162: {  	s30 =	sadd.s32 $0x5F0, s30;
	s7 =	sadd.s32 $0xF50, s7  }
0x163: {  	[tilespmem:s7], [sflag:$0x2] =	stream.indirect.gather [hbm4b:s1+s15], $0x1, s30, s15, $0xb8;
	[tilespmem:$0x1B030] =	vst v63  }
.LBB2_7:
0x164: {  	_ =	swait.ge [sflag:s19], $0x1400  }
0x165: {  	[sflag:s19] =	ssyncset.done $0x0  }
0x166: {  	[sflag:s19] =	ssyncadd.s32 $0xFFFFEC00  }
0x167: {  	_ =	swait.ge [sflag:s19], $0x1400  }
0x168: {  	[sflag:s19] =	ssyncset.done $0x0  }
0x169: {  	[sflag:s19] =	ssyncadd.s32 $0xFFFFEC00  }
0x16a: {  	_ =	swait.ge [sflag:s19], $0x1400  }
0x16b: {  	[sflag:s19] =	ssyncset.done $0x0  }
0x16c: {  	[sflag:s19] =	ssyncadd.s32 $0xFFFFEC00  }
0x16d: {  	_ =	swait.ge [sflag:s19], $0x1400  }
0x16e: {  	[sflag:s19] =	ssyncset.done $0x0  }
0x16f: {  	[sflag:s19] =	ssyncadd.s32 $0xFFFFEC00  }
0x170: {  	_ =	swait.ge [sflag:s19], $0x1400  }
0x171: {  	[sflag:s19] =	ssyncset.done $0x0  }
0x172: {  	[sflag:s19] =	ssyncadd.s32 $0xFFFFEC00  }
0x173: {  	_ =	swait.ge [sflag:s19], $0x1400  }
0x174: {  	[sflag:s19] =	ssyncset.done $0x0  }
0x175: {  	[sflag:s19] =	ssyncadd.s32 $0xFFFFEC00  }
0x176: {  	_ =	swait.ge [sflag:s19], $0x1400  }
0x177: {  	[sflag:s19] =	ssyncset.done $0x0  }
0x178: {  	[sflag:s19] =	ssyncadd.s32 $0xFFFFEC00  }
0x179: {  	_ =	swait.ge [sflag:s19], $0x1400  }
0x17a: {  	[sflag:s19] =	ssyncset.done $0x0  }
0x17b: {  	[sflag:s19] =	ssyncadd.s32 $0xFFFFEC00  }
0x17c: {  	_ =	swait.ge [sflag:s19], $0x1400  }
0x17d: {  	[sflag:s19] =	ssyncset.done $0x0  }
0x17e: {  	[sflag:s19] =	ssyncadd.s32 $0xFFFFEC00  }
0x17f: {  	s3 =	simm.s32 $0x0;
	_ =	swait.ge [sflag:s19], $0x1400  }
0x180: {  	s3 =	smul.u32 $0xAB, s3;
	[sflag:s19] =	ssyncset.done $0x0  }
0x181: {  	s7 =	simm.s32 $0xED30;
	[sflag:s19] =	ssyncadd.s32 $0xFFFFEC00  }
0x182: {  	s10 =	simm.s32 $0x2;
	s29 =	sshrl.u32 s3, $0x9;
	[bflag:$0x0] =	sbarrier.arrive $0xFFFF  }
0x183: {  	s3 =	simm.s32 $0x1;
	s8 =	smul.u32 $0x3, s29;
	s20 =	rddreg [dreg:$0x4]  }
0x184: {  	[tilespmem:s7], [sflag:$0x5] =	stream.linear.gather [spmem:s20], $0x1400, $0x38;
	[tilespmem:$0x1B030] =	vst v63  }
0x185: {  	s11 =	smul.u32 $0xAB, s3;
	s8 =	ssub.s32 $0x0, s8;
	_ =	swait.ge [sflag:s14], $0x1400  }
0x186: {  	s9 =	sand.u32 $0x7F, s29;
	s30 =	sshll.u32 s8, $0x4;
	[sflag:s14] =	ssyncset.done $0x0  }
0x187: {  	s12 =	sshll.u32 s9, $0x6;
	s8 =	sand.u32 $0xF0, s30;
	[sflag:s14] =	ssyncadd.s32 $0xFFFFEC00  }
.LBB2_8:
0x188: {  	p0 =	sne.s32 s10, $0xEF  }
0x189: {  	s7 =	sshrl.u32 s11, $0x9;
	s11 =	sor.u32 s8, s12;
	s9 =	smul.u32 $0xC0, s9  }
0x18a: {  	s13 =	smov.u32 s3;
	s3 =	smov.u32 s10;
	s12 =	smul.u32 $0x3, s7;
	v1 =	vld [tilespmem:s11+$0xED30]  }
.Ltmp5:
0x18b: {  	(pc) =	sbr.rel @p0 .LBB2_8-.Ltmp5, $4  }
0x18c: {  	_ = 	snop  }
0x18d: {  	s11 =	smul.u32 $0xAB, s10;
	s12 =	ssub.s32 s13, s12;
	s13 =	sshrl.u32 s9, $0x2  }
0x18e: {  	s9 =	sand.u32 $0x7F, s7;
	s7 =	sshll.u32 s12, $0x4;
	s13 =	sadd.s32 s8, s13  }
0x18f: {  	s10 =	sadd.s32 $0x1, s10;
	s12 =	sshll.u32 s9, $0x6;
	s8 =	sand.u32 $0xF0, s7;
	[tilespmem:s13+$0x10130] =	vst v1  }
0x190: {  	s7 =	sshrl.u32 s11, $0x9;
	s10 =	sor.u32 s8, s12  }
0x191: {  	s11 =	smul.u32 $0x3, s7;
	v1 =	vld [tilespmem:s10+$0xED30]  }
0x192: {  	s9 =	smul.u32 $0xC0, s9  }
0x193: {  	s3 =	ssub.s32 s3, s11  }
0x194: {  	s7 =	sand.u32 $0x7F, s7;
	s9 =	sshrl.u32 s9, $0x2;
	s3 =	sshll.u32 s3, $0x4  }
0x195: {  	s29 =	sshll.u32 s7, $0x6;
	s26 =	sadd.s32 s8, s9;
	s3 =	sand.u32 $0xF0, s3  }
0x196: {  	[tilespmem:s26+$0x10130] =	vst v1;
	s9 =	sor.u32 s3, s29  }
0x197: {  	v1 =	vld [tilespmem:s9+$0xED30]  }
0x198: {  	s7 =	smul.u32 $0xC0, s7;
	_ =	sdelay $0x1  }
0x199: {  	s7 =	sshrl.u32 s7, $0x2  }
0x19a: {  	s10 =	simm.s32 $0x0;
	s3 =	sadd.s32 s3, s7  }
0x19b: {  	s11 =	rddreg [dreg:$0x9];
	[tilespmem:s3+$0x10130] =	vst v1;
	s3 =	smul.u32 $0xAB, s10  }
0x19c: {  	[hbm4b:s11+s10] =	stream.linear.scatter [tilespmem:s31], [sflag:$0x5], $0xF00, $0x38;
	[tilespmem:$0x1B030] =	vst v63  }
0x19d: {  	s12 =	simm.s32 $0xED30;
	s10 =	simm.s32 $0x2;
	_ =	swait.ge [sflag:s14], $0xF00  }
0x19e: {  	s13 =	sshrl.u32 s3, $0x9;
	s3 =	simm.s32 $0x1;
	[sflag:s14] =	ssyncset.done $0x0  }
0x19f: {  	s25 =	rddreg [dreg:$0x5];
	s26 =	smul.u32 $0x3, s13;
	[sflag:s14] =	ssyncadd.s32 $0xFFFFF100  }
0x1a0: {  	[tilespmem:s12], [sflag:$0x5] =	stream.linear.gather [spmem:s25], $0x1400, $0x38;
	[tilespmem:$0x1B030] =	vst v63  }
0x1a1: {  	s11 =	smul.u32 $0xAB, s3;
	s9 =	sand.u32 $0x7F, s13;
	_ =	swait.ge [sflag:s14], $0x1400  }
0x1a2: {  	s8 =	ssub.s32 $0x0, s26;
	s12 =	sshll.u32 s9, $0x6;
	s26 =	rddreg [dreg:$0x6]  }
0x1a3: {  	s29 =	sshll.u32 s8, $0x4;
	[sflag:s14] =	ssyncset.done $0x0;
	s28 =	rddreg [dreg:$0x7]  }
0x1a4: {  	s8 =	sand.u32 $0xF0, s29;
	s30 =	rddreg [dreg:$0x14];
	[sflag:s14] =	ssyncadd.s32 $0xFFFFEC00  }
.LBB2_10:
0x1a5: {  	p0 =	sne.s32 s10, $0xEF  }
0x1a6: {  	s7 =	sshrl.u32 s11, $0x9;
	s11 =	sor.u32 s8, s12;
	s9 =	smul.u32 $0xC0, s9  }
0x1a7: {  	s13 =	smov.u32 s3;
	s3 =	smov.u32 s10;
	s12 =	smul.u32 $0x3, s7;
	v1 =	vld [tilespmem:s11+$0xED30]  }
.Ltmp6:
0x1a8: {  	(pc) =	sbr.rel @p0 .LBB2_10-.Ltmp6, $4  }
0x1a9: {  	_ = 	snop  }
0x1aa: {  	s11 =	smul.u32 $0xAB, s10;
	s12 =	ssub.s32 s13, s12;
	s13 =	sshrl.u32 s9, $0x2  }
0x1ab: {  	s9 =	sand.u32 $0x7F, s7;
	s7 =	sshll.u32 s12, $0x4;
	s13 =	sadd.s32 s8, s13  }
0x1ac: {  	s10 =	sadd.s32 $0x1, s10;
	s12 =	sshll.u32 s9, $0x6;
	s8 =	sand.u32 $0xF0, s7;
	[tilespmem:s13+$0x10130] =	vst v1  }
0x1ad: {  	s7 =	sshrl.u32 s11, $0x9;
	s10 =	sor.u32 s8, s12  }
0x1ae: {  	s11 =	smul.u32 $0x3, s7;
	v1 =	vld [tilespmem:s10+$0xED30]  }
0x1af: {  	s9 =	smul.u32 $0xC0, s9  }
0x1b0: {  	s3 =	ssub.s32 s3, s11  }
0x1b1: {  	s7 =	sand.u32 $0x7F, s7;
	s9 =	sshrl.u32 s9, $0x2;
	s3 =	sshll.u32 s3, $0x4  }
0x1b2: {  	s10 =	sadd.s32 s8, s9;
	s11 =	sshll.u32 s7, $0x6;
	s3 =	sand.u32 $0xF0, s3  }
0x1b3: {  	[tilespmem:s10+$0x10130] =	vst v1;
	s12 =	sor.u32 s3, s11  }
0x1b4: {  	v1 =	vld [tilespmem:s12+$0xED30]  }
0x1b5: {  	s7 =	smul.u32 $0xC0, s7;
	_ =	sdelay $0x1  }
0x1b6: {  	s7 =	sshrl.u32 s7, $0x2  }
0x1b7: {  	s13 =	simm.s32 $0x0;
	s3 =	sadd.s32 s3, s7  }
0x1b8: {  	s8 =	rddreg [dreg:$0xa];
	[tilespmem:s3+$0x10130] =	vst v1;
	s3 =	smul.u32 $0xAB, s13  }
0x1b9: {  	[hbm4b:s8+s13] =	stream.linear.scatter [tilespmem:s31], [sflag:$0x5], $0xF00, $0x38;
	[tilespmem:$0x1B030] =	vst v63  }
0x1ba: {  	_ =	swait.ge [sflag:s14], $0xF00  }
0x1bb: {  	s9 =	simm.s32 $0xED30;
	s10 =	sshrl.u32 s3, $0x9;
	[sflag:s14] =	ssyncset.done $0x0  }
0x1bc: {  	s3 =	simm.s32 $0x1;
	s12 =	smul.u32 $0x3, s10;
	[sflag:s14] =	ssyncadd.s32 $0xFFFFF100  }
0x1bd: {  	[tilespmem:s9], [sflag:$0x5] =	stream.linear.gather [spmem:s26], $0x1400, $0x38;
	[tilespmem:$0x1B030] =	vst v63  }
0x1be: {  	s11 =	smul.u32 $0xAB, s3;
	s8 =	ssub.s32 $0x0, s12  }
0x1bf: {  	s9 =	sand.u32 $0x7F, s10;
	s10 =	simm.s32 $0x2;
	_ =	swait.ge [sflag:s14], $0x1400  }
0x1c0: {  	s13 =	sshll.u32 s8, $0x4;
	s12 =	sshll.u32 s9, $0x6;
	[sflag:s14] =	ssyncset.done $0x0  }
0x1c1: {  	s8 =	sand.u32 $0xF0, s13;
	s29 =	rddreg [dreg:$0x13];
	[sflag:s14] =	ssyncadd.s32 $0xFFFFEC00  }
.LBB2_12:
0x1c2: {  	p0 =	sne.s32 s10, $0xEF  }
0x1c3: {  	s7 =	sshrl.u32 s11, $0x9;
	s11 =	sor.u32 s8, s12;
	s9 =	smul.u32 $0xC0, s9  }
0x1c4: {  	s13 =	smov.u32 s3;
	s3 =	smov.u32 s10;
	s12 =	smul.u32 $0x3, s7;
	v1 =	vld [tilespmem:s11+$0xED30]  }
.Ltmp7:
0x1c5: {  	(pc) =	sbr.rel @p0 .LBB2_12-.Ltmp7, $4  }
0x1c6: {  	_ = 	snop  }
0x1c7: {  	s11 =	smul.u32 $0xAB, s10;
	s12 =	ssub.s32 s13, s12;
	s13 =	sshrl.u32 s9, $0x2  }
0x1c8: {  	s9 =	sand.u32 $0x7F, s7;
	s7 =	sshll.u32 s12, $0x4;
	s13 =	sadd.s32 s8, s13  }
0x1c9: {  	s10 =	sadd.s32 $0x1, s10;
	s12 =	sshll.u32 s9, $0x6;
	s8 =	sand.u32 $0xF0, s7;
	[tilespmem:s13+$0x10130] =	vst v1  }
0x1ca: {  	s7 =	sshrl.u32 s11, $0x9;
	s10 =	sor.u32 s8, s12  }
0x1cb: {  	s11 =	smul.u32 $0x3, s7;
	v1 =	vld [tilespmem:s10+$0xED30]  }
0x1cc: {  	s9 =	smul.u32 $0xC0, s9  }
0x1cd: {  	s3 =	ssub.s32 s3, s11  }
0x1ce: {  	s7 =	sand.u32 $0x7F, s7;
	s9 =	sshrl.u32 s9, $0x2;
	s3 =	sshll.u32 s3, $0x4  }
0x1cf: {  	s10 =	sadd.s32 s8, s9;
	s11 =	sshll.u32 s7, $0x6;
	s3 =	sand.u32 $0xF0, s3  }
0x1d0: {  	[tilespmem:s10+$0x10130] =	vst v1;
	s12 =	sor.u32 s3, s11  }
0x1d1: {  	v1 =	vld [tilespmem:s12+$0xED30]  }
0x1d2: {  	s7 =	smul.u32 $0xC0, s7;
	_ =	sdelay $0x1  }
0x1d3: {  	s7 =	sshrl.u32 s7, $0x2  }
0x1d4: {  	s13 =	simm.s32 $0x0;
	s3 =	sadd.s32 s3, s7  }
0x1d5: {  	s8 =	rddreg [dreg:$0xb];
	[tilespmem:s3+$0x10130] =	vst v1;
	s3 =	smul.u32 $0xAB, s13  }
0x1d6: {  	[hbm4b:s8+s13] =	stream.linear.scatter [tilespmem:s31], [sflag:$0x5], $0xF00, $0x38;
	[tilespmem:$0x1B030] =	vst v63  }
0x1d7: {  	_ =	swait.ge [sflag:s14], $0xF00;
	s10 =	sshrl.u32 s3, $0x9  }
0x1d8: {  	s3 =	simm.s32 $0x1;
	[sflag:s14] =	ssyncset.done $0x0;
	s12 =	smul.u32 $0x3, s10  }
0x1d9: {  	s9 =	simm.s32 $0xED30;
	s11 =	smul.u32 $0xAB, s3;
	[sflag:s14] =	ssyncadd.s32 $0xFFFFF100  }
0x1da: {  	[tilespmem:s9], [sflag:$0x5] =	stream.linear.gather [spmem:s28], $0x1400, $0x38;
	[tilespmem:$0x1B030] =	vst v63  }
0x1db: {  	s8 =	ssub.s32 $0x0, s12;
	s9 =	sand.u32 $0x7F, s10;
	_ =	swait.ge [sflag:s14], $0x1400  }
0x1dc: {  	s10 =	simm.s32 $0x2;
	s13 =	sshll.u32 s8, $0x4;
	[sflag:s14] =	ssyncset.done $0x0  }
0x1dd: {  	s12 =	sshll.u32 s9, $0x6;
	s8 =	sand.u32 $0xF0, s13;
	[sflag:s14] =	ssyncadd.s32 $0xFFFFEC00  }
.LBB2_14:
0x1de: {  	p0 =	sne.s32 s10, $0xEF  }
0x1df: {  	s7 =	sshrl.u32 s11, $0x9;
	s11 =	sor.u32 s8, s12;
	s9 =	smul.u32 $0xC0, s9  }
0x1e0: {  	s13 =	smov.u32 s3;
	s3 =	smov.u32 s10;
	s12 =	smul.u32 $0x3, s7;
	v1 =	vld [tilespmem:s11+$0xED30]  }
.Ltmp8:
0x1e1: {  	(pc) =	sbr.rel @p0 .LBB2_14-.Ltmp8, $4  }
0x1e2: {  	_ = 	snop  }
0x1e3: {  	s11 =	smul.u32 $0xAB, s10;
	s12 =	ssub.s32 s13, s12;
	s13 =	sshrl.u32 s9, $0x2  }
0x1e4: {  	s9 =	sand.u32 $0x7F, s7;
	s7 =	sshll.u32 s12, $0x4;
	s13 =	sadd.s32 s8, s13  }
0x1e5: {  	s10 =	sadd.s32 $0x1, s10;
	s12 =	sshll.u32 s9, $0x6;
	s8 =	sand.u32 $0xF0, s7;
	[tilespmem:s13+$0x10130] =	vst v1  }
0x1e6: {  	s7 =	sshrl.u32 s11, $0x9;
	s10 =	sor.u32 s8, s12  }
0x1e7: {  	s11 =	smul.u32 $0x3, s7;
	v1 =	vld [tilespmem:s10+$0xED30]  }
0x1e8: {  	s9 =	smul.u32 $0xC0, s9  }
0x1e9: {  	s3 =	ssub.s32 s3, s11  }
0x1ea: {  	s7 =	sand.u32 $0x7F, s7;
	s9 =	sshrl.u32 s9, $0x2;
	s3 =	sshll.u32 s3, $0x4  }
0x1eb: {  	s10 =	sadd.s32 s8, s9;
	s11 =	sshll.u32 s7, $0x6;
	s3 =	sand.u32 $0xF0, s3  }
0x1ec: {  	[tilespmem:s10+$0x10130] =	vst v1;
	s12 =	sor.u32 s3, s11  }
0x1ed: {  	v1 =	vld [tilespmem:s12+$0xED30]  }
0x1ee: {  	s7 =	smul.u32 $0xC0, s7;
	_ =	sdelay $0x1  }
0x1ef: {  	s7 =	sshrl.u32 s7, $0x2  }
0x1f0: {  	s13 =	simm.s32 $0x0;
	s3 =	sadd.s32 s3, s7  }
0x1f1: {  	s8 =	rddreg [dreg:$0xc];
	[tilespmem:s3+$0x10130] =	vst v1;
	s3 =	smul.u32 $0xAB, s13  }
0x1f2: {  	[hbm4b:s8+s13] =	stream.linear.scatter [tilespmem:s31], [sflag:$0x5], $0xF00, $0x38;
	[tilespmem:$0x1B030] =	vst v63  }
0x1f3: {  	_ =	swait.ge [sflag:s14], $0xF00;
	s10 =	sshrl.u32 s3, $0x9  }
0x1f4: {  	s3 =	simm.s32 $0x1;
	[sflag:s14] =	ssyncset.done $0x0;
	s12 =	smul.u32 $0x3, s10  }
0x1f5: {  	s9 =	simm.s32 $0xED30;
	s11 =	smul.u32 $0xAB, s3;
	[sflag:s14] =	ssyncadd.s32 $0xFFFFF100  }
0x1f6: {  	[tilespmem:s9], [sflag:$0x5] =	stream.linear.gather [spmem:s29], $0x1400, $0x38;
	[tilespmem:$0x1B030] =	vst v63  }
0x1f7: {  	s8 =	ssub.s32 $0x0, s12;
	s9 =	sand.u32 $0x7F, s10;
	_ =	swait.ge [sflag:s14], $0x1400  }
0x1f8: {  	s10 =	simm.s32 $0x2;
	s13 =	sshll.u32 s8, $0x4;
	[sflag:s14] =	ssyncset.done $0x0  }
0x1f9: {  	s12 =	sshll.u32 s9, $0x6;
	s8 =	sand.u32 $0xF0, s13;
	[sflag:s14] =	ssyncadd.s32 $0xFFFFEC00  }
.LBB2_16:
0x1fa: {  	p0 =	sne.s32 s10, $0xEF  }
0x1fb: {  	s7 =	sshrl.u32 s11, $0x9;
	s11 =	sor.u32 s8, s12;
	s9 =	smul.u32 $0xC0, s9  }
0x1fc: {  	s13 =	smov.u32 s3;
	s3 =	smov.u32 s10;
	s12 =	smul.u32 $0x3, s7;
	v1 =	vld [tilespmem:s11+$0xED30]  }
.Ltmp9:
0x1fd: {  	(pc) =	sbr.rel @p0 .LBB2_16-.Ltmp9, $4  }
0x1fe: {  	_ = 	snop  }
0x1ff: {  	s11 =	smul.u32 $0xAB, s10;
	s12 =	ssub.s32 s13, s12;
	s13 =	sshrl.u32 s9, $0x2  }
0x200: {  	s9 =	sand.u32 $0x7F, s7;
	s7 =	sshll.u32 s12, $0x4;
	s13 =	sadd.s32 s8, s13  }
0x201: {  	s10 =	sadd.s32 $0x1, s10;
	s12 =	sshll.u32 s9, $0x6;
	s8 =	sand.u32 $0xF0, s7;
	[tilespmem:s13+$0x10130] =	vst v1  }
0x202: {  	s7 =	sshrl.u32 s11, $0x9;
	s10 =	sor.u32 s8, s12  }
0x203: {  	s11 =	smul.u32 $0x3, s7;
	v1 =	vld [tilespmem:s10+$0xED30]  }
0x204: {  	s9 =	smul.u32 $0xC0, s9  }
0x205: {  	s3 =	ssub.s32 s3, s11  }
0x206: {  	s7 =	sand.u32 $0x7F, s7;
	s9 =	sshrl.u32 s9, $0x2;
	s3 =	sshll.u32 s3, $0x4  }
0x207: {  	s10 =	sadd.s32 s8, s9;
	s11 =	sshll.u32 s7, $0x6;
	s3 =	sand.u32 $0xF0, s3  }
0x208: {  	[tilespmem:s10+$0x10130] =	vst v1;
	s12 =	sor.u32 s3, s11  }
0x209: {  	v1 =	vld [tilespmem:s12+$0xED30]  }
0x20a: {  	s7 =	smul.u32 $0xC0, s7;
	_ =	sdelay $0x1  }
0x20b: {  	s7 =	sshrl.u32 s7, $0x2  }
0x20c: {  	s13 =	simm.s32 $0x0;
	s3 =	sadd.s32 s3, s7  }
0x20d: {  	s8 =	rddreg [dreg:$0xd];
	[tilespmem:s3+$0x10130] =	vst v1;
	s3 =	smul.u32 $0xAB, s13  }
0x20e: {  	[hbm4b:s8+s13] =	stream.linear.scatter [tilespmem:s31], [sflag:$0x5], $0xF00, $0x38;
	[tilespmem:$0x1B030] =	vst v63  }
0x20f: {  	_ =	swait.ge [sflag:s14], $0xF00;
	s10 =	sshrl.u32 s3, $0x9  }
0x210: {  	s3 =	simm.s32 $0x1;
	[sflag:s14] =	ssyncset.done $0x0;
	s12 =	smul.u32 $0x3, s10  }
0x211: {  	s9 =	simm.s32 $0xED30;
	s11 =	smul.u32 $0xAB, s3;
	[sflag:s14] =	ssyncadd.s32 $0xFFFFF100  }
0x212: {  	[tilespmem:s9], [sflag:$0x5] =	stream.linear.gather [spmem:s30], $0x1400, $0x38;
	[tilespmem:$0x1B030] =	vst v63  }
0x213: {  	s8 =	ssub.s32 $0x0, s12;
	s9 =	sand.u32 $0x7F, s10;
	_ =	swait.ge [sflag:s14], $0x1400  }
0x214: {  	s10 =	simm.s32 $0x2;
	s13 =	sshll.u32 s8, $0x4;
	[sflag:s14] =	ssyncset.done $0x0  }
0x215: {  	s12 =	sshll.u32 s9, $0x6;
	s8 =	sand.u32 $0xF0, s13;
	[sflag:s14] =	ssyncadd.s32 $0xFFFFEC00  }
.LBB2_18:
0x216: {  	p0 =	sne.s32 s10, $0xEF  }
0x217: {  	s7 =	sshrl.u32 s11, $0x9;
	s11 =	sor.u32 s8, s12;
	s9 =	smul.u32 $0xC0, s9  }
0x218: {  	s13 =	smov.u32 s3;
	s3 =	smov.u32 s10;
	s12 =	smul.u32 $0x3, s7;
	v1 =	vld [tilespmem:s11+$0xED30]  }
.Ltmp10:
0x219: {  	(pc) =	sbr.rel @p0 .LBB2_18-.Ltmp10, $4  }
0x21a: {  	_ = 	snop  }
0x21b: {  	s11 =	smul.u32 $0xAB, s10;
	s12 =	ssub.s32 s13, s12;
	s13 =	sshrl.u32 s9, $0x2  }
0x21c: {  	s9 =	sand.u32 $0x7F, s7;
	s7 =	sshll.u32 s12, $0x4;
	s13 =	sadd.s32 s8, s13  }
0x21d: {  	s10 =	sadd.s32 $0x1, s10;
	s12 =	sshll.u32 s9, $0x6;
	s8 =	sand.u32 $0xF0, s7;
	[tilespmem:s13+$0x10130] =	vst v1  }
0x21e: {  	s7 =	sshrl.u32 s11, $0x9;
	s10 =	sor.u32 s8, s12  }
0x21f: {  	s11 =	smul.u32 $0x3, s7;
	v1 =	vld [tilespmem:s10+$0xED30]  }
0x220: {  	s9 =	smul.u32 $0xC0, s9  }
0x221: {  	s3 =	ssub.s32 s3, s11  }
0x222: {  	s7 =	sand.u32 $0x7F, s7;
	s9 =	sshrl.u32 s9, $0x2;
	s3 =	sshll.u32 s3, $0x4  }
0x223: {  	s10 =	sshll.u32 s7, $0x6;
	s9 =	sadd.s32 s8, s9;
	s3 =	sand.u32 $0xF0, s3  }
0x224: {  	[tilespmem:s9+$0x10130] =	vst v1;
	s11 =	sor.u32 s3, s10  }
0x225: {  	v1 =	vld [tilespmem:s11+$0xED30]  }
0x226: {  	s7 =	smul.u32 $0xC0, s7;
	_ =	sdelay $0x1  }
0x227: {  	s7 =	sshrl.u32 s7, $0x2  }
0x228: {  	s12 =	simm.s32 $0x0;
	s3 =	sadd.s32 s3, s7  }
0x229: {  	s13 =	rddreg [dreg:$0xe];
	[tilespmem:s3+$0x10130] =	vst v1;
	s3 =	smul.u32 $0xAB, s12  }
0x22a: {  	[hbm4b:s13+s12] =	stream.linear.scatter [tilespmem:s31], [sflag:$0x5], $0xF00, $0x38;
	[tilespmem:$0x1B030] =	vst v63  }
0x22b: {  	s9 =	simm.s32 $0xED30;
	_ =	swait.ge [sflag:s14], $0xF00;
	s10 =	sshrl.u32 s3, $0x9  }
0x22c: {  	s3 =	simm.s32 $0x1;
	[sflag:s14] =	ssyncset.done $0x0;
	s12 =	smul.u32 $0x3, s10  }
0x22d: {  	s8 =	rddreg [dreg:$0x15];
	s11 =	smul.u32 $0xAB, s3;
	[sflag:s14] =	ssyncadd.s32 $0xFFFFF100  }
0x22e: {  	[tilespmem:s9], [sflag:$0x5] =	stream.linear.gather [spmem:s8], $0x1400, $0x38;
	[tilespmem:$0x1B030] =	vst v63  }
0x22f: {  	s8 =	ssub.s32 $0x0, s12;
	s9 =	sand.u32 $0x7F, s10;
	_ =	swait.ge [sflag:s14], $0x1400  }
0x230: {  	s10 =	simm.s32 $0x2;
	s13 =	sshll.u32 s8, $0x4;
	[sflag:s14] =	ssyncset.done $0x0  }
0x231: {  	s12 =	sshll.u32 s9, $0x6;
	s8 =	sand.u32 $0xF0, s13;
	[sflag:s14] =	ssyncadd.s32 $0xFFFFEC00  }
.LBB2_20:
0x232: {  	p0 =	sne.s32 s10, $0xEF  }
0x233: {  	s7 =	sshrl.u32 s11, $0x9;
	s11 =	sor.u32 s8, s12;
	s9 =	smul.u32 $0xC0, s9  }
0x234: {  	s13 =	smov.u32 s3;
	s3 =	smov.u32 s10;
	s12 =	smul.u32 $0x3, s7;
	v1 =	vld [tilespmem:s11+$0xED30]  }
.Ltmp11:
0x235: {  	(pc) =	sbr.rel @p0 .LBB2_20-.Ltmp11, $4  }
0x236: {  	_ = 	snop  }
0x237: {  	s11 =	smul.u32 $0xAB, s10;
	s12 =	ssub.s32 s13, s12;
	s13 =	sshrl.u32 s9, $0x2  }
0x238: {  	s9 =	sand.u32 $0x7F, s7;
	s7 =	sshll.u32 s12, $0x4;
	s13 =	sadd.s32 s8, s13  }
0x239: {  	s10 =	sadd.s32 $0x1, s10;
	s12 =	sshll.u32 s9, $0x6;
	s8 =	sand.u32 $0xF0, s7;
	[tilespmem:s13+$0x10130] =	vst v1  }
0x23a: {  	s7 =	sshrl.u32 s11, $0x9;
	s10 =	sor.u32 s8, s12  }
0x23b: {  	s11 =	smul.u32 $0x3, s7;
	v1 =	vld [tilespmem:s10+$0xED30]  }
0x23c: {  	s9 =	smul.u32 $0xC0, s9  }
0x23d: {  	s3 =	ssub.s32 s3, s11  }
0x23e: {  	s7 =	sand.u32 $0x7F, s7;
	s9 =	sshrl.u32 s9, $0x2;
	s3 =	sshll.u32 s3, $0x4  }
0x23f: {  	s10 =	sshll.u32 s7, $0x6;
	s9 =	sadd.s32 s8, s9;
	s3 =	sand.u32 $0xF0, s3  }
0x240: {  	[tilespmem:s9+$0x10130] =	vst v1;
	s11 =	sor.u32 s3, s10  }
0x241: {  	v1 =	vld [tilespmem:s11+$0xED30]  }
0x242: {  	s7 =	smul.u32 $0xC0, s7;
	_ =	sdelay $0x1  }
0x243: {  	s7 =	sshrl.u32 s7, $0x2  }
0x244: {  	s12 =	simm.s32 $0x0;
	s3 =	sadd.s32 s3, s7  }
0x245: {  	s13 =	rddreg [dreg:$0xf];
	[tilespmem:s3+$0x10130] =	vst v1;
	s3 =	smul.u32 $0xAB, s12  }
0x246: {  	[hbm4b:s13+s12] =	stream.linear.scatter [tilespmem:s31], [sflag:$0x5], $0xF00, $0x38;
	[tilespmem:$0x1B030] =	vst v63  }
0x247: {  	s9 =	simm.s32 $0xED30;
	_ =	swait.ge [sflag:s14], $0xF00;
	s10 =	sshrl.u32 s3, $0x9  }
0x248: {  	s3 =	simm.s32 $0x1;
	[sflag:s14] =	ssyncset.done $0x0;
	s12 =	smul.u32 $0x3, s10  }
0x249: {  	s8 =	rddreg [dreg:$0x16];
	s11 =	smul.u32 $0xAB, s3;
	[sflag:s14] =	ssyncadd.s32 $0xFFFFF100  }
0x24a: {  	[tilespmem:s9], [sflag:$0x5] =	stream.linear.gather [spmem:s8], $0x1400, $0x38;
	[tilespmem:$0x1B030] =	vst v63  }
0x24b: {  	s8 =	ssub.s32 $0x0, s12;
	s9 =	sand.u32 $0x7F, s10;
	_ =	swait.ge [sflag:s14], $0x1400  }
0x24c: {  	s10 =	simm.s32 $0x2;
	s13 =	sshll.u32 s8, $0x4;
	[sflag:s14] =	ssyncset.done $0x0  }
0x24d: {  	s12 =	sshll.u32 s9, $0x6;
	s8 =	sand.u32 $0xF0, s13;
	[sflag:s14] =	ssyncadd.s32 $0xFFFFEC00  }
.LBB2_22:
0x24e: {  	p0 =	sne.s32 s10, $0xEF  }
0x24f: {  	s7 =	sshrl.u32 s11, $0x9;
	s11 =	sor.u32 s8, s12;
	s9 =	smul.u32 $0xC0, s9  }
0x250: {  	s13 =	smov.u32 s3;
	s3 =	smov.u32 s10;
	s12 =	smul.u32 $0x3, s7;
	v1 =	vld [tilespmem:s11+$0xED30]  }
.Ltmp12:
0x251: {  	(pc) =	sbr.rel @p0 .LBB2_22-.Ltmp12, $4  }
0x252: {  	_ = 	snop  }
0x253: {  	s11 =	smul.u32 $0xAB, s10;
	s12 =	ssub.s32 s13, s12;
	s13 =	sshrl.u32 s9, $0x2  }
0x254: {  	s9 =	sand.u32 $0x7F, s7;
	s7 =	sshll.u32 s12, $0x4;
	s13 =	sadd.s32 s8, s13  }
0x255: {  	s10 =	sadd.s32 $0x1, s10;
	s12 =	sshll.u32 s9, $0x6;
	s8 =	sand.u32 $0xF0, s7;
	[tilespmem:s13+$0x10130] =	vst v1  }
0x256: {  	s7 =	sshrl.u32 s11, $0x9;
	s10 =	sor.u32 s8, s12  }
0x257: {  	s11 =	smul.u32 $0x3, s7;
	v1 =	vld [tilespmem:s10+$0xED30]  }
0x258: {  	s9 =	smul.u32 $0xC0, s9  }
0x259: {  	s3 =	ssub.s32 s3, s11  }
0x25a: {  	s7 =	sand.u32 $0x7F, s7;
	s9 =	sshrl.u32 s9, $0x2;
	s3 =	sshll.u32 s3, $0x4  }
0x25b: {  	s10 =	sshll.u32 s7, $0x6;
	s9 =	sadd.s32 s8, s9;
	s3 =	sand.u32 $0xF0, s3  }
0x25c: {  	[tilespmem:s9+$0x10130] =	vst v1;
	s11 =	sor.u32 s3, s10  }
0x25d: {  	v1 =	vld [tilespmem:s11+$0xED30]  }
0x25e: {  	s7 =	smul.u32 $0xC0, s7;
	_ =	sdelay $0x1  }
0x25f: {  	s7 =	sshrl.u32 s7, $0x2  }
0x260: {  	s3 =	sadd.s32 s3, s7  }
0x261: {  	s12 =	rddreg [dreg:$0x10];
	[tilespmem:s3+$0x10130] =	vst v1  }
0x262: {  	[hbm4b:s12+s4] =	stream.linear.scatter [tilespmem:s31], [sflag:$0x5], $0xF00, $0x38;
	[tilespmem:$0x1B030] =	vst v63  }
0x263: {  	_ =	swait.ge [sflag:s14], $0xF00  }
0x264: {  	s0 =	sadd.s32 $0x1, s0;
	s13 =	rddreg [dreg:$0x11]  }
0x265: {  	p0 =	sne.s32 s0, s13  }
.Ltmp13:
0x266: {  	_ = 	snop;
	(pc) =	sbr.rel @p0 .LBB2_1-.Ltmp13, $3  }
0x267: {  	_ =	sdelay $0x1  }
0x268: {  	[sflag:s14] =	ssyncset.done $0x0  }
0x269: {  	[sflag:s14] =	ssyncadd.s32 $0xFFFFF100  }
0x26a: {  	_ =	sfence.sel $0x180000  }
0x26b: {  	[bflag:$0x0] =	sbarrier.arrive $0xFFFF  }
0x26c: {  	_ =	strace $0x90000047  }
0x26d: {  	s0 =	stileid.u32;
	[bflag:$0x2] =	sbarrier.arrive $0xFFFF  }
0x26e: {  	p0 =	sne.s32 s0, $0x0;
	s0 =	rddreg [dreg:$0x3]  }
0x26f: {  	s0 =	sadd.s32 @!p0 $0x100000, s0  }
0x270: {  	[sflag:s0] =	ssyncadd.tile.s32 @!p0 $0x1;
	_ =	shalt  }
.Lfunc_end2:
_tile_overlayer_lowered:
.L_overlay_start_2:
0x271: {  	(tag) =	ssettag $0x2  }
0x272: {  	s0 =	rddreg [dreg:$0x0];
	s2 =	stileid.u32  }
0x273: {  	s1 =	rddreg [dreg:$0x1];
	p0 =	sne.s32 s2, $0x0  }
0x274: {  	s3 =	rddreg [dreg:$0x2];
	[bflag:$0x3] =	sbarrier.arrive $0xFFFF;
	s2 =	simm.s32 @!p0 $0x1C05  }
0x275: {  	[timem:s3], [sflag:s2] =	dma.local @!p0 [hbm:s0], s1  }
0x276: {  	s0 =	simm.s32 @!p0 $0x5  }
0x277: {  	_ =	swait.ge @!p0 [sflag:s0], s1  }
0x278: {  	s1 =	ssub.s32 @!p0 $0x0, s1;
	[sflag:s0] =	ssyncset.done @!p0 $0x0  }
0x279: {  	[sflag:s0] =	ssyncadd.s32 @!p0 s1  }
0x27a: {  	[bflag:$0x3] =	sbarrier.arrive $0xFFFF  }
0x27b: {  	_ =	shalt  }

// kernel: kernel.9.cloned.1.call-start
scs
__scs_entry_jumppad:
0x0: {  	(pc) =	sbr.rel $0x88, $3  }
0x1: {  	(tag) =	ssettag $0x0;
	lr =	simm.s32 $0x1  }
0x2: {  	[smem:$0x3F99] =	sst lr;
	_ =	strace $0xD0000000  }
0x3: {  	_ = 	snop  }
0x4: {  	_ = 	snop  }
0x5: {  	_ = 	snop  }
0x6: {  	_ = 	snop  }
0x7: {  	_ = 	snop  }
__scs_overlays_trampoline_lowered:
0x8: {  	[smem:$0x3FA8] =	sst s0  }
0x9: {  	[smem:$0x3FA9] =	sst s1  }
0xa: {  	[smem:$0x3FAA] =	sst s2  }
0xb: {  	[smem:$0x3FAB] =	sst s3  }
0xc: {  	[smem:$0x3FAC] =	sst s4  }
0xd: {  	[smem:$0x3FAD] =	sst s5  }
0xe: {  	[smem:$0x3FAE] =	sst s6  }
0xf: {  	[smem:$0x3FAF] =	sst s7  }
0x10: {  	[smem:$0x3FB0] =	sst s8  }
0x11: {  	[smem:$0x3FB1] =	sst s9;
	s0 =	simm.s32 @!p0 $0x0  }
0x12: {  	s1 =	sld [smem:$0x3F97];
	s0 =	simm.s32 @p0 $0x1  }
0x13: {  	[smem:$0x3FB2] =	sst s0;
	s0 =	simm.s32 @!p1 $0x0  }
0x14: {  	s2 =	sld [smem:$0x3F96];
	s0 =	simm.s32 @p1 $0x1  }
0x15: {  	[smem:$0x3FB3] =	sst s0;
	s0 =	simm.s32 @!p2 $0x0  }
0x16: {  	s3 =	sld [smem:$0x3FDB];
	s0 =	simm.s32 @p2 $0x1  }
0x17: {  	s4 =	simm.s32 $0x1BF5;
	[smem:$0x3FB5] =	sst s0  }
0x18: {  	s0 =	sld [smem:$0x3F98];
	_ =	swait.ge [sflag:s4], $0x0  }
0x19: {  	s7 =	sld [smem:$0x3F99]  }
0x1a: {  	s8 =	sadd.s32 $0xFFFFE003, lr  }
0x1b: {  	s9 =	sadd.s32 $0xFFFFFEF7, lr;
	s5 =	simm.s32 $0xFFFFFFFF;
	p2 =	slt.u32 s8, $0xFFFFF086  }
0x1c: {  	p1 =	slt.u32 s9, $0xF7A;
	s5 =	simm.s32 @!p2 $0x0  }
0x1d: {  	s5 =	simm.s32 @p1 $0x1;
	p0 =	seq.s32 s7, s2  }
0x1e: {  	s7 =	smul.u32 @!p0 $0xF7A, s2;
	p2 =	seq.s32 @!p0 s5, $0x0  }
0x1f: {  	s9 =	smul.u32 $0xF7A, s1;
	s8 =	simm.s32 @!p0 $0x1BF5;
	p2 =	por !p2, p0  }
0x20: {  	[sflag:s8] =	ssyncset.s32 @!p0 $0xFFFFF086;
	s6 =	sadd.s32 @!p0 s3, s7;
	s7 =	simm.s32 @!p0 $0x108  }
0x21: {  	s3 =	sadd.s32 s3, s9;
	s6 =	sadd.s32 @!p0 $0x88, s6;
	s7 =	simm.s32 @p2 $0x1082  }
0x22: {  	[simem:s7], [sflag:s8] =	dma.local @!p0 [hbm:s6], $0xF7A  }
0x23: {  	s9 =	sor.u32 $0xD0000000, s2;
	s6 =	simm.s32 $0x108;
	_ =	swait.ge @!p0 [sflag:s8], $0x0  }
0x24: {  	s3 =	sadd.s32 $0x88, s3;
	s6 =	simm.s32 @!p1 $0x1082;
	[sflag:s4] =	ssyncset.s32 $0xFFFFF086  }
0x25: {  	[simem:s6], [sflag:s4] =	dma.local [hbm:s3], $0xF7A  }
0x26: {  	[smem:$0x3F99] =	sst s1;
	(tag) =	ssettag s2;
	_ =	strace s9  }
0x27: {  	s1 =	sld [smem:$0x3FA9]  }
0x28: {  	s2 =	sld [smem:$0x3FAA]  }
0x29: {  	s4 =	sld [smem:$0x3FAC]  }
0x2a: {  	p0 =	seq.s32 s5, $0x0;
	s5 =	sld [smem:$0x3FAD]  }
0x2b: {  	s6 =	sld [smem:$0x3FAE]  }
0x2c: {  	s7 =	sld [smem:$0x3FAF]  }
0x2d: {  	s3 =	simm.s32 $0x108;
	s8 =	sld [smem:$0x3FB0]  }
0x2e: {  	s3 =	simm.s32 @!p0 $0x1082;
	s9 =	sld [smem:$0x3FB1]  }
0x2f: {  	lr =	sadd.s32 s0, s3;
	s0 =	sld [smem:$0x3FA8]  }
0x30: {  	s3 =	sld [smem:$0x3FAB]  }
0x31: {  	[smem:$0x3FB4] =	sst s10  }
0x32: {  	s10 =	sld [smem:$0x3FB2];
	_ =	sdelay $0x3  }
0x33: {  	p0 =	seq.s32 s10, $0x1;
	s10 =	sld [smem:$0x3FB4];
	_ =	sdelay $0x3  }
0x34: {  	[smem:$0x3FB4] =	sst s10  }
0x35: {  	s10 =	sld [smem:$0x3FB3];
	_ =	sdelay $0x3  }
0x36: {  	p1 =	seq.s32 s10, $0x1;
	s10 =	sld [smem:$0x3FB4];
	_ =	sdelay $0x3  }
0x37: {  	[smem:$0x3FB4] =	sst s10  }
0x38: {  	s10 =	sld [smem:$0x3FB5]  }
0x39: {  	_ = 	snop;
	(pc) =	sbr.ind lr, $3  }
0x3a: {  	_ = 	snop  }
0x3b: {  	_ = 	snop  }
0x3c: {  	p2 =	seq.s32 s10, $0x1;
	s10 =	sld [smem:$0x3FB4]  }
0x3d: {  	_ =	shalt  }
0x3e: {  	_ =	shalt  }
0x3f: {  	_ =	shalt  }
0x40: {  	_ =	shalt  }
0x41: {  	_ =	shalt  }
0x42: {  	_ =	shalt  }
0x43: {  	_ =	shalt  }
0x44: {  	_ =	shalt  }
0x45: {  	_ =	shalt  }
0x46: {  	_ =	shalt  }
0x47: {  	_ =	shalt  }
0x48: {  	_ =	shalt  }
0x49: {  	_ =	shalt  }
0x4a: {  	_ =	shalt  }
0x4b: {  	_ =	shalt  }
0x4c: {  	_ =	shalt  }
0x4d: {  	_ =	shalt  }
0x4e: {  	_ =	shalt  }
0x4f: {  	_ =	shalt  }
0x50: {  	_ =	shalt  }
0x51: {  	_ =	shalt  }
0x52: {  	_ =	shalt  }
0x53: {  	_ =	shalt  }
0x54: {  	_ =	shalt  }
0x55: {  	_ =	shalt  }
0x56: {  	_ =	shalt  }
0x57: {  	_ =	shalt  }
0x58: {  	_ =	shalt  }
0x59: {  	_ =	shalt  }
0x5a: {  	_ =	shalt  }
0x5b: {  	_ =	shalt  }
0x5c: {  	_ =	shalt  }
0x5d: {  	_ =	shalt  }
0x5e: {  	_ =	shalt  }
0x5f: {  	_ =	shalt  }
0x60: {  	_ =	shalt  }
0x61: {  	_ =	shalt  }
0x62: {  	_ =	shalt  }
0x63: {  	_ =	shalt  }
0x64: {  	_ =	shalt  }
0x65: {  	_ =	shalt  }
0x66: {  	_ =	shalt  }
0x67: {  	_ =	shalt  }
0x68: {  	_ =	shalt  }
0x69: {  	_ =	shalt  }
0x6a: {  	_ =	shalt  }
0x6b: {  	_ =	shalt  }
0x6c: {  	_ =	shalt  }
0x6d: {  	_ =	shalt  }
0x6e: {  	_ =	shalt  }
0x6f: {  	_ =	shalt  }
0x70: {  	_ =	shalt  }
0x71: {  	_ =	shalt  }
0x72: {  	_ =	shalt  }
0x73: {  	_ =	shalt  }
0x74: {  	_ =	shalt  }
0x75: {  	_ =	shalt  }
0x76: {  	_ =	shalt  }
0x77: {  	_ =	shalt  }
0x78: {  	_ =	shalt  }
0x79: {  	_ =	shalt  }
0x7a: {  	_ =	shalt  }
0x7b: {  	_ =	shalt  }
0x7c: {  	_ =	shalt  }
0x7d: {  	_ =	shalt  }
0x7e: {  	_ =	shalt  }
0x7f: {  	_ =	shalt  }
0x80: {  	_ =	shalt  }
0x81: {  	_ =	shalt  }
0x82: {  	_ =	shalt  }
0x83: {  	_ =	shalt  }
0x84: {  	_ =	shalt  }
0x85: {  	_ =	shalt  }
0x86: {  	_ =	shalt  }
0x87: {  	_ =	shalt  }
.Lfunc_end0:
.L_simem_size_0:
called_computation.1_lowered:
.L_overlay_start_0:
0x88: {  	s2 =	sld [smem:$0x3FD9]  }
0x89: {  	s3 =	sld [smem:$0x3FFE];
	_ =	sdelay $0x1  }
0x8a: {  	s1 =	srdreg.scid  }
0x8b: {  	s0 =	sand.u32 $0x1, s1  }
0x8c: {  	s17 =	sshll.u32 s0, $0xA;
	s2 =	sadd.s32 s3, s2  }
0x8d: {  	s2 =	sadd.s32 s2, s17  }
0x8e: {  	[smem:$0x3FC0] =	sst s2  }
0x8f: {  	_ = 	snop  }
0x90: {  	s2 =	sld [smem:$0x3FD0];
	(tm) =	ssettm $0x1  }
0x91: {  	s18 =	sld [smem:$0x3FFB];
	_ =	sdelay $0x3  }
0x92: {  	_ =	strace s18  }
0x93: {  	s3 =	sld [smem:$0x3FFC];
	_ =	sdelay $0x3  }
0x94: {  	_ =	strace s3  }
0x95: {  	s3 =	sld [smem:$0x3FFD];
	_ =	sdelay $0x3  }
0x96: {  	_ =	strace s3  }
0x97: {  	_ =	strace $0x8FFFFFFF  }
0x98: {  	s19 =	sld [smem:$0x3FDB];
	_ =	sdelay $0x1  }
0x99: {  	s4 =	simm.s32 $_scs_section_size  }
0x9a: {  	s5 =	simm.s32 $_size__tile_overlayer_lowered;
	s6 =	simm.s32 $_tile_overlayer_lowered  }
0x9b: {  	s22 =	simm.s32 $0x1BFF;
	s21 =	sshll.u32 s6, $0x1;
	s3 =	sadd.s32 s4, s19  }
0x9c: {  	s7 =	simm.s32 $0x0;
	s20 =	sshll.u32 s5, $0x1;
	s5 =	sadd.s32 s21, s3  }
0x9d: {  	[timem:s7], [sflag:s22] =	dma.local [hbm:s5], s20  }
0x9e: {  	_ =	swait.ge [sflag:s22], s20  }
0x9f: {  	s4 =	ssub.s32 $0x0, s20;
	[sflag:s22] =	ssyncset.done $0x0  }
0xa0: {  	[sflag:s22] =	ssyncadd.s32 s4;
	_ =	sdelay $0x1  }
0xa1: {  	s23 =	simm.s32 $0x1B8B  }
0xa2: {  	_ =	swait.ge [sflag:s23], $0x1  }
0xa3: {  	[sflag:s23] =	ssyncset.done $0x0  }
0xa4: {  	s25 =	simm.s32 $0x1B8E;
	s24 =	sld [smem:$0x3FFE];
	[sflag:s23] =	ssyncadd.s32 $0xFFFFFFFF  }
0xa5: {  	s26 =	simm.s32 $execute0_lowered;
	[smem:$0x3FD2] =	sst s25  }
0xa6: {  	s5 =	sshll.u32 s26, $0x1;
	_ =	strace $0x80000049;
	[dreg:$0x1] =	wrdreg $0xFFFFFFFF  }
0xa7: {  	s28 =	simm.s32 $_size_execute0_lowered;
	s3 =	sadd.s32 s3, s5;
	[dreg:$0x0] =	wrdreg $0x0  }
0xa8: {  	s5 =	sshll.u32 s28, $0x1;
	[dreg:$0x2] =	wrdreg s3  }
0xa9: {  	[dreg:$0x3] =	wrdreg s5  }
0xaa: {  	[dreg:$0x4] =	wrdreg $0xC0  }
0xab: {  	_ =	task [dreg:s7], $0x5FFFF  }
0xac: {  	[dreg:$0x1] =	wrdreg $0xFFFFFFFF  }
0xad: {  	[dreg:$0x0] =	wrdreg $0x60  }
0xae: {  	[dreg:$0x2] =	wrdreg s24  }
0xaf: {  	[dreg:$0x3] =	wrdreg s2  }
0xb0: {  	[dreg:$0x4] =	wrdreg $0x3A200  }
0xb1: {  	[dreg:$0x5] =	wrdreg $0x9  }
0xb2: {  	_ =	task.clear_ibuf [dreg:s7], $0x6FFFF;
	_ =	strace $0x90000049  }
0xb3: {  	s29 =	simm.s32 $0x9;
	_ =	strace $0x8000004B  }
0xb4: {  	_ =	swait.ge [sflag:s29], $0x1  }
0xb5: {  	[sflag:s29] =	ssyncadd.s32 $0xFFFFFFFF  }
0xb6: {  	_ =	strace $0x9000004B  }
0xb7: {  	_ =	sfence  }
0xb8: {  	s30 =	sld [smem:$0x0];
	_ =	sdelay $0x2  }
0xb9: {  	s31 =	sshll.u32 s1, $0xD;
	s1 =	sshrl.u32 s1, $0x2  }
0xba: {  	s3 =	sand.u32 $0x4000, s31;
	s1 =	sadd.s32 s1, s30  }
0xbb: {  	s0 =	sor.u32 s3, s0;
	s1 =	sshll.u32 s1, $0x11  }
0xbc: {  	s0 =	sor.u32 s1, s0  }
0xbd: {  	s0 =	sadd.s32 $0x8F2B, s0  }
0xbe: {  	[sflag:s0] =	ssyncadd.remote.s32 $0x1  }
0xbf: {  	_ =	sfence.sel $0xFFFF  }
0xc0: {  	[dreg:$0x0] =	wrdreg $0xFFFFFFFF;
	(pc) =	sbr.abs _section_cstart, $3  }
0xc1: {  	[dreg:$0x1] =	wrdreg $0xFFFFFFFF  }
0xc2: {  	_ =	task.clear_ibuf [dreg:s7], $0x2FFFF;
	_ =	strace $0x9FFFFFFF  }
0xc3: {  	(tm) =	ssettm $0x7FFFFFFF  }
tec
execute0_lowered:
.L_overlay_start_1:
0x0: {  	(tag) =	ssettag $0x1  }
0x1: {  	s8 =	rddreg [dreg:$0x0]  }
0x2: {  	s2 =	rddreg [dreg:$0x1]  }
0x3: {  	s3 =	rddreg [dreg:$0x2]  }
0x4: {  	s0 =	rddreg [dreg:$0x3]  }
0x5: {  	s5 =	srdreg.scid;
	s1 =	stileid.u32;
	s4 =	simm.s32 $0x0  }
0x6: {  	s13 =	simm.s32 $0x2;
	s14 =	simm.s32 $0x2DF0;
	s15 =	simm.s32 $0x50  }
0x7: {  	s16 =	simm.s32 $0xF0;
	s17 =	simm.s32 $0xFF0;
	s18 =	simm.s32 $0xA0  }
0x8: {  	s19 =	simm.s32 $0x1;
	s20 =	simm.s32 $0x1EF0;
	s21 =	simm.s32 $0x0  }
0x9: {  	s9 =	sand.u32 $0x1, s5;
	s10 =	smul.u32 $0xC00, s1;
	[smem:$0x7FF] =	sst s4  }
0xa: {  	s5 =	sadd.s32 $0x18F800, s8;
	s6 =	sadd.s32 $0xE00, s8;
	s11 =	smul.u32 $0xC000, s9  }
0xb: {  	s7 =	sadd.s32 $0x1AD800, s8;
	_ =	strace $0x8000004A;
	s12 =	ssub.s32 $0x2, s9  }
0xc: {  	s9 =	sshll.u32 s9, $0x4;
	s31 =	sshrl.u32 s12, $0x1;
	s11 =	sadd.s32 s10, s11  }
0xd: {  	s9 =	sor.u32 s1, s9;
	s12 =	ssub.s32 s12, s31;
	s11 =	sshrl.u32 s11, $0x3  }
0xe: {  	v1 =	vimm.f32 $1.000000000e+00;
	vm0 =	vcmask $0x3B00;
	s11 =	sadd.s32 s11, s8;
	s8 =	smul.u32 $0x140, s9;
	s9 =	sadd.s32 s10, s3  }
0xf: {  	v0 =	vimm.f32 $0.0e+00;
	v1 =	vsel vm0, $0x0, v1;
	s10 =	sadd.s32 $0x1000, s11;
	s11 =	smax.u32 s12, $0x1;
	s12 =	simm.s32 $0x2E20  }
.LBB2_1:
0x10: {  	s22 =	smul.u32 $0xAB, s4;
	_ =	sdelay $0x1  }
0x11: {  	s22 =	sshrl.u32 s22, $0x9  }
0x12: {  	s23 =	sand.u32 $0x7F, s22  }
0x13: {  	s22 =	simm.s32 $0x1;
	s24 =	smul.u32 $0x3, s23  }
0x14: {  	s25 =	smul.u32 $0xAB, s22  }
0x15: {  	s28 =	smul.u32 $0xC0, s23;
	s24 =	ssub.s32 $0x0, s24  }
0x16: {  	s23 =	simm.s32 $0x2;
	s29 =	sand.u32 $0xFF, s24  }
0x17: {  	s26 =	sshrl.u32 s25, $0x9;
	s24 =	sshrl.u32 s28, $0x2;
	s25 =	sshll.u32 s29, $0x4  }
.LBB2_2:
0x18: {  	s28 =	smul.u32 $0xAB, s23;
	s26 =	sand.u32 $0x7F, s26  }
0x19: {  	s24 =	sadd.s32 s25, s24;
	p0 =	sne.s32 s23, $0xBF;
	s25 =	smul.u32 $0x3, s26  }
.Ltmp0:
0x1a: {  	[tilespmem:s24+$0x2E20] =	vst v0;
	(pc) =	sbr.rel @p0 .LBB2_2-.Ltmp0, $4  }
0x1b: {  	s24 =	smul.u32 $0xC0, s26;
	s26 =	smov.u32 s23  }
0x1c: {  	s23 =	sadd.s32 $0x1, s23;
	s22 =	ssub.s32 s22, s25  }
0x1d: {  	s25 =	sand.u32 $0xFF, s22;
	s22 =	smov.u32 s26  }
0x1e: {  	s24 =	sshrl.u32 s24, $0x2;
	s26 =	sshrl.u32 s28, $0x9;
	s25 =	sshll.u32 s25, $0x4  }
0x1f: {  	s23 =	sand.u32 $0x7F, s26  }
0x20: {  	s26 =	smul.u32 $0x3, s23;
	_ =	sdelay $0x1  }
0x21: {  	s23 =	smul.u32 $0xC0, s23;
	s22 =	ssub.s32 s22, s26  }
0x22: {  	s22 =	sand.u32 $0xFF, s22  }
0x23: {  	s24 =	sadd.s32 s25, s24;
	s23 =	sshrl.u32 s23, $0x2;
	s22 =	sshll.u32 s22, $0x4  }
0x24: {  	[tilespmem:s24+$0x2E20] =	vst v0;
	s22 =	sadd.s32 s22, s23  }
0x25: {  	[tilespmem:s22+$0x2E20] =	vst v0  }
0x26: {  	[spmem:s9] =	stream.linear.scatter [tilespmem:s12], [sflag:$0x2], $0xC00, $0x38;
	[tilespmem:$0x4620] =	vst v63  }
0x27: {  	_ =	swait.ge [sflag:s13], $0xC00  }
0x28: {  	[sflag:s13] =	ssyncset.done $0x0  }
0x29: {  	[sflag:s13] =	ssyncadd.s32 $0xFFFFF400  }
0x2a: {  	[tilespmem:s14], [sflag:$0x2] =	stream.linear.gather [hbm4b:s6+s4], $0x30, $0x38;
	[tilespmem:$0x4620] =	vst v63  }
0x2b: {  	_ =	swait.ge [sflag:s13], $0x30  }
0x2c: {  	[sflag:s13] =	ssyncset.done $0x0  }
0x2d: {  	s23 =	simm.s32 $0x20;
	s22 =	simm.s32 $0x140;
	[sflag:s13] =	ssyncadd.s32 $0xFFFFFFD0  }
.LBB2_4:
0x2e: {  	p0 =	sne.s32 s22, $0x3BC0;
	[tilespmem:s23+$0x1EF0] =	vst v1;
	s23 =	smov.u32 s22;
	s22 =	sadd.s32 $0xC0, s22  }
.Ltmp1:
0x2f: {  	(pc) =	sbr.rel @p0 .LBB2_4-.Ltmp1, $2  }
0x30: {  	_ =	sdelay $0x2  }
0x31: {  	s23 =	sshra.s32 s23, $0x2  }
0x32: {  	[tilespmem:s23+$0x1EF0] =	vst v1  }
0x33: {  	s22 =	simm.s32 $0x0;
	s23 =	simm.s32 $0x0;
	[bflag:$0x0] =	sbarrier.arrive $0xFFFF  }
.LBB2_6:
0x34: {  	s24 =	smul.u32 $0x50, s23;
	_ =	sdelay $0x1  }
0x35: {  	s24 =	sadd.s32 s8, s24  }
0x36: {  	s24 =	sshrl.u32 s24, $0x3  }
0x37: {  	s25 =	sadd.s32 s7, s24  }
0x38: {  	[tilespmem:s22], [sflag:$0x2] =	stream.linear.gather [hbm4b:s25+s22], $0x50, $0x38;
	[tilespmem:$0x4620] =	vst v63  }
0x39: {  	_ =	swait.ge [sflag:s13], $0x50  }
0x3a: {  	[sflag:s13] =	ssyncset.done $0x0  }
0x3b: {  	[sflag:s13] =	ssyncadd.s32 $0xFFFFFFB0  }
0x3c: {  	v2 =	vld [tilespmem:$0x0]  }
0x3d: {  	v3 =	vld [tilespmem:$0x10]  }
0x3e: {  	v4 =	vld [tilespmem:$0x20]  }
0x3f: {  	v5 =	vld [tilespmem:$0x30]  }
0x40: {  	v6 =	vld [tilespmem:$0x40]  }
0x41: {  	v2 =	vadd.s32 $0x2800, v2  }
0x42: {  	[tilespmem:$0x50] =	vst v2;
	v2 =	vadd.s32 $0x2800, v3  }
0x43: {  	[tilespmem:$0x60] =	vst v2;
	v2 =	vadd.s32 $0x2800, v4  }
0x44: {  	[tilespmem:$0x70] =	vst v2;
	v2 =	vadd.s32 $0x2800, v5  }
0x45: {  	[tilespmem:$0x80] =	vst v2;
	v2 =	vadd.s32 $0x2800, v6  }
0x46: {  	[tilespmem:$0x90] =	vst v2  }
0x47: {  	[tilespmem:s16], [sflag:$0x1] =	stream.indirect.gather [hbm4b:s5+s15], $0x30, s22, s15, $0xb8;
	[tilespmem:$0x4620] =	vst v63  }
0x48: {  	_ = 	snop  }
0x49: {  	[tilespmem:s17], [sflag:$0x1] =	stream.indirect.gather [hbm4b:s5+s15], $0x30, s15, s15, $0xb8;
	[tilespmem:$0x4620] =	vst v63  }
0x4a: {  	s24 =	sadd.s32 s2, s24  }
0x4b: {  	[tilespmem:s18], [sflag:$0x2] =	stream.linear.gather [hbm4b:s24+s22], $0x50, $0x38;
	[tilespmem:$0x4620] =	vst v63  }
0x4c: {  	_ =	swait.ge [sflag:s13], $0x50  }
0x4d: {  	[sflag:s13] =	ssyncset.done $0x0  }
0x4e: {  	[sflag:s13] =	ssyncadd.s32 $0xFFFFFFB0  }
0x4f: {  	_ =	swait.ge [sflag:s19], $0xF00  }
0x50: {  	[sflag:s19] =	ssyncset.done $0x0  }
0x51: {  	[sflag:s19] =	ssyncadd.s32 $0xFFFFF100  }
0x52: {  	_ =	swait.ge [sflag:s19], $0xF00  }
0x53: {  	[sflag:s19] =	ssyncset.done $0x0  }
0x54: {  	s25 =	simm.s32 $0x0;
	[sflag:s19] =	ssyncadd.s32 $0xFFFFF100  }
0x55: {  	v2 =	vld [tilespmem:s25+$0x110]  }
0x56: {  	v3 =	vld [tilespmem:s25+$0x1010];
	_ =	sdelay $0x4  }
0x57: {  	v2 =	vadd.f32 v3, v2;
	_ =	sdelay $0x1  }
0x58: {  	v2 =	vmax.f32 v2, $1.000000000e+00  }
0x59: {  	(erf) = vrcp.f32 v2;
	_ =	sdelay $0x3  }
0x5a: {  	v4 =	vld [tilespmem:s25+$0xFF0]  }
0x5b: {  	v3 =	vld [tilespmem:s25+$0xF0];
	_ =	sdelay $0x2  }
0x5c: {  	s24 =	simm.s32 $0x30;
	v5 =	vld [tilespmem:$0x2DF0]  }
0x5d: {  	s26 =	simm.s32 $0x180;
	v2 =	vld [tilespmem:s24+$0x110];
	v6 =	vpop (erf)  }
.LBB2_7:
0x5e: {  	p0 =	sne.s32 s26, $0x3B40;
	v7 =	vld [tilespmem:s24+$0x1010];
	v3 =	vadd.f32 v4, v3;
	v4 =	vbroadcast v6, $0x0;
	_ =	sdelay $0x1  }
0x5f: {  	v3 =	vmul.f32 v4, v3  }
0x60: {  	v6 =	vld [tilespmem:s25+$0x100]  }
0x61: {  	v8 =	vld [tilespmem:s25+$0x1000];
	v3 =	vadd.f32 v3, v5  }
0x62: {  	v2 =	vadd.f32 v7, v2  }
0x63: {  	v3 =	vmax.f32 v3, $0.0e+00  }
0x64: {  	v2 =	vmax.f32 v2, $1.000000000e+00;
	[tilespmem:s25+$0x1EF0] =	vst v3  }
0x65: {  	(erf) = vrcp.f32 v2;
	v2 =	vld [tilespmem:$0x2E00]  }
0x66: {  	v3 =	vadd.f32 v8, v6;
	_ =	sdelay $0x1  }
0x67: {  	v5 =	vmul.f32 v4, v3  }
0x68: {  	v3 =	vld [tilespmem:s24+$0xF0]  }
.Ltmp2:
0x69: {  	v4 =	vld [tilespmem:s24+$0xFF0];
	v2 =	vadd.f32 v5, v2;
	(pc) =	sbr.rel @p0 .LBB2_7-.Ltmp2, $4  }
0x6a: {  	_ = 	snop  }
0x6b: {  	s28 =	sshra.s32 s26, $0x2;
	v5 =	vmax.f32 v2, $0.0e+00  }
0x6c: {  	v2 =	vld [tilespmem:s28+$0x110];
	[tilespmem:s25+$0x1F00] =	vst v5;
	s25 =	smov.u32 s24;
	s24 =	smov.u32 s28  }
0x6d: {  	s26 =	sadd.s32 $0xC0, s26;
	v5 =	vld [tilespmem:$0x2DF0];
	v6 =	vpop (erf)  }
0x6e: {  	v7 =	vld [tilespmem:s24+$0x1010];
	v3 =	vadd.f32 v4, v3;
	v57 =	vbroadcast v6, $0x0;
	_ =	sdelay $0x1  }
0x6f: {  	v3 =	vmul.f32 v57, v3  }
0x70: {  	v58 =	vld [tilespmem:s25+$0x100]  }
0x71: {  	v8 =	vld [tilespmem:s25+$0x1000];
	v3 =	vadd.f32 v3, v5  }
0x72: {  	v2 =	vadd.f32 v7, v2  }
0x73: {  	v3 =	vmax.f32 v3, $0.0e+00  }
0x74: {  	v2 =	vmax.f32 v2, $1.000000000e+00;
	[tilespmem:s25+$0x1EF0] =	vst v3  }
0x75: {  	(erf) = vrcp.f32 v2;
	v2 =	vld [tilespmem:$0x2E00]  }
0x76: {  	v3 =	vadd.f32 v8, v58;
	_ =	sdelay $0x1  }
0x77: {  	v3 =	vmul.f32 v57, v3  }
0x78: {  	v59 =	vld [tilespmem:s24+$0xF0]  }
0x79: {  	v60 =	vld [tilespmem:s24+$0xFF0];
	v2 =	vadd.f32 v3, v2;
	_ =	sdelay $0x1  }
0x7a: {  	v2 =	vmax.f32 v2, $0.0e+00  }
0x7b: {  	[tilespmem:s25+$0x1F00] =	vst v2  }
0x7c: {  	v2 =	vld [tilespmem:$0x2DF0];
	v3 =	vpop (erf)  }
0x7d: {  	v4 =	vadd.f32 v60, v59;
	v3 =	vbroadcast v3, $0x0;
	_ =	sdelay $0x1  }
0x7e: {  	v4 =	vmul.f32 v3, v4  }
0x7f: {  	v61 =	vld [tilespmem:s24+$0x100]  }
0x80: {  	v62 =	vld [tilespmem:s24+$0x1000];
	v2 =	vadd.f32 v4, v2;
	_ =	sdelay $0x1  }
0x81: {  	v2 =	vmax.f32 v2, $0.0e+00  }
0x82: {  	[tilespmem:s24+$0x1EF0] =	vst v2  }
0x83: {  	v2 =	vld [tilespmem:$0x2E00]  }
0x84: {  	v63 =	vadd.f32 v62, v61;
	_ =	sdelay $0x1  }
0x85: {  	v3 =	vmul.f32 v3, v63;
	_ =	sdelay $0x1  }
0x86: {  	v2 =	vadd.f32 v3, v2  }
0x87: {  	s23 =	sadd.s32 $0x1, s23  }
0x88: {  	p0 =	sne.s32 s23, $0x4;
	v2 =	vmax.f32 v2, $0.0e+00  }
.Ltmp3:
0x89: {  	[tilespmem:s24+$0x1F00] =	vst v2;
	(pc) =	sbr.rel @p0 .LBB2_6-.Ltmp3, $4  }
0x8a: {  	[spmem:s3] =	stream.indirect.scatter.add.f32 [tilespmem:s20], [sflag:$0x2], $0x30, s18, s15, $0xb8;
	[tilespmem:$0x4620] =	vst v63  }
0x8b: {  	_ =	swait.ge [sflag:s13], $0xF00  }
0x8c: {  	[sflag:s13] =	ssyncset.done $0x0  }
0x8d: {  	[sflag:s13] =	ssyncadd.s32 $0xFFFFF100  }
0x8e: {  	s21 =	sadd.s32 $0x1, s21  }
0x8f: {  	s22 =	sshll.u32 s1, $0x6;
	[bflag:$0x0] =	sbarrier.arrive $0xFFFF;
	p0 =	sne.s32 s21, s11  }
.Ltmp4:
0x90: {  	s23 =	sshrl.u32 s9, $0x3;
	s22 =	sor.u32 $0x1C02, s22;
	(pc) =	sbr.rel @p0 .LBB2_1-.Ltmp4, $4  }
0x91: {  	[hbm:s10], [sflag:s22] =	dma.local [spmem:s23], $0x180  }
0x92: {  	_ =	swait.ge [sflag:s13], $0x180  }
0x93: {  	[sflag:s13] =	ssyncset.done $0x0  }
0x94: {  	[sflag:s13] =	ssyncadd.s32 $0xFFFFFE80  }
0x95: {  	_ =	sfence.sel $0x180000  }
0x96: {  	[bflag:$0x0] =	sbarrier.arrive $0xFFFF  }
0x97: {  	p0 =	sne.s32 s1, $0x0;
	_ =	strace $0x9000004A  }
0x98: {  	s0 =	sadd.s32 @!p0 $0x100000, s0;
	[bflag:$0x2] =	sbarrier.arrive $0xFFFF  }
0x99: {  	[sflag:s0] =	ssyncadd.tile.s32 @!p0 $0x1;
	_ =	shalt  }
.Lfunc_end2:
_tile_overlayer_lowered:
.L_overlay_start_2:
0x9a: {  	(tag) =	ssettag $0x2  }
0x9b: {  	s0 =	rddreg [dreg:$0x0];
	s2 =	stileid.u32  }
0x9c: {  	s1 =	rddreg [dreg:$0x1];
	p0 =	sne.s32 s2, $0x0  }
0x9d: {  	s3 =	rddreg [dreg:$0x2];
	[bflag:$0x3] =	sbarrier.arrive $0xFFFF;
	s2 =	simm.s32 @!p0 $0x1C02  }
0x9e: {  	[timem:s3], [sflag:s2] =	dma.local @!p0 [hbm:s0], s1  }
0x9f: {  	s0 =	simm.s32 @!p0 $0x2  }
0xa0: {  	_ =	swait.ge @!p0 [sflag:s0], s1  }
0xa1: {  	s1 =	ssub.s32 @!p0 $0x0, s1;
	[sflag:s0] =	ssyncset.done @!p0 $0x0  }
0xa2: {  	[sflag:s0] =	ssyncadd.s32 @!p0 s1  }
0xa3: {  	[bflag:$0x3] =	sbarrier.arrive $0xFFFF  }
0xa4: {  	_ =	shalt  }

</sc_bundles>
